<compile_context>
chip_gen: v7x
topology: tpu7x:2x2x1
jax: 0.10.2.dev20260603
libtpu: 0.0.44.dev20260713+nightly
codegen_flags: <defaults>
</compile_context>

<pallas_src>
import functools

import jax
import jax.numpy as jnp
from jax import lax
from jax.experimental import pallas as pl
from jax.experimental.pallas import tpu as pltpu
from jax.experimental.pallas import tpu_sc as plsc

N = 10000
NP = 10240
NH = NP // 2
E = 160000
ER = E + N
EC = 98304
G = 512
DIN = 32
HEADS = 8
HID = 64
F = 512
DOUT = 128
EPS = 1e-5

NBE = EC // 128 // 16
NBW = 2 * EC // 128 // 32
NA = 5248
SSTR = NA // 16
OSTR = NH // 16
STRIPE = NP // 16
BLK = 1024
NEG = -1.0e4



def _make_wkernel():
    mesh = plsc.VectorSubcoreMesh(core_axis_name="c", subcore_axis_name="s")
    out_type = [jax.ShapeDtypeStruct((2 * EC, 16), jnp.float32),
                jax.ShapeDtypeStruct((2, NP, 16), jnp.float32)]
    scratch = [
        pltpu.VMEM((2, NBW, 128), jnp.int32),
        pltpu.VMEM((128, 128), jnp.float32),
        pltpu.VMEM((128, 128), jnp.float32),
        pltpu.VMEM((128, 16), jnp.float32),
        pltpu.VMEM((128, 16), jnp.float32),
        pltpu.VMEM_SHARED((NP, 16), jnp.float32),
        pltpu.SemaphoreType.DMA,
        pltpu.SemaphoreType.DMA,
    ]

    @functools.partial(pl.kernel, mesh=mesh, out_type=out_type,
                       scratch_types=scratch)
    def wkernel(alW, sdb, zerb,
                w_out, denp,
                sd_v, asb, adb, wb, zb, den_sh,
                sem1, sem2):
        c = lax.axis_index("c")
        s = lax.axis_index("s")
        wk = c * 16 + s
        stripe = s * STRIPE
        pltpu.sync_copy(sdb.at[wk], sd_v)
        pltpu.sync_copy(zerb, zb)

        def zden_body(k, _):
            pltpu.sync_copy(zb, den_sh.at[pl.ds(stripe + k * 128, 128)])
            return 0
        lax.fori_loop(0, STRIPE // 128, zden_body, 0)
        plsc.subcore_barrier()

        def batch_body(j, _):
            cp_a = pltpu.async_copy(alW.at[sd_v.at[0, j]], asb, sem1)
            cp_b = pltpu.async_copy(alW.at[sd_v.at[1, j]], adb, sem2)
            cp_a.wait()
            cp_b.wait()

            def edge_body(e, _):
                v = asb[e, pl.ds(0, 16)] + adb[e, pl.ds(16, 16)]
                v = jnp.where(v > 0, v, v * jnp.float32(0.2))
                wb[e, :] = jnp.exp(v)
                return 0
            lax.fori_loop(0, 128, edge_body, 0)
            pltpu.sync_copy(wb, den_sh.at[sd_v.at[1, j]], add=True)
            pltpu.sync_copy(wb, w_out.at[pl.ds(wk * (NBW * 128) + j * 128, 128)])
            return 0
        lax.fori_loop(0, NBW, batch_body, 0)
        plsc.subcore_barrier()

        @pl.when(c == 0)
        def _():
            pltpu.sync_copy(den_sh.at[pl.ds(stripe, STRIPE)],
                            denp.at[0, pl.ds(stripe, STRIPE)])

        @pl.when(c == 1)
        def _():
            pltpu.sync_copy(den_sh.at[pl.ds(stripe, STRIPE)],
                            denp.at[1, pl.ds(stripe, STRIPE)])

    return wkernel


def _make_edge12():
    mesh = plsc.VectorSubcoreMesh(core_axis_name="c", subcore_axis_name="s")
    out_type = [jax.ShapeDtypeStruct((4, NP, 128), jnp.float32)]
    scratch = [
        pltpu.VMEM((2, NBE, 128), jnp.int32),
        pltpu.VMEM((NBE, 128), jnp.int32),
        pltpu.VMEM((NBE, 128), jnp.int32),
        pltpu.VMEM((128, 16), jnp.float32),
        pltpu.VMEM((128, 128), jnp.float32),
        pltpu.VMEM_SHARED((NA, 128), jnp.float32),
        pltpu.SemaphoreType.DMA,
        pltpu.SemaphoreType.DMA,
    ]

    @functools.partial(pl.kernel, mesh=mesh, out_type=out_type,
                       scratch_types=scratch)
    def edge12(hflat, w4, sdb, zerh,
               acc_out,
               sd_v, adj_v, dloc_v, wb, rows, acc_sh,
               sem1, sem2):
        c = lax.axis_index("c")
        s = lax.axis_index("s")

        def scale_batch(col0, col1):
            def edge_body(e, _):
                wv = wb[e, :]
                b0 = jnp.full((16,), wv[col0], jnp.float32)
                b1 = jnp.full((16,), wv[col1], jnp.float32)
                for vv in range(4):
                    sl = pl.ds(vv * 16, 16)
                    rows[e, sl] = rows[e, sl] * b0
                for vv in range(4, 8):
                    sl = pl.ds(vv * 16, 16)
                    rows[e, sl] = rows[e, sl] * b1
                return 0
            lax.fori_loop(0, 128, edge_body, 0)

        def piece_body(it, _):
            i = it // 2
            hh = it % 2
            kc = 2 * c + i
            off = kc * NP
            doff = hh * NH
            pltpu.sync_copy(sdb.at[hh, s], sd_v)

            def adj_body(j, _):
                for q in range(8):
                    sl = pl.ds(q * 16, 16)
                    adj_v[j, sl] = sd_v[0, j, sl] + off
                    dloc_v[j, sl] = sd_v[1, j, sl] - doff
                return 0
            lax.fori_loop(0, NBE, adj_body, 0)

            pltpu.sync_copy(zerh, rows)

            def zcopy_body(k, _):
                pltpu.sync_copy(
                    rows, acc_sh.at[pl.ds(s * SSTR + k * 100, 128)])
                return 0
            lax.fori_loop(0, 3, zcopy_body, 0)
            plsc.subcore_barrier()
            ebase = hh * EC + s * (NBE * 128)

            def batch_body(j, _):
                cp_r = pltpu.async_copy(hflat.at[adj_v.at[j]], rows, sem1)
                cp_w = pltpu.async_copy(
                    w4.at[i, pl.ds(ebase + j * 128, 128)], wb, sem2)
                cp_r.wait()
                cp_w.wait()

                @pl.when(c == 0)
                def _():
                    scale_batch(0, 1)

                @pl.when(c == 1)
                def _():
                    scale_batch(2, 3)

                pltpu.sync_copy(rows, acc_sh.at[dloc_v.at[j]], add=True)
                return 0
            lax.fori_loop(0, NBE, batch_body, 0)
            plsc.subcore_barrier()
            pltpu.sync_copy(acc_sh.at[pl.ds(s * OSTR, OSTR)],
                            acc_out.at[kc, pl.ds(doff + s * OSTR, OSTR)])
            plsc.subcore_barrier()
            return 0
        lax.fori_loop(0, 4, piece_body, 0)

    return edge12


def _make_edge3():
    mesh = plsc.VectorSubcoreMesh(core_axis_name="c", subcore_axis_name="s")
    out_type = [jax.ShapeDtypeStruct((NP, 128), jnp.float32)]
    scratch = [
        pltpu.VMEM((2, NBE, 128), jnp.int32),
        pltpu.VMEM((NBE, 128), jnp.int32),
        pltpu.VMEM((128, 16), jnp.float32),
        pltpu.VMEM((128, 128), jnp.float32),
        pltpu.VMEM_SHARED((NA, 128), jnp.float32),
        pltpu.SemaphoreType.DMA,
        pltpu.SemaphoreType.DMA,
    ]

    @functools.partial(pl.kernel, mesh=mesh, out_type=out_type,
                       scratch_types=scratch)
    def edge3(h3, w_hbm, sdb, zerh,
              acc3,
              sd_v, dloc_v, wb, rows, acc_sh,
              sem1, sem2):
        c = lax.axis_index("c")
        s = lax.axis_index("s")
        doff = c * NH
        pltpu.sync_copy(sdb.at[c, s], sd_v)

        def adj_body(j, _):
            for q in range(8):
                sl = pl.ds(q * 16, 16)
                dloc_v[j, sl] = sd_v[1, j, sl] - doff
            return 0
        lax.fori_loop(0, NBE, adj_body, 0)

        pltpu.sync_copy(zerh, rows)

        def zcopy_body(k, _):
            pltpu.sync_copy(rows, acc_sh.at[pl.ds(s * SSTR + k * 100, 128)])
            return 0
        lax.fori_loop(0, 3, zcopy_body, 0)
        plsc.subcore_barrier()
        ebase = c * EC + s * (NBE * 128)

        def batch_body(j, _):
            cp_r = pltpu.async_copy(h3.at[sd_v.at[0, j]], rows, sem1)
            cp_w = pltpu.async_copy(
                w_hbm.at[pl.ds(ebase + j * 128, 128)], wb, sem2)
            cp_r.wait()
            cp_w.wait()

            def edge_body(e, _):
                wv = wb[e, :]
                b0 = jnp.full((16,), wv[0], jnp.float32)
                for vv in range(8):
                    sl = pl.ds(vv * 16, 16)
                    rows[e, sl] = rows[e, sl] * b0
                return 0
            lax.fori_loop(0, 128, edge_body, 0)
            pltpu.sync_copy(rows, acc_sh.at[dloc_v.at[j]], add=True)
            return 0
        lax.fori_loop(0, NBE, batch_body, 0)
        plsc.subcore_barrier()
        pltpu.sync_copy(acc_sh.at[pl.ds(s * OSTR, OSTR)],
                        acc3.at[pl.ds(doff + s * OSTR, OSTR)])

    return edge3


_wkernel_call = _make_wkernel()
_edge12_call = _make_edge12()
_edge3_call = _make_edge3()



def _k1_body(x_ref, w_ref, ac_ref, h_out, oal):
    i = pl.program_id(0)
    h = jnp.dot(x_ref[...], w_ref[...], preferred_element_type=jnp.float32)
    for cidx in range(4):
        h_out[cidx] = h[:, 128 * cidx:128 * (cidx + 1)]
    rowid = i * BLK + lax.broadcasted_iota(jnp.int32, (BLK, 1), 0)
    mask = rowid < N
    oal[...] = jnp.where(mask, jnp.dot(h, ac_ref[...],
                                       preferred_element_type=jnp.float32),
                         NEG)


def _project_l1(xp, W1, A1c):
    nblk = NP // BLK
    outs = [jax.ShapeDtypeStruct((4, NP, 128), jnp.float32),
            jax.ShapeDtypeStruct((NP, 128), jnp.float32)]
    return pl.pallas_call(
        _k1_body,
        grid=(nblk,),
        in_specs=[
            pl.BlockSpec((BLK, DIN), lambda i: (i, 0)),
            pl.BlockSpec((DIN, F), lambda i: (0, 0)),
            pl.BlockSpec((F, 128), lambda i: (0, 0)),
        ],
        out_specs=[pl.BlockSpec((4, BLK, 128), lambda i: (0, i, 0)),
                   pl.BlockSpec((BLK, 128), lambda i: (i, 0))],
        out_shape=outs,
    )(xp, W1, A1c)


def _k2a_body(acc_ref, denp_ref, b_ref, z_ref, st_ref):
    i = pl.program_id(0)

    @pl.when(i == 0)
    def _():
        st_ref[...] = jnp.zeros_like(st_ref)

    rowid = i * BLK + lax.broadcasted_iota(jnp.int32, (BLK, 1), 0)
    mask = rowid < N
    den = denp_ref[0] + denp_ref[1]
    for cidx in range(4):
        a = acc_ref[cidx]
        d0 = den[:, 2 * cidx:2 * cidx + 1]
        d1 = den[:, 2 * cidx + 1:2 * cidx + 2]
        dexp = jnp.concatenate(
            [jnp.broadcast_to(d0, (BLK, 64)), jnp.broadcast_to(d1, (BLK, 64))],
            axis=1)
        z = a / (dexp + 1e-16) + b_ref[:, 128 * cidx:128 * (cidx + 1)]
        z = jnp.where(mask, z, 0.0)
        z_ref[cidx] = z
        st_ref[0:1, 128 * cidx:128 * (cidx + 1)] += jnp.sum(z, 0, keepdims=True)
        st_ref[1:2, 128 * cidx:128 * (cidx + 1)] += jnp.sum(z * z, 0,
                                                            keepdims=True)


def _norm_div(acc, denp, b2d):
    nblk = NP // BLK
    outs = [jax.ShapeDtypeStruct((4, NP, 128), jnp.float32),
            jax.ShapeDtypeStruct((8, F), jnp.float32)]
    return pl.pallas_call(
        _k2a_body,
        grid=(nblk,),
        in_specs=[
            pl.BlockSpec((4, BLK, 128), lambda i: (0, i, 0)),
            pl.BlockSpec((2, BLK, 16), lambda i: (0, i, 0)),
            pl.BlockSpec((1, F), lambda i: (0, 0)),
        ],
        out_specs=[pl.BlockSpec((4, BLK, 128), lambda i: (0, i, 0)),
                   pl.BlockSpec((8, F), lambda i: (0, 0))],
        out_shape=outs,
    )(acc, denp, b2d)


def _k2b_body(nout_chunks, z_ref, st_ref, g_ref, be_ref, w_ref,
              ac_ref, h_out, oal):
    i = pl.program_id(0)
    zfull = jnp.concatenate([z_ref[cidx] for cidx in range(4)], axis=1)
    mu = st_ref[0:1, :] * jnp.float32(1.0 / N)
    ex2 = st_ref[1:2, :] * jnp.float32(1.0 / N)
    var = jnp.maximum(ex2 - mu * mu, 0.0)
    y = g_ref[...] * (zfull - mu) / jnp.sqrt(var + EPS) + be_ref[...]
    y = jnp.maximum(y, 0.0)
    rowid = i * BLK + lax.broadcasted_iota(jnp.int32, (BLK, 1), 0)
    mask = rowid < N
    y = jnp.where(mask, y, 0.0)
    h = jnp.dot(y, w_ref[...], preferred_element_type=jnp.float32)
    if nout_chunks == 1:
        h_out[...] = h
    else:
        for cidx in range(nout_chunks):
            h_out[cidx] = h[:, 128 * cidx:128 * (cidx + 1)]
    oal[...] = jnp.where(mask, jnp.dot(h, ac_ref[...],
                                       preferred_element_type=jnp.float32),
                         NEG)


def _bn_relu_project(z, st, g2d, be2d, W, Ac, fout):
    nblk = NP // BLK
    nout = fout // 128
    if nout == 1:
        h_shape = jax.ShapeDtypeStruct((NP, 128), jnp.float32)
        h_spec = pl.BlockSpec((BLK, 128), lambda i: (i, 0))
    else:
        h_shape = jax.ShapeDtypeStruct((nout, NP, 128), jnp.float32)
        h_spec = pl.BlockSpec((nout, BLK, 128), lambda i: (0, i, 0))
    outs = [h_shape,
            jax.ShapeDtypeStruct((NP, 128), jnp.float32)]
    return pl.pallas_call(
        functools.partial(_k2b_body, nout),
        grid=(nblk,),
        in_specs=[
            pl.BlockSpec((4, BLK, 128), lambda i: (0, i, 0)),
            pl.BlockSpec((8, F), lambda i: (0, 0)),
            pl.BlockSpec((1, F), lambda i: (0, 0)),
            pl.BlockSpec((1, F), lambda i: (0, 0)),
            pl.BlockSpec((F, fout), lambda i: (0, 0)),
            pl.BlockSpec((fout, 128), lambda i: (0, 0)),
        ],
        out_specs=[h_spec,
                   pl.BlockSpec((BLK, 128), lambda i: (i, 0))],
        out_shape=outs,
    )(z, st, g2d, be2d, W, Ac)


def _k4_body(acc_ref, denp_ref, b_ref, bat_ref, out_ref, pool_sc, cnt_sc):
    i = pl.program_id(0)
    nblk = NP // BLK

    @pl.when(i == 0)
    def _():
        pool_sc[...] = jnp.zeros_like(pool_sc)
        cnt_sc[...] = jnp.zeros_like(cnt_sc)

    den = denp_ref[0, :, 0:1] + denp_ref[1, :, 0:1]
    z = acc_ref[...] / (den + 1e-16) + b_ref[...]
    oh = (bat_ref[...] == lax.broadcasted_iota(jnp.int32, (BLK, G), 1))
    oh = oh.astype(jnp.float32)
    pool_sc[...] += lax.dot_general(oh, z, (((0,), (0,)), ((), ())),
                                    preferred_element_type=jnp.float32)
    cnt_sc[...] += lax.dot_general(oh, jnp.ones((BLK, 8), jnp.float32),
                                   (((0,), (0,)), ((), ())),
                                   preferred_element_type=jnp.float32)

    @pl.when(i == nblk - 1)
    def _():
        out_ref[...] = pool_sc[...] / jnp.maximum(cnt_sc[:, 0:1], 1.0)


def _pool(acc3, denp, b3_2d, batp):
    nblk = NP // BLK
    return pl.pallas_call(
        _k4_body,
        grid=(nblk,),
        in_specs=[
            pl.BlockSpec((BLK, 128), lambda i: (i, 0)),
            pl.BlockSpec((2, BLK, 16), lambda i: (0, i, 0)),
            pl.BlockSpec((1, 128), lambda i: (0, 0)),
            pl.BlockSpec((BLK, 1), lambda i: (i, 0)),
        ],
        out_specs=pl.BlockSpec((G, 128), lambda i: (0, 0)),
        out_shape=jax.ShapeDtypeStruct((G, 128), jnp.float32),
        scratch_shapes=[
            pltpu.VMEM((G, 128), jnp.float32),
            pltpu.VMEM((G, 8), jnp.float32),
        ],
    )(acc3, denp, b3_2d, batp)



def _blockdiag16(a):
    heads, dim = a.shape
    rows = jnp.arange(heads * dim)
    cols = rows // dim
    return jnp.zeros((heads * dim, 16), jnp.float32).at[rows, cols].set(
        a.reshape(-1))


def _alpha128(a_s, a_d):
    return jnp.concatenate(
        [_blockdiag16(a_s), _blockdiag16(a_d),
         jnp.zeros((a_s.shape[0] * a_s.shape[1], 96), jnp.float32)], axis=1)


def _w4(w):
    w4 = jnp.stack([w[:, (0, 1, 4, 5)], w[:, (2, 3, 6, 7)]])
    return jnp.pad(w4, ((0, 0), (0, 0), (0, 12)))


def _kernel_full(x, edge_index, batch, W1, a1s, a1d, b1, g1, be1, W2, a2s, a2d, b2,
           g2, be2, W3, a3s, a3d, b3):
    loops = jnp.arange(N, dtype=edge_index.dtype)
    src_raw = jnp.concatenate([edge_index[0], loops])
    dst_raw = jnp.concatenate([edge_index[1], loops])
    npad = 2 * EC - ER
    all_src = jnp.concatenate([src_raw, jnp.full((npad,), N, jnp.int32)])
    all_dst = jnp.concatenate([dst_raw, jnp.full((npad,), NH, jnp.int32)])
    keys = jnp.concatenate([
        jnp.where(dst_raw < NH, 0, 2).astype(jnp.int32),
        jnp.ones((npad,), jnp.int32)])
    order = jnp.argsort(keys, stable=True)
    psrc = all_src[order]
    pdst = all_dst[order]
    sdb_e = jnp.stack([psrc.reshape(2, 16, NBE, 128),
                       pdst.reshape(2, 16, NBE, 128)], axis=2)
    sdb_w = jnp.stack([psrc.reshape(32, NBW, 128),
                       pdst.reshape(32, NBW, 128)], axis=1)
    xp = jnp.zeros((NP, DIN), jnp.float32).at[:N].set(x)
    batp = jnp.concatenate(
        [batch, jnp.full((NP - N,), G, batch.dtype)]).reshape(NP, 1)

    zerh = jnp.zeros((128, 128), jnp.float32)
    zerb16 = jnp.zeros((128, 16), jnp.float32)
    A1c = _alpha128(a1s, a1d)
    A2c = _alpha128(a2s, a2d)
    A3c = _alpha128(a3s, a3d)
    b1_2d, g1_2d, be1_2d = b1.reshape(1, F), g1.reshape(1, F), be1.reshape(1, F)
    b2_2d, g2_2d, be2_2d = b2.reshape(1, F), g2.reshape(1, F), be2.reshape(1, F)
    b3_2d = b3.reshape(1, DOUT)

    h4, al1 = _project_l1(xp, W1, A1c)
    w1e, denp1 = _wkernel_call(al1, sdb_w, zerb16)
    [acc1] = _edge12_call(h4.reshape(4 * NP, 128), _w4(w1e), sdb_e, zerh)
    z1, st1 = _norm_div(acc1, denp1, b1_2d)

    h4, al2 = _bn_relu_project(z1, st1, g1_2d, be1_2d, W2, A2c, F)
    w2e, denp2 = _wkernel_call(al2, sdb_w, zerb16)
    [acc2] = _edge12_call(h4.reshape(4 * NP, 128), _w4(w2e), sdb_e, zerh)
    z2, st2 = _norm_div(acc2, denp2, b2_2d)

    h3o, al3 = _bn_relu_project(z2, st2, g2_2d, be2_2d, W3, A3c, DOUT)
    w3e, denp3 = _wkernel_call(al3, sdb_w, zerb16)
    [acc3] = _edge3_call(h3o, w3e, sdb_e, zerh)

    return _pool(acc3, denp3, b3_2d, batp)



def _make_wtest():
    mesh = plsc.VectorSubcoreMesh(core_axis_name="c", subcore_axis_name="s")
    out_type = [jax.ShapeDtypeStruct((2 * EC, 16), jnp.float32)]
    scratch = [
        pltpu.VMEM((2, NBW, 128), jnp.int32),
        pltpu.VMEM((128, 128), jnp.float32),
        pltpu.VMEM((128, 128), jnp.float32),
        pltpu.VMEM((128, 16), jnp.float32),
        pltpu.SemaphoreType.DMA,
        pltpu.SemaphoreType.DMA,
    ]

    @functools.partial(pl.kernel, mesh=mesh, out_type=out_type,
                       scratch_types=scratch)
    def wtest(alW, sdb, w_out, sd_v, asb, adb, wb, sem1, sem2):
        c = lax.axis_index("c")
        s = lax.axis_index("s")
        wk = c * 16 + s
        pltpu.sync_copy(sdb.at[wk], sd_v)

        def batch_body(j, _):
            cp_a = pltpu.async_copy(alW.at[sd_v.at[0, j]], asb, sem1)
            cp_b = pltpu.async_copy(alW.at[sd_v.at[1, j]], adb, sem2)
            cp_a.wait()
            cp_b.wait()

            def edge_body(e, _):
                v = asb[e, pl.ds(0, 16)] + adb[e, pl.ds(16, 16)]
                v = jnp.where(v > 0, v, v * jnp.float32(0.2))
                wb[e, :] = jnp.exp(v)
                return 0
            lax.fori_loop(0, 128, edge_body, 0)
            pltpu.sync_copy(wb, w_out.at[pl.ds(wk * (NBW * 128) + j * 128, 128)])
            return 0
        lax.fori_loop(0, NBW, batch_body, 0)

    return wtest


_wtest_call = _make_wtest()


def _gat_nomax_given_w(h, exw, src, dst, b, heads, out_c, n):
    hh = h.reshape(n, heads, out_c)
    ex = exw
    denom = jax.ops.segment_sum(ex, dst, num_segments=n)
    acc = jax.ops.segment_sum(hh[src] * ex[:, :, None], dst, num_segments=n)
    out = acc / (denom[:, :, None] + 1e-16)
    return out.reshape(n, heads * out_c) + b


def _bn2(x, g, b):
    mu = x.mean(axis=0)
    var = jnp.maximum((x * x).mean(axis=0) - mu * mu, 0.0)
    return g * (x - mu) / jnp.sqrt(var + EPS) + b


def kernel(x, edge_index, batch, W1, a1s, a1d, b1, g1, be1, W2, a2s, a2d, b2,
           g2, be2, W3, a3s, a3d, b3):
    loops = jnp.arange(N, dtype=edge_index.dtype)
    src = jnp.concatenate([edge_index[0], loops])
    dst = jnp.concatenate([edge_index[1], loops])
    npad = 2 * EC - ER
    psrc = jnp.concatenate([src, jnp.full((npad,), N, jnp.int32)])
    pdst = jnp.concatenate([dst, jnp.full((npad,), N, jnp.int32)])
    sdb_w = jnp.stack([psrc.reshape(32, NBW, 128),
                       pdst.reshape(32, NBW, 128)], axis=1)

    def sc_w(h, a_s, a_d, heads, out_c):
        hh = h.reshape(N, heads, out_c)
        als = (hh * a_s[None]).sum(-1)
        ald = (hh * a_d[None]).sum(-1)
        alW = jnp.zeros((NP, 128), jnp.float32)
        alW = alW.at[:N, 0:heads].set(als).at[:N, 16:16 + heads].set(ald)
        [w] = _wtest_call(alW, sdb_w)
        return w[:ER, :heads]

    h1p = x @ W1
    ex1 = sc_w(h1p, a1s, a1d, HEADS, HID)
    h = _gat_nomax_given_w(h1p, ex1, src, dst, b1, HEADS, HID, N)
    h = jax.nn.relu(_bn2(h, g1, be1))
    h2p = h @ W2
    ex2 = sc_w(h2p, a2s, a2d, HEADS, HID)
    h = _gat_nomax_given_w(h2p, ex2, src, dst, b2, HEADS, HID, N)
    h = jax.nn.relu(_bn2(h, g2, be2))
    h3p = h @ W3
    ex3 = sc_w(h3p, a3s, a3d, 1, DOUT)
    h = _gat_nomax_given_w(h3p, ex3, src, dst, b3, 1, DOUT, N)
    hp = jnp.zeros((NP, DOUT), jnp.float32).at[:N].set(h)
    batp = jnp.concatenate(
        [batch, jnp.full((NP - N,), G, batch.dtype)]).reshape(NP, 1)
    return _pool_tc(hp, batp)


def _k5_body(h_ref, bat_ref, out_ref, pool_sc, cnt_sc):
    i = pl.program_id(0)
    nblk = NP // BLK

    @pl.when(i == 0)
    def _():
        pool_sc[...] = jnp.zeros_like(pool_sc)
        cnt_sc[...] = jnp.zeros_like(cnt_sc)

    oh = (bat_ref[...] == lax.broadcasted_iota(jnp.int32, (BLK, G), 1))
    oh = oh.astype(jnp.float32)
    pool_sc[...] += lax.dot_general(oh, h_ref[...], (((0,), (0,)), ((), ())),
                                    preferred_element_type=jnp.float32)
    cnt_sc[...] += lax.dot_general(oh, jnp.ones((BLK, 8), jnp.float32),
                                   (((0,), (0,)), ((), ())),
                                   preferred_element_type=jnp.float32)

    @pl.when(i == nblk - 1)
    def _():
        out_ref[...] = pool_sc[...] / jnp.maximum(cnt_sc[:, 0:1], 1.0)


def _pool_tc(hp, batp):
    nblk = NP // BLK
    return pl.pallas_call(
        _k5_body,
        grid=(nblk,),
        in_specs=[
            pl.BlockSpec((BLK, 128), lambda i: (i, 0)),
            pl.BlockSpec((BLK, 1), lambda i: (i, 0)),
        ],
        out_specs=pl.BlockSpec((G, 128), lambda i: (0, 0)),
        out_shape=jax.ShapeDtypeStruct((G, 128), jnp.float32),
        scratch_shapes=[
            pltpu.VMEM((G, 128), jnp.float32),
            pltpu.VMEM((G, 8), jnp.float32),
        ],
    )(hp, batp)

# --- scband reference (transcript-rebuilt; emitter-appended) ---
"""Pipeline reference for scband-drug-encoder-18562848653955 (READ-ONLY COPY).

The authoritative reference and input builder live on the scoring server;
editing this copy changes nothing except your own understanding.
"""

import jax, jax.numpy as jnp
import numpy as np

N = 10000
E = 160000
DIN = 32
HID = 64
HEADS = 8
DOUT = 128
G = 512
EPS = 1e-5


def _gat(x, src, dst, W, a_s, a_d, b, heads, out_c, concat):
    n = x.shape[0]
    h = (x @ W).reshape(n, heads, out_c)
    alpha_src = (h * a_s[None, :, :]).sum(-1)
    alpha_dst = (h * a_d[None, :, :]).sum(-1)
    e = jax.nn.leaky_relu(alpha_src[src] + alpha_dst[dst], negative_slope=0.2)
    m = jax.lax.stop_gradient(jax.ops.segment_max(e, dst, num_segments=n))
    m = jnp.where(jnp.isfinite(m), m, 0.0)
    ex = jnp.exp(e - m[dst])
    denom = jax.ops.segment_sum(ex, dst, num_segments=n)
    att = ex / (denom[dst] + 1e-16)
    out = jax.ops.segment_sum(h[src] * att[:, :, None], dst, num_segments=n)
    if concat:
        out = out.reshape(n, heads * out_c)
    else:
        out = out.mean(axis=1)
    return out + b


def _bn(x, g, b):
    mu = x.mean(axis=0)
    var = x.var(axis=0)
    return g * (x - mu) / jnp.sqrt(var + EPS) + b


def setup_inputs(seed: int = 0) -> dict:
    key = jax.random.key(seed)
    ks = jax.random.split(key, 16)

    def p(k, shape, scale):
        return jax.random.normal(k, shape, dtype=jnp.float32) * scale

    d = {}
    d['x'] = jax.random.normal(ks[0], (N, DIN), dtype=jnp.float32)
    d['edge_index'] = jax.random.randint(ks[1], (2, E), 0, N, dtype=jnp.int32)
    d['batch'] = jnp.sort(jax.random.randint(ks[2], (N,), 0, G, dtype=jnp.int32))
    d['W1'] = p(ks[3], (DIN, HEADS * HID), 0.1)
    d['a1s'] = p(ks[4], (HEADS, HID), 0.1)
    d['a1d'] = p(ks[5], (HEADS, HID), 0.1)
    d['b1'] = jnp.zeros((HEADS * HID,), jnp.float32)
    d['g1'] = jnp.ones((HEADS * HID,), jnp.float32)
    d['be1'] = jnp.zeros((HEADS * HID,), jnp.float32)
    d['W2'] = p(ks[6], (HEADS * HID, HEADS * HID), 0.02)
    d['a2s'] = p(ks[7], (HEADS, HID), 0.1)
    d['a2d'] = p(ks[8], (HEADS, HID), 0.1)
    d['b2'] = jnp.zeros((HEADS * HID,), jnp.float32)
    d['g2'] = jnp.ones((HEADS * HID,), jnp.float32)
    d['be2'] = jnp.zeros((HEADS * HID,), jnp.float32)
    d['W3'] = p(ks[9], (HEADS * HID, DOUT), 0.02)
    d['a3s'] = p(ks[10], (1, DOUT), 0.1)
    d['a3d'] = p(ks[11], (1, DOUT), 0.1)
    d['b3'] = jnp.zeros((DOUT,), jnp.float32)
    return d


def reference(x, edge_index, batch, W1, a1s, a1d, b1, g1, be1, W2, a2s, a2d, b2, g2, be2, W3, a3s, a3d, b3):
    # add self loops (PyG GATConv default)
    loops = jnp.arange(N, dtype=edge_index.dtype)
    src = jnp.concatenate([edge_index[0], loops])
    dst = jnp.concatenate([edge_index[1], loops])
    # layer 1: GAT(32 -> 64 x 8, concat) + BN(train-mode stats) + ReLU (dropout = identity in eval)
    h = _gat(x, src, dst, W1, a1s, a1d, b1, HEADS, HID, True)
    h = jax.nn.relu(_bn(h, g1, be1))
    # layer 2
    h = _gat(h, src, dst, W2, a2s, a2d, b2, HEADS, HID, True)
    h = jax.nn.relu(_bn(h, g2, be2))
    # layer 3: single head, no concat
    h = _gat(h, src, dst, W3, a3s, a3d, b3, 1, DOUT, False)
    # global mean pool over graphs
    sums = jax.ops.segment_sum(h, batch, num_segments=G)
    cnt = jax.ops.segment_sum(jnp.ones((N,), jnp.float32), batch, num_segments=G)
    return sums / jnp.clip(cnt, 1.0)[:, None]

if __name__ == "__main__":
    import jax
    _d = setup_inputs()
    print(jax.jit(kernel)(*tuple(_d.values())))

</pallas_src>

<mosaic_0001>
#map = affine_map<(d0, d1) -> (0, 0)>
#map1 = affine_map<(d0, d1) -> (0, 0, 0, 0)>
module attributes {stable_mosaic.version = 14 : i64} {
  func.func @wtest(%arg0: i32, %arg1: i32, %arg2: memref<10240x128xf32, #tpu.memory_space<hbm>>, %arg3: memref<32x2x48x128xi32, #tpu.memory_space<hbm>>, %arg4: memref<196608x16xf32, #tpu.memory_space<hbm>>, %arg5: memref<2x48x128xi32, #tpu.memory_space<vmem>>, %arg6: memref<128x128xf32, #tpu.memory_space<vmem>>, %arg7: memref<128x128xf32, #tpu.memory_space<vmem>>, %arg8: memref<128x16xf32, #tpu.memory_space<vmem>>, %arg9: memref<!tpu.dma_semaphore, #tpu.memory_space<semaphore_mem>>, %arg10: memref<!tpu.dma_semaphore, #tpu.memory_space<semaphore_mem>>) attributes {dimension_semantics = [#tpu.dimension_semantics<core_parallel>, #tpu.dimension_semantics<subcore_parallel>], iteration_bounds = array<i64: 2, 16>, scalar_prefetch = 0 : i64, scratch_operands = 6 : i64, tpu.core_type = #tpu.core_type<sc_vector_subcore>, window_params = [{transform_indices = #map}, {transform_indices = #map1}, {transform_indices = #map}]} {
    %mul3A = arith.constant 16 : i32
    %mul3A_0 = arith.muli %arg0, %mul3A : i32
    %add3A = arith.addi %mul3A_0, %arg1 : i32
    "tpu.region"() ({
      %run_scoped3A = tpu.sem_alloc : memref<!tpu.dma_semaphore, #tpu.memory_space<semaphore_mem>>
      %dma_start3A = arith.constant 0 : i32
      %dma_start3A_7 = arith.constant 0 : i32
      %dma_start3A_8 = arith.constant 0 : i32
      %dma_start3A_9 = tpu.memref_slice %arg3[%add3A, %dma_start3A, %dma_start3A_7, %dma_start3A_8] : memref<32x2x48x128xi32, #tpu.memory_space<hbm>> -> memref<1x2x48x128xi32, #tpu.memory_space<hbm>>
      %dma_start3A_10 = tpu.memref_squeeze %dma_start3A_9 : memref<1x2x48x128xi32, #tpu.memory_space<hbm>> -> memref<2x48x128xi32, #tpu.memory_space<hbm>>
      %dma_start3A_11 = arith.constant 0 : i32
      %dma_start3A_12 = arith.constant 0 : i32
      %dma_start3A_13 = arith.constant 0 : i32
      %dma_start3A_14 = tpu.memref_slice %arg3[%add3A, %dma_start3A_11, %dma_start3A_12, %dma_start3A_13] : memref<32x2x48x128xi32, #tpu.memory_space<hbm>> -> memref<1x2x48x128xi32, #tpu.memory_space<hbm>>
      %dma_start3A_15 = tpu.memref_squeeze %dma_start3A_14 : memref<1x2x48x128xi32, #tpu.memory_space<hbm>> -> memref<2x48x128xi32, #tpu.memory_space<hbm>>
      tpu.enqueue_dma source(%dma_start3A_15 : memref<2x48x128xi32, #tpu.memory_space<hbm>>) target(%arg5 : memref<2x48x128xi32, #tpu.memory_space<vmem>>) target_semaphore(%run_scoped3A : memref<!tpu.dma_semaphore, #tpu.memory_space<semaphore_mem>>)
      %dma_wait3A = arith.constant 0 : i32
      %dma_wait3A_16 = arith.constant 0 : i32
      %dma_wait3A_17 = arith.constant 0 : i32
      %dma_wait3A_18 = tpu.memref_slice %arg3[%add3A, %dma_wait3A, %dma_wait3A_16, %dma_wait3A_17] : memref<32x2x48x128xi32, #tpu.memory_space<hbm>> -> memref<1x2x48x128xi32, #tpu.memory_space<hbm>>
      %dma_wait3A_19 = tpu.memref_squeeze %dma_wait3A_18 : memref<1x2x48x128xi32, #tpu.memory_space<hbm>> -> memref<2x48x128xi32, #tpu.memory_space<hbm>>
      %dma_wait3A_20 = arith.constant 0 : i32
      %dma_wait3A_21 = arith.constant 0 : i32
      %dma_wait3A_22 = arith.constant 0 : i32
      %dma_wait3A_23 = tpu.memref_slice %arg3[%add3A, %dma_wait3A_20, %dma_wait3A_21, %dma_wait3A_22] : memref<32x2x48x128xi32, #tpu.memory_space<hbm>> -> memref<1x2x48x128xi32, #tpu.memory_space<hbm>>
      %dma_wait3A_24 = tpu.memref_squeeze %dma_wait3A_23 : memref<1x2x48x128xi32, #tpu.memory_space<hbm>> -> memref<2x48x128xi32, #tpu.memory_space<hbm>>
      tpu.wait_dma2 semaphore(%run_scoped3A : memref<!tpu.dma_semaphore, #tpu.memory_space<semaphore_mem>>) src(%dma_wait3A_24 : memref<2x48x128xi32, #tpu.memory_space<hbm>>) dst(%arg5 : memref<2x48x128xi32, #tpu.memory_space<vmem>>)
      tpu.yield
    }) : () -> ()
    %scan3A = arith.constant 0 : i32
    %scan3A_1 = arith.constant 0 : i32
    %scan3A_2 = arith.constant 48 : i32
    %scan3A_3 = arith.addi %scan3A_1, %scan3A_2 : i32
    %scan3A_4 = arith.constant 1 : i32
    %scan3A_5 = scf.for %scan3A_7 = %scan3A_1 to %scan3A_3 step %scan3A_4 iter_args(%scan3A_8 = %scan3A) -> (i32)  : i32 {
      %dma_start3A = arith.constant 0 : i32
      %dma_start3A_9 = arith.constant 0 : i32
      %dma_start3A_10 = tpu.memref_slice %arg5[%dma_start3A, %scan3A_7, %dma_start3A_9] : memref<2x48x128xi32, #tpu.memory_space<vmem>> -> memref<1x1x128xi32, #tpu.memory_space<vmem>>
      %dma_start3A_11 = tpu.memref_squeeze %dma_start3A_10 : memref<1x1x128xi32, #tpu.memory_space<vmem>> -> memref<128xi32, #tpu.memory_space<vmem>>
      %dma_start3A_12 = arith.constant 0 : i32
      %dma_start3A_13 = arith.constant 0 : i32
      %dma_start3A_14 = tpu.memref_slice %arg2[%dma_start3A_12, %dma_start3A_13] : memref<10240x128xf32, #tpu.memory_space<hbm>> -> memref<10240x128xf32, #tpu.memory_space<hbm>>
      tpu.enqueue_indirect_dma source(%dma_start3A_14 : memref<10240x128xf32, #tpu.memory_space<hbm>>) target(%arg6 : memref<128x128xf32, #tpu.memory_space<vmem>>) offsets(%dma_start3A_11 : memref<128xi32, #tpu.memory_space<vmem>>) semaphore(%arg9 : memref<!tpu.dma_semaphore, #tpu.memory_space<semaphore_mem>>)
      %dma_start3A_15 = arith.constant 1 : i32
      %dma_start3A_16 = arith.constant 0 : i32
      %dma_start3A_17 = tpu.memref_slice %arg5[%dma_start3A_15, %scan3A_7, %dma_start3A_16] : memref<2x48x128xi32, #tpu.memory_space<vmem>> -> memref<1x1x128xi32, #tpu.memory_space<vmem>>
      %dma_start3A_18 = tpu.memref_squeeze %dma_start3A_17 : memref<1x1x128xi32, #tpu.memory_space<vmem>> -> memref<128xi32, #tpu.memory_space<vmem>>
      %dma_start3A_19 = arith.constant 0 : i32
      %dma_start3A_20 = arith.constant 0 : i32
      %dma_start3A_21 = tpu.memref_slice %arg2[%dma_start3A_19, %dma_start3A_20] : memref<10240x128xf32, #tpu.memory_space<hbm>> -> memref<10240x128xf32, #tpu.memory_space<hbm>>
      tpu.enqueue_indirect_dma source(%dma_start3A_21 : memref<10240x128xf32, #tpu.memory_space<hbm>>) target(%arg7 : memref<128x128xf32, #tpu.memory_space<vmem>>) offsets(%dma_start3A_18 : memref<128xi32, #tpu.memory_space<vmem>>) semaphore(%arg10 : memref<!tpu.dma_semaphore, #tpu.memory_space<semaphore_mem>>)
      %dma_wait3A = arith.constant 0 : i32
      %dma_wait3A_22 = arith.constant 0 : i32
      %dma_wait3A_23 = tpu.memref_slice %arg5[%dma_wait3A, %scan3A_7, %dma_wait3A_22] : memref<2x48x128xi32, #tpu.memory_space<vmem>> -> memref<1x1x128xi32, #tpu.memory_space<vmem>>
      %dma_wait3A_24 = tpu.memref_squeeze %dma_wait3A_23 : memref<1x1x128xi32, #tpu.memory_space<vmem>> -> memref<128xi32, #tpu.memory_space<vmem>>
      %dma_wait3A_25 = arith.constant 0 : i32
      %dma_wait3A_26 = arith.constant 0 : i32
      %dma_wait3A_27 = tpu.memref_slice %arg2[%dma_wait3A_25, %dma_wait3A_26] : memref<10240x128xf32, #tpu.memory_space<hbm>> -> memref<10240x128xf32, #tpu.memory_space<hbm>>
      tpu.wait_indirect_dma semaphore(%arg9 : memref<!tpu.dma_semaphore, #tpu.memory_space<semaphore_mem>>) src(%dma_wait3A_27 : memref<10240x128xf32, #tpu.memory_space<hbm>>) dst(%arg6 : memref<128x128xf32, #tpu.memory_space<vmem>>)
      %dma_wait3A_28 = arith.constant 1 : i32
      %dma_wait3A_29 = arith.constant 0 : i32
      %dma_wait3A_30 = tpu.memref_slice %arg5[%dma_wait3A_28, %scan3A_7, %dma_wait3A_29] : memref<2x48x128xi32, #tpu.memory_space<vmem>> -> memref<1x1x128xi32, #tpu.memory_space<vmem>>
      %dma_wait3A_31 = tpu.memref_squeeze %dma_wait3A_30 : memref<1x1x128xi32, #tpu.memory_space<vmem>> -> memref<128xi32, #tpu.memory_space<vmem>>
      %dma_wait3A_32 = arith.constant 0 : i32
      %dma_wait3A_33 = arith.constant 0 : i32
      %dma_wait3A_34 = tpu.memref_slice %arg2[%dma_wait3A_32, %dma_wait3A_33] : memref<10240x128xf32, #tpu.memory_space<hbm>> -> memref<10240x128xf32, #tpu.memory_space<hbm>>
      tpu.wait_indirect_dma semaphore(%arg10 : memref<!tpu.dma_semaphore, #tpu.memory_space<semaphore_mem>>) src(%dma_wait3A_34 : memref<10240x128xf32, #tpu.memory_space<hbm>>) dst(%arg7 : memref<128x128xf32, #tpu.memory_space<vmem>>)
      %scan3A_35 = arith.constant 0 : i32
      %scan3A_36 = arith.constant 0 : i32
      %scan3A_37 = arith.constant 128 : i32
      %scan3A_38 = arith.addi %scan3A_36, %scan3A_37 : i32
      %scan3A_39 = arith.constant 1 : i32
      %scan3A_40 = scf.for %scan3A_48 = %scan3A_36 to %scan3A_38 step %scan3A_39 iter_args(%scan3A_49 = %scan3A_35) -> (i32)  : i32 {
        %get3A = arith.index_cast %scan3A_48 : i32 to index
        %get3A_50 = arith.constant 0 : index
        %get3A_51 = tpu.vector_load %arg6[%get3A, %get3A_50] {strides = array<i32>} : memref<128x128xf32, #tpu.memory_space<vmem>>, vector<1x16xf32>,
        %get3A_52 = vector.shape_cast %get3A_51 : vector<1x16xf32> to vector<16xf32>
        %get3A_53 = arith.index_cast %scan3A_48 : i32 to index
        %get3A_54 = arith.constant 16 : index
        %get3A_55 = tpu.vector_load %arg7[%get3A_53, %get3A_54] {strides = array<i32>} : memref<128x128xf32, #tpu.memory_space<vmem>>, vector<1x16xf32>,
        %get3A_56 = vector.shape_cast %get3A_55 : vector<1x16xf32> to vector<16xf32>
        %add3A_57 = arith.addf %get3A_52, %get3A_56 : vector<16xf32>
        %gt3A = arith.constant 0.000000e+00 : f32
        %gt3A_58 = vector.broadcast %gt3A : f32 to vector<16xf32>
        %gt3A_59 = arith.cmpf ogt, %add3A_57, %gt3A_58 : vector<16xf32>
        %mul3A_60 = arith.constant 2.000000e-01 : f32
        %mul3A_61 = vector.broadcast %mul3A_60 : f32 to vector<16xf32>
        %mul3A_62 = arith.mulf %add3A_57, %mul3A_61 : vector<16xf32>
        %select_n3A = arith.select %gt3A_59, %add3A_57, %mul3A_62 : vector<16xi1>, vector<16xf32>
        %exp3A = math.exp %select_n3A : vector<16xf32>
        %swap3A = arith.index_cast %scan3A_48 : i32 to index
        %swap3A_63 = arith.constant 0 : index
        %swap3A_64 = tpu.vector_load %arg8[%swap3A, %swap3A_63] {strides = array<i32>} : memref<128x16xf32, #tpu.memory_space<vmem>>, vector<1x16xf32>,
        %swap3A_65 = vector.shape_cast %swap3A_64 : vector<1x16xf32> to vector<16xf32>
        %swap3A_66 = vector.shape_cast %exp3A : vector<16xf32> to vector<1x16xf32>
        tpu.vector_store %arg8[%swap3A, %swap3A_63], %swap3A_66 {strides = array<i32>} : memref<128x16xf32, #tpu.memory_space<vmem>>, vector<1x16xf32>,
        %scan3A_67 = arith.constant 0 : i32
        scf.yield %scan3A_67 : i32
      }
      %scan3A_41 = arith.constant 128 : i32
      %mul3A_42 = arith.constant 6144 : i32
      %mul3A_43 = arith.muli %add3A, %mul3A_42 : i32
      %mul3A_44 = arith.constant 128 : i32
      %mul3A_45 = arith.muli %scan3A_7, %mul3A_44 : i32
      %add3A_46 = arith.addi %mul3A_43, %mul3A_45 : i32
      "tpu.region"() ({
        %run_scoped3A = tpu.sem_alloc : memref<!tpu.dma_semaphore, #tpu.memory_space<semaphore_mem>>
        %dma_start3A_48 = arith.constant 0 : i32
        %dma_start3A_49 = tpu.memref_slice %arg4[%add3A_46, %dma_start3A_48] : memref<196608x16xf32, #tpu.memory_space<hbm>> -> memref<128x16xf32, #tpu.memory_space<hbm>>
        %dma_start3A_50 = arith.constant 0 : i32
        %dma_start3A_51 = tpu.memref_slice %arg4[%add3A_46, %dma_start3A_50] : memref<196608x16xf32, #tpu.memory_space<hbm>> -> memref<128x16xf32, #tpu.memory_space<hbm>>
        tpu.enqueue_dma source(%arg8 : memref<128x16xf32, #tpu.memory_space<vmem>>) target(%dma_start3A_51 : memref<128x16xf32, #tpu.memory_space<hbm>>) target_semaphore(%run_scoped3A : memref<!tpu.dma_semaphore, #tpu.memory_space<semaphore_mem>>)
        %dma_wait3A_52 = arith.constant 0 : i32
        %dma_wait3A_53 = tpu.memref_slice %arg4[%add3A_46, %dma_wait3A_52] : memref<196608x16xf32, #tpu.memory_space<hbm>> -> memref<128x16xf32, #tpu.memory_space<hbm>>
        %dma_wait3A_54 = arith.constant 0 : i32
        %dma_wait3A_55 = tpu.memref_slice %arg4[%add3A_46, %dma_wait3A_54] : memref<196608x16xf32, #tpu.memory_space<hbm>> -> memref<128x16xf32, #tpu.memory_space<hbm>>
        tpu.wait_dma2 semaphore(%run_scoped3A : memref<!tpu.dma_semaphore, #tpu.memory_space<semaphore_mem>>) src(%arg8 : memref<128x16xf32, #tpu.memory_space<vmem>>) dst(%dma_wait3A_55 : memref<128x16xf32, #tpu.memory_space<hbm>>)
        tpu.yield
      }) : () -> ()
      %scan3A_47 = arith.constant 0 : i32
      scf.yield %scan3A_47 : i32
    }
    %scan3A_6 = arith.constant 48 : i32
    return
  }
}

#map = affine_map<(d0, d1) -> (0, 0)>
#map1 = affine_map<(d0, d1) -> (0, 0, 0, 0)>
module attributes {stable_mosaic.version = 14 : i64} {
  func.func @wtest(%arg0: i32, %arg1: i32, %arg2: memref<10240x128xf32, #tpu.memory_space<hbm>>, %arg3: memref<32x2x48x128xi32, #tpu.memory_space<hbm>>, %arg4: memref<196608x16xf32, #tpu.memory_space<hbm>>, %arg5: memref<2x48x128xi32, #tpu.memory_space<vmem>>, %arg6: memref<128x128xf32, #tpu.memory_space<vmem>>, %arg7: memref<128x128xf32, #tpu.memory_space<vmem>>, %arg8: memref<128x16xf32, #tpu.memory_space<vmem>>, %arg9: memref<!tpu.dma_semaphore, #tpu.memory_space<semaphore_mem>>, %arg10: memref<!tpu.dma_semaphore, #tpu.memory_space<semaphore_mem>>) attributes {dimension_semantics = [#tpu.dimension_semantics<core_parallel>, #tpu.dimension_semantics<subcore_parallel>], iteration_bounds = array<i64: 2, 16>, scalar_prefetch = 0 : i64, scratch_operands = 6 : i64, tpu.core_type = #tpu.core_type<sc_vector_subcore>, window_params = [{transform_indices = #map}, {transform_indices = #map1}, {transform_indices = #map}]} {
    %mul3A = arith.constant 16 : i32
    %mul3A_0 = arith.muli %arg0, %mul3A : i32
    %add3A = arith.addi %mul3A_0, %arg1 : i32
    "tpu.region"() ({
      %run_scoped3A = tpu.sem_alloc : memref<!tpu.dma_semaphore, #tpu.memory_space<semaphore_mem>>
      %dma_start3A = arith.constant 0 : i32
      %dma_start3A_7 = arith.constant 0 : i32
      %dma_start3A_8 = arith.constant 0 : i32
      %dma_start3A_9 = tpu.memref_slice %arg3[%add3A, %dma_start3A, %dma_start3A_7, %dma_start3A_8] : memref<32x2x48x128xi32, #tpu.memory_space<hbm>> -> memref<1x2x48x128xi32, #tpu.memory_space<hbm>>
      %dma_start3A_10 = tpu.memref_squeeze %dma_start3A_9 : memref<1x2x48x128xi32, #tpu.memory_space<hbm>> -> memref<2x48x128xi32, #tpu.memory_space<hbm>>
      %dma_start3A_11 = arith.constant 0 : i32
      %dma_start3A_12 = arith.constant 0 : i32
      %dma_start3A_13 = arith.constant 0 : i32
      %dma_start3A_14 = tpu.memref_slice %arg3[%add3A, %dma_start3A_11, %dma_start3A_12, %dma_start3A_13] : memref<32x2x48x128xi32, #tpu.memory_space<hbm>> -> memref<1x2x48x128xi32, #tpu.memory_space<hbm>>
      %dma_start3A_15 = tpu.memref_squeeze %dma_start3A_14 : memref<1x2x48x128xi32, #tpu.memory_space<hbm>> -> memref<2x48x128xi32, #tpu.memory_space<hbm>>
      tpu.enqueue_dma source(%dma_start3A_15 : memref<2x48x128xi32, #tpu.memory_space<hbm>>) target(%arg5 : memref<2x48x128xi32, #tpu.memory_space<vmem>>) target_semaphore(%run_scoped3A : memref<!tpu.dma_semaphore, #tpu.memory_space<semaphore_mem>>)
      %dma_wait3A = arith.constant 0 : i32
      %dma_wait3A_16 = arith.constant 0 : i32
      %dma_wait3A_17 = arith.constant 0 : i32
      %dma_wait3A_18 = tpu.memref_slice %arg3[%add3A, %dma_wait3A, %dma_wait3A_16, %dma_wait3A_17] : memref<32x2x48x128xi32, #tpu.memory_space<hbm>> -> memref<1x2x48x128xi32, #tpu.memory_space<hbm>>
      %dma_wait3A_19 = tpu.memref_squeeze %dma_wait3A_18 : memref<1x2x48x128xi32, #tpu.memory_space<hbm>> -> memref<2x48x128xi32, #tpu.memory_space<hbm>>
      %dma_wait3A_20 = arith.constant 0 : i32
      %dma_wait3A_21 = arith.constant 0 : i32
      %dma_wait3A_22 = arith.constant 0 : i32
      %dma_wait3A_23 = tpu.memref_slice %arg3[%add3A, %dma_wait3A_20, %dma_wait3A_21, %dma_wait3A_22] : memref<32x2x48x128xi32, #tpu.memory_space<hbm>> -> memref<1x2x48x128xi32, #tpu.memory_space<hbm>>
      %dma_wait3A_24 = tpu.memref_squeeze %dma_wait3A_23 : memref<1x2x48x128xi32, #tpu.memory_space<hbm>> -> memref<2x48x128xi32, #tpu.memory_space<hbm>>
      tpu.wait_dma2 semaphore(%run_scoped3A : memref<!tpu.dma_semaphore, #tpu.memory_space<semaphore_mem>>) src(%dma_wait3A_24 : memref<2x48x128xi32, #tpu.memory_space<hbm>>) dst(%arg5 : memref<2x48x128xi32, #tpu.memory_space<vmem>>)
      tpu.yield
    }) : () -> ()
    %scan3A = arith.constant 0 : i32
    %scan3A_1 = arith.constant 0 : i32
    %scan3A_2 = arith.constant 48 : i32
    %scan3A_3 = arith.addi %scan3A_1, %scan3A_2 : i32
    %scan3A_4 = arith.constant 1 : i32
    %scan3A_5 = scf.for %scan3A_7 = %scan3A_1 to %scan3A_3 step %scan3A_4 iter_args(%scan3A_8 = %scan3A) -> (i32)  : i32 {
      %dma_start3A = arith.constant 0 : i32
      %dma_start3A_9 = arith.constant 0 : i32
      %dma_start3A_10 = tpu.memref_slice %arg5[%dma_start3A, %scan3A_7, %dma_start3A_9] : memref<2x48x128xi32, #tpu.memory_space<vmem>> -> memref<1x1x128xi32, #tpu.memory_space<vmem>>
      %dma_start3A_11 = tpu.memref_squeeze %dma_start3A_10 : memref<1x1x128xi32, #tpu.memory_space<vmem>> -> memref<128xi32, #tpu.memory_space<vmem>>
      %dma_start3A_12 = arith.constant 0 : i32
      %dma_start3A_13 = arith.constant 0 : i32
      %dma_start3A_14 = tpu.memref_slice %arg2[%dma_start3A_12, %dma_start3A_13] : memref<10240x128xf32, #tpu.memory_space<hbm>> -> memref<10240x128xf32, #tpu.memory_space<hbm>>
      tpu.enqueue_indirect_dma source(%dma_start3A_14 : memref<10240x128xf32, #tpu.memory_space<hbm>>) target(%arg6 : memref<128x128xf32, #tpu.memory_space<vmem>>) offsets(%dma_start3A_11 : memref<128xi32, #tpu.memory_space<vmem>>) semaphore(%arg9 : memref<!tpu.dma_semaphore, #tpu.memory_space<semaphore_mem>>)
      %dma_start3A_15 = arith.constant 1 : i32
      %dma_start3A_16 = arith.constant 0 : i32
      %dma_start3A_17 = tpu.memref_slice %arg5[%dma_start3A_15, %scan3A_7, %dma_start3A_16] : memref<2x48x128xi32, #tpu.memory_space<vmem>> -> memref<1x1x128xi32, #tpu.memory_space<vmem>>
      %dma_start3A_18 = tpu.memref_squeeze %dma_start3A_17 : memref<1x1x128xi32, #tpu.memory_space<vmem>> -> memref<128xi32, #tpu.memory_space<vmem>>
      %dma_start3A_19 = arith.constant 0 : i32
      %dma_start3A_20 = arith.constant 0 : i32
      %dma_start3A_21 = tpu.memref_slice %arg2[%dma_start3A_19, %dma_start3A_20] : memref<10240x128xf32, #tpu.memory_space<hbm>> -> memref<10240x128xf32, #tpu.memory_space<hbm>>
      tpu.enqueue_indirect_dma source(%dma_start3A_21 : memref<10240x128xf32, #tpu.memory_space<hbm>>) target(%arg7 : memref<128x128xf32, #tpu.memory_space<vmem>>) offsets(%dma_start3A_18 : memref<128xi32, #tpu.memory_space<vmem>>) semaphore(%arg10 : memref<!tpu.dma_semaphore, #tpu.memory_space<semaphore_mem>>)
      %dma_wait3A = arith.constant 0 : i32
      %dma_wait3A_22 = arith.constant 0 : i32
      %dma_wait3A_23 = tpu.memref_slice %arg5[%dma_wait3A, %scan3A_7, %dma_wait3A_22] : memref<2x48x128xi32, #tpu.memory_space<vmem>> -> memref<1x1x128xi32, #tpu.memory_space<vmem>>
      %dma_wait3A_24 = tpu.memref_squeeze %dma_wait3A_23 : memref<1x1x128xi32, #tpu.memory_space<vmem>> -> memref<128xi32, #tpu.memory_space<vmem>>
      %dma_wait3A_25 = arith.constant 0 : i32
      %dma_wait3A_26 = arith.constant 0 : i32
      %dma_wait3A_27 = tpu.memref_slice %arg2[%dma_wait3A_25, %dma_wait3A_26] : memref<10240x128xf32, #tpu.memory_space<hbm>> -> memref<10240x128xf32, #tpu.memory_space<hbm>>
      tpu.wait_indirect_dma semaphore(%arg9 : memref<!tpu.dma_semaphore, #tpu.memory_space<semaphore_mem>>) src(%dma_wait3A_27 : memref<10240x128xf32, #tpu.memory_space<hbm>>) dst(%arg6 : memref<128x128xf32, #tpu.memory_space<vmem>>)
      %dma_wait3A_28 = arith.constant 1 : i32
      %dma_wait3A_29 = arith.constant 0 : i32
      %dma_wait3A_30 = tpu.memref_slice %arg5[%dma_wait3A_28, %scan3A_7, %dma_wait3A_29] : memref<2x48x128xi32, #tpu.memory_space<vmem>> -> memref<1x1x128xi32, #tpu.memory_space<vmem>>
      %dma_wait3A_31 = tpu.memref_squeeze %dma_wait3A_30 : memref<1x1x128xi32, #tpu.memory_space<vmem>> -> memref<128xi32, #tpu.memory_space<vmem>>
      %dma_wait3A_32 = arith.constant 0 : i32
      %dma_wait3A_33 = arith.constant 0 : i32
      %dma_wait3A_34 = tpu.memref_slice %arg2[%dma_wait3A_32, %dma_wait3A_33] : memref<10240x128xf32, #tpu.memory_space<hbm>> -> memref<10240x128xf32, #tpu.memory_space<hbm>>
      tpu.wait_indirect_dma semaphore(%arg10 : memref<!tpu.dma_semaphore, #tpu.memory_space<semaphore_mem>>) src(%dma_wait3A_34 : memref<10240x128xf32, #tpu.memory_space<hbm>>) dst(%arg7 : memref<128x128xf32, #tpu.memory_space<vmem>>)
      %scan3A_35 = arith.constant 0 : i32
      %scan3A_36 = arith.constant 0 : i32
      %scan3A_37 = arith.constant 128 : i32
      %scan3A_38 = arith.addi %scan3A_36, %scan3A_37 : i32
      %scan3A_39 = arith.constant 1 : i32
      %scan3A_40 = scf.for %scan3A_48 = %scan3A_36 to %scan3A_38 step %scan3A_39 iter_args(%scan3A_49 = %scan3A_35) -> (i32)  : i32 {
        %get3A = arith.index_cast %scan3A_48 : i32 to index
        %get3A_50 = arith.constant 0 : index
        %get3A_51 = tpu.vector_load %arg6[%get3A, %get3A_50] {strides = array<i32>} : memref<128x128xf32, #tpu.memory_space<vmem>>, vector<1x16xf32>,
        %get3A_52 = vector.shape_cast %get3A_51 : vector<1x16xf32> to vector<16xf32>
        %get3A_53 = arith.index_cast %scan3A_48 : i32 to index
        %get3A_54 = arith.constant 16 : index
        %get3A_55 = tpu.vector_load %arg7[%get3A_53, %get3A_54] {strides = array<i32>} : memref<128x128xf32, #tpu.memory_space<vmem>>, vector<1x16xf32>,
        %get3A_56 = vector.shape_cast %get3A_55 : vector<1x16xf32> to vector<16xf32>
        %add3A_57 = arith.addf %get3A_52, %get3A_56 : vector<16xf32>
        %gt3A = arith.constant 0.000000e+00 : f32
        %gt3A_58 = vector.broadcast %gt3A : f32 to vector<16xf32>
        %gt3A_59 = arith.cmpf ogt, %add3A_57, %gt3A_58 : vector<16xf32>
        %mul3A_60 = arith.constant 2.000000e-01 : f32
        %mul3A_61 = vector.broadcast %mul3A_60 : f32 to vector<16xf32>
        %mul3A_62 = arith.mulf %add3A_57, %mul3A_61 : vector<16xf32>
        %select_n3A = arith.select %gt3A_59, %add3A_57, %mul3A_62 : vector<16xi1>, vector<16xf32>
        %exp3A = math.exp %select_n3A : vector<16xf32>
        %swap3A = arith.index_cast %scan3A_48 : i32 to index
        %swap3A_63 = arith.constant 0 : index
        %swap3A_64 = tpu.vector_load %arg8[%swap3A, %swap3A_63] {strides = array<i32>} : memref<128x16xf32, #tpu.memory_space<vmem>>, vector<1x16xf32>,
        %swap3A_65 = vector.shape_cast %swap3A_64 : vector<1x16xf32> to vector<16xf32>
        %swap3A_66 = vector.shape_cast %exp3A : vector<16xf32> to vector<1x16xf32>
        tpu.vector_store %arg8[%swap3A, %swap3A_63], %swap3A_66 {strides = array<i32>} : memref<128x16xf32, #tpu.memory_space<vmem>>, vector<1x16xf32>,
        %scan3A_67 = arith.constant 0 : i32
        scf.yield %scan3A_67 : i32
      }
      %scan3A_41 = arith.constant 128 : i32
      %mul3A_42 = arith.constant 6144 : i32
      %mul3A_43 = arith.muli %add3A, %mul3A_42 : i32
      %mul3A_44 = arith.constant 128 : i32
      %mul3A_45 = arith.muli %scan3A_7, %mul3A_44 : i32
      %add3A_46 = arith.addi %mul3A_43, %mul3A_45 : i32
      "tpu.region"() ({
        %run_scoped3A = tpu.sem_alloc : memref<!tpu.dma_semaphore, #tpu.memory_space<semaphore_mem>>
        %dma_start3A_48 = arith.constant 0 : i32
        %dma_start3A_49 = tpu.memref_slice %arg4[%add3A_46, %dma_start3A_48] : memref<196608x16xf32, #tpu.memory_space<hbm>> -> memref<128x16xf32, #tpu.memory_space<hbm>>
        %dma_start3A_50 = arith.constant 0 : i32
        %dma_start3A_51 = tpu.memref_slice %arg4[%add3A_46, %dma_start3A_50] : memref<196608x16xf32, #tpu.memory_space<hbm>> -> memref<128x16xf32, #tpu.memory_space<hbm>>
        tpu.enqueue_dma source(%arg8 : memref<128x16xf32, #tpu.memory_space<vmem>>) target(%dma_start3A_51 : memref<128x16xf32, #tpu.memory_space<hbm>>) target_semaphore(%run_scoped3A : memref<!tpu.dma_semaphore, #tpu.memory_space<semaphore_mem>>)
        %dma_wait3A_52 = arith.constant 0 : i32
        %dma_wait3A_53 = tpu.memref_slice %arg4[%add3A_46, %dma_wait3A_52] : memref<196608x16xf32, #tpu.memory_space<hbm>> -> memref<128x16xf32, #tpu.memory_space<hbm>>
        %dma_wait3A_54 = arith.constant 0 : i32
        %dma_wait3A_55 = tpu.memref_slice %arg4[%add3A_46, %dma_wait3A_54] : memref<196608x16xf32, #tpu.memory_space<hbm>> -> memref<128x16xf32, #tpu.memory_space<hbm>>
        tpu.wait_dma2 semaphore(%run_scoped3A : memref<!tpu.dma_semaphore, #tpu.memory_space<semaphore_mem>>) src(%arg8 : memref<128x16xf32, #tpu.memory_space<vmem>>) dst(%dma_wait3A_55 : memref<128x16xf32, #tpu.memory_space<hbm>>)
        tpu.yield
      }) : () -> ()
      %scan3A_47 = arith.constant 0 : i32
      scf.yield %scan3A_47 : i32
    }
    %scan3A_6 = arith.constant 48 : i32
    return
  }
}

#map = affine_map<(d0, d1) -> (0, 0)>
#map1 = affine_map<(d0, d1) -> (0, 0, 0, 0)>
module attributes {stable_mosaic.version = 14 : i64} {
  func.func @wtest(%arg0: i32, %arg1: i32, %arg2: memref<10240x128xf32, #tpu.memory_space<hbm>>, %arg3: memref<32x2x48x128xi32, #tpu.memory_space<hbm>>, %arg4: memref<196608x16xf32, #tpu.memory_space<hbm>>, %arg5: memref<2x48x128xi32, #tpu.memory_space<vmem>>, %arg6: memref<128x128xf32, #tpu.memory_space<vmem>>, %arg7: memref<128x128xf32, #tpu.memory_space<vmem>>, %arg8: memref<128x16xf32, #tpu.memory_space<vmem>>, %arg9: memref<!tpu.dma_semaphore, #tpu.memory_space<semaphore_mem>>, %arg10: memref<!tpu.dma_semaphore, #tpu.memory_space<semaphore_mem>>) attributes {dimension_semantics = [#tpu.dimension_semantics<core_parallel>, #tpu.dimension_semantics<subcore_parallel>], iteration_bounds = array<i64: 2, 16>, scalar_prefetch = 0 : i64, scratch_operands = 6 : i64, tpu.core_type = #tpu.core_type<sc_vector_subcore>, window_params = [{transform_indices = #map}, {transform_indices = #map1}, {transform_indices = #map}]} {
    %mul3A = arith.constant 16 : i32
    %mul3A_0 = arith.muli %arg0, %mul3A : i32
    %add3A = arith.addi %mul3A_0, %arg1 : i32
    "tpu.region"() ({
      %run_scoped3A = tpu.sem_alloc : memref<!tpu.dma_semaphore, #tpu.memory_space<semaphore_mem>>
      %dma_start3A = arith.constant 0 : i32
      %dma_start3A_7 = arith.constant 0 : i32
      %dma_start3A_8 = arith.constant 0 : i32
      %dma_start3A_9 = tpu.memref_slice %arg3[%add3A, %dma_start3A, %dma_start3A_7, %dma_start3A_8] : memref<32x2x48x128xi32, #tpu.memory_space<hbm>> -> memref<1x2x48x128xi32, #tpu.memory_space<hbm>>
      %dma_start3A_10 = tpu.memref_squeeze %dma_start3A_9 : memref<1x2x48x128xi32, #tpu.memory_space<hbm>> -> memref<2x48x128xi32, #tpu.memory_space<hbm>>
      %dma_start3A_11 = arith.constant 0 : i32
      %dma_start3A_12 = arith.constant 0 : i32
      %dma_start3A_13 = arith.constant 0 : i32
      %dma_start3A_14 = tpu.memref_slice %arg3[%add3A, %dma_start3A_11, %dma_start3A_12, %dma_start3A_13] : memref<32x2x48x128xi32, #tpu.memory_space<hbm>> -> memref<1x2x48x128xi32, #tpu.memory_space<hbm>>
      %dma_start3A_15 = tpu.memref_squeeze %dma_start3A_14 : memref<1x2x48x128xi32, #tpu.memory_space<hbm>> -> memref<2x48x128xi32, #tpu.memory_space<hbm>>
      tpu.enqueue_dma source(%dma_start3A_15 : memref<2x48x128xi32, #tpu.memory_space<hbm>>) target(%arg5 : memref<2x48x128xi32, #tpu.memory_space<vmem>>) target_semaphore(%run_scoped3A : memref<!tpu.dma_semaphore, #tpu.memory_space<semaphore_mem>>)
      %dma_wait3A = arith.constant 0 : i32
      %dma_wait3A_16 = arith.constant 0 : i32
      %dma_wait3A_17 = arith.constant 0 : i32
      %dma_wait3A_18 = tpu.memref_slice %arg3[%add3A, %dma_wait3A, %dma_wait3A_16, %dma_wait3A_17] : memref<32x2x48x128xi32, #tpu.memory_space<hbm>> -> memref<1x2x48x128xi32, #tpu.memory_space<hbm>>
      %dma_wait3A_19 = tpu.memref_squeeze %dma_wait3A_18 : memref<1x2x48x128xi32, #tpu.memory_space<hbm>> -> memref<2x48x128xi32, #tpu.memory_space<hbm>>
      %dma_wait3A_20 = arith.constant 0 : i32
      %dma_wait3A_21 = arith.constant 0 : i32
      %dma_wait3A_22 = arith.constant 0 : i32
      %dma_wait3A_23 = tpu.memref_slice %arg3[%add3A, %dma_wait3A_20, %dma_wait3A_21, %dma_wait3A_22] : memref<32x2x48x128xi32, #tpu.memory_space<hbm>> -> memref<1x2x48x128xi32, #tpu.memory_space<hbm>>
      %dma_wait3A_24 = tpu.memref_squeeze %dma_wait3A_23 : memref<1x2x48x128xi32, #tpu.memory_space<hbm>> -> memref<2x48x128xi32, #tpu.memory_space<hbm>>
      tpu.wait_dma2 semaphore(%run_scoped3A : memref<!tpu.dma_semaphore, #tpu.memory_space<semaphore_mem>>) src(%dma_wait3A_24 : memref<2x48x128xi32, #tpu.memory_space<hbm>>) dst(%arg5 : memref<2x48x128xi32, #tpu.memory_space<vmem>>)
      tpu.yield
    }) : () -> ()
    %scan3A = arith.constant 0 : i32
    %scan3A_1 = arith.constant 0 : i32
    %scan3A_2 = arith.constant 48 : i32
    %scan3A_3 = arith.addi %scan3A_1, %scan3A_2 : i32
    %scan3A_4 = arith.constant 1 : i32
    %scan3A_5 = scf.for %scan3A_7 = %scan3A_1 to %scan3A_3 step %scan3A_4 iter_args(%scan3A_8 = %scan3A) -> (i32)  : i32 {
      %dma_start3A = arith.constant 0 : i32
      %dma_start3A_9 = arith.constant 0 : i32
      %dma_start3A_10 = tpu.memref_slice %arg5[%dma_start3A, %scan3A_7, %dma_start3A_9] : memref<2x48x128xi32, #tpu.memory_space<vmem>> -> memref<1x1x128xi32, #tpu.memory_space<vmem>>
      %dma_start3A_11 = tpu.memref_squeeze %dma_start3A_10 : memref<1x1x128xi32, #tpu.memory_space<vmem>> -> memref<128xi32, #tpu.memory_space<vmem>>
      %dma_start3A_12 = arith.constant 0 : i32
      %dma_start3A_13 = arith.constant 0 : i32
      %dma_start3A_14 = tpu.memref_slice %arg2[%dma_start3A_12, %dma_start3A_13] : memref<10240x128xf32, #tpu.memory_space<hbm>> -> memref<10240x128xf32, #tpu.memory_space<hbm>>
      tpu.enqueue_indirect_dma source(%dma_start3A_14 : memref<10240x128xf32, #tpu.memory_space<hbm>>) target(%arg6 : memref<128x128xf32, #tpu.memory_space<vmem>>) offsets(%dma_start3A_11 : memref<128xi32, #tpu.memory_space<vmem>>) semaphore(%arg9 : memref<!tpu.dma_semaphore, #tpu.memory_space<semaphore_mem>>)
      %dma_start3A_15 = arith.constant 1 : i32
      %dma_start3A_16 = arith.constant 0 : i32
      %dma_start3A_17 = tpu.memref_slice %arg5[%dma_start3A_15, %scan3A_7, %dma_start3A_16] : memref<2x48x128xi32, #tpu.memory_space<vmem>> -> memref<1x1x128xi32, #tpu.memory_space<vmem>>
      %dma_start3A_18 = tpu.memref_squeeze %dma_start3A_17 : memref<1x1x128xi32, #tpu.memory_space<vmem>> -> memref<128xi32, #tpu.memory_space<vmem>>
      %dma_start3A_19 = arith.constant 0 : i32
      %dma_start3A_20 = arith.constant 0 : i32
      %dma_start3A_21 = tpu.memref_slice %arg2[%dma_start3A_19, %dma_start3A_20] : memref<10240x128xf32, #tpu.memory_space<hbm>> -> memref<10240x128xf32, #tpu.memory_space<hbm>>
      tpu.enqueue_indirect_dma source(%dma_start3A_21 : memref<10240x128xf32, #tpu.memory_space<hbm>>) target(%arg7 : memref<128x128xf32, #tpu.memory_space<vmem>>) offsets(%dma_start3A_18 : memref<128xi32, #tpu.memory_space<vmem>>) semaphore(%arg10 : memref<!tpu.dma_semaphore, #tpu.memory_space<semaphore_mem>>)
      %dma_wait3A = arith.constant 0 : i32
      %dma_wait3A_22 = arith.constant 0 : i32
      %dma_wait3A_23 = tpu.memref_slice %arg5[%dma_wait3A, %scan3A_7, %dma_wait3A_22] : memref<2x48x128xi32, #tpu.memory_space<vmem>> -> memref<1x1x128xi32, #tpu.memory_space<vmem>>
      %dma_wait3A_24 = tpu.memref_squeeze %dma_wait3A_23 : memref<1x1x128xi32, #tpu.memory_space<vmem>> -> memref<128xi32, #tpu.memory_space<vmem>>
      %dma_wait3A_25 = arith.constant 0 : i32
      %dma_wait3A_26 = arith.constant 0 : i32
      %dma_wait3A_27 = tpu.memref_slice %arg2[%dma_wait3A_25, %dma_wait3A_26] : memref<10240x128xf32, #tpu.memory_space<hbm>> -> memref<10240x128xf32, #tpu.memory_space<hbm>>
      tpu.wait_indirect_dma semaphore(%arg9 : memref<!tpu.dma_semaphore, #tpu.memory_space<semaphore_mem>>) src(%dma_wait3A_27 : memref<10240x128xf32, #tpu.memory_space<hbm>>) dst(%arg6 : memref<128x128xf32, #tpu.memory_space<vmem>>)
      %dma_wait3A_28 = arith.constant 1 : i32
      %dma_wait3A_29 = arith.constant 0 : i32
      %dma_wait3A_30 = tpu.memref_slice %arg5[%dma_wait3A_28, %scan3A_7, %dma_wait3A_29] : memref<2x48x128xi32, #tpu.memory_space<vmem>> -> memref<1x1x128xi32, #tpu.memory_space<vmem>>
      %dma_wait3A_31 = tpu.memref_squeeze %dma_wait3A_30 : memref<1x1x128xi32, #tpu.memory_space<vmem>> -> memref<128xi32, #tpu.memory_space<vmem>>
      %dma_wait3A_32 = arith.constant 0 : i32
      %dma_wait3A_33 = arith.constant 0 : i32
      %dma_wait3A_34 = tpu.memref_slice %arg2[%dma_wait3A_32, %dma_wait3A_33] : memref<10240x128xf32, #tpu.memory_space<hbm>> -> memref<10240x128xf32, #tpu.memory_space<hbm>>
      tpu.wait_indirect_dma semaphore(%arg10 : memref<!tpu.dma_semaphore, #tpu.memory_space<semaphore_mem>>) src(%dma_wait3A_34 : memref<10240x128xf32, #tpu.memory_space<hbm>>) dst(%arg7 : memref<128x128xf32, #tpu.memory_space<vmem>>)
      %scan3A_35 = arith.constant 0 : i32
      %scan3A_36 = arith.constant 0 : i32
      %scan3A_37 = arith.constant 128 : i32
      %scan3A_38 = arith.addi %scan3A_36, %scan3A_37 : i32
      %scan3A_39 = arith.constant 1 : i32
      %scan3A_40 = scf.for %scan3A_48 = %scan3A_36 to %scan3A_38 step %scan3A_39 iter_args(%scan3A_49 = %scan3A_35) -> (i32)  : i32 {
        %get3A = arith.index_cast %scan3A_48 : i32 to index
        %get3A_50 = arith.constant 0 : index
        %get3A_51 = tpu.vector_load %arg6[%get3A, %get3A_50] {strides = array<i32>} : memref<128x128xf32, #tpu.memory_space<vmem>>, vector<1x16xf32>,
        %get3A_52 = vector.shape_cast %get3A_51 : vector<1x16xf32> to vector<16xf32>
        %get3A_53 = arith.index_cast %scan3A_48 : i32 to index
        %get3A_54 = arith.constant 16 : index
        %get3A_55 = tpu.vector_load %arg7[%get3A_53, %get3A_54] {strides = array<i32>} : memref<128x128xf32, #tpu.memory_space<vmem>>, vector<1x16xf32>,
        %get3A_56 = vector.shape_cast %get3A_55 : vector<1x16xf32> to vector<16xf32>
        %add3A_57 = arith.addf %get3A_52, %get3A_56 : vector<16xf32>
        %gt3A = arith.constant 0.000000e+00 : f32
        %gt3A_58 = vector.broadcast %gt3A : f32 to vector<16xf32>
        %gt3A_59 = arith.cmpf ogt, %add3A_57, %gt3A_58 : vector<16xf32>
        %mul3A_60 = arith.constant 2.000000e-01 : f32
        %mul3A_61 = vector.broadcast %mul3A_60 : f32 to vector<16xf32>
        %mul3A_62 = arith.mulf %add3A_57, %mul3A_61 : vector<16xf32>
        %select_n3A = arith.select %gt3A_59, %add3A_57, %mul3A_62 : vector<16xi1>, vector<16xf32>
        %exp3A = math.exp %select_n3A : vector<16xf32>
        %swap3A = arith.index_cast %scan3A_48 : i32 to index
        %swap3A_63 = arith.constant 0 : index
        %swap3A_64 = tpu.vector_load %arg8[%swap3A, %swap3A_63] {strides = array<i32>} : memref<128x16xf32, #tpu.memory_space<vmem>>, vector<1x16xf32>,
        %swap3A_65 = vector.shape_cast %swap3A_64 : vector<1x16xf32> to vector<16xf32>
        %swap3A_66 = vector.shape_cast %exp3A : vector<16xf32> to vector<1x16xf32>
        tpu.vector_store %arg8[%swap3A, %swap3A_63], %swap3A_66 {strides = array<i32>} : memref<128x16xf32, #tpu.memory_space<vmem>>, vector<1x16xf32>,
        %scan3A_67 = arith.constant 0 : i32
        scf.yield %scan3A_67 : i32
      }
      %scan3A_41 = arith.constant 128 : i32
      %mul3A_42 = arith.constant 6144 : i32
      %mul3A_43 = arith.muli %add3A, %mul3A_42 : i32
      %mul3A_44 = arith.constant 128 : i32
      %mul3A_45 = arith.muli %scan3A_7, %mul3A_44 : i32
      %add3A_46 = arith.addi %mul3A_43, %mul3A_45 : i32
      "tpu.region"() ({
        %run_scoped3A = tpu.sem_alloc : memref<!tpu.dma_semaphore, #tpu.memory_space<semaphore_mem>>
        %dma_start3A_48 = arith.constant 0 : i32
        %dma_start3A_49 = tpu.memref_slice %arg4[%add3A_46, %dma_start3A_48] : memref<196608x16xf32, #tpu.memory_space<hbm>> -> memref<128x16xf32, #tpu.memory_space<hbm>>
        %dma_start3A_50 = arith.constant 0 : i32
        %dma_start3A_51 = tpu.memref_slice %arg4[%add3A_46, %dma_start3A_50] : memref<196608x16xf32, #tpu.memory_space<hbm>> -> memref<128x16xf32, #tpu.memory_space<hbm>>
        tpu.enqueue_dma source(%arg8 : memref<128x16xf32, #tpu.memory_space<vmem>>) target(%dma_start3A_51 : memref<128x16xf32, #tpu.memory_space<hbm>>) target_semaphore(%run_scoped3A : memref<!tpu.dma_semaphore, #tpu.memory_space<semaphore_mem>>)
        %dma_wait3A_52 = arith.constant 0 : i32
        %dma_wait3A_53 = tpu.memref_slice %arg4[%add3A_46, %dma_wait3A_52] : memref<196608x16xf32, #tpu.memory_space<hbm>> -> memref<128x16xf32, #tpu.memory_space<hbm>>
        %dma_wait3A_54 = arith.constant 0 : i32
        %dma_wait3A_55 = tpu.memref_slice %arg4[%add3A_46, %dma_wait3A_54] : memref<196608x16xf32, #tpu.memory_space<hbm>> -> memref<128x16xf32, #tpu.memory_space<hbm>>
        tpu.wait_dma2 semaphore(%run_scoped3A : memref<!tpu.dma_semaphore, #tpu.memory_space<semaphore_mem>>) src(%arg8 : memref<128x16xf32, #tpu.memory_space<vmem>>) dst(%dma_wait3A_55 : memref<128x16xf32, #tpu.memory_space<hbm>>)
        tpu.yield
      }) : () -> ()
      %scan3A_47 = arith.constant 0 : i32
      scf.yield %scan3A_47 : i32
    }
    %scan3A_6 = arith.constant 48 : i32
    return
  }
}

module attributes {stable_mosaic.version = 14 : i64} {
  func.func @_k5_body(%arg0: i32, %arg1: memref<1024x128xf32, #tpu.memory_space<vmem>>, %arg2: memref<1024x1xi32, #tpu.memory_space<vmem>>, %arg3: memref<512x128xf32, #tpu.memory_space<vmem>>, %arg4: memref<512x128xf32, #tpu.memory_space<vmem>>, %arg5: memref<512x8xf32, #tpu.memory_space<vmem>>) attributes {dimension_semantics = [#tpu.dimension_semantics<arbitrary>], iteration_bounds = array<i64: 10>, scalar_prefetch = 0 : i64, scratch_operands = 2 : i64, tpu.core_type = #tpu.core_type<tc>, window_params = [{transform_indices = @transform_0, window_bounds = array<i64: 1024, 128>}, {transform_indices = @transform_1, window_bounds = array<i64: 1024, 1>}, {pipeline_mode = #tpu.pipeline_mode<synchronous>, transform_indices = @transform_2, window_bounds = array<i64: 512, 128>}]} {
    %eq3A = arith.constant 0 : i32
    %eq3A_0 = arith.cmpi eq, %arg0, %eq3A : i32
    %convert_element_type3A = arith.extui %eq3A_0 : i1 to i32
    %cond3A = arith.constant 0 : i32
    %cond3A_1 = arith.cmpi ne, %convert_element_type3A, %cond3A : i32
    scf.if %cond3A_1 {
      %broadcast_in_dim3A_32 = arith.constant 0.000000e+00 : f32
      %broadcast_in_dim3A_33 = vector.broadcast %broadcast_in_dim3A_32 : f32 to vector<512x128xf32>
      %swap3A_34 = arith.constant 0 : index
      %swap3A_35 = arith.constant 0 : index
      %swap3A_36 = vector.load %arg4[%swap3A_34, %swap3A_35] : memref<512x128xf32, #tpu.memory_space<vmem>>, vector<512x128xf32>
      tpu.vector_store %arg4[%swap3A_34, %swap3A_35], %broadcast_in_dim3A_33 {strides = array<i32>} : memref<512x128xf32, #tpu.memory_space<vmem>>, vector<512x128xf32>,
      %broadcast_in_dim3A_37 = arith.constant 0.000000e+00 : f32
      %broadcast_in_dim3A_38 = vector.broadcast %broadcast_in_dim3A_37 : f32 to vector<512x8xf32>
      %swap3A_39 = arith.constant 0 : index
      %swap3A_40 = arith.constant 0 : index
      %swap3A_41 = vector.load %arg5[%swap3A_39, %swap3A_40] : memref<512x8xf32, #tpu.memory_space<vmem>>, vector<512x8xf32>
      tpu.vector_store %arg5[%swap3A_39, %swap3A_40], %broadcast_in_dim3A_38 {strides = array<i32>} : memref<512x8xf32, #tpu.memory_space<vmem>>, vector<512x8xf32>,
    } else {
    }
    %get3A = arith.constant 0 : index
    %get3A_2 = arith.constant 0 : index
    %get3A_3 = vector.load %arg2[%get3A, %get3A_2] : memref<1024x1xi32, #tpu.memory_space<vmem>>, vector<1024x1xi32>
    %iota3A = tpu.iota {dimensions = array<i32: 1>} : vector<1024x512xi32>
    %eq3A_4 = vector.broadcast %get3A_3 : vector<1024x1xi32> to vector<1024x512xi32>
    %eq3A_5 = arith.cmpi eq, %eq3A_4, %iota3A : vector<1024x512xi32>
    %convert_element_type3A_6 = arith.extui %eq3A_5 : vector<1024x512xi1> to vector<1024x512xi32>
    %convert_element_type3A_7 = arith.sitofp %convert_element_type3A_6 : vector<1024x512xi32> to vector<1024x512xf32>
    %get3A_8 = arith.constant 0 : index
    %get3A_9 = arith.constant 0 : index
    %get3A_10 = vector.load %arg4[%get3A_8, %get3A_9] : memref<512x128xf32, #tpu.memory_space<vmem>>, vector<512x128xf32>
    %get3A_11 = arith.constant 0 : index
    %get3A_12 = arith.constant 0 : index
    %get3A_13 = vector.load %arg1[%get3A_11, %get3A_12] : memref<1024x128xf32, #tpu.memory_space<vmem>>, vector<1024x128xf32>
    %dot_general3A = arith.constant dense<0.000000e+00> : vector<512x128xf32>
    %dot_general3A_14 = tpu.matmul %convert_element_type3A_7, %get3A_13, %dot_general3A {dimension_numbers = #tpu.dot_dimension_numbers<[0], [0], [1], [1], [0, 1, 1, 1], [], []>, transpose_lhs_hint = false} : vector<1024x512xf32>, vector<1024x128xf32>, vector<512x128xf32> -> vector<512x128xf32>
    %add3A = arith.addf %get3A_10, %dot_general3A_14 : vector<512x128xf32>
    %swap3A = arith.constant 0 : index
    %swap3A_15 = arith.constant 0 : index
    %swap3A_16 = vector.load %arg4[%swap3A, %swap3A_15] : memref<512x128xf32, #tpu.memory_space<vmem>>, vector<512x128xf32>
    tpu.vector_store %arg4[%swap3A, %swap3A_15], %add3A {strides = array<i32>} : memref<512x128xf32, #tpu.memory_space<vmem>>, vector<512x128xf32>,
    %get3A_17 = arith.constant 0 : index
    %get3A_18 = arith.constant 0 : index
    %get3A_19 = vector.load %arg5[%get3A_17, %get3A_18] : memref<512x8xf32, #tpu.memory_space<vmem>>, vector<512x8xf32>
    %broadcast_in_dim3A = arith.constant 1.000000e+00 : f32
    %broadcast_in_dim3A_20 = vector.broadcast %broadcast_in_dim3A : f32 to vector<1024x8xf32>
    %dot_general3A_21 = arith.constant dense<0.000000e+00> : vector<512x8xf32>
    %dot_general3A_22 = tpu.matmul %convert_element_type3A_7, %broadcast_in_dim3A_20, %dot_general3A_21 {dimension_numbers = #tpu.dot_dimension_numbers<[0], [0], [1], [1], [0, 1, 1, 1], [], []>, transpose_lhs_hint = false} : vector<1024x512xf32>, vector<1024x8xf32>, vector<512x8xf32> -> vector<512x8xf32>
    %add3A_23 = arith.addf %get3A_19, %dot_general3A_22 : vector<512x8xf32>
    %swap3A_24 = arith.constant 0 : index
    %swap3A_25 = arith.constant 0 : index
    %swap3A_26 = vector.load %arg5[%swap3A_24, %swap3A_25] : memref<512x8xf32, #tpu.memory_space<vmem>>, vector<512x8xf32>
    tpu.vector_store %arg5[%swap3A_24, %swap3A_25], %add3A_23 {strides = array<i32>} : memref<512x8xf32, #tpu.memory_space<vmem>>, vector<512x8xf32>,
    %eq3A_27 = arith.constant 9 : i32
    %eq3A_28 = arith.cmpi eq, %arg0, %eq3A_27 : i32
    %convert_element_type3A_29 = arith.extui %eq3A_28 : i1 to i32
    %cond3A_30 = arith.constant 0 : i32
    %cond3A_31 = arith.cmpi ne, %convert_element_type3A_29, %cond3A_30 : i32
    scf.if %cond3A_31 {
      %get3A_32 = arith.constant 0 : index
      %get3A_33 = arith.constant 0 : index
      %get3A_34 = vector.load %arg4[%get3A_32, %get3A_33] : memref<512x128xf32, #tpu.memory_space<vmem>>, vector<512x128xf32>
      %get3A_35 = arith.constant 0 : index
      %get3A_36 = arith.constant 0 : index
      %get3A_37 = vector.load %arg5[%get3A_35, %get3A_36] : memref<512x8xf32, #tpu.memory_space<vmem>>, vector<512x1xf32>
      %max3A = arith.constant 1.000000e+00 : f32
      %max3A_38 = vector.broadcast %max3A : f32 to vector<512x1xf32>
      %max3A_39 = arith.maximumf %get3A_37, %max3A_38 : vector<512x1xf32>
      %div3A = vector.broadcast %max3A_39 : vector<512x1xf32> to vector<512x128xf32>
      %div3A_40 = arith.divf %get3A_34, %div3A : vector<512x128xf32>
      %swap3A_41 = arith.constant 0 : index
      %swap3A_42 = arith.constant 0 : index
      %swap3A_43 = vector.load %arg3[%swap3A_41, %swap3A_42] : memref<512x128xf32, #tpu.memory_space<vmem>>, vector<512x128xf32>
      tpu.vector_store %arg3[%swap3A_41, %swap3A_42], %div3A_40 {strides = array<i32>} : memref<512x128xf32, #tpu.memory_space<vmem>>, vector<512x128xf32>,
    } else {
    }
    return
  }
  func.func @transform_0(%arg0: i32) -> (i32, i32) {
    %c0_i32 = arith.constant 0 : i32
    %c0_i32_0 = arith.constant 0 : i32
    return %arg0, %c0_i32 : i32, i32
  }
  func.func @transform_1(%arg0: i32) -> (i32, i32) {
    %c0_i32 = arith.constant 0 : i32
    %c0_i32_0 = arith.constant 0 : i32
    return %arg0, %c0_i32 : i32, i32
  }
  func.func @transform_2(%arg0: i32) -> (i32, i32) {
    %c0_i32 = arith.constant 0 : i32
    %c0_i32_0 = arith.constant 0 : i32
    %c0_i32_1 = arith.constant 0 : i32
    return %c0_i32, %c0_i32_0 : i32, i32
  }
}

</mosaic_0001>

<sc_bundles>
// kernel: kernel.12.cloned.1.call-start
scs
__scs_entry_jumppad:
0x0: {  	(pc) =	sbr.rel $0x88, $3  }
0x1: {  	(tag) =	ssettag $0x0;
	lr =	simm.s32 $0x1  }
0x2: {  	[smem:$0x3F8E] =	sst lr;
	_ =	strace $0xD0000000  }
0x3: {  	_ = 	snop  }
0x4: {  	_ = 	snop  }
0x5: {  	_ = 	snop  }
0x6: {  	_ = 	snop  }
0x7: {  	_ = 	snop  }
__scs_overlays_trampoline_lowered:
0x8: {  	[smem:$0x3F9D] =	sst s0  }
0x9: {  	[smem:$0x3F9E] =	sst s1  }
0xa: {  	[smem:$0x3F9F] =	sst s2  }
0xb: {  	[smem:$0x3FA0] =	sst s3  }
0xc: {  	[smem:$0x3FA1] =	sst s4  }
0xd: {  	[smem:$0x3FA2] =	sst s5  }
0xe: {  	[smem:$0x3FA3] =	sst s6  }
0xf: {  	[smem:$0x3FA4] =	sst s7  }
0x10: {  	[smem:$0x3FA5] =	sst s8  }
0x11: {  	[smem:$0x3FA6] =	sst s9;
	s0 =	simm.s32 @!p0 $0x0  }
0x12: {  	s1 =	sld [smem:$0x3F8C];
	s0 =	simm.s32 @p0 $0x1  }
0x13: {  	[smem:$0x3FA7] =	sst s0;
	s0 =	simm.s32 @!p1 $0x0  }
0x14: {  	s2 =	sld [smem:$0x3F8B];
	s0 =	simm.s32 @p1 $0x1  }
0x15: {  	[smem:$0x3FA8] =	sst s0;
	s0 =	simm.s32 @!p2 $0x0  }
0x16: {  	s3 =	sld [smem:$0x3FDB];
	s0 =	simm.s32 @p2 $0x1  }
0x17: {  	s4 =	simm.s32 $0x1BF5;
	[smem:$0x3FAA] =	sst s0  }
0x18: {  	s0 =	sld [smem:$0x3F8D];
	_ =	swait.ge [sflag:s4], $0x0  }
0x19: {  	s7 =	sld [smem:$0x3F8E]  }
0x1a: {  	s8 =	sadd.s32 $0xFFFFE003, lr  }
0x1b: {  	s9 =	sadd.s32 $0xFFFFFEF7, lr;
	s5 =	simm.s32 $0xFFFFFFFF;
	p2 =	slt.u32 s8, $0xFFFFF086  }
0x1c: {  	p1 =	slt.u32 s9, $0xF7A;
	s5 =	simm.s32 @!p2 $0x0  }
0x1d: {  	s5 =	simm.s32 @p1 $0x1;
	p0 =	seq.s32 s7, s2  }
0x1e: {  	s7 =	smul.u32 @!p0 $0xF7A, s2;
	p2 =	seq.s32 @!p0 s5, $0x0  }
0x1f: {  	s9 =	smul.u32 $0xF7A, s1;
	s8 =	simm.s32 @!p0 $0x1BF5;
	p2 =	por !p2, p0  }
0x20: {  	[sflag:s8] =	ssyncset.s32 @!p0 $0xFFFFF086;
	s6 =	sadd.s32 @!p0 s3, s7;
	s7 =	simm.s32 @!p0 $0x108  }
0x21: {  	s3 =	sadd.s32 s3, s9;
	s6 =	sadd.s32 @!p0 $0x88, s6;
	s7 =	simm.s32 @p2 $0x1082  }
0x22: {  	[simem:s7], [sflag:s8] =	dma.local @!p0 [hbm:s6], $0xF7A  }
0x23: {  	s9 =	sor.u32 $0xD0000000, s2;
	s6 =	simm.s32 $0x108;
	_ =	swait.ge @!p0 [sflag:s8], $0x0  }
0x24: {  	s3 =	sadd.s32 $0x88, s3;
	s6 =	simm.s32 @!p1 $0x1082;
	[sflag:s4] =	ssyncset.s32 $0xFFFFF086  }
0x25: {  	[simem:s6], [sflag:s4] =	dma.local [hbm:s3], $0xF7A  }
0x26: {  	[smem:$0x3F8E] =	sst s1;
	(tag) =	ssettag s2;
	_ =	strace s9  }
0x27: {  	s1 =	sld [smem:$0x3F9E]  }
0x28: {  	s2 =	sld [smem:$0x3F9F]  }
0x29: {  	s4 =	sld [smem:$0x3FA1]  }
0x2a: {  	p0 =	seq.s32 s5, $0x0;
	s5 =	sld [smem:$0x3FA2]  }
0x2b: {  	s6 =	sld [smem:$0x3FA3]  }
0x2c: {  	s7 =	sld [smem:$0x3FA4]  }
0x2d: {  	s3 =	simm.s32 $0x108;
	s8 =	sld [smem:$0x3FA5]  }
0x2e: {  	s3 =	simm.s32 @!p0 $0x1082;
	s9 =	sld [smem:$0x3FA6]  }
0x2f: {  	lr =	sadd.s32 s0, s3;
	s0 =	sld [smem:$0x3F9D]  }
0x30: {  	s3 =	sld [smem:$0x3FA0]  }
0x31: {  	[smem:$0x3FA9] =	sst s10  }
0x32: {  	s10 =	sld [smem:$0x3FA7];
	_ =	sdelay $0x3  }
0x33: {  	p0 =	seq.s32 s10, $0x1;
	s10 =	sld [smem:$0x3FA9];
	_ =	sdelay $0x3  }
0x34: {  	[smem:$0x3FA9] =	sst s10  }
0x35: {  	s10 =	sld [smem:$0x3FA8];
	_ =	sdelay $0x3  }
0x36: {  	p1 =	seq.s32 s10, $0x1;
	s10 =	sld [smem:$0x3FA9];
	_ =	sdelay $0x3  }
0x37: {  	[smem:$0x3FA9] =	sst s10  }
0x38: {  	s10 =	sld [smem:$0x3FAA]  }
0x39: {  	_ = 	snop;
	(pc) =	sbr.ind lr, $3  }
0x3a: {  	_ = 	snop  }
0x3b: {  	_ = 	snop  }
0x3c: {  	p2 =	seq.s32 s10, $0x1;
	s10 =	sld [smem:$0x3FA9]  }
0x3d: {  	_ =	shalt  }
0x3e: {  	_ =	shalt  }
0x3f: {  	_ =	shalt  }
0x40: {  	_ =	shalt  }
0x41: {  	_ =	shalt  }
0x42: {  	_ =	shalt  }
0x43: {  	_ =	shalt  }
0x44: {  	_ =	shalt  }
0x45: {  	_ =	shalt  }
0x46: {  	_ =	shalt  }
0x47: {  	_ =	shalt  }
0x48: {  	_ =	shalt  }
0x49: {  	_ =	shalt  }
0x4a: {  	_ =	shalt  }
0x4b: {  	_ =	shalt  }
0x4c: {  	_ =	shalt  }
0x4d: {  	_ =	shalt  }
0x4e: {  	_ =	shalt  }
0x4f: {  	_ =	shalt  }
0x50: {  	_ =	shalt  }
0x51: {  	_ =	shalt  }
0x52: {  	_ =	shalt  }
0x53: {  	_ =	shalt  }
0x54: {  	_ =	shalt  }
0x55: {  	_ =	shalt  }
0x56: {  	_ =	shalt  }
0x57: {  	_ =	shalt  }
0x58: {  	_ =	shalt  }
0x59: {  	_ =	shalt  }
0x5a: {  	_ =	shalt  }
0x5b: {  	_ =	shalt  }
0x5c: {  	_ =	shalt  }
0x5d: {  	_ =	shalt  }
0x5e: {  	_ =	shalt  }
0x5f: {  	_ =	shalt  }
0x60: {  	_ =	shalt  }
0x61: {  	_ =	shalt  }
0x62: {  	_ =	shalt  }
0x63: {  	_ =	shalt  }
0x64: {  	_ =	shalt  }
0x65: {  	_ =	shalt  }
0x66: {  	_ =	shalt  }
0x67: {  	_ =	shalt  }
0x68: {  	_ =	shalt  }
0x69: {  	_ =	shalt  }
0x6a: {  	_ =	shalt  }
0x6b: {  	_ =	shalt  }
0x6c: {  	_ =	shalt  }
0x6d: {  	_ =	shalt  }
0x6e: {  	_ =	shalt  }
0x6f: {  	_ =	shalt  }
0x70: {  	_ =	shalt  }
0x71: {  	_ =	shalt  }
0x72: {  	_ =	shalt  }
0x73: {  	_ =	shalt  }
0x74: {  	_ =	shalt  }
0x75: {  	_ =	shalt  }
0x76: {  	_ =	shalt  }
0x77: {  	_ =	shalt  }
0x78: {  	_ =	shalt  }
0x79: {  	_ =	shalt  }
0x7a: {  	_ =	shalt  }
0x7b: {  	_ =	shalt  }
0x7c: {  	_ =	shalt  }
0x7d: {  	_ =	shalt  }
0x7e: {  	_ =	shalt  }
0x7f: {  	_ =	shalt  }
0x80: {  	_ =	shalt  }
0x81: {  	_ =	shalt  }
0x82: {  	_ =	shalt  }
0x83: {  	_ =	shalt  }
0x84: {  	_ =	shalt  }
0x85: {  	_ =	shalt  }
0x86: {  	_ =	shalt  }
0x87: {  	_ =	shalt  }
.Lfunc_end0:
.L_simem_size_0:
called_computation.6_lowered:
.L_overlay_start_0:
0x88: {  	s2 =	sld [smem:$0x3FD9]  }
0x89: {  	s3 =	sld [smem:$0x3FFE];
	_ =	sdelay $0x1  }
0x8a: {  	s1 =	srdreg.scid  }
0x8b: {  	s0 =	sand.u32 $0x1, s1  }
0x8c: {  	s16 =	sshll.u32 s0, $0xA;
	s2 =	sadd.s32 s3, s2  }
0x8d: {  	s2 =	sadd.s32 s2, s16  }
0x8e: {  	[smem:$0x3FB5] =	sst s2  }
0x8f: {  	_ = 	snop  }
0x90: {  	(tm) =	ssettm $0x1  }
0x91: {  	s17 =	sld [smem:$0x3FFB];
	_ =	sdelay $0x3  }
0x92: {  	_ =	strace s17  }
0x93: {  	s2 =	sld [smem:$0x3FFC];
	_ =	sdelay $0x3  }
0x94: {  	_ =	strace s2  }
0x95: {  	s2 =	sld [smem:$0x3FFD];
	_ =	sdelay $0x3  }
0x96: {  	_ =	strace s2  }
0x97: {  	_ =	strace $0x8FFFFFFF  }
0x98: {  	s18 =	sld [smem:$0x3FDB];
	_ =	sdelay $0x1  }
0x99: {  	s19 =	simm.s32 $_scs_section_size  }
0x9a: {  	s4 =	simm.s32 $_size__tile_overlayer_lowered;
	s5 =	simm.s32 $_tile_overlayer_lowered  }
0x9b: {  	s22 =	simm.s32 $0x1BFF;
	s21 =	sshll.u32 s5, $0x1;
	s2 =	sadd.s32 s19, s18  }
0x9c: {  	s6 =	simm.s32 $0x0;
	s20 =	sshll.u32 s4, $0x1;
	s4 =	sadd.s32 s21, s2  }
0x9d: {  	[timem:s6], [sflag:s22] =	dma.local [hbm:s4], s20  }
0x9e: {  	_ =	swait.ge [sflag:s22], s20  }
0x9f: {  	s3 =	ssub.s32 $0x0, s20;
	[sflag:s22] =	ssyncset.done $0x0  }
0xa0: {  	[sflag:s22] =	ssyncadd.s32 s3;
	_ =	sdelay $0x1  }
0xa1: {  	s23 =	simm.s32 $0x1B8B  }
0xa2: {  	_ =	swait.ge [sflag:s23], $0x1  }
0xa3: {  	[sflag:s23] =	ssyncset.done $0x0  }
0xa4: {  	s25 =	simm.s32 $0x1B8E;
	s24 =	sld [smem:$0x3FFE];
	[sflag:s23] =	ssyncadd.s32 $0xFFFFFFFF  }
0xa5: {  	s26 =	simm.s32 $execute0_lowered;
	[smem:$0x3FD2] =	sst s25  }
0xa6: {  	s4 =	sshll.u32 s26, $0x1;
	_ =	strace $0x80000055;
	[dreg:$0x1] =	wrdreg $0xFFFFFFFF  }
0xa7: {  	s28 =	simm.s32 $_size_execute0_lowered;
	s2 =	sadd.s32 s2, s4;
	[dreg:$0x0] =	wrdreg $0x0  }
0xa8: {  	s4 =	sshll.u32 s28, $0x1;
	[dreg:$0x2] =	wrdreg s2  }
0xa9: {  	[dreg:$0x3] =	wrdreg s4  }
0xaa: {  	[dreg:$0x4] =	wrdreg $0xC0  }
0xab: {  	_ =	task [dreg:s6], $0x5FFFF  }
0xac: {  	[dreg:$0x1] =	wrdreg $0xFFFFFFFF  }
0xad: {  	[dreg:$0x0] =	wrdreg $0x60  }
0xae: {  	[dreg:$0x2] =	wrdreg s24  }
0xaf: {  	[dreg:$0x3] =	wrdreg $0x9  }
0xb0: {  	_ =	task.clear_ibuf [dreg:s6], $0x4FFFF;
	_ =	strace $0x90000055  }
0xb1: {  	s29 =	simm.s32 $0x9;
	_ =	strace $0x80000057  }
0xb2: {  	_ =	swait.ge [sflag:s29], $0x1  }
0xb3: {  	[sflag:s29] =	ssyncadd.s32 $0xFFFFFFFF  }
0xb4: {  	_ =	strace $0x90000057  }
0xb5: {  	_ =	sfence  }
0xb6: {  	s30 =	sld [smem:$0x0];
	_ =	sdelay $0x2  }
0xb7: {  	s31 =	sshll.u32 s1, $0xD;
	s1 =	sshrl.u32 s1, $0x2  }
0xb8: {  	s3 =	sand.u32 $0x4000, s31;
	s1 =	sadd.s32 s1, s30  }
0xb9: {  	s0 =	sor.u32 s3, s0;
	s1 =	sshll.u32 s1, $0x11  }
0xba: {  	s0 =	sor.u32 s1, s0  }
0xbb: {  	s0 =	sadd.s32 $0x8F2B, s0  }
0xbc: {  	[sflag:s0] =	ssyncadd.remote.s32 $0x1  }
0xbd: {  	_ =	sfence.sel $0xFFFF  }
0xbe: {  	[dreg:$0x0] =	wrdreg $0xFFFFFFFF;
	(pc) =	sbr.abs _section_cstart, $3  }
0xbf: {  	[dreg:$0x1] =	wrdreg $0xFFFFFFFF  }
0xc0: {  	_ =	task.clear_ibuf [dreg:s6], $0x2FFFF;
	_ =	strace $0x9FFFFFFF  }
0xc1: {  	(tm) =	ssettm $0x7FFFFFFF  }
tec
execute0_lowered:
.L_overlay_start_1:
0x0: {  	(tag) =	ssettag $0x1  }
0x1: {  	s0 =	srdreg.scid  }
0x2: {  	s5 =	rddreg [dreg:$0x0];
	s1 =	stileid.u32;
	s2 =	simm.s32 $0x0  }
0x3: {  	s9 =	simm.s32 $0x80;
	s10 =	simm.s32 $0x3000;
	s11 =	simm.s32 $0x7000  }
0x4: {  	s12 =	simm.s32 $0x1;
	s13 =	simm.s32 $0x2;
	s4 =	sand.u32 $0x1, s0  }
0x5: {  	s14 =	simm.s32 $0xB000;
	s0 =	rddreg [dreg:$0x1];
	s3 =	sshll.u32 s4, $0x4  }
0x6: {  	s15 =	simm.s32 $0x0;
	[smem:$0x7FF] =	sst s2;
	s6 =	sor.u32 s1, s3  }
0x7: {  	_ =	strace $0x80000056;
	s8 =	ssub.s32 $0x2, s4;
	s7 =	smul.u32 $0x600, s6  }
0x8: {  	s4 =	sadd.s32 $0x49400, s5;
	s3 =	sadd.s32 $0x21400, s5;
	s31 =	sshrl.u32 s8, $0x1  }
0x9: {  	s8 =	ssub.s32 s8, s31;
	s6 =	smul.u32 $0x1800, s6;
	s7 =	sadd.s32 s7, s5  }
0xa: {  	s5 =	sadd.s32 $0x400, s7;
	s7 =	smax.u32 s8, $0x1;
	s8 =	simm.s32 $0x3  }
.LBB2_1:
0xb: {  	[tilespmem:s2], [sflag:$0x3] =	stream.linear.gather [hbm4b:s5+s2], $0x3000, $0x38;
	[tilespmem:$0xF000] =	vst v63  }
0xc: {  	_ =	swait.ge [sflag:s8], $0x3000  }
0xd: {  	[sflag:s8] =	ssyncset.done $0x0  }
0xe: {  	s16 =	simm.s32 $0x0;
	[sflag:s8] =	ssyncadd.s32 $0xFFFFD000  }
.LBB2_2:
0xf: {  	s17 =	sshll.u32 s16, $0x7  }
0x10: {  	[tilespmem:s10], [sflag:$0x1] =	stream.indirect.gather [hbm4b:s3+s9], $0x80, s17, s9, $0xb8;
	[tilespmem:$0xF000] =	vst v63  }
0x11: {  	s18 =	sadd.s32 $0x1800, s17  }
0x12: {  	[tilespmem:s11], [sflag:$0x2] =	stream.indirect.gather [hbm4b:s3+s9], $0x80, s18, s9, $0xb8;
	[tilespmem:$0xF000] =	vst v63  }
0x13: {  	_ =	swait.ge [sflag:s12], $0x4000  }
0x14: {  	[sflag:s12] =	ssyncset.done $0x0  }
0x15: {  	[sflag:s12] =	ssyncadd.s32 $0xFFFFC000  }
0x16: {  	_ =	swait.ge [sflag:s13], $0x4000  }
0x17: {  	[sflag:s13] =	ssyncset.done $0x0  }
0x18: {  	s18 =	simm.s32 $0x0;
	[sflag:s13] =	ssyncadd.s32 $0xFFFFC000  }
0x19: {  	v0 =	vld [tilespmem:s18+$0x3000]  }
0x1a: {  	v1 =	vld [tilespmem:s18+$0x7010];
	_ =	sdelay $0x4  }
0x1b: {  	v0 =	vadd.f32 v1, v0;
	_ =	sdelay $0x1  }
0x1c: {  	s19 =	simm.s32 $0x80;
	v1 =	vmul.f32 $2.000000030e-01, v0  }
0x1d: {  	v2 =	vld [tilespmem:s19+$0x3000];
	vm0 =	vgt.f32 v0, $0.0e+00  }
0x1e: {  	v3 =	vld [tilespmem:s19+$0x7010];
	v0 =	vsel vm0, v0, v1  }
0x1f: {  	s21 =	simm.s32 $0x100;
	v0 =	vmul.f32 $1.442695020e+00, v0  }
0x20: {  	v1 =	vld [tilespmem:s21+$0x3000]  }
0x21: {  	(erf) = vpow2.f32 v0;
	v0 =	vld [tilespmem:s21+$0x7010];
	_ =	sdelay $0x1  }
0x22: {  	v2 =	vadd.f32 v3, v2;
	_ =	sdelay $0x1  }
0x23: {  	v3 =	vmul.f32 $2.000000030e-01, v2  }
0x24: {  	vm14 =	vgt.f32 v2, $0.0e+00;
	v4 =	vadd.f32 v0, v1  }
0x25: {  	v0 =	vsel vm14, v2, v3  }
0x26: {  	s20 =	simm.s32 $0x180;
	v1 =	vmul.f32 $1.442695020e+00, v0;
	v2 =	vmul.f32 $2.000000030e-01, v4  }
0x27: {  	v0 =	vld [tilespmem:s20+$0x3000]  }
0x28: {  	(erf) = vpow2.f32 v1;
	v1 =	vld [tilespmem:s20+$0x7010]  }
0x29: {  	vm15 =	vgt.f32 v4, $0.0e+00  }
0x2a: {  	s22 =	simm.s32 $0x800;
	v3 =	vsel vm15, v4, v2;
	v2 =	vpop (erf)  }
.LBB2_3:
0x2b: {  	s23 =	sshra.s32 s22, $0x2  }
0x2c: {  	v3 =	vmul.f32 $1.442695020e+00, v3;
	[tilespmem:s18+$0xB000] =	vst v2;
	s18 =	smov.u32 s19;
	s19 =	smov.u32 s21;
	p0 =	sne.s32 s22, $0xFE00  }
.Ltmp0:
0x2d: {  	s22 =	sadd.s32 $0x200, s22;
	v2 =	vadd.f32 v1, v0;
	v0 =	vld [tilespmem:s23+$0x3000];
	(pc) =	sbr.rel @p0 .LBB2_3-.Ltmp0, $4  }
0x2e: {  	s21 =	smov.u32 s20;
	s20 =	smov.u32 s23;
	v1 =	vld [tilespmem:s23+$0x7010];
	(erf) = vpow2.f32 v3  }
0x2f: {  	v3 =	vmul.f32 $2.000000030e-01, v2  }
0x30: {  	vm0 =	vgt.f32 v2, $0.0e+00  }
0x31: {  	v3 =	vsel vm0, v2, v3;
	v2 =	vpop (erf)  }
0x32: {  	_ = 	snop  }
0x33: {  	v0 =	vadd.f32 v1, v0;
	_ =	sdelay $0x1  }
0x34: {  	v1 =	vmul.f32 $2.000000030e-01, v0  }
0x35: {  	vm0 =	vgt.f32 v0, $0.0e+00  }
0x36: {  	v60 =	vmul.f32 $1.442695020e+00, v3;
	v0 =	vsel vm0, v0, v1  }
0x37: {  	v0 =	vmul.f32 $1.442695020e+00, v0  }
0x38: {  	(erf) = vpow2.f32 v60  }
0x39: {  	(erf) = vpow2.f32 v0;
	_ =	sdelay $0x6  }
0x3a: {  	[tilespmem:s18+$0xB000] =	vst v2;
	v61 =	vpop (erf)  }
0x3b: {  	s17 =	sadd.s32 s6, s17;
	s16 =	sadd.s32 $0x1, s16;
	[tilespmem:s19+$0xB000] =	vst v61;
	v62 =	vpop (erf)  }
0x3c: {  	s17 =	sshll.u32 s17, $0x4;
	p0 =	sne.s32 s16, $0x30;
	[tilespmem:s21+$0xB000] =	vst v62;
	v63 =	vpop (erf)  }
.Ltmp1:
0x3d: {  	s17 =	sadd.s32 s4, s17;
	[tilespmem:s20+$0xB000] =	vst v63;
	(pc) =	sbr.rel @p0 .LBB2_2-.Ltmp1, $4  }
0x3e: {  	[hbm4b:s17+s2] =	stream.linear.scatter [tilespmem:s14], [sflag:$0x3], $0x4000, $0x38;
	[tilespmem:$0xF000] =	vst v63  }
0x3f: {  	_ =	swait.ge [sflag:s8], $0x4000  }
0x40: {  	[sflag:s8] =	ssyncset.done $0x0  }
0x41: {  	[sflag:s8] =	ssyncadd.s32 $0xFFFFC000  }
0x42: {  	s15 =	sadd.s32 $0x1, s15  }
0x43: {  	p0 =	sne.s32 s15, s7  }
.Ltmp2:
0x44: {  	_ = 	snop;
	(pc) =	sbr.rel @p0 .LBB2_1-.Ltmp2, $1  }
0x45: {  	_ =	sdelay $0x3  }
0x46: {  	_ =	sfence.sel $0x180000  }
0x47: {  	[bflag:$0x0] =	sbarrier.arrive $0xFFFF  }
0x48: {  	p0 =	sne.s32 s1, $0x0;
	_ =	strace $0x90000056  }
0x49: {  	s0 =	sadd.s32 @!p0 $0x100000, s0;
	[bflag:$0x2] =	sbarrier.arrive $0xFFFF  }
0x4a: {  	[sflag:s0] =	ssyncadd.tile.s32 @!p0 $0x1;
	_ =	shalt  }
.Lfunc_end2:
_tile_overlayer_lowered:
.L_overlay_start_2:
0x4b: {  	(tag) =	ssettag $0x2  }
0x4c: {  	s0 =	rddreg [dreg:$0x0];
	s2 =	stileid.u32  }
0x4d: {  	s1 =	rddreg [dreg:$0x1];
	p0 =	sne.s32 s2, $0x0  }
0x4e: {  	s3 =	rddreg [dreg:$0x2];
	[bflag:$0x3] =	sbarrier.arrive $0xFFFF;
	s2 =	simm.s32 @!p0 $0x1C03  }
0x4f: {  	[timem:s3], [sflag:s2] =	dma.local @!p0 [hbm:s0], s1  }
0x50: {  	s0 =	simm.s32 @!p0 $0x3  }
0x51: {  	_ =	swait.ge @!p0 [sflag:s0], s1  }
0x52: {  	s1 =	ssub.s32 @!p0 $0x0, s1;
	[sflag:s0] =	ssyncset.done @!p0 $0x0  }
0x53: {  	[sflag:s0] =	ssyncadd.s32 @!p0 s1  }
0x54: {  	[bflag:$0x3] =	sbarrier.arrive $0xFFFF  }
0x55: {  	_ =	shalt  }

// kernel: kernel.6.cloned.1.call-start
scs
__scs_entry_jumppad:
0x0: {  	(pc) =	sbr.rel $0x88, $3  }
0x1: {  	(tag) =	ssettag $0x0;
	lr =	simm.s32 $0x1  }
0x2: {  	[smem:$0x3F8E] =	sst lr;
	_ =	strace $0xD0000000  }
0x3: {  	_ = 	snop  }
0x4: {  	_ = 	snop  }
0x5: {  	_ = 	snop  }
0x6: {  	_ = 	snop  }
0x7: {  	_ = 	snop  }
__scs_overlays_trampoline_lowered:
0x8: {  	[smem:$0x3F9D] =	sst s0  }
0x9: {  	[smem:$0x3F9E] =	sst s1  }
0xa: {  	[smem:$0x3F9F] =	sst s2  }
0xb: {  	[smem:$0x3FA0] =	sst s3  }
0xc: {  	[smem:$0x3FA1] =	sst s4  }
0xd: {  	[smem:$0x3FA2] =	sst s5  }
0xe: {  	[smem:$0x3FA3] =	sst s6  }
0xf: {  	[smem:$0x3FA4] =	sst s7  }
0x10: {  	[smem:$0x3FA5] =	sst s8  }
0x11: {  	[smem:$0x3FA6] =	sst s9;
	s0 =	simm.s32 @!p0 $0x0  }
0x12: {  	s1 =	sld [smem:$0x3F8C];
	s0 =	simm.s32 @p0 $0x1  }
0x13: {  	[smem:$0x3FA7] =	sst s0;
	s0 =	simm.s32 @!p1 $0x0  }
0x14: {  	s2 =	sld [smem:$0x3F8B];
	s0 =	simm.s32 @p1 $0x1  }
0x15: {  	[smem:$0x3FA8] =	sst s0;
	s0 =	simm.s32 @!p2 $0x0  }
0x16: {  	s3 =	sld [smem:$0x3FDB];
	s0 =	simm.s32 @p2 $0x1  }
0x17: {  	s4 =	simm.s32 $0x1BF5;
	[smem:$0x3FAA] =	sst s0  }
0x18: {  	s0 =	sld [smem:$0x3F8D];
	_ =	swait.ge [sflag:s4], $0x0  }
0x19: {  	s7 =	sld [smem:$0x3F8E]  }
0x1a: {  	s8 =	sadd.s32 $0xFFFFE003, lr  }
0x1b: {  	s9 =	sadd.s32 $0xFFFFFEF7, lr;
	s5 =	simm.s32 $0xFFFFFFFF;
	p2 =	slt.u32 s8, $0xFFFFF086  }
0x1c: {  	p1 =	slt.u32 s9, $0xF7A;
	s5 =	simm.s32 @!p2 $0x0  }
0x1d: {  	s5 =	simm.s32 @p1 $0x1;
	p0 =	seq.s32 s7, s2  }
0x1e: {  	s7 =	smul.u32 @!p0 $0xF7A, s2;
	p2 =	seq.s32 @!p0 s5, $0x0  }
0x1f: {  	s9 =	smul.u32 $0xF7A, s1;
	s8 =	simm.s32 @!p0 $0x1BF5;
	p2 =	por !p2, p0  }
0x20: {  	[sflag:s8] =	ssyncset.s32 @!p0 $0xFFFFF086;
	s6 =	sadd.s32 @!p0 s3, s7;
	s7 =	simm.s32 @!p0 $0x108  }
0x21: {  	s3 =	sadd.s32 s3, s9;
	s6 =	sadd.s32 @!p0 $0x88, s6;
	s7 =	simm.s32 @p2 $0x1082  }
0x22: {  	[simem:s7], [sflag:s8] =	dma.local @!p0 [hbm:s6], $0xF7A  }
0x23: {  	s9 =	sor.u32 $0xD0000000, s2;
	s6 =	simm.s32 $0x108;
	_ =	swait.ge @!p0 [sflag:s8], $0x0  }
0x24: {  	s3 =	sadd.s32 $0x88, s3;
	s6 =	simm.s32 @!p1 $0x1082;
	[sflag:s4] =	ssyncset.s32 $0xFFFFF086  }
0x25: {  	[simem:s6], [sflag:s4] =	dma.local [hbm:s3], $0xF7A  }
0x26: {  	[smem:$0x3F8E] =	sst s1;
	(tag) =	ssettag s2;
	_ =	strace s9  }
0x27: {  	s1 =	sld [smem:$0x3F9E]  }
0x28: {  	s2 =	sld [smem:$0x3F9F]  }
0x29: {  	s4 =	sld [smem:$0x3FA1]  }
0x2a: {  	p0 =	seq.s32 s5, $0x0;
	s5 =	sld [smem:$0x3FA2]  }
0x2b: {  	s6 =	sld [smem:$0x3FA3]  }
0x2c: {  	s7 =	sld [smem:$0x3FA4]  }
0x2d: {  	s3 =	simm.s32 $0x108;
	s8 =	sld [smem:$0x3FA5]  }
0x2e: {  	s3 =	simm.s32 @!p0 $0x1082;
	s9 =	sld [smem:$0x3FA6]  }
0x2f: {  	lr =	sadd.s32 s0, s3;
	s0 =	sld [smem:$0x3F9D]  }
0x30: {  	s3 =	sld [smem:$0x3FA0]  }
0x31: {  	[smem:$0x3FA9] =	sst s10  }
0x32: {  	s10 =	sld [smem:$0x3FA7];
	_ =	sdelay $0x3  }
0x33: {  	p0 =	seq.s32 s10, $0x1;
	s10 =	sld [smem:$0x3FA9];
	_ =	sdelay $0x3  }
0x34: {  	[smem:$0x3FA9] =	sst s10  }
0x35: {  	s10 =	sld [smem:$0x3FA8];
	_ =	sdelay $0x3  }
0x36: {  	p1 =	seq.s32 s10, $0x1;
	s10 =	sld [smem:$0x3FA9];
	_ =	sdelay $0x3  }
0x37: {  	[smem:$0x3FA9] =	sst s10  }
0x38: {  	s10 =	sld [smem:$0x3FAA]  }
0x39: {  	_ = 	snop;
	(pc) =	sbr.ind lr, $3  }
0x3a: {  	_ = 	snop  }
0x3b: {  	_ = 	snop  }
0x3c: {  	p2 =	seq.s32 s10, $0x1;
	s10 =	sld [smem:$0x3FA9]  }
0x3d: {  	_ =	shalt  }
0x3e: {  	_ =	shalt  }
0x3f: {  	_ =	shalt  }
0x40: {  	_ =	shalt  }
0x41: {  	_ =	shalt  }
0x42: {  	_ =	shalt  }
0x43: {  	_ =	shalt  }
0x44: {  	_ =	shalt  }
0x45: {  	_ =	shalt  }
0x46: {  	_ =	shalt  }
0x47: {  	_ =	shalt  }
0x48: {  	_ =	shalt  }
0x49: {  	_ =	shalt  }
0x4a: {  	_ =	shalt  }
0x4b: {  	_ =	shalt  }
0x4c: {  	_ =	shalt  }
0x4d: {  	_ =	shalt  }
0x4e: {  	_ =	shalt  }
0x4f: {  	_ =	shalt  }
0x50: {  	_ =	shalt  }
0x51: {  	_ =	shalt  }
0x52: {  	_ =	shalt  }
0x53: {  	_ =	shalt  }
0x54: {  	_ =	shalt  }
0x55: {  	_ =	shalt  }
0x56: {  	_ =	shalt  }
0x57: {  	_ =	shalt  }
0x58: {  	_ =	shalt  }
0x59: {  	_ =	shalt  }
0x5a: {  	_ =	shalt  }
0x5b: {  	_ =	shalt  }
0x5c: {  	_ =	shalt  }
0x5d: {  	_ =	shalt  }
0x5e: {  	_ =	shalt  }
0x5f: {  	_ =	shalt  }
0x60: {  	_ =	shalt  }
0x61: {  	_ =	shalt  }
0x62: {  	_ =	shalt  }
0x63: {  	_ =	shalt  }
0x64: {  	_ =	shalt  }
0x65: {  	_ =	shalt  }
0x66: {  	_ =	shalt  }
0x67: {  	_ =	shalt  }
0x68: {  	_ =	shalt  }
0x69: {  	_ =	shalt  }
0x6a: {  	_ =	shalt  }
0x6b: {  	_ =	shalt  }
0x6c: {  	_ =	shalt  }
0x6d: {  	_ =	shalt  }
0x6e: {  	_ =	shalt  }
0x6f: {  	_ =	shalt  }
0x70: {  	_ =	shalt  }
0x71: {  	_ =	shalt  }
0x72: {  	_ =	shalt  }
0x73: {  	_ =	shalt  }
0x74: {  	_ =	shalt  }
0x75: {  	_ =	shalt  }
0x76: {  	_ =	shalt  }
0x77: {  	_ =	shalt  }
0x78: {  	_ =	shalt  }
0x79: {  	_ =	shalt  }
0x7a: {  	_ =	shalt  }
0x7b: {  	_ =	shalt  }
0x7c: {  	_ =	shalt  }
0x7d: {  	_ =	shalt  }
0x7e: {  	_ =	shalt  }
0x7f: {  	_ =	shalt  }
0x80: {  	_ =	shalt  }
0x81: {  	_ =	shalt  }
0x82: {  	_ =	shalt  }
0x83: {  	_ =	shalt  }
0x84: {  	_ =	shalt  }
0x85: {  	_ =	shalt  }
0x86: {  	_ =	shalt  }
0x87: {  	_ =	shalt  }
.Lfunc_end0:
.L_simem_size_0:
called_computation.4_lowered:
.L_overlay_start_0:
0x88: {  	s2 =	sld [smem:$0x3FD9]  }
0x89: {  	s3 =	sld [smem:$0x3FFE];
	_ =	sdelay $0x1  }
0x8a: {  	s1 =	srdreg.scid  }
0x8b: {  	s0 =	sand.u32 $0x1, s1  }
0x8c: {  	s16 =	sshll.u32 s0, $0xA;
	s2 =	sadd.s32 s3, s2  }
0x8d: {  	s2 =	sadd.s32 s2, s16  }
0x8e: {  	[smem:$0x3FB5] =	sst s2  }
0x8f: {  	_ = 	snop  }
0x90: {  	(tm) =	ssettm $0x1  }
0x91: {  	s17 =	sld [smem:$0x3FFB];
	_ =	sdelay $0x3  }
0x92: {  	_ =	strace s17  }
0x93: {  	s2 =	sld [smem:$0x3FFC];
	_ =	sdelay $0x3  }
0x94: {  	_ =	strace s2  }
0x95: {  	s2 =	sld [smem:$0x3FFD];
	_ =	sdelay $0x3  }
0x96: {  	_ =	strace s2  }
0x97: {  	_ =	strace $0x8FFFFFFF  }
0x98: {  	s18 =	sld [smem:$0x3FDB];
	_ =	sdelay $0x1  }
0x99: {  	s19 =	simm.s32 $_scs_section_size  }
0x9a: {  	s4 =	simm.s32 $_size__tile_overlayer_lowered;
	s5 =	simm.s32 $_tile_overlayer_lowered  }
0x9b: {  	s22 =	simm.s32 $0x1BFF;
	s21 =	sshll.u32 s5, $0x1;
	s2 =	sadd.s32 s19, s18  }
0x9c: {  	s6 =	simm.s32 $0x0;
	s20 =	sshll.u32 s4, $0x1;
	s4 =	sadd.s32 s21, s2  }
0x9d: {  	[timem:s6], [sflag:s22] =	dma.local [hbm:s4], s20  }
0x9e: {  	_ =	swait.ge [sflag:s22], s20  }
0x9f: {  	s3 =	ssub.s32 $0x0, s20;
	[sflag:s22] =	ssyncset.done $0x0  }
0xa0: {  	[sflag:s22] =	ssyncadd.s32 s3;
	_ =	sdelay $0x1  }
0xa1: {  	s23 =	simm.s32 $0x1B8B  }
0xa2: {  	_ =	swait.ge [sflag:s23], $0x1  }
0xa3: {  	[sflag:s23] =	ssyncset.done $0x0  }
0xa4: {  	s25 =	simm.s32 $0x1B8E;
	s24 =	sld [smem:$0x3FFE];
	[sflag:s23] =	ssyncadd.s32 $0xFFFFFFFF  }
0xa5: {  	s26 =	simm.s32 $execute0_lowered;
	[smem:$0x3FD2] =	sst s25  }
0xa6: {  	s4 =	sshll.u32 s26, $0x1;
	_ =	strace $0x80000046;
	[dreg:$0x1] =	wrdreg $0xFFFFFFFF  }
0xa7: {  	s28 =	simm.s32 $_size_execute0_lowered;
	s2 =	sadd.s32 s2, s4;
	[dreg:$0x0] =	wrdreg $0x0  }
0xa8: {  	s4 =	sshll.u32 s28, $0x1;
	[dreg:$0x2] =	wrdreg s2  }
0xa9: {  	[dreg:$0x3] =	wrdreg s4  }
0xaa: {  	[dreg:$0x4] =	wrdreg $0xC0  }
0xab: {  	_ =	task [dreg:s6], $0x5FFFF  }
0xac: {  	[dreg:$0x1] =	wrdreg $0xFFFFFFFF  }
0xad: {  	[dreg:$0x0] =	wrdreg $0x60  }
0xae: {  	[dreg:$0x2] =	wrdreg s24  }
0xaf: {  	[dreg:$0x3] =	wrdreg $0x9  }
0xb0: {  	_ =	task.clear_ibuf [dreg:s6], $0x4FFFF;
	_ =	strace $0x90000046  }
0xb1: {  	s29 =	simm.s32 $0x9;
	_ =	strace $0x80000048  }
0xb2: {  	_ =	swait.ge [sflag:s29], $0x1  }
0xb3: {  	[sflag:s29] =	ssyncadd.s32 $0xFFFFFFFF  }
0xb4: {  	_ =	strace $0x90000048  }
0xb5: {  	_ =	sfence  }
0xb6: {  	s30 =	sld [smem:$0x0];
	_ =	sdelay $0x2  }
0xb7: {  	s31 =	sshll.u32 s1, $0xD;
	s1 =	sshrl.u32 s1, $0x2  }
0xb8: {  	s3 =	sand.u32 $0x4000, s31;
	s1 =	sadd.s32 s1, s30  }
0xb9: {  	s0 =	sor.u32 s3, s0;
	s1 =	sshll.u32 s1, $0x11  }
0xba: {  	s0 =	sor.u32 s1, s0  }
0xbb: {  	s0 =	sadd.s32 $0x8F2B, s0  }
0xbc: {  	[sflag:s0] =	ssyncadd.remote.s32 $0x1  }
0xbd: {  	_ =	sfence.sel $0xFFFF  }
0xbe: {  	[dreg:$0x0] =	wrdreg $0xFFFFFFFF;
	(pc) =	sbr.abs _section_cstart, $3  }
0xbf: {  	[dreg:$0x1] =	wrdreg $0xFFFFFFFF  }
0xc0: {  	_ =	task.clear_ibuf [dreg:s6], $0x2FFFF;
	_ =	strace $0x9FFFFFFF  }
0xc1: {  	(tm) =	ssettm $0x7FFFFFFF  }
tec
execute0_lowered:
.L_overlay_start_1:
0x0: {  	(tag) =	ssettag $0x1  }
0x1: {  	s0 =	srdreg.scid  }
0x2: {  	s5 =	rddreg [dreg:$0x0];
	s1 =	stileid.u32;
	s2 =	simm.s32 $0x0  }
0x3: {  	s9 =	simm.s32 $0x80;
	s10 =	simm.s32 $0x3000;
	s11 =	simm.s32 $0x7000  }
0x4: {  	s12 =	simm.s32 $0x1;
	s13 =	simm.s32 $0x2;
	s4 =	sand.u32 $0x1, s0  }
0x5: {  	s14 =	simm.s32 $0xB000;
	s0 =	rddreg [dreg:$0x1];
	s3 =	sshll.u32 s4, $0x4  }
0x6: {  	s15 =	simm.s32 $0x0;
	[smem:$0x7FF] =	sst s2;
	s6 =	sor.u32 s1, s3  }
0x7: {  	_ =	strace $0x80000047;
	s8 =	ssub.s32 $0x2, s4;
	s7 =	smul.u32 $0x600, s6  }
0x8: {  	s4 =	sadd.s32 $0x5A800, s5;
	s3 =	sadd.s32 $0x32800, s5;
	s31 =	sshrl.u32 s8, $0x1  }
0x9: {  	s8 =	ssub.s32 s8, s31;
	s6 =	smul.u32 $0x1800, s6;
	s7 =	sadd.s32 s7, s5  }
0xa: {  	s5 =	sadd.s32 $0x400, s7;
	s7 =	smax.u32 s8, $0x1;
	s8 =	simm.s32 $0x3  }
.LBB2_1:
0xb: {  	[tilespmem:s2], [sflag:$0x3] =	stream.linear.gather [hbm4b:s5+s2], $0x3000, $0x38;
	[tilespmem:$0xF000] =	vst v63  }
0xc: {  	_ =	swait.ge [sflag:s8], $0x3000  }
0xd: {  	[sflag:s8] =	ssyncset.done $0x0  }
0xe: {  	s16 =	simm.s32 $0x0;
	[sflag:s8] =	ssyncadd.s32 $0xFFFFD000  }
.LBB2_2:
0xf: {  	s17 =	sshll.u32 s16, $0x7  }
0x10: {  	[tilespmem:s10], [sflag:$0x1] =	stream.indirect.gather [hbm4b:s3+s9], $0x80, s17, s9, $0xb8;
	[tilespmem:$0xF000] =	vst v63  }
0x11: {  	s18 =	sadd.s32 $0x1800, s17  }
0x12: {  	[tilespmem:s11], [sflag:$0x2] =	stream.indirect.gather [hbm4b:s3+s9], $0x80, s18, s9, $0xb8;
	[tilespmem:$0xF000] =	vst v63  }
0x13: {  	_ =	swait.ge [sflag:s12], $0x4000  }
0x14: {  	[sflag:s12] =	ssyncset.done $0x0  }
0x15: {  	[sflag:s12] =	ssyncadd.s32 $0xFFFFC000  }
0x16: {  	_ =	swait.ge [sflag:s13], $0x4000  }
0x17: {  	[sflag:s13] =	ssyncset.done $0x0  }
0x18: {  	s18 =	simm.s32 $0x0;
	[sflag:s13] =	ssyncadd.s32 $0xFFFFC000  }
0x19: {  	v0 =	vld [tilespmem:s18+$0x3000]  }
0x1a: {  	v1 =	vld [tilespmem:s18+$0x7010];
	_ =	sdelay $0x4  }
0x1b: {  	v0 =	vadd.f32 v1, v0;
	_ =	sdelay $0x1  }
0x1c: {  	s19 =	simm.s32 $0x80;
	v1 =	vmul.f32 $2.000000030e-01, v0  }
0x1d: {  	v2 =	vld [tilespmem:s19+$0x3000];
	vm0 =	vgt.f32 v0, $0.0e+00  }
0x1e: {  	v3 =	vld [tilespmem:s19+$0x7010];
	v0 =	vsel vm0, v0, v1  }
0x1f: {  	s21 =	simm.s32 $0x100;
	v0 =	vmul.f32 $1.442695020e+00, v0  }
0x20: {  	v1 =	vld [tilespmem:s21+$0x3000]  }
0x21: {  	(erf) = vpow2.f32 v0;
	v0 =	vld [tilespmem:s21+$0x7010];
	_ =	sdelay $0x1  }
0x22: {  	v2 =	vadd.f32 v3, v2;
	_ =	sdelay $0x1  }
0x23: {  	v3 =	vmul.f32 $2.000000030e-01, v2  }
0x24: {  	vm14 =	vgt.f32 v2, $0.0e+00;
	v4 =	vadd.f32 v0, v1  }
0x25: {  	v0 =	vsel vm14, v2, v3  }
0x26: {  	s20 =	simm.s32 $0x180;
	v1 =	vmul.f32 $1.442695020e+00, v0;
	v2 =	vmul.f32 $2.000000030e-01, v4  }
0x27: {  	v0 =	vld [tilespmem:s20+$0x3000]  }
0x28: {  	(erf) = vpow2.f32 v1;
	v1 =	vld [tilespmem:s20+$0x7010]  }
0x29: {  	vm15 =	vgt.f32 v4, $0.0e+00  }
0x2a: {  	s22 =	simm.s32 $0x800;
	v3 =	vsel vm15, v4, v2;
	v2 =	vpop (erf)  }
.LBB2_3:
0x2b: {  	s23 =	sshra.s32 s22, $0x2  }
0x2c: {  	v3 =	vmul.f32 $1.442695020e+00, v3;
	[tilespmem:s18+$0xB000] =	vst v2;
	s18 =	smov.u32 s19;
	s19 =	smov.u32 s21;
	p0 =	sne.s32 s22, $0xFE00  }
.Ltmp0:
0x2d: {  	s22 =	sadd.s32 $0x200, s22;
	v2 =	vadd.f32 v1, v0;
	v0 =	vld [tilespmem:s23+$0x3000];
	(pc) =	sbr.rel @p0 .LBB2_3-.Ltmp0, $4  }
0x2e: {  	s21 =	smov.u32 s20;
	s20 =	smov.u32 s23;
	v1 =	vld [tilespmem:s23+$0x7010];
	(erf) = vpow2.f32 v3  }
0x2f: {  	v3 =	vmul.f32 $2.000000030e-01, v2  }
0x30: {  	vm0 =	vgt.f32 v2, $0.0e+00  }
0x31: {  	v3 =	vsel vm0, v2, v3;
	v2 =	vpop (erf)  }
0x32: {  	_ = 	snop  }
0x33: {  	v0 =	vadd.f32 v1, v0;
	_ =	sdelay $0x1  }
0x34: {  	v1 =	vmul.f32 $2.000000030e-01, v0  }
0x35: {  	vm0 =	vgt.f32 v0, $0.0e+00  }
0x36: {  	v60 =	vmul.f32 $1.442695020e+00, v3;
	v0 =	vsel vm0, v0, v1  }
0x37: {  	v0 =	vmul.f32 $1.442695020e+00, v0  }
0x38: {  	(erf) = vpow2.f32 v60  }
0x39: {  	(erf) = vpow2.f32 v0;
	_ =	sdelay $0x6  }
0x3a: {  	[tilespmem:s18+$0xB000] =	vst v2;
	v61 =	vpop (erf)  }
0x3b: {  	s17 =	sadd.s32 s6, s17;
	s16 =	sadd.s32 $0x1, s16;
	[tilespmem:s19+$0xB000] =	vst v61;
	v62 =	vpop (erf)  }
0x3c: {  	s17 =	sshll.u32 s17, $0x4;
	p0 =	sne.s32 s16, $0x30;
	[tilespmem:s21+$0xB000] =	vst v62;
	v63 =	vpop (erf)  }
.Ltmp1:
0x3d: {  	s17 =	sadd.s32 s4, s17;
	[tilespmem:s20+$0xB000] =	vst v63;
	(pc) =	sbr.rel @p0 .LBB2_2-.Ltmp1, $4  }
0x3e: {  	[hbm4b:s17+s2] =	stream.linear.scatter [tilespmem:s14], [sflag:$0x3], $0x4000, $0x38;
	[tilespmem:$0xF000] =	vst v63  }
0x3f: {  	_ =	swait.ge [sflag:s8], $0x4000  }
0x40: {  	[sflag:s8] =	ssyncset.done $0x0  }
0x41: {  	[sflag:s8] =	ssyncadd.s32 $0xFFFFC000  }
0x42: {  	s15 =	sadd.s32 $0x1, s15  }
0x43: {  	p0 =	sne.s32 s15, s7  }
.Ltmp2:
0x44: {  	_ = 	snop;
	(pc) =	sbr.rel @p0 .LBB2_1-.Ltmp2, $1  }
0x45: {  	_ =	sdelay $0x3  }
0x46: {  	_ =	sfence.sel $0x180000  }
0x47: {  	[bflag:$0x0] =	sbarrier.arrive $0xFFFF  }
0x48: {  	p0 =	sne.s32 s1, $0x0;
	_ =	strace $0x90000047  }
0x49: {  	s0 =	sadd.s32 @!p0 $0x100000, s0;
	[bflag:$0x2] =	sbarrier.arrive $0xFFFF  }
0x4a: {  	[sflag:s0] =	ssyncadd.tile.s32 @!p0 $0x1;
	_ =	shalt  }
.Lfunc_end2:
_tile_overlayer_lowered:
.L_overlay_start_2:
0x4b: {  	(tag) =	ssettag $0x2  }
0x4c: {  	s0 =	rddreg [dreg:$0x0];
	s2 =	stileid.u32  }
0x4d: {  	s1 =	rddreg [dreg:$0x1];
	p0 =	sne.s32 s2, $0x0  }
0x4e: {  	s3 =	rddreg [dreg:$0x2];
	[bflag:$0x3] =	sbarrier.arrive $0xFFFF;
	s2 =	simm.s32 @!p0 $0x1C03  }
0x4f: {  	[timem:s3], [sflag:s2] =	dma.local @!p0 [hbm:s0], s1  }
0x50: {  	s0 =	simm.s32 @!p0 $0x3  }
0x51: {  	_ =	swait.ge @!p0 [sflag:s0], s1  }
0x52: {  	s1 =	ssub.s32 @!p0 $0x0, s1;
	[sflag:s0] =	ssyncset.done @!p0 $0x0  }
0x53: {  	[sflag:s0] =	ssyncadd.s32 @!p0 s1  }
0x54: {  	[bflag:$0x3] =	sbarrier.arrive $0xFFFF  }
0x55: {  	_ =	shalt  }

// kernel: kernel.9.cloned.1.call-start
scs
__scs_entry_jumppad:
0x0: {  	(pc) =	sbr.rel $0x88, $3  }
0x1: {  	(tag) =	ssettag $0x0;
	lr =	simm.s32 $0x1  }
0x2: {  	[smem:$0x3F8E] =	sst lr;
	_ =	strace $0xD0000000  }
0x3: {  	_ = 	snop  }
0x4: {  	_ = 	snop  }
0x5: {  	_ = 	snop  }
0x6: {  	_ = 	snop  }
0x7: {  	_ = 	snop  }
__scs_overlays_trampoline_lowered:
0x8: {  	[smem:$0x3F9D] =	sst s0  }
0x9: {  	[smem:$0x3F9E] =	sst s1  }
0xa: {  	[smem:$0x3F9F] =	sst s2  }
0xb: {  	[smem:$0x3FA0] =	sst s3  }
0xc: {  	[smem:$0x3FA1] =	sst s4  }
0xd: {  	[smem:$0x3FA2] =	sst s5  }
0xe: {  	[smem:$0x3FA3] =	sst s6  }
0xf: {  	[smem:$0x3FA4] =	sst s7  }
0x10: {  	[smem:$0x3FA5] =	sst s8  }
0x11: {  	[smem:$0x3FA6] =	sst s9;
	s0 =	simm.s32 @!p0 $0x0  }
0x12: {  	s1 =	sld [smem:$0x3F8C];
	s0 =	simm.s32 @p0 $0x1  }
0x13: {  	[smem:$0x3FA7] =	sst s0;
	s0 =	simm.s32 @!p1 $0x0  }
0x14: {  	s2 =	sld [smem:$0x3F8B];
	s0 =	simm.s32 @p1 $0x1  }
0x15: {  	[smem:$0x3FA8] =	sst s0;
	s0 =	simm.s32 @!p2 $0x0  }
0x16: {  	s3 =	sld [smem:$0x3FDB];
	s0 =	simm.s32 @p2 $0x1  }
0x17: {  	s4 =	simm.s32 $0x1BF5;
	[smem:$0x3FAA] =	sst s0  }
0x18: {  	s0 =	sld [smem:$0x3F8D];
	_ =	swait.ge [sflag:s4], $0x0  }
0x19: {  	s7 =	sld [smem:$0x3F8E]  }
0x1a: {  	s8 =	sadd.s32 $0xFFFFE003, lr  }
0x1b: {  	s9 =	sadd.s32 $0xFFFFFEF7, lr;
	s5 =	simm.s32 $0xFFFFFFFF;
	p2 =	slt.u32 s8, $0xFFFFF086  }
0x1c: {  	p1 =	slt.u32 s9, $0xF7A;
	s5 =	simm.s32 @!p2 $0x0  }
0x1d: {  	s5 =	simm.s32 @p1 $0x1;
	p0 =	seq.s32 s7, s2  }
0x1e: {  	s7 =	smul.u32 @!p0 $0xF7A, s2;
	p2 =	seq.s32 @!p0 s5, $0x0  }
0x1f: {  	s9 =	smul.u32 $0xF7A, s1;
	s8 =	simm.s32 @!p0 $0x1BF5;
	p2 =	por !p2, p0  }
0x20: {  	[sflag:s8] =	ssyncset.s32 @!p0 $0xFFFFF086;
	s6 =	sadd.s32 @!p0 s3, s7;
	s7 =	simm.s32 @!p0 $0x108  }
0x21: {  	s3 =	sadd.s32 s3, s9;
	s6 =	sadd.s32 @!p0 $0x88, s6;
	s7 =	simm.s32 @p2 $0x1082  }
0x22: {  	[simem:s7], [sflag:s8] =	dma.local @!p0 [hbm:s6], $0xF7A  }
0x23: {  	s9 =	sor.u32 $0xD0000000, s2;
	s6 =	simm.s32 $0x108;
	_ =	swait.ge @!p0 [sflag:s8], $0x0  }
0x24: {  	s3 =	sadd.s32 $0x88, s3;
	s6 =	simm.s32 @!p1 $0x1082;
	[sflag:s4] =	ssyncset.s32 $0xFFFFF086  }
0x25: {  	[simem:s6], [sflag:s4] =	dma.local [hbm:s3], $0xF7A  }
0x26: {  	[smem:$0x3F8E] =	sst s1;
	(tag) =	ssettag s2;
	_ =	strace s9  }
0x27: {  	s1 =	sld [smem:$0x3F9E]  }
0x28: {  	s2 =	sld [smem:$0x3F9F]  }
0x29: {  	s4 =	sld [smem:$0x3FA1]  }
0x2a: {  	p0 =	seq.s32 s5, $0x0;
	s5 =	sld [smem:$0x3FA2]  }
0x2b: {  	s6 =	sld [smem:$0x3FA3]  }
0x2c: {  	s7 =	sld [smem:$0x3FA4]  }
0x2d: {  	s3 =	simm.s32 $0x108;
	s8 =	sld [smem:$0x3FA5]  }
0x2e: {  	s3 =	simm.s32 @!p0 $0x1082;
	s9 =	sld [smem:$0x3FA6]  }
0x2f: {  	lr =	sadd.s32 s0, s3;
	s0 =	sld [smem:$0x3F9D]  }
0x30: {  	s3 =	sld [smem:$0x3FA0]  }
0x31: {  	[smem:$0x3FA9] =	sst s10  }
0x32: {  	s10 =	sld [smem:$0x3FA7];
	_ =	sdelay $0x3  }
0x33: {  	p0 =	seq.s32 s10, $0x1;
	s10 =	sld [smem:$0x3FA9];
	_ =	sdelay $0x3  }
0x34: {  	[smem:$0x3FA9] =	sst s10  }
0x35: {  	s10 =	sld [smem:$0x3FA8];
	_ =	sdelay $0x3  }
0x36: {  	p1 =	seq.s32 s10, $0x1;
	s10 =	sld [smem:$0x3FA9];
	_ =	sdelay $0x3  }
0x37: {  	[smem:$0x3FA9] =	sst s10  }
0x38: {  	s10 =	sld [smem:$0x3FAA]  }
0x39: {  	_ = 	snop;
	(pc) =	sbr.ind lr, $3  }
0x3a: {  	_ = 	snop  }
0x3b: {  	_ = 	snop  }
0x3c: {  	p2 =	seq.s32 s10, $0x1;
	s10 =	sld [smem:$0x3FA9]  }
0x3d: {  	_ =	shalt  }
0x3e: {  	_ =	shalt  }
0x3f: {  	_ =	shalt  }
0x40: {  	_ =	shalt  }
0x41: {  	_ =	shalt  }
0x42: {  	_ =	shalt  }
0x43: {  	_ =	shalt  }
0x44: {  	_ =	shalt  }
0x45: {  	_ =	shalt  }
0x46: {  	_ =	shalt  }
0x47: {  	_ =	shalt  }
0x48: {  	_ =	shalt  }
0x49: {  	_ =	shalt  }
0x4a: {  	_ =	shalt  }
0x4b: {  	_ =	shalt  }
0x4c: {  	_ =	shalt  }
0x4d: {  	_ =	shalt  }
0x4e: {  	_ =	shalt  }
0x4f: {  	_ =	shalt  }
0x50: {  	_ =	shalt  }
0x51: {  	_ =	shalt  }
0x52: {  	_ =	shalt  }
0x53: {  	_ =	shalt  }
0x54: {  	_ =	shalt  }
0x55: {  	_ =	shalt  }
0x56: {  	_ =	shalt  }
0x57: {  	_ =	shalt  }
0x58: {  	_ =	shalt  }
0x59: {  	_ =	shalt  }
0x5a: {  	_ =	shalt  }
0x5b: {  	_ =	shalt  }
0x5c: {  	_ =	shalt  }
0x5d: {  	_ =	shalt  }
0x5e: {  	_ =	shalt  }
0x5f: {  	_ =	shalt  }
0x60: {  	_ =	shalt  }
0x61: {  	_ =	shalt  }
0x62: {  	_ =	shalt  }
0x63: {  	_ =	shalt  }
0x64: {  	_ =	shalt  }
0x65: {  	_ =	shalt  }
0x66: {  	_ =	shalt  }
0x67: {  	_ =	shalt  }
0x68: {  	_ =	shalt  }
0x69: {  	_ =	shalt  }
0x6a: {  	_ =	shalt  }
0x6b: {  	_ =	shalt  }
0x6c: {  	_ =	shalt  }
0x6d: {  	_ =	shalt  }
0x6e: {  	_ =	shalt  }
0x6f: {  	_ =	shalt  }
0x70: {  	_ =	shalt  }
0x71: {  	_ =	shalt  }
0x72: {  	_ =	shalt  }
0x73: {  	_ =	shalt  }
0x74: {  	_ =	shalt  }
0x75: {  	_ =	shalt  }
0x76: {  	_ =	shalt  }
0x77: {  	_ =	shalt  }
0x78: {  	_ =	shalt  }
0x79: {  	_ =	shalt  }
0x7a: {  	_ =	shalt  }
0x7b: {  	_ =	shalt  }
0x7c: {  	_ =	shalt  }
0x7d: {  	_ =	shalt  }
0x7e: {  	_ =	shalt  }
0x7f: {  	_ =	shalt  }
0x80: {  	_ =	shalt  }
0x81: {  	_ =	shalt  }
0x82: {  	_ =	shalt  }
0x83: {  	_ =	shalt  }
0x84: {  	_ =	shalt  }
0x85: {  	_ =	shalt  }
0x86: {  	_ =	shalt  }
0x87: {  	_ =	shalt  }
.Lfunc_end0:
.L_simem_size_0:
called_computation.5_lowered:
.L_overlay_start_0:
0x88: {  	s2 =	sld [smem:$0x3FD9]  }
0x89: {  	s3 =	sld [smem:$0x3FFE];
	_ =	sdelay $0x1  }
0x8a: {  	s1 =	srdreg.scid  }
0x8b: {  	s0 =	sand.u32 $0x1, s1  }
0x8c: {  	s16 =	sshll.u32 s0, $0xA;
	s2 =	sadd.s32 s3, s2  }
0x8d: {  	s2 =	sadd.s32 s2, s16  }
0x8e: {  	[smem:$0x3FB5] =	sst s2  }
0x8f: {  	_ = 	snop  }
0x90: {  	(tm) =	ssettm $0x1  }
0x91: {  	s17 =	sld [smem:$0x3FFB];
	_ =	sdelay $0x3  }
0x92: {  	_ =	strace s17  }
0x93: {  	s2 =	sld [smem:$0x3FFC];
	_ =	sdelay $0x3  }
0x94: {  	_ =	strace s2  }
0x95: {  	s2 =	sld [smem:$0x3FFD];
	_ =	sdelay $0x3  }
0x96: {  	_ =	strace s2  }
0x97: {  	_ =	strace $0x8FFFFFFF  }
0x98: {  	s18 =	sld [smem:$0x3FDB];
	_ =	sdelay $0x1  }
0x99: {  	s19 =	simm.s32 $_scs_section_size  }
0x9a: {  	s4 =	simm.s32 $_size__tile_overlayer_lowered;
	s5 =	simm.s32 $_tile_overlayer_lowered  }
0x9b: {  	s22 =	simm.s32 $0x1BFF;
	s21 =	sshll.u32 s5, $0x1;
	s2 =	sadd.s32 s19, s18  }
0x9c: {  	s6 =	simm.s32 $0x0;
	s20 =	sshll.u32 s4, $0x1;
	s4 =	sadd.s32 s21, s2  }
0x9d: {  	[timem:s6], [sflag:s22] =	dma.local [hbm:s4], s20  }
0x9e: {  	_ =	swait.ge [sflag:s22], s20  }
0x9f: {  	s3 =	ssub.s32 $0x0, s20;
	[sflag:s22] =	ssyncset.done $0x0  }
0xa0: {  	[sflag:s22] =	ssyncadd.s32 s3;
	_ =	sdelay $0x1  }
0xa1: {  	s23 =	simm.s32 $0x1B8B  }
0xa2: {  	_ =	swait.ge [sflag:s23], $0x1  }
0xa3: {  	[sflag:s23] =	ssyncset.done $0x0  }
0xa4: {  	s25 =	simm.s32 $0x1B8E;
	s24 =	sld [smem:$0x3FFE];
	[sflag:s23] =	ssyncadd.s32 $0xFFFFFFFF  }
0xa5: {  	s26 =	simm.s32 $execute0_lowered;
	[smem:$0x3FD2] =	sst s25  }
0xa6: {  	s4 =	sshll.u32 s26, $0x1;
	_ =	strace $0x8000004F;
	[dreg:$0x1] =	wrdreg $0xFFFFFFFF  }
0xa7: {  	s28 =	simm.s32 $_size_execute0_lowered;
	s2 =	sadd.s32 s2, s4;
	[dreg:$0x0] =	wrdreg $0x0  }
0xa8: {  	s4 =	sshll.u32 s28, $0x1;
	[dreg:$0x2] =	wrdreg s2  }
0xa9: {  	[dreg:$0x3] =	wrdreg s4  }
0xaa: {  	[dreg:$0x4] =	wrdreg $0xC0  }
0xab: {  	_ =	task [dreg:s6], $0x5FFFF  }
0xac: {  	[dreg:$0x1] =	wrdreg $0xFFFFFFFF  }
0xad: {  	[dreg:$0x0] =	wrdreg $0x60  }
0xae: {  	[dreg:$0x2] =	wrdreg s24  }
0xaf: {  	[dreg:$0x3] =	wrdreg $0x9  }
0xb0: {  	_ =	task.clear_ibuf [dreg:s6], $0x4FFFF;
	_ =	strace $0x9000004F  }
0xb1: {  	s29 =	simm.s32 $0x9;
	_ =	strace $0x80000051  }
0xb2: {  	_ =	swait.ge [sflag:s29], $0x1  }
0xb3: {  	[sflag:s29] =	ssyncadd.s32 $0xFFFFFFFF  }
0xb4: {  	_ =	strace $0x90000051  }
0xb5: {  	_ =	sfence  }
0xb6: {  	s30 =	sld [smem:$0x0];
	_ =	sdelay $0x2  }
0xb7: {  	s31 =	sshll.u32 s1, $0xD;
	s1 =	sshrl.u32 s1, $0x2  }
0xb8: {  	s3 =	sand.u32 $0x4000, s31;
	s1 =	sadd.s32 s1, s30  }
0xb9: {  	s0 =	sor.u32 s3, s0;
	s1 =	sshll.u32 s1, $0x11  }
0xba: {  	s0 =	sor.u32 s1, s0  }
0xbb: {  	s0 =	sadd.s32 $0x8F2B, s0  }
0xbc: {  	[sflag:s0] =	ssyncadd.remote.s32 $0x1  }
0xbd: {  	_ =	sfence.sel $0xFFFF  }
0xbe: {  	[dreg:$0x0] =	wrdreg $0xFFFFFFFF;
	(pc) =	sbr.abs _section_cstart, $3  }
0xbf: {  	[dreg:$0x1] =	wrdreg $0xFFFFFFFF  }
0xc0: {  	_ =	task.clear_ibuf [dreg:s6], $0x2FFFF;
	_ =	strace $0x9FFFFFFF  }
0xc1: {  	(tm) =	ssettm $0x7FFFFFFF  }
tec
execute0_lowered:
.L_overlay_start_1:
0x0: {  	(tag) =	ssettag $0x1  }
0x1: {  	s0 =	srdreg.scid  }
0x2: {  	s5 =	rddreg [dreg:$0x0];
	s1 =	stileid.u32;
	s2 =	simm.s32 $0x0  }
0x3: {  	s9 =	simm.s32 $0x80;
	s10 =	simm.s32 $0x3000;
	s11 =	simm.s32 $0x7000  }
0x4: {  	s12 =	simm.s32 $0x1;
	s13 =	simm.s32 $0x2;
	s4 =	sand.u32 $0x1, s0  }
0x5: {  	s14 =	simm.s32 $0xB000;
	s0 =	rddreg [dreg:$0x1];
	s3 =	sshll.u32 s4, $0x4  }
0x6: {  	s15 =	simm.s32 $0x0;
	[smem:$0x7FF] =	sst s2;
	s6 =	sor.u32 s1, s3  }
0x7: {  	_ =	strace $0x80000050;
	s8 =	ssub.s32 $0x2, s4;
	s7 =	smul.u32 $0x600, s6  }
0x8: {  	s4 =	sadd.s32 $0x7FE00, s5;
	s3 =	sadd.s32 $0x57E00, s5;
	s31 =	sshrl.u32 s8, $0x1  }
0x9: {  	s8 =	ssub.s32 s8, s31;
	s6 =	smul.u32 $0x1800, s6;
	s7 =	sadd.s32 s7, s5  }
0xa: {  	s5 =	sadd.s32 $0x400, s7;
	s7 =	smax.u32 s8, $0x1;
	s8 =	simm.s32 $0x3  }
.LBB2_1:
0xb: {  	[tilespmem:s2], [sflag:$0x3] =	stream.linear.gather [hbm4b:s5+s2], $0x3000, $0x38;
	[tilespmem:$0xF000] =	vst v63  }
0xc: {  	_ =	swait.ge [sflag:s8], $0x3000  }
0xd: {  	[sflag:s8] =	ssyncset.done $0x0  }
0xe: {  	s16 =	simm.s32 $0x0;
	[sflag:s8] =	ssyncadd.s32 $0xFFFFD000  }
.LBB2_2:
0xf: {  	s17 =	sshll.u32 s16, $0x7  }
0x10: {  	[tilespmem:s10], [sflag:$0x1] =	stream.indirect.gather [hbm4b:s3+s9], $0x80, s17, s9, $0xb8;
	[tilespmem:$0xF000] =	vst v63  }
0x11: {  	s18 =	sadd.s32 $0x1800, s17  }
0x12: {  	[tilespmem:s11], [sflag:$0x2] =	stream.indirect.gather [hbm4b:s3+s9], $0x80, s18, s9, $0xb8;
	[tilespmem:$0xF000] =	vst v63  }
0x13: {  	_ =	swait.ge [sflag:s12], $0x4000  }
0x14: {  	[sflag:s12] =	ssyncset.done $0x0  }
0x15: {  	[sflag:s12] =	ssyncadd.s32 $0xFFFFC000  }
0x16: {  	_ =	swait.ge [sflag:s13], $0x4000  }
0x17: {  	[sflag:s13] =	ssyncset.done $0x0  }
0x18: {  	s18 =	simm.s32 $0x0;
	[sflag:s13] =	ssyncadd.s32 $0xFFFFC000  }
0x19: {  	v0 =	vld [tilespmem:s18+$0x3000]  }
0x1a: {  	v1 =	vld [tilespmem:s18+$0x7010];
	_ =	sdelay $0x4  }
0x1b: {  	v0 =	vadd.f32 v1, v0;
	_ =	sdelay $0x1  }
0x1c: {  	s19 =	simm.s32 $0x80;
	v1 =	vmul.f32 $2.000000030e-01, v0  }
0x1d: {  	v2 =	vld [tilespmem:s19+$0x3000];
	vm0 =	vgt.f32 v0, $0.0e+00  }
0x1e: {  	v3 =	vld [tilespmem:s19+$0x7010];
	v0 =	vsel vm0, v0, v1  }
0x1f: {  	s21 =	simm.s32 $0x100;
	v0 =	vmul.f32 $1.442695020e+00, v0  }
0x20: {  	v1 =	vld [tilespmem:s21+$0x3000]  }
0x21: {  	(erf) = vpow2.f32 v0;
	v0 =	vld [tilespmem:s21+$0x7010];
	_ =	sdelay $0x1  }
0x22: {  	v2 =	vadd.f32 v3, v2;
	_ =	sdelay $0x1  }
0x23: {  	v3 =	vmul.f32 $2.000000030e-01, v2  }
0x24: {  	vm14 =	vgt.f32 v2, $0.0e+00;
	v4 =	vadd.f32 v0, v1  }
0x25: {  	v0 =	vsel vm14, v2, v3  }
0x26: {  	s20 =	simm.s32 $0x180;
	v1 =	vmul.f32 $1.442695020e+00, v0;
	v2 =	vmul.f32 $2.000000030e-01, v4  }
0x27: {  	v0 =	vld [tilespmem:s20+$0x3000]  }
0x28: {  	(erf) = vpow2.f32 v1;
	v1 =	vld [tilespmem:s20+$0x7010]  }
0x29: {  	vm15 =	vgt.f32 v4, $0.0e+00  }
0x2a: {  	s22 =	simm.s32 $0x800;
	v3 =	vsel vm15, v4, v2;
	v2 =	vpop (erf)  }
.LBB2_3:
0x2b: {  	s23 =	sshra.s32 s22, $0x2  }
0x2c: {  	v3 =	vmul.f32 $1.442695020e+00, v3;
	[tilespmem:s18+$0xB000] =	vst v2;
	s18 =	smov.u32 s19;
	s19 =	smov.u32 s21;
	p0 =	sne.s32 s22, $0xFE00  }
.Ltmp0:
0x2d: {  	s22 =	sadd.s32 $0x200, s22;
	v2 =	vadd.f32 v1, v0;
	v0 =	vld [tilespmem:s23+$0x3000];
	(pc) =	sbr.rel @p0 .LBB2_3-.Ltmp0, $4  }
0x2e: {  	s21 =	smov.u32 s20;
	s20 =	smov.u32 s23;
	v1 =	vld [tilespmem:s23+$0x7010];
	(erf) = vpow2.f32 v3  }
0x2f: {  	v3 =	vmul.f32 $2.000000030e-01, v2  }
0x30: {  	vm0 =	vgt.f32 v2, $0.0e+00  }
0x31: {  	v3 =	vsel vm0, v2, v3;
	v2 =	vpop (erf)  }
0x32: {  	_ = 	snop  }
0x33: {  	v0 =	vadd.f32 v1, v0;
	_ =	sdelay $0x1  }
0x34: {  	v1 =	vmul.f32 $2.000000030e-01, v0  }
0x35: {  	vm0 =	vgt.f32 v0, $0.0e+00  }
0x36: {  	v60 =	vmul.f32 $1.442695020e+00, v3;
	v0 =	vsel vm0, v0, v1  }
0x37: {  	v0 =	vmul.f32 $1.442695020e+00, v0  }
0x38: {  	(erf) = vpow2.f32 v60  }
0x39: {  	(erf) = vpow2.f32 v0;
	_ =	sdelay $0x6  }
0x3a: {  	[tilespmem:s18+$0xB000] =	vst v2;
	v61 =	vpop (erf)  }
0x3b: {  	s17 =	sadd.s32 s6, s17;
	s16 =	sadd.s32 $0x1, s16;
	[tilespmem:s19+$0xB000] =	vst v61;
	v62 =	vpop (erf)  }
0x3c: {  	s17 =	sshll.u32 s17, $0x4;
	p0 =	sne.s32 s16, $0x30;
	[tilespmem:s21+$0xB000] =	vst v62;
	v63 =	vpop (erf)  }
.Ltmp1:
0x3d: {  	s17 =	sadd.s32 s4, s17;
	[tilespmem:s20+$0xB000] =	vst v63;
	(pc) =	sbr.rel @p0 .LBB2_2-.Ltmp1, $4  }
0x3e: {  	[hbm4b:s17+s2] =	stream.linear.scatter [tilespmem:s14], [sflag:$0x3], $0x4000, $0x38;
	[tilespmem:$0xF000] =	vst v63  }
0x3f: {  	_ =	swait.ge [sflag:s8], $0x4000  }
0x40: {  	[sflag:s8] =	ssyncset.done $0x0  }
0x41: {  	[sflag:s8] =	ssyncadd.s32 $0xFFFFC000  }
0x42: {  	s15 =	sadd.s32 $0x1, s15  }
0x43: {  	p0 =	sne.s32 s15, s7  }
.Ltmp2:
0x44: {  	_ = 	snop;
	(pc) =	sbr.rel @p0 .LBB2_1-.Ltmp2, $1  }
0x45: {  	_ =	sdelay $0x3  }
0x46: {  	_ =	sfence.sel $0x180000  }
0x47: {  	[bflag:$0x0] =	sbarrier.arrive $0xFFFF  }
0x48: {  	p0 =	sne.s32 s1, $0x0;
	_ =	strace $0x90000050  }
0x49: {  	s0 =	sadd.s32 @!p0 $0x100000, s0;
	[bflag:$0x2] =	sbarrier.arrive $0xFFFF  }
0x4a: {  	[sflag:s0] =	ssyncadd.tile.s32 @!p0 $0x1;
	_ =	shalt  }
.Lfunc_end2:
_tile_overlayer_lowered:
.L_overlay_start_2:
0x4b: {  	(tag) =	ssettag $0x2  }
0x4c: {  	s0 =	rddreg [dreg:$0x0];
	s2 =	stileid.u32  }
0x4d: {  	s1 =	rddreg [dreg:$0x1];
	p0 =	sne.s32 s2, $0x0  }
0x4e: {  	s3 =	rddreg [dreg:$0x2];
	[bflag:$0x3] =	sbarrier.arrive $0xFFFF;
	s2 =	simm.s32 @!p0 $0x1C03  }
0x4f: {  	[timem:s3], [sflag:s2] =	dma.local @!p0 [hbm:s0], s1  }
0x50: {  	s0 =	simm.s32 @!p0 $0x3  }
0x51: {  	_ =	swait.ge @!p0 [sflag:s0], s1  }
0x52: {  	s1 =	ssub.s32 @!p0 $0x0, s1;
	[sflag:s0] =	ssyncset.done @!p0 $0x0  }
0x53: {  	[sflag:s0] =	ssyncadd.s32 @!p0 s1  }
0x54: {  	[bflag:$0x3] =	sbarrier.arrive $0xFFFF  }
0x55: {  	_ =	shalt  }

// kernel: scatter_offload_async_start.1
scs
__scs_entry_jumppad:
0x0: {  	(pc) =	sbr.rel $0x88, $3  }
0x1: {  	(tag) =	ssettag $0x0;
	lr =	simm.s32 $0x1  }
0x2: {  	[smem:$0x3F8E] =	sst lr;
	_ =	strace $0xD0000000  }
0x3: {  	_ = 	snop  }
0x4: {  	_ = 	snop  }
0x5: {  	_ = 	snop  }
0x6: {  	_ = 	snop  }
0x7: {  	_ = 	snop  }
__scs_overlays_trampoline_lowered:
0x8: {  	[smem:$0x3F9D] =	sst s0  }
0x9: {  	[smem:$0x3F9E] =	sst s1  }
0xa: {  	[smem:$0x3F9F] =	sst s2  }
0xb: {  	[smem:$0x3FA0] =	sst s3  }
0xc: {  	[smem:$0x3FA1] =	sst s4  }
0xd: {  	[smem:$0x3FA2] =	sst s5  }
0xe: {  	[smem:$0x3FA3] =	sst s6  }
0xf: {  	[smem:$0x3FA4] =	sst s7  }
0x10: {  	[smem:$0x3FA5] =	sst s8  }
0x11: {  	[smem:$0x3FA6] =	sst s9;
	s0 =	simm.s32 @!p0 $0x0  }
0x12: {  	s1 =	sld [smem:$0x3F8C];
	s0 =	simm.s32 @p0 $0x1  }
0x13: {  	[smem:$0x3FA7] =	sst s0;
	s0 =	simm.s32 @!p1 $0x0  }
0x14: {  	s2 =	sld [smem:$0x3F8B];
	s0 =	simm.s32 @p1 $0x1  }
0x15: {  	[smem:$0x3FA8] =	sst s0;
	s0 =	simm.s32 @!p2 $0x0  }
0x16: {  	s3 =	sld [smem:$0x3FDB];
	s0 =	simm.s32 @p2 $0x1  }
0x17: {  	s4 =	simm.s32 $0x1BF5;
	[smem:$0x3FAA] =	sst s0  }
0x18: {  	s0 =	sld [smem:$0x3F8D];
	_ =	swait.ge [sflag:s4], $0x0  }
0x19: {  	s7 =	sld [smem:$0x3F8E]  }
0x1a: {  	s8 =	sadd.s32 $0xFFFFE003, lr  }
0x1b: {  	s9 =	sadd.s32 $0xFFFFFEF7, lr;
	s5 =	simm.s32 $0xFFFFFFFF;
	p2 =	slt.u32 s8, $0xFFFFF086  }
0x1c: {  	p1 =	slt.u32 s9, $0xF7A;
	s5 =	simm.s32 @!p2 $0x0  }
0x1d: {  	s5 =	simm.s32 @p1 $0x1;
	p0 =	seq.s32 s7, s2  }
0x1e: {  	s7 =	smul.u32 @!p0 $0xF7A, s2;
	p2 =	seq.s32 @!p0 s5, $0x0  }
0x1f: {  	s9 =	smul.u32 $0xF7A, s1;
	s8 =	simm.s32 @!p0 $0x1BF5;
	p2 =	por !p2, p0  }
0x20: {  	[sflag:s8] =	ssyncset.s32 @!p0 $0xFFFFF086;
	s6 =	sadd.s32 @!p0 s3, s7;
	s7 =	simm.s32 @!p0 $0x108  }
0x21: {  	s3 =	sadd.s32 s3, s9;
	s6 =	sadd.s32 @!p0 $0x88, s6;
	s7 =	simm.s32 @p2 $0x1082  }
0x22: {  	[simem:s7], [sflag:s8] =	dma.local @!p0 [hbm:s6], $0xF7A  }
0x23: {  	s9 =	sor.u32 $0xD0000000, s2;
	s6 =	simm.s32 $0x108;
	_ =	swait.ge @!p0 [sflag:s8], $0x0  }
0x24: {  	s3 =	sadd.s32 $0x88, s3;
	s6 =	simm.s32 @!p1 $0x1082;
	[sflag:s4] =	ssyncset.s32 $0xFFFFF086  }
0x25: {  	[simem:s6], [sflag:s4] =	dma.local [hbm:s3], $0xF7A  }
0x26: {  	[smem:$0x3F8E] =	sst s1;
	(tag) =	ssettag s2;
	_ =	strace s9  }
0x27: {  	s1 =	sld [smem:$0x3F9E]  }
0x28: {  	s2 =	sld [smem:$0x3F9F]  }
0x29: {  	s4 =	sld [smem:$0x3FA1]  }
0x2a: {  	p0 =	seq.s32 s5, $0x0;
	s5 =	sld [smem:$0x3FA2]  }
0x2b: {  	s6 =	sld [smem:$0x3FA3]  }
0x2c: {  	s7 =	sld [smem:$0x3FA4]  }
0x2d: {  	s3 =	simm.s32 $0x108;
	s8 =	sld [smem:$0x3FA5]  }
0x2e: {  	s3 =	simm.s32 @!p0 $0x1082;
	s9 =	sld [smem:$0x3FA6]  }
0x2f: {  	lr =	sadd.s32 s0, s3;
	s0 =	sld [smem:$0x3F9D]  }
0x30: {  	s3 =	sld [smem:$0x3FA0]  }
0x31: {  	[smem:$0x3FA9] =	sst s10  }
0x32: {  	s10 =	sld [smem:$0x3FA7];
	_ =	sdelay $0x3  }
0x33: {  	p0 =	seq.s32 s10, $0x1;
	s10 =	sld [smem:$0x3FA9];
	_ =	sdelay $0x3  }
0x34: {  	[smem:$0x3FA9] =	sst s10  }
0x35: {  	s10 =	sld [smem:$0x3FA8];
	_ =	sdelay $0x3  }
0x36: {  	p1 =	seq.s32 s10, $0x1;
	s10 =	sld [smem:$0x3FA9];
	_ =	sdelay $0x3  }
0x37: {  	[smem:$0x3FA9] =	sst s10  }
0x38: {  	s10 =	sld [smem:$0x3FAA]  }
0x39: {  	_ = 	snop;
	(pc) =	sbr.ind lr, $3  }
0x3a: {  	_ = 	snop  }
0x3b: {  	_ = 	snop  }
0x3c: {  	p2 =	seq.s32 s10, $0x1;
	s10 =	sld [smem:$0x3FA9]  }
0x3d: {  	_ =	shalt  }
0x3e: {  	_ =	shalt  }
0x3f: {  	_ =	shalt  }
0x40: {  	_ =	shalt  }
0x41: {  	_ =	shalt  }
0x42: {  	_ =	shalt  }
0x43: {  	_ =	shalt  }
0x44: {  	_ =	shalt  }
0x45: {  	_ =	shalt  }
0x46: {  	_ =	shalt  }
0x47: {  	_ =	shalt  }
0x48: {  	_ =	shalt  }
0x49: {  	_ =	shalt  }
0x4a: {  	_ =	shalt  }
0x4b: {  	_ =	shalt  }
0x4c: {  	_ =	shalt  }
0x4d: {  	_ =	shalt  }
0x4e: {  	_ =	shalt  }
0x4f: {  	_ =	shalt  }
0x50: {  	_ =	shalt  }
0x51: {  	_ =	shalt  }
0x52: {  	_ =	shalt  }
0x53: {  	_ =	shalt  }
0x54: {  	_ =	shalt  }
0x55: {  	_ =	shalt  }
0x56: {  	_ =	shalt  }
0x57: {  	_ =	shalt  }
0x58: {  	_ =	shalt  }
0x59: {  	_ =	shalt  }
0x5a: {  	_ =	shalt  }
0x5b: {  	_ =	shalt  }
0x5c: {  	_ =	shalt  }
0x5d: {  	_ =	shalt  }
0x5e: {  	_ =	shalt  }
0x5f: {  	_ =	shalt  }
0x60: {  	_ =	shalt  }
0x61: {  	_ =	shalt  }
0x62: {  	_ =	shalt  }
0x63: {  	_ =	shalt  }
0x64: {  	_ =	shalt  }
0x65: {  	_ =	shalt  }
0x66: {  	_ =	shalt  }
0x67: {  	_ =	shalt  }
0x68: {  	_ =	shalt  }
0x69: {  	_ =	shalt  }
0x6a: {  	_ =	shalt  }
0x6b: {  	_ =	shalt  }
0x6c: {  	_ =	shalt  }
0x6d: {  	_ =	shalt  }
0x6e: {  	_ =	shalt  }
0x6f: {  	_ =	shalt  }
0x70: {  	_ =	shalt  }
0x71: {  	_ =	shalt  }
0x72: {  	_ =	shalt  }
0x73: {  	_ =	shalt  }
0x74: {  	_ =	shalt  }
0x75: {  	_ =	shalt  }
0x76: {  	_ =	shalt  }
0x77: {  	_ =	shalt  }
0x78: {  	_ =	shalt  }
0x79: {  	_ =	shalt  }
0x7a: {  	_ =	shalt  }
0x7b: {  	_ =	shalt  }
0x7c: {  	_ =	shalt  }
0x7d: {  	_ =	shalt  }
0x7e: {  	_ =	shalt  }
0x7f: {  	_ =	shalt  }
0x80: {  	_ =	shalt  }
0x81: {  	_ =	shalt  }
0x82: {  	_ =	shalt  }
0x83: {  	_ =	shalt  }
0x84: {  	_ =	shalt  }
0x85: {  	_ =	shalt  }
0x86: {  	_ =	shalt  }
0x87: {  	_ =	shalt  }
.Lfunc_end0:
.L_simem_size_0:
called_computation.1_lowered:
.L_overlay_start_0:
0x88: {  	s0 =	sld [smem:$0x3FD9]  }
0x89: {  	s1 =	sld [smem:$0x3FFE];
	_ =	sdelay $0x3  }
0x8a: {  	s0 =	sadd.s32 s1, s0  }
0x8b: {  	[smem:$0x3FB5] =	sst s0  }
0x8c: {  	_ = 	snop  }
0x8d: {  	(tm) =	ssettm $0x1  }
0x8e: {  	s15 =	sld [smem:$0x3FFB];
	_ =	sdelay $0x3  }
0x8f: {  	_ =	strace s15  }
0x90: {  	s0 =	sld [smem:$0x3FFC];
	_ =	sdelay $0x3  }
0x91: {  	_ =	strace s0  }
0x92: {  	s0 =	sld [smem:$0x3FFD];
	_ =	sdelay $0x3  }
0x93: {  	_ =	strace s0  }
0x94: {  	_ =	strace $0x8FFFFFFF  }
0x95: {  	s16 =	sld [smem:$0x3FDB];
	_ =	sdelay $0x1  }
0x96: {  	s17 =	simm.s32 $_scs_section_size  }
0x97: {  	s2 =	simm.s32 $_size__tile_overlayer_lowered;
	s3 =	simm.s32 $_tile_overlayer_lowered  }
0x98: {  	s20 =	simm.s32 $0x1BFF;
	s19 =	sshll.u32 s3, $0x1;
	s0 =	sadd.s32 s17, s16  }
0x99: {  	s4 =	simm.s32 $0x0;
	s18 =	sshll.u32 s2, $0x1;
	s2 =	sadd.s32 s19, s0  }
0x9a: {  	[timem:s4], [sflag:s20] =	dma.local [hbm:s2], s18  }
0x9b: {  	_ =	swait.ge [sflag:s20], s18  }
0x9c: {  	s1 =	ssub.s32 $0x0, s18;
	[sflag:s20] =	ssyncset.done $0x0  }
0x9d: {  	[sflag:s20] =	ssyncadd.s32 s1;
	_ =	sdelay $0x1  }
0x9e: {  	s21 =	simm.s32 $0x1B8B  }
0x9f: {  	_ =	swait.ge [sflag:s21], $0x1  }
0xa0: {  	[sflag:s21] =	ssyncset.done $0x0  }
0xa1: {  	s23 =	simm.s32 $0x1B8E;
	s22 =	sld [smem:$0x3FFE];
	[sflag:s21] =	ssyncadd.s32 $0xFFFFFFFF  }
0xa2: {  	s24 =	simm.s32 $execute0_lowered;
	[smem:$0x3FD2] =	sst s23  }
0xa3: {  	s2 =	sshll.u32 s24, $0x1;
	_ =	strace $0x80000052;
	[dreg:$0x1] =	wrdreg $0xFFFFFFFF  }
0xa4: {  	s25 =	simm.s32 $_size_execute0_lowered;
	s0 =	sadd.s32 s0, s2;
	[dreg:$0x0] =	wrdreg $0x0  }
0xa5: {  	s2 =	sshll.u32 s25, $0x1;
	[dreg:$0x2] =	wrdreg s0  }
0xa6: {  	[dreg:$0x3] =	wrdreg s2  }
0xa7: {  	[dreg:$0x4] =	wrdreg $0xC0  }
0xa8: {  	_ =	task [dreg:s4], $0x5FFFF  }
0xa9: {  	[dreg:$0x1] =	wrdreg $0xFFFFFFFF  }
0xaa: {  	[dreg:$0x0] =	wrdreg $0x60  }
0xab: {  	[dreg:$0x2] =	wrdreg s22  }
0xac: {  	[dreg:$0x3] =	wrdreg $0x9  }
0xad: {  	_ =	task.clear_ibuf [dreg:s4], $0x4FFFF;
	_ =	strace $0x90000052  }
0xae: {  	s26 =	simm.s32 $0x9;
	_ =	strace $0x80000054  }
0xaf: {  	_ =	swait.ge [sflag:s26], $0x1  }
0xb0: {  	[sflag:s26] =	ssyncadd.s32 $0xFFFFFFFF  }
0xb1: {  	_ =	strace $0x90000054  }
0xb2: {  	_ =	sfence  }
0xb3: {  	s28 =	sld [smem:$0x0];
	_ =	sdelay $0x1  }
0xb4: {  	s29 =	srdreg.scid  }
0xb5: {  	s30 =	sshll.u32 s29, $0xD;
	s31 =	sshrl.u32 s29, $0x2  }
0xb6: {  	s1 =	sand.u32 $0x1, s29;
	s2 =	sand.u32 $0x4000, s30;
	s0 =	sadd.s32 s31, s28  }
0xb7: {  	s1 =	sor.u32 s2, s1;
	s0 =	sshll.u32 s0, $0x11  }
0xb8: {  	s0 =	sor.u32 s0, s1  }
0xb9: {  	s0 =	sadd.s32 $0x8F2B, s0  }
0xba: {  	[sflag:s0] =	ssyncadd.remote.s32 $0x1  }
0xbb: {  	_ =	sfence.sel $0xFFFF  }
0xbc: {  	[dreg:$0x0] =	wrdreg $0xFFFFFFFF;
	(pc) =	sbr.abs _section_cstart, $3  }
0xbd: {  	[dreg:$0x1] =	wrdreg $0xFFFFFFFF  }
0xbe: {  	_ =	task.clear_ibuf [dreg:s4], $0x2FFFF;
	_ =	strace $0x9FFFFFFF  }
0xbf: {  	(tm) =	ssettm $0x7FFFFFFF  }
tec
execute0_lowered:
.L_overlay_start_1:
0x0: {  	(tag) =	ssettag $0x1  }
0x1: {  	s8 =	rddreg [dreg:$0x0];
	_ =	strace $0x80000053;
	s11 =	simm.s32 $0x1  }
0x2: {  	v0 =	vimm.s32 $0x0;
	[sflag:s11] =	ssyncpa.u1 $0x0  }
0x3: {  	[tilespmem:$0x28] =	vst v0  }
0x4: {  	[tilespmem:$0x38] =	vst v0  }
0x5: {  	[tilespmem:$0x48] =	vst v0  }
0x6: {  	[tilespmem:$0x58] =	vst v0  }
0x7: {  	[tilespmem:$0x68] =	vst v0  }
0x8: {  	[tilespmem:$0x78] =	vst v0  }
0x9: {  	[tilespmem:$0x88] =	vst v0  }
0xa: {  	[tilespmem:$0x98] =	vst v0  }
0xb: {  	[tilespmem:$0xA8] =	vst v0  }
0xc: {  	[tilespmem:$0xB8] =	vst v0  }
0xd: {  	[tilespmem:$0xC8] =	vst v0  }
0xe: {  	[tilespmem:$0xD8] =	vst v0  }
0xf: {  	[tilespmem:$0xE8] =	vst v0  }
0x10: {  	[tilespmem:$0xF8] =	vst v0  }
0x11: {  	[tilespmem:$0x108] =	vst v0  }
0x12: {  	[tilespmem:$0x118] =	vst v0  }
0x13: {  	[tilespmem:$0x128] =	vst v0  }
0x14: {  	[tilespmem:$0x138] =	vst v0  }
0x15: {  	[tilespmem:$0x148] =	vst v0  }
0x16: {  	[tilespmem:$0x158] =	vst v0  }
0x17: {  	[tilespmem:$0x168] =	vst v0  }
0x18: {  	[tilespmem:$0x178] =	vst v0  }
0x19: {  	[tilespmem:$0x188] =	vst v0  }
0x1a: {  	[tilespmem:$0x198] =	vst v0  }
0x1b: {  	[tilespmem:$0x1A8] =	vst v0  }
0x1c: {  	[tilespmem:$0x1B8] =	vst v0  }
0x1d: {  	[tilespmem:$0x1C8] =	vst v0  }
0x1e: {  	[tilespmem:$0x1D8] =	vst v0  }
0x1f: {  	[tilespmem:$0x1E8] =	vst v0  }
0x20: {  	[tilespmem:$0x1F8] =	vst v0  }
0x21: {  	[tilespmem:$0x208] =	vst v0  }
0x22: {  	[tilespmem:$0x218] =	vst v0  }
0x23: {  	[tilespmem:$0x228] =	vst v0  }
0x24: {  	[tilespmem:$0x238] =	vst v0  }
0x25: {  	[tilespmem:$0x248] =	vst v0  }
0x26: {  	[tilespmem:$0x258] =	vst v0  }
0x27: {  	[tilespmem:$0x268] =	vst v0  }
0x28: {  	[tilespmem:$0x278] =	vst v0  }
0x29: {  	[tilespmem:$0x288] =	vst v0  }
0x2a: {  	[tilespmem:$0x298] =	vst v0  }
0x2b: {  	[tilespmem:$0x2A8] =	vst v0  }
0x2c: {  	[tilespmem:$0x2B8] =	vst v0  }
0x2d: {  	[tilespmem:$0x2C8] =	vst v0  }
0x2e: {  	[tilespmem:$0x2D8] =	vst v0  }
0x2f: {  	[tilespmem:$0x2E8] =	vst v0  }
0x30: {  	[tilespmem:$0x2F8] =	vst v0  }
0x31: {  	[tilespmem:$0x308] =	vst v0  }
0x32: {  	[tilespmem:$0x318] =	vst v0  }
0x33: {  	[tilespmem:$0x328] =	vst v0  }
0x34: {  	[tilespmem:$0x338] =	vst v0  }
0x35: {  	[tilespmem:$0x348] =	vst v0  }
0x36: {  	[tilespmem:$0x358] =	vst v0  }
0x37: {  	[tilespmem:$0x368] =	vst v0  }
0x38: {  	[tilespmem:$0x378] =	vst v0  }
0x39: {  	[tilespmem:$0x388] =	vst v0  }
0x3a: {  	[tilespmem:$0x398] =	vst v0  }
0x3b: {  	[tilespmem:$0x3A8] =	vst v0  }
0x3c: {  	[tilespmem:$0x3B8] =	vst v0  }
0x3d: {  	[tilespmem:$0x3C8] =	vst v0  }
0x3e: {  	[tilespmem:$0x3D8] =	vst v0  }
0x3f: {  	[tilespmem:$0x3E8] =	vst v0  }
0x40: {  	[tilespmem:$0x3F8] =	vst v0  }
0x41: {  	[tilespmem:$0x408] =	vst v0  }
0x42: {  	[tilespmem:$0x418] =	vst v0  }
0x43: {  	[tilespmem:$0x428] =	vst v0  }
0x44: {  	[tilespmem:$0x438] =	vst v0  }
0x45: {  	[tilespmem:$0x448] =	vst v0  }
0x46: {  	[tilespmem:$0x458] =	vst v0  }
0x47: {  	[tilespmem:$0x468] =	vst v0  }
0x48: {  	[tilespmem:$0x478] =	vst v0  }
0x49: {  	[tilespmem:$0x488] =	vst v0  }
0x4a: {  	[tilespmem:$0x498] =	vst v0  }
0x4b: {  	[tilespmem:$0x4A8] =	vst v0  }
0x4c: {  	[tilespmem:$0x4B8] =	vst v0  }
0x4d: {  	[tilespmem:$0x4C8] =	vst v0  }
0x4e: {  	[tilespmem:$0x4D8] =	vst v0  }
0x4f: {  	[tilespmem:$0x4E8] =	vst v0  }
0x50: {  	[tilespmem:$0x4F8] =	vst v0  }
0x51: {  	[tilespmem:$0x508] =	vst v0  }
0x52: {  	[tilespmem:$0x518] =	vst v0  }
0x53: {  	[tilespmem:$0x528] =	vst v0  }
0x54: {  	[tilespmem:$0x538] =	vst v0  }
0x55: {  	[tilespmem:$0x548] =	vst v0  }
0x56: {  	[tilespmem:$0x558] =	vst v0  }
0x57: {  	[tilespmem:$0x568] =	vst v0  }
0x58: {  	[tilespmem:$0x578] =	vst v0  }
0x59: {  	[tilespmem:$0x588] =	vst v0  }
0x5a: {  	[tilespmem:$0x598] =	vst v0  }
0x5b: {  	[tilespmem:$0x5A8] =	vst v0  }
0x5c: {  	[tilespmem:$0x5B8] =	vst v0  }
0x5d: {  	[tilespmem:$0x5C8] =	vst v0  }
0x5e: {  	[tilespmem:$0x5D8] =	vst v0  }
0x5f: {  	[tilespmem:$0x5E8] =	vst v0  }
0x60: {  	[tilespmem:$0x5F8] =	vst v0  }
0x61: {  	[tilespmem:$0x608] =	vst v0  }
0x62: {  	[tilespmem:$0x618] =	vst v0  }
0x63: {  	[tilespmem:$0x628] =	vst v0  }
0x64: {  	[tilespmem:$0x638] =	vst v0  }
0x65: {  	[tilespmem:$0x648] =	vst v0  }
0x66: {  	[tilespmem:$0x658] =	vst v0  }
0x67: {  	[tilespmem:$0x668] =	vst v0  }
0x68: {  	[tilespmem:$0x678] =	vst v0  }
0x69: {  	[tilespmem:$0x688] =	vst v0  }
0x6a: {  	[tilespmem:$0x698] =	vst v0  }
0x6b: {  	[tilespmem:$0x6A8] =	vst v0  }
0x6c: {  	[tilespmem:$0x6B8] =	vst v0  }
0x6d: {  	[tilespmem:$0x6C8] =	vst v0  }
0x6e: {  	[tilespmem:$0x6D8] =	vst v0  }
0x6f: {  	[tilespmem:$0x6E8] =	vst v0  }
0x70: {  	[tilespmem:$0x6F8] =	vst v0  }
0x71: {  	[tilespmem:$0x708] =	vst v0  }
0x72: {  	[tilespmem:$0x718] =	vst v0  }
0x73: {  	[tilespmem:$0x728] =	vst v0  }
0x74: {  	[tilespmem:$0x738] =	vst v0  }
0x75: {  	[tilespmem:$0x748] =	vst v0  }
0x76: {  	[tilespmem:$0x758] =	vst v0  }
0x77: {  	[tilespmem:$0x768] =	vst v0  }
0x78: {  	[tilespmem:$0x778] =	vst v0  }
0x79: {  	[tilespmem:$0x788] =	vst v0  }
0x7a: {  	[tilespmem:$0x798] =	vst v0  }
0x7b: {  	[tilespmem:$0x7A8] =	vst v0  }
0x7c: {  	[tilespmem:$0x7B8] =	vst v0  }
0x7d: {  	[tilespmem:$0x7C8] =	vst v0  }
0x7e: {  	[tilespmem:$0x7D8] =	vst v0  }
0x7f: {  	[tilespmem:$0x7E8] =	vst v0  }
0x80: {  	[tilespmem:$0x7F8] =	vst v0  }
0x81: {  	[tilespmem:$0x808] =	vst v0  }
0x82: {  	[tilespmem:$0x818] =	vst v0  }
0x83: {  	[tilespmem:$0x828] =	vst v0  }
0x84: {  	[tilespmem:$0x838] =	vst v0  }
0x85: {  	[tilespmem:$0x848] =	vst v0  }
0x86: {  	[tilespmem:$0x858] =	vst v0  }
0x87: {  	[tilespmem:$0x868] =	vst v0  }
0x88: {  	[tilespmem:$0x878] =	vst v0  }
0x89: {  	[tilespmem:$0x888] =	vst v0  }
0x8a: {  	[tilespmem:$0x898] =	vst v0  }
0x8b: {  	[tilespmem:$0x8A8] =	vst v0  }
0x8c: {  	[tilespmem:$0x8B8] =	vst v0  }
0x8d: {  	[tilespmem:$0x8C8] =	vst v0  }
0x8e: {  	[tilespmem:$0x8D8] =	vst v0  }
0x8f: {  	[tilespmem:$0x8E8] =	vst v0  }
0x90: {  	[tilespmem:$0x8F8] =	vst v0  }
0x91: {  	[tilespmem:$0x908] =	vst v0  }
0x92: {  	[tilespmem:$0x918] =	vst v0  }
0x93: {  	[tilespmem:$0x928] =	vst v0  }
0x94: {  	[tilespmem:$0x938] =	vst v0  }
0x95: {  	[tilespmem:$0x948] =	vst v0  }
0x96: {  	[tilespmem:$0x958] =	vst v0  }
0x97: {  	[tilespmem:$0x968] =	vst v0  }
0x98: {  	[tilespmem:$0x978] =	vst v0  }
0x99: {  	[tilespmem:$0x988] =	vst v0  }
0x9a: {  	[tilespmem:$0x998] =	vst v0  }
0x9b: {  	[tilespmem:$0x9A8] =	vst v0  }
0x9c: {  	[tilespmem:$0x9B8] =	vst v0  }
0x9d: {  	[tilespmem:$0x9C8] =	vst v0  }
0x9e: {  	[tilespmem:$0x9D8] =	vst v0  }
0x9f: {  	[tilespmem:$0x9E8] =	vst v0  }
0xa0: {  	[tilespmem:$0x9F8] =	vst v0  }
0xa1: {  	[tilespmem:$0xA08] =	vst v0  }
0xa2: {  	[tilespmem:$0xA18] =	vst v0  }
0xa3: {  	[tilespmem:$0xA28] =	vst v0  }
0xa4: {  	[tilespmem:$0xA38] =	vst v0  }
0xa5: {  	[tilespmem:$0xA48] =	vst v0  }
0xa6: {  	[tilespmem:$0xA58] =	vst v0  }
0xa7: {  	[tilespmem:$0xA68] =	vst v0  }
0xa8: {  	[tilespmem:$0xA78] =	vst v0  }
0xa9: {  	[tilespmem:$0xA88] =	vst v0  }
0xaa: {  	[tilespmem:$0xA98] =	vst v0  }
0xab: {  	[tilespmem:$0xAA8] =	vst v0  }
0xac: {  	[tilespmem:$0xAB8] =	vst v0  }
0xad: {  	[tilespmem:$0xAC8] =	vst v0  }
0xae: {  	[tilespmem:$0xAD8] =	vst v0  }
0xaf: {  	[tilespmem:$0xAE8] =	vst v0  }
0xb0: {  	[tilespmem:$0xAF8] =	vst v0  }
0xb1: {  	[tilespmem:$0xB08] =	vst v0  }
0xb2: {  	[tilespmem:$0xB18] =	vst v0  }
0xb3: {  	[tilespmem:$0xB28] =	vst v0  }
0xb4: {  	[tilespmem:$0xB38] =	vst v0  }
0xb5: {  	[tilespmem:$0xB48] =	vst v0  }
0xb6: {  	[tilespmem:$0xB58] =	vst v0  }
0xb7: {  	[tilespmem:$0xB68] =	vst v0  }
0xb8: {  	[tilespmem:$0xB78] =	vst v0  }
0xb9: {  	[tilespmem:$0xB88] =	vst v0  }
0xba: {  	[tilespmem:$0xB98] =	vst v0  }
0xbb: {  	[tilespmem:$0xBA8] =	vst v0  }
0xbc: {  	[tilespmem:$0xBB8] =	vst v0  }
0xbd: {  	[tilespmem:$0xBC8] =	vst v0  }
0xbe: {  	[tilespmem:$0xBD8] =	vst v0  }
0xbf: {  	[tilespmem:$0xBE8] =	vst v0  }
0xc0: {  	[tilespmem:$0xBF8] =	vst v0  }
0xc1: {  	[tilespmem:$0xC08] =	vst v0  }
0xc2: {  	[tilespmem:$0xC18] =	vst v0  }
0xc3: {  	[tilespmem:$0xC28] =	vst v0  }
0xc4: {  	[tilespmem:$0xC38] =	vst v0  }
0xc5: {  	[tilespmem:$0xC48] =	vst v0  }
0xc6: {  	[tilespmem:$0xC58] =	vst v0  }
0xc7: {  	[tilespmem:$0xC68] =	vst v0  }
0xc8: {  	[tilespmem:$0xC78] =	vst v0  }
0xc9: {  	[tilespmem:$0xC88] =	vst v0  }
0xca: {  	[tilespmem:$0xC98] =	vst v0  }
0xcb: {  	[tilespmem:$0xCA8] =	vst v0  }
0xcc: {  	[tilespmem:$0xCB8] =	vst v0  }
0xcd: {  	[tilespmem:$0xCC8] =	vst v0  }
0xce: {  	[tilespmem:$0xCD8] =	vst v0  }
0xcf: {  	[tilespmem:$0xCE8] =	vst v0  }
0xd0: {  	[tilespmem:$0xCF8] =	vst v0  }
0xd1: {  	[tilespmem:$0xD08] =	vst v0  }
0xd2: {  	[tilespmem:$0xD18] =	vst v0  }
0xd3: {  	[tilespmem:$0xD28] =	vst v0  }
0xd4: {  	[tilespmem:$0xD38] =	vst v0  }
0xd5: {  	[tilespmem:$0xD48] =	vst v0  }
0xd6: {  	[tilespmem:$0xD58] =	vst v0  }
0xd7: {  	[tilespmem:$0xD68] =	vst v0  }
0xd8: {  	[tilespmem:$0xD78] =	vst v0  }
0xd9: {  	[tilespmem:$0xD88] =	vst v0  }
0xda: {  	[tilespmem:$0xD98] =	vst v0  }
0xdb: {  	[tilespmem:$0xDA8] =	vst v0  }
0xdc: {  	[tilespmem:$0xDB8] =	vst v0  }
0xdd: {  	[tilespmem:$0xDC8] =	vst v0  }
0xde: {  	[tilespmem:$0xDD8] =	vst v0  }
0xdf: {  	[tilespmem:$0xDE8] =	vst v0  }
0xe0: {  	[tilespmem:$0xDF8] =	vst v0  }
0xe1: {  	[tilespmem:$0xE08] =	vst v0  }
0xe2: {  	[tilespmem:$0xE18] =	vst v0  }
0xe3: {  	[tilespmem:$0xE28] =	vst v0  }
0xe4: {  	[tilespmem:$0xE38] =	vst v0  }
0xe5: {  	[tilespmem:$0xE48] =	vst v0  }
0xe6: {  	[tilespmem:$0xE58] =	vst v0  }
0xe7: {  	[tilespmem:$0xE68] =	vst v0  }
0xe8: {  	[tilespmem:$0xE78] =	vst v0  }
0xe9: {  	[tilespmem:$0xE88] =	vst v0  }
0xea: {  	[tilespmem:$0xE98] =	vst v0  }
0xeb: {  	[tilespmem:$0xEA8] =	vst v0  }
0xec: {  	[tilespmem:$0xEB8] =	vst v0  }
0xed: {  	[tilespmem:$0xEC8] =	vst v0  }
0xee: {  	[tilespmem:$0xED8] =	vst v0  }
0xef: {  	[tilespmem:$0xEE8] =	vst v0  }
0xf0: {  	[tilespmem:$0xEF8] =	vst v0  }
0xf1: {  	[tilespmem:$0xF08] =	vst v0  }
0xf2: {  	[tilespmem:$0xF18] =	vst v0  }
0xf3: {  	[tilespmem:$0xF28] =	vst v0  }
0xf4: {  	[tilespmem:$0xF38] =	vst v0  }
0xf5: {  	[tilespmem:$0xF48] =	vst v0  }
0xf6: {  	[tilespmem:$0xF58] =	vst v0  }
0xf7: {  	[tilespmem:$0xF68] =	vst v0  }
0xf8: {  	[tilespmem:$0xF78] =	vst v0  }
0xf9: {  	[tilespmem:$0xF88] =	vst v0  }
0xfa: {  	[tilespmem:$0xF98] =	vst v0  }
0xfb: {  	[tilespmem:$0xFA8] =	vst v0  }
0xfc: {  	[tilespmem:$0xFB8] =	vst v0  }
0xfd: {  	[tilespmem:$0xFC8] =	vst v0  }
0xfe: {  	[tilespmem:$0xFD8] =	vst v0  }
0xff: {  	[tilespmem:$0xFE8] =	vst v0  }
0x100: {  	[tilespmem:$0xFF8] =	vst v0  }
0x101: {  	[tilespmem:$0x1018] =	vst v0  }
0x102: {  	[tilespmem:$0x10D8] =	vst v0  }
0x103: {  	[tilespmem:$0x1B28] =	vst v0  }
0x104: {  	[tilespmem:$0x1B18] =	vst v0  }
0x105: {  	[tilespmem:$0x1B08] =	vst v0  }
0x106: {  	[tilespmem:$0x1AF8] =	vst v0  }
0x107: {  	[tilespmem:$0x1AE8] =	vst v0  }
0x108: {  	[tilespmem:$0x1AD8] =	vst v0  }
0x109: {  	[tilespmem:$0x1AC8] =	vst v0  }
0x10a: {  	[tilespmem:$0x1AB8] =	vst v0  }
0x10b: {  	[tilespmem:$0x1AA8] =	vst v0  }
0x10c: {  	[tilespmem:$0x1A98] =	vst v0  }
0x10d: {  	[tilespmem:$0x1A88] =	vst v0  }
0x10e: {  	[tilespmem:$0x1A78] =	vst v0  }
0x10f: {  	[tilespmem:$0x1A68] =	vst v0  }
0x110: {  	[tilespmem:$0x1A58] =	vst v0  }
0x111: {  	[tilespmem:$0x1A48] =	vst v0  }
0x112: {  	[tilespmem:$0x1A38] =	vst v0  }
0x113: {  	[tilespmem:$0x1A28] =	vst v0  }
0x114: {  	[tilespmem:$0x1A18] =	vst v0  }
0x115: {  	[tilespmem:$0x1A08] =	vst v0  }
0x116: {  	[tilespmem:$0x19F8] =	vst v0  }
0x117: {  	[tilespmem:$0x19E8] =	vst v0  }
0x118: {  	[tilespmem:$0x19D8] =	vst v0  }
0x119: {  	[tilespmem:$0x19C8] =	vst v0  }
0x11a: {  	[tilespmem:$0x19B8] =	vst v0  }
0x11b: {  	[tilespmem:$0x19A8] =	vst v0  }
0x11c: {  	[tilespmem:$0x1998] =	vst v0  }
0x11d: {  	[tilespmem:$0x1988] =	vst v0  }
0x11e: {  	[tilespmem:$0x1978] =	vst v0  }
0x11f: {  	[tilespmem:$0x1968] =	vst v0  }
0x120: {  	[tilespmem:$0x1958] =	vst v0  }
0x121: {  	[tilespmem:$0x1948] =	vst v0  }
0x122: {  	[tilespmem:$0x1938] =	vst v0  }
0x123: {  	[tilespmem:$0x1928] =	vst v0  }
0x124: {  	[tilespmem:$0x1918] =	vst v0  }
0x125: {  	[tilespmem:$0x1908] =	vst v0  }
0x126: {  	[tilespmem:$0x18F8] =	vst v0  }
0x127: {  	[tilespmem:$0x18E8] =	vst v0  }
0x128: {  	[tilespmem:$0x18D8] =	vst v0  }
0x129: {  	[tilespmem:$0x18C8] =	vst v0  }
0x12a: {  	[tilespmem:$0x18B8] =	vst v0  }
0x12b: {  	[tilespmem:$0x18A8] =	vst v0  }
0x12c: {  	[tilespmem:$0x1898] =	vst v0  }
0x12d: {  	[tilespmem:$0x1888] =	vst v0  }
0x12e: {  	[tilespmem:$0x1878] =	vst v0  }
0x12f: {  	[tilespmem:$0x1868] =	vst v0  }
0x130: {  	[tilespmem:$0x1858] =	vst v0  }
0x131: {  	[tilespmem:$0x1848] =	vst v0  }
0x132: {  	[tilespmem:$0x1838] =	vst v0  }
0x133: {  	[tilespmem:$0x1828] =	vst v0  }
0x134: {  	[tilespmem:$0x1818] =	vst v0  }
0x135: {  	[tilespmem:$0x1808] =	vst v0  }
0x136: {  	[tilespmem:$0x17F8] =	vst v0  }
0x137: {  	[tilespmem:$0x17E8] =	vst v0  }
0x138: {  	[tilespmem:$0x17D8] =	vst v0  }
0x139: {  	[tilespmem:$0x17C8] =	vst v0  }
0x13a: {  	[tilespmem:$0x17B8] =	vst v0  }
0x13b: {  	[tilespmem:$0x17A8] =	vst v0  }
0x13c: {  	[tilespmem:$0x1798] =	vst v0  }
0x13d: {  	[tilespmem:$0x1788] =	vst v0  }
0x13e: {  	[tilespmem:$0x1778] =	vst v0  }
0x13f: {  	[tilespmem:$0x1768] =	vst v0  }
0x140: {  	[tilespmem:$0x1758] =	vst v0  }
0x141: {  	[tilespmem:$0x1748] =	vst v0  }
0x142: {  	[tilespmem:$0x1738] =	vst v0  }
0x143: {  	[tilespmem:$0x1728] =	vst v0  }
0x144: {  	[tilespmem:$0x1718] =	vst v0  }
0x145: {  	[tilespmem:$0x1708] =	vst v0  }
0x146: {  	[tilespmem:$0x16F8] =	vst v0  }
0x147: {  	[tilespmem:$0x16E8] =	vst v0  }
0x148: {  	[tilespmem:$0x16D8] =	vst v0  }
0x149: {  	[tilespmem:$0x16C8] =	vst v0  }
0x14a: {  	[tilespmem:$0x16B8] =	vst v0  }
0x14b: {  	[tilespmem:$0x16A8] =	vst v0  }
0x14c: {  	[tilespmem:$0x1698] =	vst v0  }
0x14d: {  	[tilespmem:$0x1688] =	vst v0  }
0x14e: {  	[tilespmem:$0x1678] =	vst v0  }
0x14f: {  	[tilespmem:$0x1668] =	vst v0  }
0x150: {  	[tilespmem:$0x1658] =	vst v0  }
0x151: {  	[tilespmem:$0x1648] =	vst v0  }
0x152: {  	[tilespmem:$0x1638] =	vst v0  }
0x153: {  	[tilespmem:$0x1628] =	vst v0  }
0x154: {  	[tilespmem:$0x1618] =	vst v0  }
0x155: {  	[tilespmem:$0x1608] =	vst v0  }
0x156: {  	[tilespmem:$0x15F8] =	vst v0  }
0x157: {  	[tilespmem:$0x15E8] =	vst v0  }
0x158: {  	[tilespmem:$0x15D8] =	vst v0  }
0x159: {  	[tilespmem:$0x15C8] =	vst v0  }
0x15a: {  	[tilespmem:$0x15B8] =	vst v0  }
0x15b: {  	[tilespmem:$0x15A8] =	vst v0  }
0x15c: {  	[tilespmem:$0x1598] =	vst v0  }
0x15d: {  	[tilespmem:$0x1588] =	vst v0  }
0x15e: {  	[tilespmem:$0x1578] =	vst v0  }
0x15f: {  	[tilespmem:$0x1568] =	vst v0  }
0x160: {  	[tilespmem:$0x1558] =	vst v0  }
0x161: {  	[tilespmem:$0x1548] =	vst v0  }
0x162: {  	[tilespmem:$0x1538] =	vst v0  }
0x163: {  	[tilespmem:$0x1528] =	vst v0  }
0x164: {  	[tilespmem:$0x1518] =	vst v0  }
0x165: {  	[tilespmem:$0x1508] =	vst v0  }
0x166: {  	[tilespmem:$0x14F8] =	vst v0  }
0x167: {  	[tilespmem:$0x14E8] =	vst v0  }
0x168: {  	[tilespmem:$0x14D8] =	vst v0  }
0x169: {  	[tilespmem:$0x14C8] =	vst v0  }
0x16a: {  	[tilespmem:$0x14B8] =	vst v0  }
0x16b: {  	[tilespmem:$0x14A8] =	vst v0  }
0x16c: {  	[tilespmem:$0x1498] =	vst v0  }
0x16d: {  	[tilespmem:$0x1488] =	vst v0  }
0x16e: {  	[tilespmem:$0x1478] =	vst v0  }
0x16f: {  	[tilespmem:$0x1468] =	vst v0  }
0x170: {  	[tilespmem:$0x1458] =	vst v0  }
0x171: {  	[tilespmem:$0x1448] =	vst v0  }
0x172: {  	[tilespmem:$0x1438] =	vst v0  }
0x173: {  	[tilespmem:$0x1428] =	vst v0  }
0x174: {  	[tilespmem:$0x1418] =	vst v0  }
0x175: {  	[tilespmem:$0x1408] =	vst v0  }
0x176: {  	[tilespmem:$0x13F8] =	vst v0  }
0x177: {  	[tilespmem:$0x13E8] =	vst v0  }
0x178: {  	[tilespmem:$0x13D8] =	vst v0  }
0x179: {  	[tilespmem:$0x13C8] =	vst v0  }
0x17a: {  	[tilespmem:$0x13B8] =	vst v0  }
0x17b: {  	[tilespmem:$0x13A8] =	vst v0  }
0x17c: {  	[tilespmem:$0x1398] =	vst v0  }
0x17d: {  	[tilespmem:$0x1388] =	vst v0  }
0x17e: {  	[tilespmem:$0x1378] =	vst v0  }
0x17f: {  	[tilespmem:$0x1368] =	vst v0  }
0x180: {  	[tilespmem:$0x1358] =	vst v0  }
0x181: {  	[tilespmem:$0x1348] =	vst v0  }
0x182: {  	[tilespmem:$0x1338] =	vst v0  }
0x183: {  	[tilespmem:$0x1328] =	vst v0  }
0x184: {  	[tilespmem:$0x1318] =	vst v0  }
0x185: {  	[tilespmem:$0x1308] =	vst v0  }
0x186: {  	[tilespmem:$0x12F8] =	vst v0  }
0x187: {  	[tilespmem:$0x12E8] =	vst v0  }
0x188: {  	[tilespmem:$0x12D8] =	vst v0  }
0x189: {  	[tilespmem:$0x12C8] =	vst v0  }
0x18a: {  	[tilespmem:$0x12B8] =	vst v0  }
0x18b: {  	[tilespmem:$0x12A8] =	vst v0  }
0x18c: {  	[tilespmem:$0x1298] =	vst v0  }
0x18d: {  	[tilespmem:$0x1288] =	vst v0  }
0x18e: {  	[tilespmem:$0x1278] =	vst v0  }
0x18f: {  	[tilespmem:$0x1268] =	vst v0  }
0x190: {  	[tilespmem:$0x1258] =	vst v0  }
0x191: {  	[tilespmem:$0x1248] =	vst v0  }
0x192: {  	[tilespmem:$0x1238] =	vst v0  }
0x193: {  	[tilespmem:$0x1228] =	vst v0  }
0x194: {  	[tilespmem:$0x1218] =	vst v0  }
0x195: {  	[tilespmem:$0x1208] =	vst v0  }
0x196: {  	[tilespmem:$0x11F8] =	vst v0  }
0x197: {  	[tilespmem:$0x11E8] =	vst v0  }
0x198: {  	[tilespmem:$0x11D8] =	vst v0  }
0x199: {  	[tilespmem:$0x11C8] =	vst v0  }
0x19a: {  	[tilespmem:$0x11B8] =	vst v0  }
0x19b: {  	[tilespmem:$0x11A8] =	vst v0  }
0x19c: {  	[tilespmem:$0x1198] =	vst v0  }
0x19d: {  	[tilespmem:$0x1188] =	vst v0  }
0x19e: {  	[tilespmem:$0x1178] =	vst v0  }
0x19f: {  	[tilespmem:$0x1168] =	vst v0  }
0x1a0: {  	[tilespmem:$0x1158] =	vst v0  }
0x1a1: {  	[tilespmem:$0x1148] =	vst v0  }
0x1a2: {  	[tilespmem:$0x1138] =	vst v0  }
0x1a3: {  	[tilespmem:$0x1128] =	vst v0  }
0x1a4: {  	[tilespmem:$0x1118] =	vst v0  }
0x1a5: {  	s2 =	stileid.u32;
	[tilespmem:$0x1108] =	vst v0  }
0x1a6: {  	s0 =	smul.u32 $0x18, s2;
	[tilespmem:$0x10F8] =	vst v0  }
0x1a7: {  	s1 =	smin.u32 s2, $0xA;
	[tilespmem:$0x10E8] =	vst v0  }
0x1a8: {  	[tilespmem:$0x10B8] =	vst v0;
	s0 =	sadd.s32 s1, s0  }
0x1a9: {  	p0 =	slt.u32 s2, $0xA;
	[tilespmem:$0x10C8] =	vst v0;
	s1 =	simm.s32 $0x2A30;
	s3 =	smul.u32 $0x1B0, s0  }
0x1aa: {  	s1 =	simm.s32 @!p0 $0x2880;
	[tilespmem:$0x10A8] =	vst v0  }
0x1ab: {  	[tilespmem:$0x1038] =	vst v0;
	s0 =	sadd.s32 s1, s3  }
0x1ac: {  	[tilespmem:$0x1098] =	vst v0;
	s4 =	smin.u32 s0, $0x29810  }
0x1ad: {  	[tilespmem:$0x1088] =	vst v0;
	s0 =	ssub.s32 s4, s3  }
0x1ae: {  	s5 =	simm.s32 $0x2;
	s29 =	simm.s32 $0x7;
	[tilespmem:$0x1078] =	vst v0;
	p0 =	sgt.s32 s0, $0x0  }
0x1af: {  	s13 =	simm.s32 $0x8;
	s30 =	simm.s32 $0x9;
	[tilespmem:$0x1068] =	vst v0;
	s0 =	simm.s32 @!p0 $0x0  }
0x1b0: {  	p4 =	por $0x0, $0x0;
	s14 =	simm.s32 $0xA;
	[tilespmem:$0x1058] =	vst v0;
	s6 =	smulhi.u32 $0x4BDA12F7, s0  }
0x1b1: {  	s18 =	simm.s32 $0x0;
	s15 =	simm.s32 $0x0;
	s17 =	simm.s32 $0x0;
	[tilespmem:$0x1048] =	vst v0  }
0x1b2: {  	s7 =	sadd.s32 $0x1978E00, s8;
	s31 =	sshll.u32 s2, $0x5;
	[tilespmem:$0x1028] =	vst v0;
	s12 =	sshrl.u32 s6, $0x7  }
0x1b3: {  	[tilespmem:$0x1008] =	vst v0;
	[sflag:s5] =	ssyncpa.u1 $0x0;
	v0 =	vimm.s32 $0xFFFFFFFF;
	s5 =	sadd.s32 $0x16C00, s8;
	s10 =	smul.u32 $0x1B0, s12  }
.Ltmp0:
0x1b4: {  	[dreg:$0x2] =	wrdreg s31;
	[tilespmem:$0x3648] =	vst v0;
	[sflag:s29] =	ssyncpa.u1 $0x0;
	(pc) =	sbr.rel .LBB2_1-.Ltmp0, $4  }
0x1b5: {  	[sflag:s13] =	ssyncpa.u1 $0x0;
	s13 =	simm.s32 $0x0;
	p0 =	sne.s32 s0, s10  }
0x1b6: {  	[sflag:s30] =	ssyncpa.u1 $0x0;
	s1 =	sadd.s32 $0x30C00, s8;
	s11 =	simm.s32 @!p0 $0x0  }
0x1b7: {  	s16 =	smov.u32 s3;
	[dreg:$0x3] =	wrdreg s3;
	s11 =	sadd.s32 s11, s12  }
0x1b8: {  	v0 =	vlaneseq.u32;
	s6 =	sadd.s32 $0x11800, s8;
	p0 =	por $0x1, $0x1;
	s8 =	sadd.s32 $0x1, s11  }
.LBB2_18:
0x1b9: {  	s0 =	simm.s32 $0x2  }
0x1ba: {  	_ =	swait.ge [sflag:s0], $0x0  }
0x1bb: {  	[sflag:s0] =	ssyncset.done $0x0;
	s0 =	simm.s32 $0x0  }
.LBB2_19:
0x1bc: {  	_ =	swait.ge [sflag:s14], s0  }
0x1bd: {  	s31 =	ssub.s32 $0x0, s0;
	v1 =	vmov s20;
	vm0 =	veq.s32 v0, $0x0;
	[sflag:s14] =	ssyncset.done $0x0  }
0x1be: {  	vm15 =	veq.s32 v0, $0x2;
	v1 =	vsel vm0, s24, v1;
	[sflag:s14] =	ssyncadd.s32 s31  }
0x1bf: {  	v1 =	vsel vm15, s18, v1;
	[sflag:s14] =	ssyncpa.u1 $0x1  }
0x1c0: {  	[tilespmem:$0x3648] =	vst v1  }
.LBB2_20:
0x1c1: {  	s0 =	sadd.s32 $0x1B0, s16  }
0x1c2: {  	s2 =	smov.u32 s3;
	p1 =	slt.s32 s0, s4  }
0x1c3: {  	s2 =	smov.u32 @p1 s0;
	p1 =	sne.s32 s17, s8  }
.Ltmp1:
0x1c4: {  	_ = 	snop;
	(pc) =	sbr.rel @!p1 .LBB2_21-.Ltmp1, $4  }
0x1c5: {  	_ = 	snop  }
0x1c6: {  	s18 =	smov.u32 s15  }
0x1c7: {  	s31 =	sadd.s32 $0x1, s17;
	s15 =	smov.u32 s16;
	p0 =	por !p0, !p0  }
0x1c8: {  	p4 =	por !p4, !p4;
	s17 =	smov.u32 s31;
	s16 =	smov.u32 s2  }
.LBB2_1:
0x1c9: {  	p2 =	sge.u32 s17, s11  }
0x1ca: {  	s0 =	smulhi.u32 @!p2 $0xAAAAAAAB, s17  }
0x1cb: {  	s19 =	smov.u32 s16;
	p3 =	sgt.s32 @!p2 s16, $0x29660  }
0x1cc: {  	s20 =	sshra.s32 @!p2 s16, $0x1F;
	p3 =	por !p3, p2;
	s0 =	sshrl.u32 @!p2 s0, $0x1  }
0x1cd: {  	s20 =	sand.u32 @!p2 s20, s16;
	s19 =	simm.s32 @p3 $0x29660;
	s0 =	smul.u32 @!p2 $0x3, s0  }
0x1ce: {  	s19 =	ssub.s32 @!p2 s19, s20  }
0x1cf: {  	s19 =	sadd.s32 @!p2 $0xFFFD69A0, s19;
	s0 =	ssub.s32 @!p2 s17, s0  }
0x1d0: {  	s20 =	sshll.u32 @!p2 s19, $0x2;
	p3 =	sgt.s32 @!p2 s19, $0x1AF;
	s0 =	smul.u32 @!p2 $0x6C0, s0  }
0x1d1: {  	s21 =	sand.u32 @!p2 $0x7, s16;
	s19 =	ssub.s32 @!p2 $0x6C0, s20;
	p3 =	por !p3, p2  }
0x1d2: {  	s20 =	sshrl.u32 @!p2 s16, $0x3;
	s19 =	sshrl.u32 @!p2 s19, $0x2;
	s0 =	sshrl.u32 @!p2 s0, $0x2  }
0x1d3: {  	s20 =	sadd.s32 @!p2 s5, s20;
	s19 =	simm.s32 @!p3 $0x0;
	s0 =	sadd.s32 @!p2 $0x3878, s0  }
0x1d4: {  	[tilespmem:s0], [sflag:$0x8] =	stream.linear.gather @!p2 [hbm4b:s20+s21], s19, $0x38;
	[tilespmem:$0x1F0E8] =	vst v63  }
0x1d5: {  	s20 =	sadd.s32 $0xFFFFFFFF, s17  }
0x1d6: {  	p2 =	sge.u32 s20, s11  }
0x1d7: {  	p3 =	sgt.s32 @!p2 s15, $0x29660  }
0x1d8: {  	s0 =	smov.u32 s15;
	s19 =	sshra.s32 @!p2 s15, $0x1F;
	p3 =	por !p3, p2  }
0x1d9: {  	s19 =	sand.u32 @!p2 s19, s15;
	s0 =	simm.s32 @p3 $0x29660  }
0x1da: {  	s0 =	ssub.s32 @!p2 s0, s19  }
0x1db: {  	s0 =	sadd.s32 @!p2 $0xFFFD69A0, s0  }
0x1dc: {  	s19 =	sshll.u32 @!p2 s0, $0x2  }
0x1dd: {  	p3 =	sgt.s32 @!p2 s0, $0x1AF;
	s0 =	ssub.s32 @!p2 $0x6C0, s19  }
0x1de: {  	p3 =	por !p3, p2;
	s0 =	sshrl.u32 @!p2 s0, $0x2  }
0x1df: {  	s21 =	simm.s32 @!p2 $0x8;
	s19 =	sand.u32 @!p2 $0x1, s20;
	s0 =	simm.s32 @!p3 $0x0  }
0x1e0: {  	s19 =	smul.u32 @!p2 $0x6C0, s19;
	_ =	swait.ge @!p2 [sflag:s21], s0  }
0x1e1: {  	s22 =	ssub.s32 @!p2 $0x0, s0;
	[sflag:s21] =	ssyncset.done @!p2 $0x0  }
0x1e2: {  	s19 =	sshrl.u32 @!p2 s19, $0x2;
	[sflag:s21] =	ssyncadd.s32 @!p2 s22;
	s21 =	sshrl.u32 @!p2 s15, $0x3  }
0x1e3: {  	s19 =	sadd.s32 @!p2 $0x3D88, s19;
	s22 =	sand.u32 @!p2 $0x7, s15;
	s21 =	sadd.s32 @!p2 s6, s21  }
0x1e4: {  	[tilespmem:s19], [sflag:$0x9] =	stream.linear.gather @!p2 [hbm4b:s21+s22], s0, $0x38;
	[tilespmem:$0x1F0E8] =	vst v63  }
0x1e5: {  	s19 =	ssub.s32 @!p2 $0x29810, s15  }
0x1e6: {  	p3 =	slt.s32 @!p2 s19, $0x1  }
0x1e7: {  	p3 =	por p2, p3  }
.Ltmp2:
0x1e8: {  	_ = 	snop;
	(pc) =	sbr.rel @p3 .LBB2_7-.Ltmp2, $1  }
0x1e9: {  	_ =	sdelay $0x3  }
0x1ea: {  	s0 =	smulhi.u32 $0xAAAAAAAB, s20;
	_ =	sdelay $0x1  }
0x1eb: {  	s0 =	sshrl.u32 s0, $0x1  }
0x1ec: {  	s0 =	smul.u32 $0x3, s0;
	_ =	sdelay $0x1  }
0x1ed: {  	s0 =	ssub.s32 s20, s0  }
0x1ee: {  	s21 =	simm.s32 $0x1;
	s0 =	smul.u32 $0x6C0, s0  }
.Ltmp3:
0x1ef: {  	s21 =	simm.s32 @!p0 $0x0;
	(pc) =	sbr.rel .LBB2_4-.Ltmp3, $4  }
0x1f0: {  	s31 =	smul.u32 $0x36000, s21  }
0x1f1: {  	p3 =	slt.s32 @!p2 s19, $0x1B0;
	s0 =	sshrl.u32 s0, $0x2  }
0x1f2: {  	p2 =	por !p3, p2;
	s20 =	sshrl.u32 s31, $0x2;
	s0 =	sadd.s32 $0x3878, s0  }
0x1f3: {  	s19 =	simm.s32 @p2 $0x1B0;
	s21 =	simm.s32 $0x0;
	s20 =	sadd.s32 $0x40E8, s20;
	v1 =	vmov s0  }
.LBB2_3:
0x1f4: {  	p2 =	sge.s32 s21, s19  }
.Ltmp4:
0x1f5: {  	_ = 	snop;
	(pc) =	sbr.rel @p2 .LBB2_7-.Ltmp4, $2  }
0x1f6: {  	_ =	sdelay $0x2  }
0x1f7: {  	s20 =	sadd.s32 $0x800, s20  }
.LBB2_4:
0x1f8: {  	p2 =	sle.s32 s19, s21  }
.Ltmp5:
0x1f9: {  	_ = 	snop;
	(pc) =	sbr.rel @p2 .LBB2_3-.Ltmp5, $2  }
0x1fa: {  	_ =	sdelay $0x2  }
0x1fb: {  	s22 =	smov.u32 s21;
	s21 =	sadd.s32 $0x10, s21  }
0x1fc: {  	s0 =	ssub.s32 s19, s22  }
0x1fd: {  	p2 =	slt.s32 s0, $0x10  }
0x1fe: {  	s0 =	simm.s32 @!p2 $0x10  }
0x1ff: {  	v2 =	vmov s0  }
0x200: {  	vm0 =	vgt.s32 v2, v0;
	_ =	sdelay $0x5  }
0x201: {  	v2 =	vld.idx.msk [tilespmem:v1+s22+$0x0 ss:$0x1], vm0;
	_ =	sdelay $0x2  }
0x202: {  	s23 =	smov.u32 s19;
	p2 =	slt.s32 s21, s19  }
0x203: {  	s24 =	smov.u32 s20;
	s25 =	simm.s32 $0x0;
	s23 =	smov.u32 @p2 s21  }
.LBB2_6:
0x204: {  	(v2sf) =	vpush v2, s25;
	_ =	sdelay $0xc  }
0x205: {  	s25 =	sadd.s32 $0x1, s25  }
0x206: {  	s31 =	sadd.s32 s25, s22  }
0x207: {  	p2 =	slt.s32 s31, s23;
	s0 =	spop (v2sf)  }
.Ltmp6:
0x208: {  	s0 =	sshll.u32 s0, $0x4;
	(pc) =	sbr.rel @p2 .LBB2_6-.Ltmp6, $4  }
0x209: {  	s0 =	sand.u32 $0x1FFFFFF0, s0  }
0x20a: {  	s0 =	sadd.s32 s7, s0  }
0x20b: {  	[tilespmem:s24], [sflag:$0x7] =	stream.linear.gather [hbm4b:s0+s13], $0x8, $0x38;
	[tilespmem:$0x1F0E8] =	vst v63  }
0x20c: {  	s24 =	sadd.s32 $0x80, s24  }
.Ltmp7:
0x20d: {  	_ = 	snop;
	(pc) =	sbr.rel .LBB2_3-.Ltmp7, $1  }
0x20e: {  	_ =	sdelay $0x3  }
.LBB2_7:
0x20f: {  	p2 =	slt.u32 s17, $0x2  }
.Ltmp8:
0x210: {  	_ = 	snop;
	(pc) =	sbr.rel @p2 .LBB2_20-.Ltmp8, $1  }
0x211: {  	_ =	sdelay $0x3  }
0x212: {  	p2 =	sgt.s32 s18, $0x29660;
	s0 =	smov.u32 s18  }
0x213: {  	s19 =	sshra.s32 s18, $0x1F;
	s20 =	ssub.s32 $0x29810, s18;
	s0 =	simm.s32 @!p2 $0x29660  }
0x214: {  	s19 =	sand.u32 s19, s18;
	p2 =	slt.s32 s20, $0x1B0;
	s21 =	smov.u32 s20  }
0x215: {  	s0 =	ssub.s32 s0, s19;
	s21 =	simm.s32 @!p2 $0x1B0  }
0x216: {  	s0 =	sadd.s32 $0xFFFD69A0, s0;
	s26 =	sshll.u32 s21, $0x3  }
0x217: {  	s2 =	simm.s32 $0x7;
	s28 =	sshll.u32 s0, $0x2;
	s19 =	sand.u32 $0x3FFFFFF8, s26  }
0x218: {  	p2 =	sgt.s32 s0, $0x1AF;
	s29 =	ssub.s32 $0x6C0, s28;
	_ =	swait.ge [sflag:s2], s19  }
0x219: {  	s19 =	ssub.s32 $0x0, s19;
	[sflag:s2] =	ssyncset.done $0x0;
	s0 =	sshrl.u32 s29, $0x2  }
0x21a: {  	s30 =	simm.s32 $0x9;
	[sflag:s2] =	ssyncadd.s32 s19;
	s0 =	simm.s32 @p2 $0x0  }
0x21b: {  	_ =	swait.ge [sflag:s30], s0  }
0x21c: {  	s0 =	ssub.s32 $0x0, s0;
	[sflag:s30] =	ssyncset.done $0x0  }
0x21d: {  	[sflag:s30] =	ssyncadd.s32 s0  }
0x21e: {  	v1 =	vld [tilespmem:$0x3648];
	_ =	sdelay $0x4  }
0x21f: {  	(v2sf) =	vpush v1, $0x0  }
0x220: {  	(v2sf) =	vpush v1, $0x1  }
0x221: {  	(v2sf) =	vpush v1, $0x2;
	_ =	sdelay $0x3  }
0x222: {  	s0 =	sadd.s32 $0x1B0, s18  }
0x223: {  	p2 =	slt.s32 s4, s0  }
0x224: {  	s0 =	smov.u32 @p2 s4;
	p2 =	sgt.s32 s20, $0x0  }
0x225: {  	s22 =	ssub.s32 s0, s18;
	s20 =	simm.s32 @!p2 $0x0  }
0x226: {  	p2 =	slt.s32 s20, s22  }
0x227: {  	s22 =	smov.u32 @p2 s20  }
0x228: {  	s21 =	simm.s32 $0x1;
	p2 =	slt.s32 s22, $0x1  }
.Ltmp9:
0x229: {  	s21 =	simm.s32 @!p4 $0x0;
	(pc) =	sbr.rel @p2 .LBB2_12-.Ltmp9, $4  }
0x22a: {  	s31 =	smul.u32 $0x6C0, s21  }
0x22b: {  	s23 =	spop (v2sf)  }
0x22c: {  	s0 =	sshrl.u32 s31, $0x2;
	s25 =	spop (v2sf)  }
0x22d: {  	s19 =	sadd.s32 $0x3D88, s0;
	s18 =	spop (v2sf)  }
0x22e: {  	s0 =	smin.u32 s22, $0x10  }
0x22f: {  	v1 =	vmov s0  }
0x230: {  	p3 =	sgt.s32 s22, $0x10;
	vm1 =	vgt.u32 v1, v0  }
.Ltmp10:
0x231: {  	_ = 	snop;
	(pc) =	sbr.rel @!p3 .LBB2_11-.Ltmp10, $2  }
0x232: {  	_ =	sdelay $0x2  }
0x233: {  	s24 =	simm.s32 $0x10;
	s26 =	sadd.s32 $0xFFFFFFF0, s22;
	s20 =	smov.u32 s19;
	vm0 =	vmmov vm1  }
.LBB2_10:
0x234: {  	s0 =	smin.u32 s26, $0x10;
	s24 =	sadd.s32 $0x10, s24;
	v1 =	vld.msk [tilespmem:s20+$0x0 ss:$0x1], vm1  }
0x235: {  	v2 =	vmov s0;
	p3 =	slt.s32 s24, s22  }
0x236: {  	vm1 =	vgt.u32 v2, v0  }
.Ltmp11:
0x237: {  	(pc) =	sbr.rel @p3 .LBB2_10-.Ltmp11, $3  }
0x238: {  	_ =	sdelay $0x1  }
0x239: {  	v1 =	vshll.u32 v1, $0x4  }
0x23a: {  	s26 =	sadd.s32 $0xFFFFFFF0, s26;
	[tilespmem:s20+$0x0] =	vst.msk vm0, v1;
	s20 =	sadd.s32 $0x10, s20;
	vm0 =	vmmov vm1  }
.LBB2_11:
0x23b: {  	_ =	sdelay $0x4  }
0x23c: {  	v1 =	vld.msk [tilespmem:s20+$0x0 ss:$0x1], vm1;
	_ =	sdelay $0x4  }
0x23d: {  	v1 =	vshll.u32 v1, $0x4  }
0x23e: {  	[tilespmem:s20+$0x0] =	vst.msk vm0, v1  }
.LBB2_12:
0x23f: {  	s0 =	sand.u32 $0x1, s17  }
0x240: {  	s0 =	smul.u32 $0x1B0, s0  }
0x241: {  	p3 =	sne.s32 s25, $0xFFFFFFFF  }
0x242: {  	v1 =	vld.msk @!p3 [tilespmem:s0+$0x3D88], $0x1;
	_ =	sdelay $0x4  }
0x243: {  	(v2sf) =	vpush @!p3 v1, $0x0;
	_ =	sdelay $0xc  }
.Ltmp12:
0x244: {  	_ = 	snop;
	(pc) =	sbr.rel @p2 .LBB2_18-.Ltmp12, $4  }
0x245: {  	_ = 	snop  }
0x246: {  	s24 =	spop @!p3 (v2sf)  }
0x247: {  	s18 =	simm.s32 @!p3 $0x0;
	s20 =	smov.u32 s24  }
0x248: {  	[sflag:s14] =	ssyncpa.u1 $0x0;
	s24 =	smov.u32 @p3 s23;
	s20 =	smov.u32 @p3 s25  }
0x249: {  	v1 =	vld.msk [tilespmem:s19+$0x0], $0x1;
	_ =	sdelay $0x4  }
0x24a: {  	(v2sf) =	vpush v1, $0x0;
	_ =	sdelay $0xd  }
0x24b: {  	s0 =	simm.s32 @!p4 $0x0  }
0x24c: {  	s26 =	smul.u32 $0x36000, s21;
	s25 =	ssub.s32 $0x0, s22;
	s28 =	spop (v2sf)  }
0x24d: {  	s0 =	simm.s32 @p4 $0x1;
	s23 =	sadd.s32 $0x1, s25;
	p2 =	seq.s32 s24, s28  }
0x24e: {  	[smem:$0x7FD] =	sst s0;
	s0 =	sshrl.u32 s26, $0x2;
	p3 =	sgt.s32 @!p2 s24, $0x0  }
0x24f: {  	s21 =	sadd.s32 $0x40E8, s0;
	s0 =	smov.u32 s24;
	p3 =	por !p3, p2  }
0x250: {  	s0 =	simm.s32 @p3 $0x0;
	p3 =	seq.s32 s23, $0x0  }
.Ltmp13:
0x251: {  	_ = 	snop;
	(pc) =	sbr.rel @p3 .LBB2_15-.Ltmp13, $4  }
0x252: {  	s3 =	smov.u32 s8;
	s12 =	smov.u32 s5;
	s8 =	smov.u32 s6  }
0x253: {  	s22 =	simm.s32 $0x0;
	s29 =	simm.s32 @!p2 $0x1;
	s0 =	smin.u32 @!p2 s0, $0x270FF  }
0x254: {  	s30 =	simm.s32 @!p2 $0x1B38;
	s29 =	smov.u32 @p2 s22;
	s26 =	sand.u32 @!p2 $0x3FFF8, s0  }
0x255: {  	s31 =	sand.u32 @!p2 $0x7, s0;
	s0 =	sadd.s32 @!p2 s1, s26;
	s26 =	sadd.s32 $0x1, s19  }
.LBB2_14:
0x256: {  	s2 =	smov.u32 s29  }
0x257: {  	[tilespmem:s30], [sflag:$0x2] =	stream.linear.gather @!p2 [hbm4b:s0+s31], $0x8, $0x38;
	[tilespmem:$0x1F0E8] =	vst v63  }
0x258: {  	s23 =	sadd.s32 $0x1, s23;
	s0 =	smov.u32 s28;
	v1 =	vld.msk [tilespmem:s26+$0x0], $0x1  }
0x259: {  	p3 =	seq.s32 s23, $0x0;
	_ =	sdelay $0x3  }
0x25a: {  	(v2sf) =	vpush v1, $0x0;
	_ =	sdelay $0xe  }
0x25b: {  	s28 =	spop (v2sf)  }
0x25c: {  	p2 =	seq.s32 s0, s28  }
0x25d: {  	p4 =	sgt.s32 @!p2 s0, $0x0;
	s30 =	sshll.u32 @!p2 s29, $0x6;
	s29 =	sadd.s32 @!p2 $0x1, s29  }
.Ltmp14:
0x25e: {  	p4 =	por !p4, p2;
	s30 =	sshra.s32 @!p2 s30, $0x2;
	(pc) =	sbr.rel @!p3 .LBB2_14-.Ltmp14, $4  }
0x25f: {  	s29 =	smov.u32 @p2 s2;
	s0 =	simm.s32 @p4 $0x0;
	s30 =	sadd.s32 @!p2 $0x1B38, s30  }
0x260: {  	s0 =	smin.u32 @!p2 s0, $0x270FF  }
0x261: {  	s2 =	sand.u32 @!p2 $0x3FFF8, s0;
	s31 =	sand.u32 @!p2 $0x7, s0  }
0x262: {  	s26 =	sadd.s32 $0x1, s26;
	s0 =	sadd.s32 @!p2 s1, s2  }
.LBB2_15:
0x263: {  	[tilespmem:s30], [sflag:$0x2] =	stream.linear.gather @!p2 [hbm4b:s0+s31], $0x8, $0x38;
	[tilespmem:$0x1F0E8] =	vst v63  }
0x264: {  	s31 =	sshll.u32 s29, $0x3  }
0x265: {  	s2 =	simm.s32 $0x2;
	s0 =	sand.u32 $0x3FFFFFF8, s31  }
0x266: {  	_ =	swait.ge [sflag:s2], s0  }
0x267: {  	s0 =	ssub.s32 $0x0, s0;
	[sflag:s2] =	ssyncset.done $0x0  }
0x268: {  	[sflag:s2] =	ssyncadd.s32 s0  }
0x269: {  	v1 =	vld.msk [tilespmem:s19+$0x0], $0x1;
	_ =	sdelay $0x4  }
0x26a: {  	(v2sf) =	vpush v1, $0x0;
	_ =	sdelay $0xe  }
0x26b: {  	s23 =	spop (v2sf)  }
0x26c: {  	p2 =	sne.s32 s24, s23  }
0x26d: {  	p4 =	sne.s32 @p2 s24, s20  }
0x26e: {  	p3 =	por !p4, !p2  }
0x26f: {  	s0 =	simm.s32 @!p3 $0x0  }
0x270: {  	v1 =	vld.msk @!p3 [tilespmem:s0+$0x1B38], $0xff  }
0x271: {  	p5 =	sgt.u32 @!p3 s24, $0x270FF  }
0x272: {  	s2 =	sshll.u32 @!p3 s18, $0x6;
	p6 =	por @p2 p5, !p4  }
0x273: {  	s2 =	sshra.s32 @!p3 s2, $0x2;
	p1 =	por p6, !p2;
	p6 =	por p4, !p2  }
0x274: {  	s26 =	sadd.s32 @!p3 $0x28, s2;
	s28 =	sand.u32 @!p1 $0x3FFF8, s24;
	s29 =	sshll.u32 @!p6 s18, $0x6  }
0x275: {  	s24 =	sand.u32 @!p1 $0x7, s24;
	[tilespmem:s2+$0x28] =	vst.add.f32.msk @!p3 $0xff, v1;
	s2 =	sadd.s32 @!p1 s1, s28;
	s28 =	sshra.s32 @!p6 s29, $0x2  }
0x276: {  	[hbm4b:s2+s24] =	stream.linear.scatter @!p1 [tilespmem:s26], [sflag:$0xA], $0x8, $0x38;
	[tilespmem:$0x1F0E8] =	vst v63  }
0x277: {  	s0 =	rddreg [dreg:$0x2];
	s2 =	sadd.s32 @!p6 $0x28, s28;
	s24 =	simm.s32 @!p6 $0x1  }
0x278: {  	[spmem:s0] =	stream.linear.scatter @!p6 [tilespmem:s2], [sflag:$0x1], $0x8, $0x38;
	[tilespmem:$0x1F0E8] =	vst v63  }
0x279: {  	s0 =	sadd.s32 @p2 $0x1, s18;
	_ =	swait.ge @!p6 [sflag:s24], $0x8  }
0x27a: {  	s2 =	sshrl.u32 @p2 s0, $0x4;
	[sflag:s24] =	ssyncset.done @!p6 $0x0  }
0x27b: {  	s2 =	smulhi.u32 @p2 $0x97B425F, s2;
	[sflag:s24] =	ssyncadd.s32 @!p6 $0xFFFFFFF8  }
0x27c: {  	s24 =	sadd.s32 $0x1, s25;
	v1 =	vld.msk @p2 [tilespmem:s21+$0x0], $0xff  }
0x27d: {  	p1 =	por @p2 !p5, !p4;
	s2 =	smul.u32 @p2 $0x1B0, s2;
	p4 =	seq.s32 s24, $0x0  }
.Ltmp15:
0x27e: {  	p1 =	por !p1, !p2;
	s25 =	simm.s32 @!p3 $0x0;
	(pc) =	sbr.rel @p4 .LBB2_17-.Ltmp15, $4  }
0x27f: {  	s26 =	sshll.u32 @!p2 s18, $0x6;
	s25 =	simm.s32 @!p1 $0x20;
	s0 =	ssub.s32 @p2 s0, s2  }
0x280: {  	s26 =	sshra.s32 @!p2 s26, $0x2;
	s28 =	sadd.s32 @!p3 $0x0, s25;
	s29 =	sshll.u32 @p2 s0, $0x4  }
0x281: {  	s25 =	simm.s32 $0x0;
	s2 =	simm.s32 @p2 $0x1;
	s28 =	smov.u32 @p3 s22;
	[tilespmem:s29+$0x28] =	vst.msk @p2 $0xff, v1  }
0x282: {  	s18 =	smov.u32 @p2 s0;
	s25 =	smov.u32 @p2 s28;
	s22 =	smov.u32 @p2 s2;
	v1 =	vld.msk @!p2 [tilespmem:s21+$0x0], $0xff  }
.LBB2_16:
0x283: {  	_ =	sdelay $0x3  }
0x284: {  	s19 =	sadd.s32 $0x1, s19;
	[tilespmem:s26+$0x28] =	vst.add.f32.msk @!p2 $0xff, v1  }
0x285: {  	v1 =	vld.msk [tilespmem:s19+$0x0], $0x1;
	_ =	sdelay $0x4  }
0x286: {  	(v2sf) =	vpush v1, $0x0;
	_ =	sdelay $0xe  }
0x287: {  	s0 =	smov.u32 s23;
	s23 =	spop (v2sf)  }
0x288: {  	p2 =	sne.s32 s0, s23  }
0x289: {  	p5 =	sne.s32 @p2 s0, s20  }
0x28a: {  	p4 =	por !p5, !p2  }
0x28b: {  	s30 =	sshll.u32 @!p4 s22, $0x6  }
0x28c: {  	s30 =	sshra.s32 @!p4 s30, $0x2  }
0x28d: {  	p1 =	sgt.u32 @!p4 s0, $0x270FF;
	v1 =	vld.msk @!p4 [tilespmem:s30+$0x1B38], $0xff  }
0x28e: {  	s31 =	sshll.u32 @!p4 s18, $0x6;
	p6 =	por @p2 p1, !p5;
	p1 =	por @p2 !p1, !p5  }
0x28f: {  	s5 =	simm.s32 @!p4 $0x0;
	s31 =	sshra.s32 @!p4 s31, $0x2;
	p1 =	por !p1, !p2  }
0x290: {  	p5 =	por p5, !p2;
	s5 =	simm.s32 @!p1 $0x20;
	p1 =	por p6, !p2  }
0x291: {  	s30 =	sadd.s32 @!p4 $0x28, s31;
	s6 =	sshll.u32 @!p5 s18, $0x6;
	s10 =	sand.u32 @!p1 $0x3FFF8, s0  }
0x292: {  	s6 =	sshra.s32 @!p5 s6, $0x2;
	s0 =	sand.u32 @!p1 $0x7, s0;
	s10 =	sadd.s32 @!p1 s1, s10;
	[tilespmem:s31+$0x28] =	vst.add.f32.msk @!p4 $0xff, v1  }
0x293: {  	[hbm4b:s10+s0] =	stream.linear.scatter @!p1 [tilespmem:s30], [sflag:$0xA], $0x8, $0x38;
	[tilespmem:$0x1F0E8] =	vst v63  }
0x294: {  	s2 =	rddreg [dreg:$0x2];
	s0 =	sadd.s32 @!p5 $0x28, s6;
	s6 =	simm.s32 @!p5 $0x1  }
0x295: {  	[spmem:s2] =	stream.linear.scatter @!p5 [tilespmem:s0], [sflag:$0x1], $0x8, $0x38;
	[tilespmem:$0x1F0E8] =	vst v63  }
0x296: {  	s28 =	sadd.s32 @p2 $0x1, s18;
	_ =	swait.ge @!p5 [sflag:s6], $0x8  }
0x297: {  	s29 =	sshrl.u32 @p2 s28, $0x4;
	[sflag:s6] =	ssyncset.done @!p5 $0x0  }
0x298: {  	s21 =	sadd.s32 $0x80, s21;
	s29 =	smulhi.u32 @p2 $0x97B425F, s29;
	[sflag:s6] =	ssyncadd.s32 @!p5 $0xFFFFFFF8  }
0x299: {  	s24 =	sadd.s32 $0x1, s24;
	v1 =	vld.msk @p2 [tilespmem:s21+$0x0], $0xff  }
0x29a: {  	p3 =	seq.s32 s24, $0x0;
	s29 =	smul.u32 @p2 $0x1B0, s29  }
.Ltmp16:
0x29b: {  	_ = 	snop;
	(pc) =	sbr.rel @!p3 .LBB2_16-.Ltmp16, $4  }
0x29c: {  	s28 =	ssub.s32 @p2 s28, s29  }
0x29d: {  	s26 =	sshll.u32 @!p2 s18, $0x6;
	s5 =	sadd.s32 @!p4 s5, s25;
	s10 =	sshll.u32 @p2 s28, $0x4  }
0x29e: {  	s9 =	sadd.s32 @p2 $0x1, s22;
	s26 =	sshra.s32 @!p2 s26, $0x2;
	s5 =	smov.u32 @p4 s25;
	[tilespmem:s10+$0x28] =	vst.msk @p2 $0xff, v1  }
0x29f: {  	s22 =	smov.u32 @p2 s9;
	s18 =	smov.u32 @p2 s28;
	s25 =	smov.u32 @p2 s5;
	v1 =	vld.msk @!p2 [tilespmem:s21+$0x0], $0xff  }
.LBB2_17:
.Ltmp17:
0x2a0: {  	_ = 	snop;
	(pc) =	sbr.rel .LBB2_19-.Ltmp17, $4  }
0x2a1: {  	s2 =	sld [smem:$0x7FD]  }
0x2a2: {  	s0 =	sshrl.u32 s25, $0x2  }
0x2a3: {  	s24 =	smov.u32 s23;
	s6 =	smov.u32 s8;
	s5 =	smov.u32 s12  }
0x2a4: {  	s8 =	smov.u32 s3;
	s3 =	rddreg [dreg:$0x3];
	p4 =	seq.s32 s2, $0x1;
	[tilespmem:s26+$0x28] =	vst.add.f32.msk @!p2 $0xff, v1  }
.LBB2_21:
0x2a5: {  	_ =	sfence.sel $0x180000  }
0x2a6: {  	s0 =	simm.s32 $0x7;
	[bflag:$0x0] =	sbarrier.arrive $0xFFFF  }
0x2a7: {  	s25 =	simm.s32 $0x8;
	[sflag:s0] =	ssyncpa.u1 $0x1  }
0x2a8: {  	s26 =	simm.s32 $0x9;
	[sflag:s25] =	ssyncpa.u1 $0x1  }
0x2a9: {  	s28 =	simm.s32 $0x2;
	[sflag:s26] =	ssyncpa.u1 $0x1  }
0x2aa: {  	[sflag:s28] =	ssyncpa.u1 $0x1  }
0x2ab: {  	v0 =	vld [tilespmem:$0x3648];
	_ =	sdelay $0x4  }
0x2ac: {  	(v2sf) =	vpush v0, $0x0  }
0x2ad: {  	(v2sf) =	vpush v0, $0x1;
	_ =	sdelay $0x1  }
0x2ae: {  	(v2sf) =	vpush v0, $0x2;
	_ =	sdelay $0xb  }
0x2af: {  	s0 =	spop (v2sf)  }
0x2b0: {  	s2 =	spop (v2sf)  }
0x2b1: {  	s3 =	smov.u32 s0;
	p0 =	sne.s32 s0, s2  }
0x2b2: {  	s4 =	spop (v2sf);
	s3 =	simm.s32 @!p0 $0xFFFFFFFF  }
0x2b3: {  	v2 =	vimm.s32 $0x1;
	v3 =	vlaneseq.u32;
	p0 =	seq.s32 s4, $0xFFFFFFFF;
	v1 =	vmov s3  }
0x2b4: {  	s7 =	stileid.u32;
	v0 =	vperm.xlane v0, v2;
	p1 =	sne.s32 @!p0 s0, s2;
	v1 =	vperm.xlane v1, v3  }
0x2b5: {  	vm0 =	vcmask $0x3F04;
	s6 =	simm.s32 $0x3648;
	s0 =	simm.s32 @!p0 $0x1;
	p1 =	por !p1, p0  }
0x2b6: {  	s3 =	sshll.u32 s7, $0x1;
	s2 =	sshll.u32 @!p0 s4, $0x6;
	s0 =	simm.s32 @p1 $0x0;
	v0 =	vsel vm0, v1, v0  }
0x2b7: {  	s5 =	sor.u32 $0x200, s3;
	s2 =	sshra.s32 @!p0 s2, $0x2;
	s0 =	sor.u32 @!p0 s0, s3;
	[tilespmem:$0x3648] =	vst v0  }
0x2b8: {  	[spmem:s5] =	stream.linear.scatter [tilespmem:s6], [sflag:$0x1], $0x2, $0x38;
	[tilespmem:$0x1F0E8] =	vst v63  }
0x2b9: {  	s2 =	sadd.s32 @!p0 $0x28, s2;
	s0 =	sshll.u32 @!p0 s0, $0x4  }
0x2ba: {  	[spmem:s0] =	stream.linear.scatter @!p0 [tilespmem:s2], [sflag:$0x1], $0x10, $0x38;
	[tilespmem:$0x1F0E8] =	vst v63  }
0x2bb: {  	s0 =	simm.s32 @!p0 $0x12  }
0x2bc: {  	s3 =	simm.s32 $0x1;
	s0 =	simm.s32 @p0 $0x2  }
0x2bd: {  	_ =	swait.ge [sflag:s3], s0  }
0x2be: {  	s0 =	ssub.s32 $0x0, s0;
	[sflag:s3] =	ssyncset.done $0x0  }
0x2bf: {  	[sflag:s3] =	ssyncadd.s32 s0  }
0x2c0: {  	_ =	sfence.stream.spmem  }
0x2c1: {  	s29 =	simm.s32 $0x3;
	[bflag:$0x0] =	sbarrier.arrive $0xFFFF  }
0x2c2: {  	s30 =	simm.s32 $0x4;
	[sflag:s29] =	ssyncpa.u1 $0x1  }
0x2c3: {  	s31 =	simm.s32 $0x3C;
	[sflag:s30] =	ssyncpa.u1 $0x1  }
0x2c4: {  	p0 =	sne.s32 s7, $0x0;
	[sflag:s31] =	ssyncpa.u1 $0x1  }
0x2c5: {  	_ =	sfence @p0  }
0x2c6: {  	[sflag:s3] =	ssyncpa.u1 @p0 $0x1  }
0x2c7: {  	_ =	strace @p0 $0x90000053  }
0x2c8: {  	[bflag:$0x2] =	sbarrier.arrive @p0 $0xFFFF  }
0x2c9: {  	_ =	shalt @p0  }
.LBB2_22:
0x2ca: {  	_ =	sfence.stream.spmem;
	s0 =	simm.s32 $0x5  }
0x2cb: {  	s2 =	simm.s32 $0x200;
	s3 =	simm.s32 $0x3658;
	[sflag:s0] =	ssyncpa.u1 $0x0  }
0x2cc: {  	[tilespmem:s3], [sflag:$0x5] =	stream.linear.gather [spmem:s2], $0x20, $0x38;
	[tilespmem:$0x1F0E8] =	vst v63  }
0x2cd: {  	s30 =	simm.s32 $0x3678;
	s2 =	simm.s32 $0x0  }
0x2ce: {  	[tilespmem:s30], [sflag:$0x5] =	stream.linear.gather [spmem:s2], $0x200, $0x38;
	[tilespmem:$0x1F0E8] =	vst v63  }
.Ltmp18:
0x2cf: {  	_ = 	snop;
	(pc) =	sbr.rel .LBB2_23-.Ltmp18, $4  }
0x2d0: {  	_ =	swait.ge [sflag:s0], $0x220  }
0x2d1: {  	[sflag:s0] =	ssyncset.done $0x0  }
0x2d2: {  	s31 =	simm.s32 $0x6;
	[sflag:s0] =	ssyncadd.s32 $0xFFFFFDE0  }
0x2d3: {  	s3 =	simm.s32 $0x0;
	[sflag:s31] =	ssyncpa.u1 $0x0  }
.LBB2_28:
0x2d4: {  	p0 =	slt.u32 s4, $0x27100  }
0x2d5: {  	s0 =	sand.u32 @p0 $0x3FFF8, s4  }
0x2d6: {  	s4 =	sand.u32 @p0 $0x7, s4;
	s5 =	simm.s32 @p0 $0x3638;
	s0 =	sadd.s32 @p0 s1, s0  }
0x2d7: {  	[tilespmem:s5], [sflag:$0x6] =	stream.linear.gather @p0 [hbm4b:s0+s4], $0x8, $0x38;
	[tilespmem:$0x1F0E8] =	vst v63  }
0x2d8: {  	s0 =	simm.s32 @p0 $0x6  }
0x2d9: {  	_ =	swait.ge @p0 [sflag:s0], $0x8  }
0x2da: {  	[sflag:s0] =	ssyncset.done @p0 $0x0  }
0x2db: {  	[sflag:s0] =	ssyncadd.s32 @p0 $0xFFFFFFF8  }
0x2dc: {  	v1 =	vld @p0 [tilespmem:$0x3638];
	_ =	sdelay $0x2  }
0x2dd: {  	s0 =	sshll.u32 @p0 s3, $0x6  }
0x2de: {  	s5 =	sshll.u32 @!p0 s3, $0x6;
	s4 =	sshrl.u32 @p0 s0, $0x2  }
0x2df: {  	s5 =	smov.u32 @p0 s0;
	[tilespmem:s4+$0x3678] =	vst.add.f32.msk @p0 $0xffff, v1  }
0x2e0: {  	s0 =	sshrl.u32 s5, $0x2;
	[tilespmem:s2+$0x3658] =	vst.msk $0x1, v0  }
0x2e1: {  	v0 =	vld [tilespmem:s0+$0x3678];
	_ =	sdelay $0x2  }
0x2e2: {  	s31 =	sshll.u32 s2, $0x6  }
0x2e3: {  	s0 =	sshra.s32 s31, $0x2  }
0x2e4: {  	s2 =	sadd.s32 $0x1, s2;
	[tilespmem:s0+$0x3678] =	vst v0  }
.LBB2_30:
0x2e5: {  	s3 =	sadd.s32 $0x1, s3  }
0x2e6: {  	p0 =	sne.s32 s3, $0x20  }
.Ltmp19:
0x2e7: {  	_ = 	snop;
	(pc) =	sbr.rel @!p0 .LBB2_31-.Ltmp19, $1  }
0x2e8: {  	_ =	sdelay $0x3  }
.LBB2_23:
0x2e9: {  	v0 =	vld.msk [tilespmem:s3+$0x3658], $0x1;
	_ =	sdelay $0x4  }
0x2ea: {  	(v2sf) =	vpush v0, $0x0;
	_ =	sdelay $0xe  }
0x2eb: {  	s4 =	spop (v2sf)  }
0x2ec: {  	p0 =	seq.s32 s4, $0xFFFFFFFF  }
.Ltmp20:
0x2ed: {  	_ = 	snop;
	(pc) =	sbr.rel @p0 .LBB2_30-.Ltmp20, $1  }
0x2ee: {  	_ =	sdelay $0x3  }
0x2ef: {  	p0 =	slt.s32 s2, $0x1  }
.Ltmp21:
0x2f0: {  	_ = 	snop;
	(pc) =	sbr.rel @p0 .LBB2_28-.Ltmp21, $1  }
0x2f1: {  	_ =	sdelay $0x3  }
0x2f2: {  	s5 =	simm.s32 $0x3658;
	p0 =	por $0x0, $0x0  }
0x2f3: {  	v1 =	vld.msk @!p0 [tilespmem:s5+$0x0], $0x1;
	_ =	sdelay $0x4  }
0x2f4: {  	(v2sf) =	vpush @!p0 v1, $0x0;
	_ =	sdelay $0xd  }
0x2f5: {  	p2 =	sne.s32 s2, $0x1  }
.Ltmp22:
0x2f6: {  	s0 =	spop @!p0 (v2sf);
	(pc) =	sbr.rel @!p2 .LBB2_27-.Ltmp22, $4  }
0x2f7: {  	p1 =	seq.s32 @!p0 s4, s0  }
0x2f8: {  	s6 =	simm.s32 $0x0;
	p1 =	por !p1, p0  }
0x2f9: {  	s0 =	simm.s32 $0xFFFFFFFF;
	s6 =	simm.s32 @p1 $0xFFFFFFFF  }
0x2fa: {  	s7 =	simm.s32 $0x1;
	s6 =	smov.u32 @p0 s0  }
.LBB2_26:
0x2fb: {  	s0 =	smov.u32 s6;
	p0 =	sne.s32 s6, $0xFFFFFFFF  }
0x2fc: {  	s5 =	sadd.s32 $0x1, s5;
	s6 =	smov.u32 s7;
	s7 =	sadd.s32 $0x1, s7  }
0x2fd: {  	p1 =	sne.s32 s2, s7;
	v1 =	vld.msk @!p0 [tilespmem:s5+$0x0], $0x1;
	_ =	sdelay $0x4  }
0x2fe: {  	(v2sf) =	vpush @!p0 v1, $0x0;
	_ =	sdelay $0xe  }
.Ltmp23:
0x2ff: {  	s8 =	spop @!p0 (v2sf);
	(pc) =	sbr.rel @p1 .LBB2_26-.Ltmp23, $4  }
0x300: {  	p2 =	seq.s32 @!p0 s4, s8  }
0x301: {  	p2 =	por !p2, p0  }
0x302: {  	s6 =	simm.s32 @p2 $0xFFFFFFFF  }
0x303: {  	s6 =	smov.u32 @p0 s0  }
.LBB2_27:
0x304: {  	p0 =	sne.s32 s6, $0xFFFFFFFF  }
.Ltmp24:
0x305: {  	_ = 	snop;
	(pc) =	sbr.rel @!p0 .LBB2_28-.Ltmp24, $1  }
0x306: {  	_ =	sdelay $0x3  }
0x307: {  	s0 =	sshll.u32 s3, $0x4  }
0x308: {  	s0 =	sand.u32 $0x3FFFFFF0, s0  }
0x309: {  	v0 =	vld [tilespmem:s0+$0x3678]  }
.Ltmp25:
0x30a: {  	_ = 	snop;
	(pc) =	sbr.rel .LBB2_30-.Ltmp25, $4  }
0x30b: {  	_ = 	snop  }
0x30c: {  	s31 =	sshll.u32 s6, $0x6  }
0x30d: {  	s0 =	sshra.s32 s31, $0x2  }
0x30e: {  	[tilespmem:s0+$0x3678] =	vst.add.f32.msk $0xffff, v0  }
.LBB2_31:
0x30f: {  	p0 =	slt.s32 s2, $0x1  }
.Ltmp26:
0x310: {  	_ = 	snop;
	(pc) =	sbr.rel @p0 .LBB2_35-.Ltmp26, $3  }
0x311: {  	_ =	sdelay $0x1  }
0x312: {  	s0 =	simm.s32 $0x6  }
0x313: {  	s3 =	simm.s32 $0x0;
	[sflag:s0] =	ssyncpa.u1 $0x1  }
0x314: {  	s0 =	simm.s32 $0x3658  }
0x315: {  	v0 =	vld.msk [tilespmem:s0+$0x0], $0x1;
	_ =	sdelay $0x4  }
0x316: {  	(v2sf) =	vpush v0, $0x0;
	_ =	sdelay $0xd  }
0x317: {  	s2 =	sadd.s32 $0xFFFFFFFF, s2  }
0x318: {  	p1 =	sne.s32 s2, $0x0;
	s0 =	spop (v2sf)  }
.Ltmp27:
0x319: {  	p0 =	sgt.u32 s0, $0x270FF;
	(pc) =	sbr.rel @!p1 .LBB2_34-.Ltmp27, $4  }
0x31a: {  	s4 =	simm.s32 $0x3678;
	s5 =	sand.u32 @!p0 $0x3FFF8, s0  }
0x31b: {  	s6 =	simm.s32 $0x0;
	s0 =	sand.u32 @!p0 $0x7, s0;
	s5 =	sadd.s32 @!p0 s1, s5  }
0x31c: {  	[hbm4b:s5+s0] =	stream.linear.scatter @!p0 [tilespmem:s4], [sflag:$0x5], $0x8, $0x38;
	[tilespmem:$0x1F0E8] =	vst v63  }
0x31d: {  	s6 =	simm.s32 @!p0 $0x20;
	s5 =	simm.s32 $0x3659  }
.LBB2_33:
0x31e: {  	v0 =	vld.msk [tilespmem:s5+$0x0], $0x1;
	s2 =	sadd.s32 $0xFFFFFFFF, s2;
	s3 =	sadd.s32 s3, s6  }
0x31f: {  	p0 =	sne.s32 s2, $0x0;
	_ =	sdelay $0x3  }
0x320: {  	(v2sf) =	vpush v0, $0x0;
	_ =	sdelay $0xe  }
.Ltmp28:
0x321: {  	s0 =	spop (v2sf);
	(pc) =	sbr.rel @p0 .LBB2_33-.Ltmp28, $4  }
0x322: {  	s6 =	simm.s32 $0x0;
	p1 =	sgt.u32 s0, $0x270FF  }
0x323: {  	s4 =	sadd.s32 $0x10, s4;
	s6 =	simm.s32 @!p1 $0x20;
	s7 =	sand.u32 @!p1 $0x3FFF8, s0  }
0x324: {  	s5 =	sadd.s32 $0x1, s5;
	s0 =	sand.u32 @!p1 $0x7, s0;
	s7 =	sadd.s32 @!p1 s1, s7  }
0x325: {  	[hbm4b:s7+s0] =	stream.linear.scatter @!p1 [tilespmem:s4], [sflag:$0x5], $0x8, $0x38;
	[tilespmem:$0x1F0E8] =	vst v63  }
.LBB2_34:
0x326: {  	s0 =	sadd.s32 s3, s6  }
0x327: {  	s3 =	sshrl.u32 s0, $0x2  }
.LBB2_35:
0x328: {  	s0 =	simm.s32 $0x5  }
0x329: {  	_ =	swait.ge [sflag:s0], s3  }
0x32a: {  	s1 =	ssub.s32 $0x0, s3;
	[sflag:s0] =	ssyncset.done $0x0  }
0x32b: {  	[sflag:s0] =	ssyncadd.s32 s1  }
0x32c: {  	[sflag:s0] =	ssyncpa.u1 $0x1  }
0x32d: {  	s30 =	simm.s32 $0x1;
	_ =	sfence  }
0x32e: {  	[sflag:s30] =	ssyncpa.u1 $0x1  }
0x32f: {  	_ =	strace $0x90000053  }
0x330: {  	[bflag:$0x2] =	sbarrier.arrive $0xFFFF  }
0x331: {  	s31 =	rddreg [dreg:$0x1]  }
0x332: {  	s0 =	sadd.s32 $0x100000, s31  }
0x333: {  	[sflag:s0] =	ssyncadd.tile.s32 $0x1;
	_ =	shalt  }
.Lfunc_end2:
_tile_overlayer_lowered:
.L_overlay_start_2:
0x334: {  	(tag) =	ssettag $0x2  }
0x335: {  	s0 =	rddreg [dreg:$0x0];
	s2 =	stileid.u32  }
0x336: {  	s1 =	rddreg [dreg:$0x1];
	p0 =	sne.s32 s2, $0x0  }
0x337: {  	s3 =	rddreg [dreg:$0x2];
	[bflag:$0x3] =	sbarrier.arrive $0xFFFF;
	s2 =	simm.s32 @!p0 $0x1C01  }
0x338: {  	[timem:s3], [sflag:s2] =	dma.local @!p0 [hbm:s0], s1  }
0x339: {  	s0 =	simm.s32 @!p0 $0x1  }
0x33a: {  	_ =	swait.ge @!p0 [sflag:s0], s1  }
0x33b: {  	s1 =	ssub.s32 @!p0 $0x0, s1;
	[sflag:s0] =	ssyncset.done @!p0 $0x0  }
0x33c: {  	[sflag:s0] =	ssyncadd.s32 @!p0 s1  }
0x33d: {  	[bflag:$0x3] =	sbarrier.arrive $0xFFFF  }
0x33e: {  	_ =	shalt  }

// kernel: scatter_offload_async_start.2
scs
__scs_entry_jumppad:
0x0: {  	(pc) =	sbr.rel $0x88, $3  }
0x1: {  	(tag) =	ssettag $0x0;
	lr =	simm.s32 $0x1  }
0x2: {  	[smem:$0x3F8E] =	sst lr;
	_ =	strace $0xD0000000  }
0x3: {  	_ = 	snop  }
0x4: {  	_ = 	snop  }
0x5: {  	_ = 	snop  }
0x6: {  	_ = 	snop  }
0x7: {  	_ = 	snop  }
__scs_overlays_trampoline_lowered:
0x8: {  	[smem:$0x3F9D] =	sst s0  }
0x9: {  	[smem:$0x3F9E] =	sst s1  }
0xa: {  	[smem:$0x3F9F] =	sst s2  }
0xb: {  	[smem:$0x3FA0] =	sst s3  }
0xc: {  	[smem:$0x3FA1] =	sst s4  }
0xd: {  	[smem:$0x3FA2] =	sst s5  }
0xe: {  	[smem:$0x3FA3] =	sst s6  }
0xf: {  	[smem:$0x3FA4] =	sst s7  }
0x10: {  	[smem:$0x3FA5] =	sst s8  }
0x11: {  	[smem:$0x3FA6] =	sst s9;
	s0 =	simm.s32 @!p0 $0x0  }
0x12: {  	s1 =	sld [smem:$0x3F8C];
	s0 =	simm.s32 @p0 $0x1  }
0x13: {  	[smem:$0x3FA7] =	sst s0;
	s0 =	simm.s32 @!p1 $0x0  }
0x14: {  	s2 =	sld [smem:$0x3F8B];
	s0 =	simm.s32 @p1 $0x1  }
0x15: {  	[smem:$0x3FA8] =	sst s0;
	s0 =	simm.s32 @!p2 $0x0  }
0x16: {  	s3 =	sld [smem:$0x3FDB];
	s0 =	simm.s32 @p2 $0x1  }
0x17: {  	s4 =	simm.s32 $0x1BF5;
	[smem:$0x3FAA] =	sst s0  }
0x18: {  	s0 =	sld [smem:$0x3F8D];
	_ =	swait.ge [sflag:s4], $0x0  }
0x19: {  	s7 =	sld [smem:$0x3F8E]  }
0x1a: {  	s8 =	sadd.s32 $0xFFFFE003, lr  }
0x1b: {  	s9 =	sadd.s32 $0xFFFFFEF7, lr;
	s5 =	simm.s32 $0xFFFFFFFF;
	p2 =	slt.u32 s8, $0xFFFFF086  }
0x1c: {  	p1 =	slt.u32 s9, $0xF7A;
	s5 =	simm.s32 @!p2 $0x0  }
0x1d: {  	s5 =	simm.s32 @p1 $0x1;
	p0 =	seq.s32 s7, s2  }
0x1e: {  	s7 =	smul.u32 @!p0 $0xF7A, s2;
	p2 =	seq.s32 @!p0 s5, $0x0  }
0x1f: {  	s9 =	smul.u32 $0xF7A, s1;
	s8 =	simm.s32 @!p0 $0x1BF5;
	p2 =	por !p2, p0  }
0x20: {  	[sflag:s8] =	ssyncset.s32 @!p0 $0xFFFFF086;
	s6 =	sadd.s32 @!p0 s3, s7;
	s7 =	simm.s32 @!p0 $0x108  }
0x21: {  	s3 =	sadd.s32 s3, s9;
	s6 =	sadd.s32 @!p0 $0x88, s6;
	s7 =	simm.s32 @p2 $0x1082  }
0x22: {  	[simem:s7], [sflag:s8] =	dma.local @!p0 [hbm:s6], $0xF7A  }
0x23: {  	s9 =	sor.u32 $0xD0000000, s2;
	s6 =	simm.s32 $0x108;
	_ =	swait.ge @!p0 [sflag:s8], $0x0  }
0x24: {  	s3 =	sadd.s32 $0x88, s3;
	s6 =	simm.s32 @!p1 $0x1082;
	[sflag:s4] =	ssyncset.s32 $0xFFFFF086  }
0x25: {  	[simem:s6], [sflag:s4] =	dma.local [hbm:s3], $0xF7A  }
0x26: {  	[smem:$0x3F8E] =	sst s1;
	(tag) =	ssettag s2;
	_ =	strace s9  }
0x27: {  	s1 =	sld [smem:$0x3F9E]  }
0x28: {  	s2 =	sld [smem:$0x3F9F]  }
0x29: {  	s4 =	sld [smem:$0x3FA1]  }
0x2a: {  	p0 =	seq.s32 s5, $0x0;
	s5 =	sld [smem:$0x3FA2]  }
0x2b: {  	s6 =	sld [smem:$0x3FA3]  }
0x2c: {  	s7 =	sld [smem:$0x3FA4]  }
0x2d: {  	s3 =	simm.s32 $0x108;
	s8 =	sld [smem:$0x3FA5]  }
0x2e: {  	s3 =	simm.s32 @!p0 $0x1082;
	s9 =	sld [smem:$0x3FA6]  }
0x2f: {  	lr =	sadd.s32 s0, s3;
	s0 =	sld [smem:$0x3F9D]  }
0x30: {  	s3 =	sld [smem:$0x3FA0]  }
0x31: {  	[smem:$0x3FA9] =	sst s10  }
0x32: {  	s10 =	sld [smem:$0x3FA7];
	_ =	sdelay $0x3  }
0x33: {  	p0 =	seq.s32 s10, $0x1;
	s10 =	sld [smem:$0x3FA9];
	_ =	sdelay $0x3  }
0x34: {  	[smem:$0x3FA9] =	sst s10  }
0x35: {  	s10 =	sld [smem:$0x3FA8];
	_ =	sdelay $0x3  }
0x36: {  	p1 =	seq.s32 s10, $0x1;
	s10 =	sld [smem:$0x3FA9];
	_ =	sdelay $0x3  }
0x37: {  	[smem:$0x3FA9] =	sst s10  }
0x38: {  	s10 =	sld [smem:$0x3FAA]  }
0x39: {  	_ = 	snop;
	(pc) =	sbr.ind lr, $3  }
0x3a: {  	_ = 	snop  }
0x3b: {  	_ = 	snop  }
0x3c: {  	p2 =	seq.s32 s10, $0x1;
	s10 =	sld [smem:$0x3FA9]  }
0x3d: {  	_ =	shalt  }
0x3e: {  	_ =	shalt  }
0x3f: {  	_ =	shalt  }
0x40: {  	_ =	shalt  }
0x41: {  	_ =	shalt  }
0x42: {  	_ =	shalt  }
0x43: {  	_ =	shalt  }
0x44: {  	_ =	shalt  }
0x45: {  	_ =	shalt  }
0x46: {  	_ =	shalt  }
0x47: {  	_ =	shalt  }
0x48: {  	_ =	shalt  }
0x49: {  	_ =	shalt  }
0x4a: {  	_ =	shalt  }
0x4b: {  	_ =	shalt  }
0x4c: {  	_ =	shalt  }
0x4d: {  	_ =	shalt  }
0x4e: {  	_ =	shalt  }
0x4f: {  	_ =	shalt  }
0x50: {  	_ =	shalt  }
0x51: {  	_ =	shalt  }
0x52: {  	_ =	shalt  }
0x53: {  	_ =	shalt  }
0x54: {  	_ =	shalt  }
0x55: {  	_ =	shalt  }
0x56: {  	_ =	shalt  }
0x57: {  	_ =	shalt  }
0x58: {  	_ =	shalt  }
0x59: {  	_ =	shalt  }
0x5a: {  	_ =	shalt  }
0x5b: {  	_ =	shalt  }
0x5c: {  	_ =	shalt  }
0x5d: {  	_ =	shalt  }
0x5e: {  	_ =	shalt  }
0x5f: {  	_ =	shalt  }
0x60: {  	_ =	shalt  }
0x61: {  	_ =	shalt  }
0x62: {  	_ =	shalt  }
0x63: {  	_ =	shalt  }
0x64: {  	_ =	shalt  }
0x65: {  	_ =	shalt  }
0x66: {  	_ =	shalt  }
0x67: {  	_ =	shalt  }
0x68: {  	_ =	shalt  }
0x69: {  	_ =	shalt  }
0x6a: {  	_ =	shalt  }
0x6b: {  	_ =	shalt  }
0x6c: {  	_ =	shalt  }
0x6d: {  	_ =	shalt  }
0x6e: {  	_ =	shalt  }
0x6f: {  	_ =	shalt  }
0x70: {  	_ =	shalt  }
0x71: {  	_ =	shalt  }
0x72: {  	_ =	shalt  }
0x73: {  	_ =	shalt  }
0x74: {  	_ =	shalt  }
0x75: {  	_ =	shalt  }
0x76: {  	_ =	shalt  }
0x77: {  	_ =	shalt  }
0x78: {  	_ =	shalt  }
0x79: {  	_ =	shalt  }
0x7a: {  	_ =	shalt  }
0x7b: {  	_ =	shalt  }
0x7c: {  	_ =	shalt  }
0x7d: {  	_ =	shalt  }
0x7e: {  	_ =	shalt  }
0x7f: {  	_ =	shalt  }
0x80: {  	_ =	shalt  }
0x81: {  	_ =	shalt  }
0x82: {  	_ =	shalt  }
0x83: {  	_ =	shalt  }
0x84: {  	_ =	shalt  }
0x85: {  	_ =	shalt  }
0x86: {  	_ =	shalt  }
0x87: {  	_ =	shalt  }
.Lfunc_end0:
.L_simem_size_0:
called_computation.2_lowered:
.L_overlay_start_0:
0x88: {  	s0 =	sld [smem:$0x3FD9]  }
0x89: {  	s1 =	sld [smem:$0x3FFE];
	_ =	sdelay $0x3  }
0x8a: {  	s0 =	sadd.s32 s1, s0  }
0x8b: {  	[smem:$0x3FB5] =	sst s0  }
0x8c: {  	_ = 	snop  }
0x8d: {  	s0 =	sld [smem:$0x3FD0];
	(tm) =	ssettm $0x1  }
0x8e: {  	s16 =	sld [smem:$0x3FFB];
	_ =	sdelay $0x3  }
0x8f: {  	_ =	strace s16  }
0x90: {  	s1 =	sld [smem:$0x3FFC];
	_ =	sdelay $0x3  }
0x91: {  	_ =	strace s1  }
0x92: {  	s1 =	sld [smem:$0x3FFD];
	_ =	sdelay $0x3  }
0x93: {  	_ =	strace s1  }
0x94: {  	_ =	strace $0x8FFFFFFF  }
0x95: {  	s17 =	sld [smem:$0x3FDB];
	_ =	sdelay $0x1  }
0x96: {  	s2 =	simm.s32 $_scs_section_size  }
0x97: {  	s3 =	simm.s32 $_size__tile_overlayer_lowered;
	s4 =	simm.s32 $_tile_overlayer_lowered  }
0x98: {  	s20 =	simm.s32 $0x1BFF;
	s19 =	sshll.u32 s4, $0x1;
	s1 =	sadd.s32 s2, s17  }
0x99: {  	s5 =	simm.s32 $0x0;
	s18 =	sshll.u32 s3, $0x1;
	s3 =	sadd.s32 s19, s1  }
0x9a: {  	[timem:s5], [sflag:s20] =	dma.local [hbm:s3], s18  }
0x9b: {  	_ =	swait.ge [sflag:s20], s18  }
0x9c: {  	s2 =	ssub.s32 $0x0, s18;
	[sflag:s20] =	ssyncset.done $0x0  }
0x9d: {  	[sflag:s20] =	ssyncadd.s32 s2;
	_ =	sdelay $0x1  }
0x9e: {  	s21 =	simm.s32 $0x1B8B  }
0x9f: {  	_ =	swait.ge [sflag:s21], $0x1  }
0xa0: {  	[sflag:s21] =	ssyncset.done $0x0  }
0xa1: {  	s23 =	simm.s32 $0x1B8E;
	s22 =	sld [smem:$0x3FFE];
	[sflag:s21] =	ssyncadd.s32 $0xFFFFFFFF  }
0xa2: {  	s24 =	simm.s32 $execute0_lowered;
	[smem:$0x3FD2] =	sst s23  }
0xa3: {  	s3 =	sshll.u32 s24, $0x1;
	_ =	strace $0x80000058;
	[dreg:$0x1] =	wrdreg $0xFFFFFFFF  }
0xa4: {  	s25 =	simm.s32 $_size_execute0_lowered;
	s1 =	sadd.s32 s1, s3;
	[dreg:$0x0] =	wrdreg $0x0  }
0xa5: {  	s3 =	sshll.u32 s25, $0x1;
	[dreg:$0x2] =	wrdreg s1  }
0xa6: {  	[dreg:$0x3] =	wrdreg s3  }
0xa7: {  	[dreg:$0x4] =	wrdreg $0xC0  }
0xa8: {  	_ =	task [dreg:s5], $0x5FFFF  }
0xa9: {  	[dreg:$0x1] =	wrdreg $0xFFFFFFFF  }
0xaa: {  	[dreg:$0x0] =	wrdreg $0x60  }
0xab: {  	[dreg:$0x2] =	wrdreg s0  }
0xac: {  	[dreg:$0x3] =	wrdreg s22  }
0xad: {  	[dreg:$0x4] =	wrdreg $0x9  }
0xae: {  	_ =	task.clear_ibuf [dreg:s5], $0x5FFFF;
	_ =	strace $0x90000058  }
0xaf: {  	s26 =	simm.s32 $0x9;
	_ =	strace $0x8000005A  }
0xb0: {  	_ =	swait.ge [sflag:s26], $0x1  }
0xb1: {  	[sflag:s26] =	ssyncadd.s32 $0xFFFFFFFF  }
0xb2: {  	_ =	strace $0x9000005A  }
0xb3: {  	_ =	sfence  }
0xb4: {  	s28 =	sld [smem:$0x0];
	_ =	sdelay $0x1  }
0xb5: {  	s29 =	srdreg.scid  }
0xb6: {  	s30 =	sshll.u32 s29, $0xD;
	s31 =	sshrl.u32 s29, $0x2  }
0xb7: {  	s2 =	sand.u32 $0x4000, s30;
	s1 =	sand.u32 $0x1, s29;
	s0 =	sadd.s32 s31, s28  }
0xb8: {  	s1 =	sor.u32 s2, s1;
	s0 =	sshll.u32 s0, $0x11  }
0xb9: {  	s0 =	sor.u32 s0, s1  }
0xba: {  	s0 =	sadd.s32 $0x8F2B, s0  }
0xbb: {  	[sflag:s0] =	ssyncadd.remote.s32 $0x1  }
0xbc: {  	_ =	sfence.sel $0xFFFF  }
0xbd: {  	[dreg:$0x0] =	wrdreg $0xFFFFFFFF;
	(pc) =	sbr.abs _section_cstart, $3  }
0xbe: {  	[dreg:$0x1] =	wrdreg $0xFFFFFFFF  }
0xbf: {  	_ =	task.clear_ibuf [dreg:s5], $0x2FFFF;
	_ =	strace $0x9FFFFFFF  }
0xc0: {  	(tm) =	ssettm $0x7FFFFFFF  }
0xc1: {  	_ =	shalt  }
tec
execute0_lowered:
.L_overlay_start_1:
0x0: {  	(tag) =	ssettag $0x1  }
0x1: {  	s1 =	rddreg [dreg:$0x0]  }
0x2: {  	s8 =	rddreg [dreg:$0x1]  }
0x3: {  	s3 =	stileid.u32;
	_ =	strace $0x80000059;
	s0 =	simm.s32 $0x1  }
0x4: {  	v1 =	vimm.s32 $0xFFFFFFFF;
	s2 =	smin.u32 s3, $0x9;
	[sflag:s0] =	ssyncpa.u1 $0x0  }
0x5: {  	s2 =	sadd.s32 s3, s2;
	[tilespmem:$0x10] =	vst v1  }
0x6: {  	v0 =	vimm.f32 $0.0e+00;
	p0 =	slt.u32 s3, $0x9;
	[tilespmem:$0x20] =	vst v1;
	s4 =	smul.u32 $0x1A90, s2;
	s2 =	simm.s32 $0x3520  }
0x7: {  	[tilespmem:$0x30] =	vst v0;
	s2 =	simm.s32 @!p0 $0x1A90  }
0x8: {  	[tilespmem:$0x40] =	vst v0;
	s2 =	sadd.s32 s2, s4  }
0x9: {  	[tilespmem:$0x50] =	vst v0;
	s5 =	smin.u32 s2, $0x29810  }
0xa: {  	s7 =	simm.s32 $0x2;
	[tilespmem:$0x60] =	vst v1;
	s2 =	ssub.s32 s5, s4  }
0xb: {  	s31 =	simm.s32 $0x9;
	s16 =	simm.s32 $0x0;
	[tilespmem:$0x70] =	vst v1;
	p0 =	sgt.s32 s2, $0x0  }
0xc: {  	s17 =	simm.s32 $0xF0;
	s18 =	simm.s32 $0xFFFFFFFF;
	[tilespmem:$0x80] =	vst v1;
	s2 =	simm.s32 @!p0 $0x0  }
0xd: {  	s19 =	simm.s32 $0xFFFFCBE0;
	s20 =	simm.s32 $0xFFFFFFFE;
	v1 =	vimm.s32 $0x0;
	[tilespmem:$0xB0] =	vst v0;
	s6 =	smulhi.u32 $0x134679AD, s2  }
0xe: {  	s21 =	simm.s32 $0xF;
	s25 =	simm.s32 $0x0;
	s24 =	simm.s32 $0x0;
	[tilespmem:$0x90] =	vst v1  }
0xf: {  	[tilespmem:$0xA0] =	vst v1;
	[sflag:s7] =	ssyncpa.u1 $0x0;
	s7 =	simm.s32 $0x7;
	s9 =	sshrl.u32 s6, $0x9  }
0x10: {  	s14 =	sshllo.u32 s3, $0x1;
	[sflag:s7] =	ssyncpa.u1 $0x0;
	s10 =	smul.u32 $0x1A90, s9  }
.Ltmp0:
0x11: {  	s6 =	sadd.s32 $0x5400, s8;
	s8 =	simm.s32 $0x8;
	(pc) =	sbr.rel .LBB2_1-.Ltmp0, $4  }
0x12: {  	s23 =	smov.u32 s4;
	[sflag:s8] =	ssyncpa.u1 $0x0;
	p0 =	sne.s32 s2, s10  }
0x13: {  	[sflag:s31] =	ssyncpa.u1 $0x0;
	s10 =	sshll.u32 s3, $0x1;
	s0 =	simm.s32 @!p0 $0x0  }
0x14: {  	vm0 =	vmmov $0xffff;
	v2 =	vlaneseq.u32;
	s13 =	sor.u32 $0x81, s10;
	s15 =	sor.u32 $0x80, s10;
	s9 =	sadd.s32 s0, s9  }
0x15: {  	vm1 =	vmxor vm1, vm1;
	vm2 =	vmmov $0x1;
	vm3 =	vcmask $0x3F3C;
	p0 =	por $0x0, $0x0;
	s11 =	sadd.s32 $0x1, s9;
	s12 =	sadd.s32 $0x2, s9  }
.LBB2_9:
0x16: {  	p1 =	slt.u32 s24, $0x3  }
0x17: {  	s0 =	simm.s32 @!p1 $0x2  }
0x18: {  	_ =	swait.ge @!p1 [sflag:s0], $0x1A90  }
0x19: {  	[sflag:s0] =	ssyncset.done @!p1 $0x0  }
0x1a: {  	[sflag:s0] =	ssyncadd.s32 @!p1 $0xFFFFE570;
	s0 =	simm.s32 @!p1 $0x9  }
0x1b: {  	_ =	swait.ge @!p1 [sflag:s0], $0x10  }
0x1c: {  	[sflag:s0] =	ssyncset.done @!p1 $0x0  }
0x1d: {  	[sflag:s0] =	ssyncadd.s32 @!p1 $0xFFFFFFF0;
	p1 =	sne.s32 s24, s12  }
.Ltmp1:
0x1e: {  	s2 =	sadd.s32 $0x1A90, s23;
	(pc) =	sbr.rel @!p1 .LBB2_10-.Ltmp1, $4  }
0x1f: {  	s3 =	smov.u32 s4;
	s31 =	sadd.s32 $0x1, s24;
	s17 =	sadd.s32 $0x1A90, s17  }
0x20: {  	s18 =	sadd.s32 $0x1, s18;
	s25 =	smov.u32 s23;
	p2 =	slt.s32 s2, s5  }
0x21: {  	p0 =	por !p0, !p0;
	s19 =	sadd.s32 $0x1A90, s19;
	s3 =	smov.u32 @p2 s2  }
0x22: {  	s20 =	sadd.s32 $0x1, s20;
	s23 =	smov.u32 s3;
	s24 =	smov.u32 s31  }
.LBB2_1:
0x23: {  	p1 =	sge.u32 s24, s9  }
0x24: {  	s0 =	smulhi.u32 @!p1 $0xAAAAAAAB, s24;
	_ =	sdelay $0x1  }
0x25: {  	s0 =	sshrl.u32 @!p1 s0, $0x1  }
0x26: {  	s0 =	smul.u32 @!p1 $0x3, s0;
	_ =	sdelay $0x1  }
0x27: {  	s0 =	ssub.s32 @!p1 s24, s0  }
0x28: {  	s0 =	smul.u32 @!p1 $0x6A40, s0;
	_ =	sdelay $0x1  }
0x29: {  	s3 =	rddreg [dreg:$0x1];
	s2 =	sshrl.u32 @!p1 s23, $0x3;
	s0 =	sshrl.u32 @!p1 s0, $0x2  }
0x2a: {  	s22 =	sand.u32 @!p1 $0x7, s23;
	s2 =	sadd.s32 @!p1 s3, s2;
	s0 =	sadd.s32 @!p1 $0x100, s0  }
0x2b: {  	[tilespmem:s0], [sflag:$0x7] =	stream.linear.gather @!p1 [hbm4b:s2+s22], $0x1A90, $0x38;
	[tilespmem:$0xF030] =	vst v63  }
0x2c: {  	s0 =	sadd.s32 $0xFFFFFFFF, s24  }
0x2d: {  	p1 =	sge.u32 s0, s9  }
.Ltmp2:
0x2e: {  	_ = 	snop;
	(pc) =	sbr.rel @p1 .LBB2_5-.Ltmp2, $1  }
0x2f: {  	_ =	sdelay $0x3  }
0x30: {  	s2 =	smulhi.u32 $0xAAAAAAAB, s0;
	_ =	sdelay $0x1  }
0x31: {  	s2 =	sshrl.u32 s2, $0x1  }
0x32: {  	s2 =	smul.u32 $0x3, s2;
	_ =	sdelay $0x1  }
0x33: {  	s2 =	ssub.s32 s0, s2  }
0x34: {  	s2 =	smul.u32 $0x6A40, s2  }
0x35: {  	_ =	swait.ge [sflag:s7], $0x1A90  }
0x36: {  	[sflag:s7] =	ssyncset.done $0x0;
	s2 =	sshrl.u32 s2, $0x2  }
0x37: {  	[sflag:s7] =	ssyncadd.s32 $0xFFFFE570;
	(ifvalue) =	ssetifvalue $0xFFFFFFFF;
	v3 =	vld.msk [tilespmem:s2+$0x100 ss:$0x1], $0xffff;
	_ =	sdelay $0x2  }
0x38: {  	s30 =	smulhi.u32 $0xAAAAAAAB, s18;
	p1 =	sne.s32 s24, $0x1  }
0x39: {  	v4 =	vimm.s32 @!p1 $0x0  }
0x3a: {  	s2 =	sshrl.u32 s30, $0x1;
	v4 =	vperm.xlane @!p1 v3, v4  }
0x3b: {  	s22 =	sshll.u32 s24, $0x4;
	s2 =	smul.u32 $0xFFFEC140, s2;
	vm4 =	vlt.u32 v3, $0x2800  }
0x3c: {  	s22 =	sand.u32 $0x10, s22;
	v3 =	vnsel vm4, $0xFFFFFFFE, v3;
	vm4 =	vlt.u32 @!p1 v4, $0x2800  }
0x3d: {  	s2 =	sshra.s32 s2, $0x2;
	[tilespmem:s22+$0x60] =	vst v3;
	v3 =	vnsel @!p1 vm4, $0xFFFFFFFE, v4  }
0x3e: {  	s28 =	sadd.s32 s2, s17;
	[tilespmem:$0x80] =	vst @!p1 v3  }
0x3f: {  	v3 =	vld.msk [tilespmem:s28+$0x0 ss:$0x1], $0xffff;
	_ =	sdelay $0x4  }
0x40: {  	(xrf1) =	vunique.msk.u32 $0xffff, v3;
	_ =	sdelay $0xd  }
0x41: {  	v4 =	vimm.s32 $0xFFFFFFFF;
	v5, _, _ =	vpop (xrf1)  }
0x42: {  	vm5 =	vne.s32 v3, v4;
	vm4 =	veq.s32 v5, v2  }
0x43: {  	vm6 =	vlt.u32 v3, $0x2800;
	vm4 =	vmand vm5, vm4  }
0x44: {  	vm4 =	vmand vm6, vm4  }
0x45: {  	v4 =	vnsel vm4, $0xFFFFFFFF, v3  }
0x46: {  	s31 =	sand.u32 $0x1, s0  }
0x47: {  	s0 =	simm.s32 $0x1A90;
	p1 =	seq.s32 s31, $0x1  }
0x48: {  	s0 =	simm.s32 @!p1 $0x0  }
0x49: {  	s26 =	sadd.s32 $0x6B30, s0;
	(ifvalue) =	ssetifvalue $0xFFFFFFFF  }
0x4a: {  	v3 =	vperm.xlane v3, v1;
	[tilespmem:s26], [sflag:$0x8] =	stream.indirect_vreg.gather [hbm4b:s1+s16], $0x1, v4, vm0, $0x4038;
	v4 =	vnsel vm6, $0xFFFFFFFE, v4;
	[tilespmem:$0xF030] =	vst v63  }
0x4b: {  	s2 =	simm.s32 $0x0;
	s22 =	sadd.s32 $0xFFFFFFF0, s28;
	[tilespmem:s28+$0x0] =	vst v4  }
.LBB2_3:
0x4c: {  	v4 =	vld.msk [tilespmem:s22+$0x0 ss:$0x1], $0xffff;
	s2 =	sadd.s32 $0x10, s2;
	v5 =	vmov v3;
	s28 =	smov.u32 s22  }
0x4d: {  	p1 =	slt.u32 s2, $0x1A80;
	_ =	sdelay $0x4  }
0x4e: {  	v3 =	vperm.xlane v4, v1;
	(xrf1) =	vunique.msk.u32 $0xffff, v4;
	_ =	sdelay $0xd  }
0x4f: {  	v6, _, _ =	vpop (xrf1)  }
0x50: {  	vm5 =	vne.s32 v4, v5;
	vm4 =	veq.s32 v6, v2  }
0x51: {  	vm6 =	vlt.u32 v4, $0x2800;
	vm4 =	vmand vm5, vm4  }
0x52: {  	vm4 =	vmand vm6, vm4  }
0x53: {  	v4 =	vnsel vm4, $0xFFFFFFFF, v4  }
.Ltmp3:
0x54: {  	v5 =	vnsel vm6, $0xFFFFFFFE, v4;
	(pc) =	sbr.rel @p1 .LBB2_3-.Ltmp3, $3  }
0x55: {  	_ =	sdelay $0x1  }
0x56: {  	s22 =	sadd.s32 $0xFFFFFFF0, s22;
	s26 =	sadd.s32 $0xFFFFFFF0, s26;
	(ifvalue) =	ssetifvalue $0xFFFFFFFF  }
0x57: {  	[tilespmem:s26], [sflag:$0x8] =	stream.indirect_vreg.gather [hbm4b:s1+s16], $0x1, v4, vm0, $0x4038;
	[tilespmem:s28+$0x0] =	vst v5  }
0x58: {  	s2 =	sshrl.u32 s25, $0x3  }
0x59: {  	s0 =	sadd.s32 $0x85D0, s0;
	s2 =	sadd.s32 s6, s2  }
0x5a: {  	[tilespmem:s0], [sflag:$0x8] =	stream.linear.gather [hbm:s2], $0x1A90, $0x38;
	[tilespmem:$0xF030] =	vst v63  }
.LBB2_5:
0x5b: {  	p1 =	slt.u32 s24, $0x2  }
0x5c: {  	p2 =	sge.u32 @!p1 s24, s12  }
0x5d: {  	p1 =	por p1, p2  }
.Ltmp4:
0x5e: {  	_ = 	snop;
	(pc) =	sbr.rel @p1 .LBB2_9-.Ltmp4, $1  }
0x5f: {  	_ =	sdelay $0x3  }
0x60: {  	s0 =	sadd.s32 $0xFFFFFFFE, s24  }
0x61: {  	s2 =	smulhi.u32 $0xAAAAAAAB, s0;
	_ =	sdelay $0x1  }
0x62: {  	s2 =	sshrl.u32 s2, $0x1  }
0x63: {  	s2 =	smul.u32 $0x3, s2;
	_ =	sdelay $0x1  }
0x64: {  	s0 =	ssub.s32 s0, s2  }
0x65: {  	_ =	swait.ge [sflag:s8], $0x3520;
	s0 =	smul.u32 $0x1A90, s0  }
0x66: {  	p1 =	sne.s32 s24, s11;
	[sflag:s8] =	ssyncset.done $0x0  }
0x67: {  	[sflag:s8] =	ssyncadd.s32 $0xFFFFCAE0;
	s2 =	sadd.s32 @!p1 $0x1B8F, s0  }
0x68: {  	[spmem:s13] =	stream.linear.scatter @!p1 [tilespmem:s2], [sflag:$0x1], $0x1, $0x38;
	[tilespmem:$0xF030] =	vst v63  }
0x69: {  	s2 =	simm.s32 @!p1 $0x1  }
0x6a: {  	_ =	swait.ge @!p1 [sflag:s2], $0x1  }
0x6b: {  	s22 =	sshll.u32 s24, $0x4;
	[sflag:s2] =	ssyncset.done @!p1 $0x0  }
0x6c: {  	s25 =	sand.u32 $0x10, s22;
	[sflag:s2] =	ssyncadd.s32 @!p1 $0xFFFFFFFF  }
0x6d: {  	s2 =	sxor.u32 $0x10, s25;
	v4 =	vld [tilespmem:s25+$0x10]  }
0x6e: {  	v5 =	vld [tilespmem:s2+$0x60]  }
0x6f: {  	v3 =	vld [tilespmem:$0x80];
	_ =	sdelay $0x2  }
0x70: {  	(v2sf) =	vpush v4, $0x0  }
0x71: {  	(v2sf) =	vpush v5, $0x0  }
0x72: {  	(v2sf) =	vpush v3, $0x0;
	_ =	sdelay $0xc  }
0x73: {  	s3 =	spop (v2sf)  }
0x74: {  	s28 =	spop (v2sf)  }
0x75: {  	s26 =	spop (v2sf)  }
0x76: {  	p2 =	seq.s32 s3, s28;
	p3 =	seq.s32 s26, s3  }
0x77: {  	p3 =	por p2, p3  }
0x78: {  	s3 =	sand.u32 $0x1, s24;
	v4 =	vpsel p3, $0xFFFFFFFF, v4  }
0x79: {  	s28 =	smul.u32 $0x1A90, s3;
	[tilespmem:s25+$0x10] =	vst.msk $0x1, v4  }
0x7a: {  	v4 =	vld [tilespmem:$0x30]  }
0x7b: {  	v5 =	vld [tilespmem:s28+$0x85D0]  }
0x7c: {  	v6 =	vld [tilespmem:s25+$0x40];
	_ =	sdelay $0x3  }
0x7d: {  	vm4 =	vmmov vm1;
	v5 =	vadd.f32 v5, v4  }
0x7e: {  	vm5 =	vmmov vm2;
	vm4 =	vmmov @p2 vm2;
	v4 =	vadd.f32 v6, v4  }
0x7f: {  	s22 =	sshll.u32 s3, $0x4;
	vm5 =	vmmov @p3 vm1;
	[tilespmem:s28+$0x85D0] =	vst.msk vm4, v5  }
0x80: {  	[tilespmem:s22+$0xF010] =	vst.msk vm5, v4  }
0x81: {  	v4 =	vld [tilespmem:s28+$0x6B30];
	_ =	sdelay $0x3  }
0x82: {  	v5 =	vimm.f32 $0.0e+00  }
0x83: {  	v4 =	vshift.insert v4, v5, s21  }
0x84: {  	s29 =	sor.u32 $0x40, s2  }
0x85: {  	[tilespmem:s29+$0x0] =	vst.msk $0x1, v4  }
0x86: {  	[tilespmem:s28+$0x6B3F] =	vst.msk $0x1, v5  }
0x87: {  	v4 =	vld [tilespmem:s0+$0x1B80];
	_ =	sdelay $0x1  }
0x88: {  	s29 =	smulhi.u32 $0xAAAAAAAB, s20;
	s0 =	simm.s32 $0x1  }
0x89: {  	s0 =	simm.s32 @!p0 $0x0  }
0x8a: {  	s29 =	sshrl.u32 s29, $0x1;
	s0 =	smul.u32 $0x6A40, s0  }
0x8b: {  	s29 =	smul.u32 $0xFFFEC140, s29;
	v4 =	vshift.insert v4, v1, s21  }
0x8c: {  	s0 =	sshrl.u32 s0, $0x2  }
0x8d: {  	s29 =	sshra.s32 s29, $0x2;
	s30 =	sadd.s32 $0x85D0, s0;
	[tilespmem:s2+$0x10] =	vst.msk $0x1, v4  }
0x8e: {  	s3 =	sadd.s32 s29, s19;
	v6 =	vld [tilespmem:s30+$0x0]  }
0x8f: {  	v7 =	vld [tilespmem:s3+$0x0];
	_ =	sdelay $0x3  }
0x90: {  	v5 =	vadd.f32 v6, v5  }
0x91: {  	vm4 =	vne.s32 v7, $0xFFFFFFFF  }
0x92: {  	(xrf2) =	vadd.seg.scan.f32 vm4, v5;
	_ =	sdelay $0x3  }
0x93: {  	s31 =	sadd.s32 $0x50B0, s0;
	v5 =	vperm.xlane v4, v1  }
0x94: {  	v6 =	vld [tilespmem:s31+$0x0]  }
0x95: {  	vm5 =	veq.s32 v7, v3;
	vm6 =	veq.s32 v7, v5  }
0x96: {  	vm7 =	vgt.u32 v7, $0xFFFFFFFD;
	vm6 =	vmor vm6, vm5  }
0x97: {  	vm6 =	vmor vm6, vm7  }
0x98: {  	v9 =	vld [tilespmem:$0xA0];
	v7 =	vsel vm6, $0xFFFFFFFF, v7  }
0x99: {  	v10 =	vld [tilespmem:$0x90];
	v6 =	vsel vm5, $0x0, v6;
	v8, _, _ =	vpop (xrf2)  }
0x9a: {  	v6 =	vadd.f32 v8, v6  }
0x9b: {  	s0 =	sadd.s32 $0xBAF0, s0  }
0x9c: {  	vm4 =	vmand vm4, vm3;
	[tilespmem:s0+$0x0] =	vst v6;
	(ifvalue) =	ssetifvalue $0xFFFFFFFF  }
0x9d: {  	vm6 =	veq.s32 v9, $0x1;
	[hbm4b:s1+s16] =	stream.indirect_vreg.scatter [tilespmem:s0], [sflag:$0x2], $0x1, v7, vm0, $0x4038;
	v7 =	vsel vm4, $0x0, v8;
	[tilespmem:$0xF030] =	vst v63  }
0x9e: {  	s29 =	sadd.s32 $0xF010, s22;
	s22 =	sadd.s32 $0x10, s3;
	s2 =	simm.s32 $0x0;
	vm4 =	vmor vm6, vm5;
	v6 =	vsel vm5, v8, v10;
	v7 =	vshift.insert v7, v0, s21  }
.LBB2_7:
0x9f: {  	v8 =	vld [tilespmem:s22+$0x0];
	s30 =	sadd.s32 $0x10, s30  }
0xa0: {  	s31 =	sadd.s32 $0x10, s31;
	v9 =	vld [tilespmem:s30+$0x0]  }
0xa1: {  	s2 =	sadd.s32 $0x10, s2;
	v10 =	vld [tilespmem:s31+$0x0]  }
0xa2: {  	p2 =	slt.u32 s2, $0x1A80;
	_ =	sdelay $0x2  }
0xa3: {  	v7 =	vadd.f32 v9, v7  }
0xa4: {  	vm5 =	vne.s32 v8, $0xFFFFFFFF  }
0xa5: {  	vm6 =	vmand vm5, vm3;
	(xrf2) =	vadd.seg.scan.f32 vm5, v7;
	_ =	sdelay $0x5  }
0xa6: {  	vm7 =	veq.s32 v8, v5;
	vm5 =	veq.s32 v8, v3  }
0xa7: {  	vm8 =	vgt.u32 v8, $0xFFFFFFFD;
	vm4 =	vmor vm4, vm5;
	vm7 =	vmor vm7, vm5  }
0xa8: {  	vm7 =	vmor vm7, vm8  }
0xa9: {  	v8 =	vsel vm7, $0xFFFFFFFF, v8  }
.Ltmp5:
0xaa: {  	v7 =	vsel vm5, $0x0, v10;
	v9, _, _ =	vpop (xrf2);
	(pc) =	sbr.rel @p2 .LBB2_7-.Ltmp5, $4  }
0xab: {  	v6 =	vsel vm5, v9, v6;
	v10 =	vadd.f32 v9, v7;
	v7 =	vsel vm6, $0x0, v9  }
0xac: {  	s0 =	sadd.s32 $0x10, s0;
	v7 =	vshift.insert v7, v0, s21  }
0xad: {  	s22 =	sadd.s32 $0x10, s22;
	[tilespmem:s0+$0x0] =	vst v10;
	(ifvalue) =	ssetifvalue $0xFFFFFFFF  }
0xae: {  	[hbm4b:s1+s16] =	stream.indirect_vreg.scatter [tilespmem:s0], [sflag:$0x2], $0x1, v8, vm0, $0x4038;
	[tilespmem:$0xF030] =	vst v63  }
0xaf: {  	v3 =	vld [tilespmem:s28+$0xD570];
	_ =	sdelay $0x4  }
0xb0: {  	v3 =	vshift.insert v3, v0, s21  }
0xb1: {  	s0 =	simm.s32 $0x30  }
0xb2: {  	[tilespmem:s0+$0x0] =	vst.msk $0x1, v3  }
0xb3: {  	v3 =	vsel vm4, $0x1, v1;
	[tilespmem:$0x90] =	vst v6  }
0xb4: {  	s0 =	sadd.s32 @!p1 $0xD57F, s28;
	[tilespmem:$0xA0] =	vst v3  }
0xb5: {  	[spmem:s14] =	stream.linear.scatter @!p1 [tilespmem:s0], [sflag:$0x1], $0x1, $0x38;
	[tilespmem:$0xF030] =	vst v63  }
0xb6: {  	s0 =	simm.s32 @!p1 $0x1  }
0xb7: {  	v3 =	vmctz.xlane @!p1 vm4;
	_ =	swait.ge @!p1 [sflag:s0], $0x1  }
0xb8: {  	(v2sf) =	vpush @!p1 v4, $0x0  }
0xb9: {  	(v2sf) =	vpush @!p1 v3, $0x0;
	_ =	sdelay $0xd  }
0xba: {  	s2 =	spop @!p1 (v2sf)  }
0xbb: {  	s3 =	spop @!p1 (v2sf)  }
0xbc: {  	p2 =	sne.s32 @!p1 s26, s2;
	p3 =	slt.s32 @!p1 s3, $0xF  }
0xbd: {  	[sflag:s0] =	ssyncset.done @!p1 $0x0;
	p2 =	por p2, p1;
	p3 =	por !p3, p1  }
0xbe: {  	[sflag:s0] =	ssyncadd.s32 @!p1 $0xFFFFFFFF;
	v3 =	vimm.s32 @!p2 $0xFFFFFFFF;
	s3 =	simm.s32 @p3 $0xF  }
0xbf: {  	[tilespmem:$0x80] =	vst @!p2 v3;
	s2 =	sadd.s32 @!p1 $0x90, s3  }
0xc0: {  	[spmem:s10] =	stream.linear.scatter @!p1 [tilespmem:s2], [sflag:$0x1], $0x1, $0x38;
	[tilespmem:$0xF030] =	vst v63  }
0xc1: {  	_ =	swait.ge @!p1 [sflag:s0], $0x1  }
0xc2: {  	[sflag:s0] =	ssyncset.done @!p1 $0x0  }
0xc3: {  	s2 =	simm.s32 @!p1 $0x80;
	[sflag:s0] =	ssyncadd.s32 @!p1 $0xFFFFFFFF  }
0xc4: {  	[spmem:s15] =	stream.linear.scatter @!p1 [tilespmem:s2], [sflag:$0x1], $0x1, $0x38;
	[tilespmem:$0xF030] =	vst v63  }
0xc5: {  	_ =	swait.ge @!p1 [sflag:s0], $0x1  }
0xc6: {  	[sflag:s0] =	ssyncset.done @!p1 $0x0  }
0xc7: {  	[sflag:s0] =	ssyncadd.s32 @!p1 $0xFFFFFFFF;
	(ifvalue) =	ssetifvalue $0xFFFFFFFF;
	v3 =	vld [tilespmem:s25+$0x10];
	_ =	sdelay $0x3  }
.Ltmp6:
0xc8: {  	_ = 	snop;
	(pc) =	sbr.rel .LBB2_9-.Ltmp6, $3  }
0xc9: {  	_ =	sdelay $0x1  }
0xca: {  	(ifvalue) =	ssetifvalue $0xFFFFFFFF  }
0xcb: {  	[hbm4b:s1+s16] =	stream.indirect_vreg.scatter [tilespmem:s29], [sflag:$0x9], $0x1, v3, vm0, $0x4038;
	[tilespmem:$0xF030] =	vst v63  }
.LBB2_10:
0xcc: {  	_ =	sfence.sel $0x180000  }
0xcd: {  	s0 =	simm.s32 $0x7;
	[bflag:$0x0] =	sbarrier.arrive $0xFFFF  }
0xce: {  	s26 =	simm.s32 $0x8;
	[sflag:s0] =	ssyncpa.u1 $0x1  }
0xcf: {  	s28 =	simm.s32 $0x9;
	[sflag:s26] =	ssyncpa.u1 $0x1  }
0xd0: {  	[sflag:s28] =	ssyncpa.u1 $0x1  }
0xd1: {  	_ =	sfence.stream.spmem  }
0xd2: {  	s29 =	simm.s32 $0x3;
	[bflag:$0x0] =	sbarrier.arrive $0xFFFF  }
0xd3: {  	s30 =	simm.s32 $0x4;
	[sflag:s29] =	ssyncpa.u1 $0x1  }
0xd4: {  	s31 =	simm.s32 $0x3C;
	s2 =	stileid.u32;
	[sflag:s30] =	ssyncpa.u1 $0x1  }
0xd5: {  	p0 =	sne.s32 s2, $0x0;
	[sflag:s31] =	ssyncpa.u1 $0x1  }
0xd6: {  	s0 =	simm.s32 @p0 $0x1;
	_ =	sfence @p0  }
0xd7: {  	[sflag:s0] =	ssyncpa.u1 @p0 $0x1;
	s0 =	simm.s32 @p0 $0x2  }
0xd8: {  	[sflag:s0] =	ssyncpa.u1 @p0 $0x1  }
0xd9: {  	_ =	strace @p0 $0x90000059  }
0xda: {  	[bflag:$0x2] =	sbarrier.arrive @p0 $0xFFFF  }
0xdb: {  	_ =	shalt @p0  }
.LBB2_11:
0xdc: {  	_ =	sfence.stream.spmem;
	s0 =	simm.s32 $0x5  }
0xdd: {  	s2 =	simm.s32 $0x80;
	s3 =	simm.s32 $0xC0;
	[sflag:s0] =	ssyncpa.u1 $0x0  }
0xde: {  	[tilespmem:s3], [sflag:$0x5] =	stream.linear.gather [spmem:s2], $0x20, $0x38;
	[tilespmem:$0xF030] =	vst v63  }
0xdf: {  	s2 =	simm.s32 $0x0;
	s3 =	simm.s32 $0xE0  }
0xe0: {  	[tilespmem:s3], [sflag:$0x5] =	stream.linear.gather [spmem:s2], $0x20, $0x38;
	[tilespmem:$0xF030] =	vst v63  }
.Ltmp7:
0xe1: {  	_ = 	snop;
	(pc) =	sbr.rel .LBB2_12-.Ltmp7, $4  }
0xe2: {  	_ =	swait.ge [sflag:s0], $0x40  }
0xe3: {  	[sflag:s0] =	ssyncset.done $0x0  }
0xe4: {  	s31 =	simm.s32 $0x6;
	[sflag:s0] =	ssyncadd.s32 $0xFFFFFFC0  }
0xe5: {  	s4 =	simm.s32 $0x0;
	[sflag:s31] =	ssyncpa.u1 $0x0  }
.LBB2_17:
0xe6: {  	p0 =	sgt.u32 s5, $0x27FF  }
0xe7: {  	s0 =	sshrl.u32 @!p0 s5, $0x3  }
0xe8: {  	s5 =	sand.u32 @!p0 $0x7, s5;
	s6 =	simm.s32 @!p0 $0xB0;
	s0 =	sadd.s32 @!p0 s1, s0  }
0xe9: {  	[tilespmem:s6], [sflag:$0x6] =	stream.linear.gather @!p0 [hbm4b:s0+s5], $0x1, $0x38;
	[tilespmem:$0xF030] =	vst v63  }
0xea: {  	s0 =	simm.s32 @!p0 $0x6  }
0xeb: {  	_ =	swait.ge @!p0 [sflag:s0], $0x1  }
0xec: {  	[sflag:s0] =	ssyncset.done @!p0 $0x0  }
0xed: {  	[sflag:s0] =	ssyncadd.s32 @!p0 $0xFFFFFFFF  }
0xee: {  	v2 =	vmov @!p0 s4;
	v1 =	vld.msk @!p0 [tilespmem:$0xB0], $0x1;
	_ =	sdelay $0x3  }
0xef: {  	s0 =	simm.s32 @!p0 $0xE0  }
0xf0: {  	[tilespmem:v2+s0+$0x0], v1 =	vst.idx.ret.add.f32.msk @!p0 $0x1, v1  }
0xf1: {  	[tilespmem:s2+$0xC0] =	vst.msk $0x1, v0  }
0xf2: {  	v0 =	vld.msk [tilespmem:s4+$0xE0], $0x1;
	_ =	sdelay $0x4  }
0xf3: {  	[tilespmem:s2+$0xE0] =	vst.msk $0x1, v0;
	s2 =	sadd.s32 $0x1, s2  }
.LBB2_19:
0xf4: {  	s4 =	sadd.s32 $0x1, s4  }
0xf5: {  	p0 =	sne.s32 s4, $0x20  }
.Ltmp8:
0xf6: {  	_ = 	snop;
	(pc) =	sbr.rel @!p0 .LBB2_20-.Ltmp8, $1  }
0xf7: {  	_ =	sdelay $0x3  }
.LBB2_12:
0xf8: {  	v0 =	vld.msk [tilespmem:s4+$0xC0], $0x1;
	_ =	sdelay $0x4  }
0xf9: {  	(v2sf) =	vpush v0, $0x0;
	_ =	sdelay $0xe  }
0xfa: {  	s5 =	spop (v2sf)  }
0xfb: {  	p0 =	seq.s32 s5, $0xFFFFFFFF  }
.Ltmp9:
0xfc: {  	_ = 	snop;
	(pc) =	sbr.rel @p0 .LBB2_19-.Ltmp9, $1  }
0xfd: {  	_ =	sdelay $0x3  }
0xfe: {  	p0 =	slt.s32 s2, $0x1  }
.Ltmp10:
0xff: {  	_ = 	snop;
	(pc) =	sbr.rel @p0 .LBB2_17-.Ltmp10, $1  }
0x100: {  	_ =	sdelay $0x3  }
0x101: {  	s0 =	simm.s32 $0xC0;
	p0 =	por $0x0, $0x0  }
0x102: {  	v1 =	vld.msk @!p0 [tilespmem:s0+$0x0], $0x1;
	_ =	sdelay $0x4  }
0x103: {  	(v2sf) =	vpush @!p0 v1, $0x0;
	_ =	sdelay $0xd  }
0x104: {  	p2 =	sne.s32 s2, $0x1  }
.Ltmp11:
0x105: {  	s6 =	spop @!p0 (v2sf);
	(pc) =	sbr.rel @!p2 .LBB2_16-.Ltmp11, $4  }
0x106: {  	p1 =	seq.s32 @!p0 s5, s6  }
0x107: {  	s6 =	simm.s32 $0x0;
	p1 =	por !p1, p0  }
0x108: {  	s8 =	simm.s32 $0xFFFFFFFF;
	s6 =	simm.s32 @p1 $0xFFFFFFFF  }
0x109: {  	s7 =	simm.s32 $0x1;
	s6 =	smov.u32 @p0 s8  }
.LBB2_15:
0x10a: {  	s8 =	smov.u32 s6;
	p0 =	sne.s32 s6, $0xFFFFFFFF  }
0x10b: {  	s0 =	sadd.s32 $0x1, s0;
	s6 =	smov.u32 s7;
	s7 =	sadd.s32 $0x1, s7  }
0x10c: {  	p1 =	sne.s32 s2, s7;
	v1 =	vld.msk @!p0 [tilespmem:s0+$0x0], $0x1;
	_ =	sdelay $0x4  }
0x10d: {  	(v2sf) =	vpush @!p0 v1, $0x0;
	_ =	sdelay $0xe  }
.Ltmp12:
0x10e: {  	s9 =	spop @!p0 (v2sf);
	(pc) =	sbr.rel @p1 .LBB2_15-.Ltmp12, $4  }
0x10f: {  	p2 =	seq.s32 @!p0 s5, s9  }
0x110: {  	p2 =	por !p2, p0  }
0x111: {  	s6 =	simm.s32 @p2 $0xFFFFFFFF  }
0x112: {  	s6 =	smov.u32 @p0 s8  }
.LBB2_16:
0x113: {  	p0 =	sne.s32 s6, $0xFFFFFFFF  }
.Ltmp13:
0x114: {  	_ = 	snop;
	(pc) =	sbr.rel @!p0 .LBB2_17-.Ltmp13, $1  }
0x115: {  	_ =	sdelay $0x3  }
0x116: {  	v0 =	vld.msk [tilespmem:s4+$0xE0], $0x1;
	v1 =	vmov s6  }
.Ltmp14:
0x117: {  	_ = 	snop;
	(pc) =	sbr.rel .LBB2_19-.Ltmp14, $2  }
0x118: {  	_ =	sdelay $0x2  }
0x119: {  	[tilespmem:v1+s3+$0x0], v0 =	vst.idx.ret.add.f32.msk $0x1, v0  }
.LBB2_20:
0x11a: {  	p0 =	slt.s32 s2, $0x1  }
.Ltmp15:
0x11b: {  	_ = 	snop;
	(pc) =	sbr.rel @p0 .LBB2_24-.Ltmp15, $3  }
0x11c: {  	_ =	sdelay $0x1  }
0x11d: {  	s0 =	simm.s32 $0x6  }
0x11e: {  	s3 =	simm.s32 $0x0;
	[sflag:s0] =	ssyncpa.u1 $0x1  }
0x11f: {  	s0 =	simm.s32 $0xC0  }
0x120: {  	v0 =	vld.msk [tilespmem:s0+$0x0], $0x1;
	_ =	sdelay $0x4  }
0x121: {  	(v2sf) =	vpush v0, $0x0;
	_ =	sdelay $0xe  }
0x122: {  	s2 =	sadd.s32 $0xFFFFFFFF, s2;
	s4 =	spop (v2sf)  }
0x123: {  	p1 =	sne.s32 s2, $0x0;
	p0 =	sgt.u32 s4, $0x27FF  }
.Ltmp16:
0x124: {  	s5 =	sshrl.u32 @!p0 s4, $0x3;
	(pc) =	sbr.rel @!p1 .LBB2_23-.Ltmp16, $4  }
0x125: {  	s0 =	simm.s32 $0xE0;
	s4 =	sand.u32 @!p0 $0x7, s4;
	s5 =	sadd.s32 @!p0 s1, s5  }
0x126: {  	[hbm4b:s5+s4] =	stream.linear.scatter @!p0 [tilespmem:s0], [sflag:$0x5], $0x1, $0x38;
	[tilespmem:$0xF030] =	vst v63  }
0x127: {  	s5 =	simm.s32 $0x0  }
0x128: {  	s4 =	simm.s32 $0xC1;
	s5 =	simm.s32 @!p0 $0x4  }
.LBB2_22:
0x129: {  	v0 =	vld.msk [tilespmem:s4+$0x0], $0x1;
	s2 =	sadd.s32 $0xFFFFFFFF, s2;
	s3 =	sadd.s32 s3, s5  }
0x12a: {  	p0 =	sne.s32 s2, $0x0;
	_ =	sdelay $0x3  }
0x12b: {  	(v2sf) =	vpush v0, $0x0;
	_ =	sdelay $0xe  }
.Ltmp17:
0x12c: {  	s6 =	spop (v2sf);
	(pc) =	sbr.rel @p0 .LBB2_22-.Ltmp17, $4  }
0x12d: {  	s5 =	simm.s32 $0x0;
	p1 =	sgt.u32 s6, $0x27FF  }
0x12e: {  	s0 =	sadd.s32 $0x1, s0;
	s5 =	simm.s32 @!p1 $0x4;
	s7 =	sshrl.u32 @!p1 s6, $0x3  }
0x12f: {  	s4 =	sadd.s32 $0x1, s4;
	s6 =	sand.u32 @!p1 $0x7, s6;
	s7 =	sadd.s32 @!p1 s1, s7  }
0x130: {  	[hbm4b:s7+s6] =	stream.linear.scatter @!p1 [tilespmem:s0], [sflag:$0x5], $0x1, $0x38;
	[tilespmem:$0xF030] =	vst v63  }
.LBB2_23:
0x131: {  	s0 =	sadd.s32 s3, s5  }
0x132: {  	s3 =	sshrl.u32 s0, $0x2  }
.LBB2_24:
0x133: {  	s0 =	simm.s32 $0x5  }
0x134: {  	_ =	swait.ge [sflag:s0], s3  }
0x135: {  	s1 =	ssub.s32 $0x0, s3;
	[sflag:s0] =	ssyncset.done $0x0  }
0x136: {  	[sflag:s0] =	ssyncadd.s32 s1  }
0x137: {  	[sflag:s0] =	ssyncpa.u1 $0x1  }
0x138: {  	s29 =	simm.s32 $0x1;
	_ =	sfence  }
0x139: {  	s30 =	simm.s32 $0x2;
	[sflag:s29] =	ssyncpa.u1 $0x1  }
0x13a: {  	[sflag:s30] =	ssyncpa.u1 $0x1  }
0x13b: {  	_ =	strace $0x90000059  }
0x13c: {  	[bflag:$0x2] =	sbarrier.arrive $0xFFFF  }
0x13d: {  	s31 =	rddreg [dreg:$0x2]  }
0x13e: {  	s0 =	sadd.s32 $0x100000, s31  }
0x13f: {  	[sflag:s0] =	ssyncadd.tile.s32 $0x1;
	_ =	shalt  }
.Lfunc_end2:
_tile_overlayer_lowered:
.L_overlay_start_2:
0x140: {  	(tag) =	ssettag $0x2  }
0x141: {  	s0 =	rddreg [dreg:$0x0];
	s2 =	stileid.u32  }
0x142: {  	s1 =	rddreg [dreg:$0x1];
	p0 =	sne.s32 s2, $0x0  }
0x143: {  	s3 =	rddreg [dreg:$0x2];
	[bflag:$0x3] =	sbarrier.arrive $0xFFFF;
	s2 =	simm.s32 @!p0 $0x1C01  }
0x144: {  	[timem:s3], [sflag:s2] =	dma.local @!p0 [hbm:s0], s1  }
0x145: {  	s0 =	simm.s32 @!p0 $0x1  }
0x146: {  	_ =	swait.ge @!p0 [sflag:s0], s1  }
0x147: {  	s1 =	ssub.s32 @!p0 $0x0, s1;
	[sflag:s0] =	ssyncset.done @!p0 $0x0  }
0x148: {  	[sflag:s0] =	ssyncadd.s32 @!p0 s1  }
0x149: {  	[bflag:$0x3] =	sbarrier.arrive $0xFFFF  }
0x14a: {  	_ =	shalt  }

// kernel: scatter_offload_async_start.3
scs
__scs_entry_jumppad:
0x0: {  	(pc) =	sbr.rel $0x88, $3  }
0x1: {  	(tag) =	ssettag $0x0;
	lr =	simm.s32 $0x1  }
0x2: {  	[smem:$0x3F8E] =	sst lr;
	_ =	strace $0xD0000000  }
0x3: {  	_ = 	snop  }
0x4: {  	_ = 	snop  }
0x5: {  	_ = 	snop  }
0x6: {  	_ = 	snop  }
0x7: {  	_ = 	snop  }
__scs_overlays_trampoline_lowered:
0x8: {  	[smem:$0x3F9D] =	sst s0  }
0x9: {  	[smem:$0x3F9E] =	sst s1  }
0xa: {  	[smem:$0x3F9F] =	sst s2  }
0xb: {  	[smem:$0x3FA0] =	sst s3  }
0xc: {  	[smem:$0x3FA1] =	sst s4  }
0xd: {  	[smem:$0x3FA2] =	sst s5  }
0xe: {  	[smem:$0x3FA3] =	sst s6  }
0xf: {  	[smem:$0x3FA4] =	sst s7  }
0x10: {  	[smem:$0x3FA5] =	sst s8  }
0x11: {  	[smem:$0x3FA6] =	sst s9;
	s0 =	simm.s32 @!p0 $0x0  }
0x12: {  	s1 =	sld [smem:$0x3F8C];
	s0 =	simm.s32 @p0 $0x1  }
0x13: {  	[smem:$0x3FA7] =	sst s0;
	s0 =	simm.s32 @!p1 $0x0  }
0x14: {  	s2 =	sld [smem:$0x3F8B];
	s0 =	simm.s32 @p1 $0x1  }
0x15: {  	[smem:$0x3FA8] =	sst s0;
	s0 =	simm.s32 @!p2 $0x0  }
0x16: {  	s3 =	sld [smem:$0x3FDB];
	s0 =	simm.s32 @p2 $0x1  }
0x17: {  	s4 =	simm.s32 $0x1BF5;
	[smem:$0x3FAA] =	sst s0  }
0x18: {  	s0 =	sld [smem:$0x3F8D];
	_ =	swait.ge [sflag:s4], $0x0  }
0x19: {  	s7 =	sld [smem:$0x3F8E]  }
0x1a: {  	s8 =	sadd.s32 $0xFFFFE003, lr  }
0x1b: {  	s9 =	sadd.s32 $0xFFFFFEF7, lr;
	s5 =	simm.s32 $0xFFFFFFFF;
	p2 =	slt.u32 s8, $0xFFFFF086  }
0x1c: {  	p1 =	slt.u32 s9, $0xF7A;
	s5 =	simm.s32 @!p2 $0x0  }
0x1d: {  	s5 =	simm.s32 @p1 $0x1;
	p0 =	seq.s32 s7, s2  }
0x1e: {  	s7 =	smul.u32 @!p0 $0xF7A, s2;
	p2 =	seq.s32 @!p0 s5, $0x0  }
0x1f: {  	s9 =	smul.u32 $0xF7A, s1;
	s8 =	simm.s32 @!p0 $0x1BF5;
	p2 =	por !p2, p0  }
0x20: {  	[sflag:s8] =	ssyncset.s32 @!p0 $0xFFFFF086;
	s6 =	sadd.s32 @!p0 s3, s7;
	s7 =	simm.s32 @!p0 $0x108  }
0x21: {  	s3 =	sadd.s32 s3, s9;
	s6 =	sadd.s32 @!p0 $0x88, s6;
	s7 =	simm.s32 @p2 $0x1082  }
0x22: {  	[simem:s7], [sflag:s8] =	dma.local @!p0 [hbm:s6], $0xF7A  }
0x23: {  	s9 =	sor.u32 $0xD0000000, s2;
	s6 =	simm.s32 $0x108;
	_ =	swait.ge @!p0 [sflag:s8], $0x0  }
0x24: {  	s3 =	sadd.s32 $0x88, s3;
	s6 =	simm.s32 @!p1 $0x1082;
	[sflag:s4] =	ssyncset.s32 $0xFFFFF086  }
0x25: {  	[simem:s6], [sflag:s4] =	dma.local [hbm:s3], $0xF7A  }
0x26: {  	[smem:$0x3F8E] =	sst s1;
	(tag) =	ssettag s2;
	_ =	strace s9  }
0x27: {  	s1 =	sld [smem:$0x3F9E]  }
0x28: {  	s2 =	sld [smem:$0x3F9F]  }
0x29: {  	s4 =	sld [smem:$0x3FA1]  }
0x2a: {  	p0 =	seq.s32 s5, $0x0;
	s5 =	sld [smem:$0x3FA2]  }
0x2b: {  	s6 =	sld [smem:$0x3FA3]  }
0x2c: {  	s7 =	sld [smem:$0x3FA4]  }
0x2d: {  	s3 =	simm.s32 $0x108;
	s8 =	sld [smem:$0x3FA5]  }
0x2e: {  	s3 =	simm.s32 @!p0 $0x1082;
	s9 =	sld [smem:$0x3FA6]  }
0x2f: {  	lr =	sadd.s32 s0, s3;
	s0 =	sld [smem:$0x3F9D]  }
0x30: {  	s3 =	sld [smem:$0x3FA0]  }
0x31: {  	[smem:$0x3FA9] =	sst s10  }
0x32: {  	s10 =	sld [smem:$0x3FA7];
	_ =	sdelay $0x3  }
0x33: {  	p0 =	seq.s32 s10, $0x1;
	s10 =	sld [smem:$0x3FA9];
	_ =	sdelay $0x3  }
0x34: {  	[smem:$0x3FA9] =	sst s10  }
0x35: {  	s10 =	sld [smem:$0x3FA8];
	_ =	sdelay $0x3  }
0x36: {  	p1 =	seq.s32 s10, $0x1;
	s10 =	sld [smem:$0x3FA9];
	_ =	sdelay $0x3  }
0x37: {  	[smem:$0x3FA9] =	sst s10  }
0x38: {  	s10 =	sld [smem:$0x3FAA]  }
0x39: {  	_ = 	snop;
	(pc) =	sbr.ind lr, $3  }
0x3a: {  	_ = 	snop  }
0x3b: {  	_ = 	snop  }
0x3c: {  	p2 =	seq.s32 s10, $0x1;
	s10 =	sld [smem:$0x3FA9]  }
0x3d: {  	_ =	shalt  }
0x3e: {  	_ =	shalt  }
0x3f: {  	_ =	shalt  }
0x40: {  	_ =	shalt  }
0x41: {  	_ =	shalt  }
0x42: {  	_ =	shalt  }
0x43: {  	_ =	shalt  }
0x44: {  	_ =	shalt  }
0x45: {  	_ =	shalt  }
0x46: {  	_ =	shalt  }
0x47: {  	_ =	shalt  }
0x48: {  	_ =	shalt  }
0x49: {  	_ =	shalt  }
0x4a: {  	_ =	shalt  }
0x4b: {  	_ =	shalt  }
0x4c: {  	_ =	shalt  }
0x4d: {  	_ =	shalt  }
0x4e: {  	_ =	shalt  }
0x4f: {  	_ =	shalt  }
0x50: {  	_ =	shalt  }
0x51: {  	_ =	shalt  }
0x52: {  	_ =	shalt  }
0x53: {  	_ =	shalt  }
0x54: {  	_ =	shalt  }
0x55: {  	_ =	shalt  }
0x56: {  	_ =	shalt  }
0x57: {  	_ =	shalt  }
0x58: {  	_ =	shalt  }
0x59: {  	_ =	shalt  }
0x5a: {  	_ =	shalt  }
0x5b: {  	_ =	shalt  }
0x5c: {  	_ =	shalt  }
0x5d: {  	_ =	shalt  }
0x5e: {  	_ =	shalt  }
0x5f: {  	_ =	shalt  }
0x60: {  	_ =	shalt  }
0x61: {  	_ =	shalt  }
0x62: {  	_ =	shalt  }
0x63: {  	_ =	shalt  }
0x64: {  	_ =	shalt  }
0x65: {  	_ =	shalt  }
0x66: {  	_ =	shalt  }
0x67: {  	_ =	shalt  }
0x68: {  	_ =	shalt  }
0x69: {  	_ =	shalt  }
0x6a: {  	_ =	shalt  }
0x6b: {  	_ =	shalt  }
0x6c: {  	_ =	shalt  }
0x6d: {  	_ =	shalt  }
0x6e: {  	_ =	shalt  }
0x6f: {  	_ =	shalt  }
0x70: {  	_ =	shalt  }
0x71: {  	_ =	shalt  }
0x72: {  	_ =	shalt  }
0x73: {  	_ =	shalt  }
0x74: {  	_ =	shalt  }
0x75: {  	_ =	shalt  }
0x76: {  	_ =	shalt  }
0x77: {  	_ =	shalt  }
0x78: {  	_ =	shalt  }
0x79: {  	_ =	shalt  }
0x7a: {  	_ =	shalt  }
0x7b: {  	_ =	shalt  }
0x7c: {  	_ =	shalt  }
0x7d: {  	_ =	shalt  }
0x7e: {  	_ =	shalt  }
0x7f: {  	_ =	shalt  }
0x80: {  	_ =	shalt  }
0x81: {  	_ =	shalt  }
0x82: {  	_ =	shalt  }
0x83: {  	_ =	shalt  }
0x84: {  	_ =	shalt  }
0x85: {  	_ =	shalt  }
0x86: {  	_ =	shalt  }
0x87: {  	_ =	shalt  }
.Lfunc_end0:
.L_simem_size_0:
called_computation.3_lowered:
.L_overlay_start_0:
0x88: {  	s0 =	sld [smem:$0x3FD9]  }
0x89: {  	s1 =	sld [smem:$0x3FFE];
	_ =	sdelay $0x3  }
0x8a: {  	s0 =	sadd.s32 s1, s0  }
0x8b: {  	[smem:$0x3FB5] =	sst s0  }
0x8c: {  	_ = 	snop  }
0x8d: {  	(tm) =	ssettm $0x1  }
0x8e: {  	s15 =	sld [smem:$0x3FFB];
	_ =	sdelay $0x3  }
0x8f: {  	_ =	strace s15  }
0x90: {  	s0 =	sld [smem:$0x3FFC];
	_ =	sdelay $0x3  }
0x91: {  	_ =	strace s0  }
0x92: {  	s0 =	sld [smem:$0x3FFD];
	_ =	sdelay $0x3  }
0x93: {  	_ =	strace s0  }
0x94: {  	_ =	strace $0x8FFFFFFF  }
0x95: {  	s16 =	sld [smem:$0x3FDB];
	_ =	sdelay $0x1  }
0x96: {  	s17 =	simm.s32 $_scs_section_size  }
0x97: {  	s2 =	simm.s32 $_size__tile_overlayer_lowered;
	s3 =	simm.s32 $_tile_overlayer_lowered  }
0x98: {  	s20 =	simm.s32 $0x1BFF;
	s19 =	sshll.u32 s3, $0x1;
	s0 =	sadd.s32 s17, s16  }
0x99: {  	s4 =	simm.s32 $0x0;
	s18 =	sshll.u32 s2, $0x1;
	s2 =	sadd.s32 s19, s0  }
0x9a: {  	[timem:s4], [sflag:s20] =	dma.local [hbm:s2], s18  }
0x9b: {  	_ =	swait.ge [sflag:s20], s18  }
0x9c: {  	s1 =	ssub.s32 $0x0, s18;
	[sflag:s20] =	ssyncset.done $0x0  }
0x9d: {  	[sflag:s20] =	ssyncadd.s32 s1;
	_ =	sdelay $0x1  }
0x9e: {  	s21 =	simm.s32 $0x1B8B  }
0x9f: {  	_ =	swait.ge [sflag:s21], $0x1  }
0xa0: {  	[sflag:s21] =	ssyncset.done $0x0  }
0xa1: {  	s23 =	simm.s32 $0x1B8E;
	s22 =	sld [smem:$0x3FFE];
	[sflag:s21] =	ssyncadd.s32 $0xFFFFFFFF  }
0xa2: {  	s24 =	simm.s32 $execute0_lowered;
	[smem:$0x3FD2] =	sst s23  }
0xa3: {  	s2 =	sshll.u32 s24, $0x1;
	_ =	strace $0x8000005B;
	[dreg:$0x1] =	wrdreg $0xFFFFFFFF  }
0xa4: {  	s25 =	simm.s32 $_size_execute0_lowered;
	s0 =	sadd.s32 s0, s2;
	[dreg:$0x0] =	wrdreg $0x0  }
0xa5: {  	s2 =	sshll.u32 s25, $0x1;
	[dreg:$0x2] =	wrdreg s0  }
0xa6: {  	[dreg:$0x3] =	wrdreg s2  }
0xa7: {  	[dreg:$0x4] =	wrdreg $0xC0  }
0xa8: {  	_ =	task [dreg:s4], $0x5FFFF  }
0xa9: {  	[dreg:$0x1] =	wrdreg $0xFFFFFFFF  }
0xaa: {  	[dreg:$0x0] =	wrdreg $0x60  }
0xab: {  	[dreg:$0x2] =	wrdreg s22  }
0xac: {  	[dreg:$0x3] =	wrdreg $0xA  }
0xad: {  	_ =	task.clear_ibuf [dreg:s4], $0x4FFFF;
	_ =	strace $0x9000005B  }
0xae: {  	s26 =	simm.s32 $0xA;
	_ =	strace $0x8000005D  }
0xaf: {  	_ =	swait.ge [sflag:s26], $0x1  }
0xb0: {  	[sflag:s26] =	ssyncadd.s32 $0xFFFFFFFF  }
0xb1: {  	_ =	strace $0x9000005D  }
0xb2: {  	_ =	sfence  }
0xb3: {  	s28 =	sld [smem:$0x0];
	_ =	sdelay $0x1  }
0xb4: {  	s29 =	srdreg.scid  }
0xb5: {  	s30 =	sshll.u32 s29, $0xD;
	s31 =	sshrl.u32 s29, $0x2  }
0xb6: {  	s1 =	sand.u32 $0x1, s29;
	s2 =	sand.u32 $0x4000, s30;
	s0 =	sadd.s32 s31, s28  }
0xb7: {  	s1 =	sor.u32 s2, s1;
	s0 =	sshll.u32 s0, $0x11  }
0xb8: {  	s0 =	sor.u32 s0, s1  }
0xb9: {  	s0 =	sadd.s32 $0x8F2B, s0  }
0xba: {  	[sflag:s0] =	ssyncadd.remote.s32 $0x1  }
0xbb: {  	_ =	sfence.sel $0xFFFF  }
0xbc: {  	[dreg:$0x0] =	wrdreg $0xFFFFFFFF;
	(pc) =	sbr.abs _section_cstart, $3  }
0xbd: {  	[dreg:$0x1] =	wrdreg $0xFFFFFFFF  }
0xbe: {  	_ =	task.clear_ibuf [dreg:s4], $0x2FFFF;
	_ =	strace $0x9FFFFFFF  }
0xbf: {  	(tm) =	ssettm $0x7FFFFFFF  }
tec
execute0_lowered:
.L_overlay_start_1:
0x0: {  	(tag) =	ssettag $0x1  }
0x1: {  	s0 =	rddreg [dreg:$0x0];
	_ =	strace $0x8000005C;
	s1 =	simm.s32 $0x1  }
0x2: {  	s8 =	simm.s32 $0x108;
	v0 =	vimm.s32 $0x0;
	[sflag:s1] =	ssyncpa.u1 $0x0  }
0x3: {  	[tilespmem:s8+$0x70] =	vst v0  }
0x4: {  	[tilespmem:s8+$0x60] =	vst v0  }
0x5: {  	[tilespmem:s8+$0x50] =	vst v0  }
0x6: {  	[tilespmem:s8+$0x40] =	vst v0  }
0x7: {  	[tilespmem:s8+$0x30] =	vst v0  }
0x8: {  	s2 =	simm.s32 $0x40;
	s1 =	sadd.s32 $0x1C000, s0;
	[tilespmem:s8+$0x20] =	vst v0  }
0x9: {  	s3 =	sadd.s32 $0x11800, s0;
	s4 =	sadd.s32 $0x349400, s0;
	s5 =	sadd.s32 $0x16C00, s0;
	[tilespmem:s8+$0x10] =	vst v0  }
.LBB2_1:
0xa: {  	s2 =	sadd.s32 $0x40, s2;
	[tilespmem:s8+$0x0] =	vst v0;
	s8 =	sadd.s32 $0x80, s8  }
0xb: {  	p0 =	slt.u32 s2, $0x3C40;
	[tilespmem:s8+$0x70] =	vst v0  }
0xc: {  	[tilespmem:s8+$0x60] =	vst v0  }
.Ltmp0:
0xd: {  	[tilespmem:s8+$0x50] =	vst v0;
	(pc) =	sbr.rel @p0 .LBB2_1-.Ltmp0, $4  }
0xe: {  	[tilespmem:s8+$0x40] =	vst v0  }
0xf: {  	[tilespmem:s8+$0x30] =	vst v0  }
0x10: {  	[tilespmem:s8+$0x20] =	vst v0  }
0x11: {  	[tilespmem:s8+$0x10] =	vst v0  }
0x12: {  	s13 =	stileid.u32  }
0x13: {  	s0 =	smul.u32 $0x2C, s13  }
0x14: {  	s2 =	smin.u32 s13, $0x5  }
0x15: {  	s0 =	sadd.s32 s2, s0  }
0x16: {  	p0 =	slt.u32 s13, $0x5;
	s6 =	smul.u32 $0xF0, s0;
	s0 =	simm.s32 $0x2A30  }
0x17: {  	s0 =	simm.s32 @!p0 $0x2940  }
0x18: {  	s0 =	sadd.s32 s0, s6  }
0x19: {  	s7 =	smin.u32 s0, $0x29810  }
0x1a: {  	s0 =	ssub.s32 s7, s6  }
0x1b: {  	p0 =	sgt.s32 s0, $0x0  }
0x1c: {  	s0 =	simm.s32 @!p0 $0x0  }
0x1d: {  	s31 =	smulhi.u32 $0x88888889, s0  }
0x1e: {  	s30 =	simm.s32 $0x2;
	s9 =	simm.s32 $0x7;
	s10 =	simm.s32 $0x8  }
0x1f: {  	s19 =	simm.s32 $0x0;
	s15 =	simm.s32 $0xA;
	s2 =	sshrl.u32 s31, $0x7  }
0x20: {  	s17 =	simm.s32 $0x0;
	s18 =	simm.s32 $0x0;
	s11 =	smul.u32 $0xF0, s2  }
.Ltmp1:
0x21: {  	[tilespmem:s8+$0x0] =	vst v0;
	v0 =	vimm.s32 $0xFFFFFFFF;
	[sflag:s30] =	ssyncpa.u1 $0x0;
	s13 =	sshll.u32 s13, $0x8;
	(pc) =	sbr.rel .LBB2_3-.Ltmp1, $4  }
0x22: {  	[tilespmem:$0xF208] =	vst v0;
	[sflag:s9] =	ssyncpa.u1 $0x0;
	p0 =	sne.s32 s0, s11;
	s0 =	simm.s32 $0x1  }
0x23: {  	[sflag:s10] =	ssyncpa.u1 $0x0;
	s10 =	simm.s32 $0x9;
	s0 =	simm.s32 @!p0 $0x0  }
0x24: {  	[sflag:s10] =	ssyncpa.u1 $0x0;
	s16 =	smov.u32 s6;
	s12 =	sadd.s32 s0, s2  }
0x25: {  	v0 =	vlaneseq.u32;
	s11 =	simm.s32 $0x1;
	p0 =	por $0x0, $0x0;
	s14 =	sadd.s32 $0x1, s12  }
.LBB2_18:
0x26: {  	s0 =	sshrl.u32 s28, $0x2  }
.LBB2_20:
0x27: {  	_ =	swait.ge [sflag:s15], s0  }
0x28: {  	s31 =	ssub.s32 $0x0, s0;
	v1 =	vmov s21;
	vm0 =	veq.s32 v0, $0x0;
	[sflag:s15] =	ssyncset.done $0x0  }
0x29: {  	vm15 =	veq.s32 v0, $0x2;
	v1 =	vsel vm0, s26, v1;
	[sflag:s15] =	ssyncadd.s32 s31  }
0x2a: {  	v1 =	vsel vm15, s19, v1;
	[sflag:s15] =	ssyncpa.u1 $0x1  }
0x2b: {  	[tilespmem:$0xF208] =	vst v1  }
.LBB2_21:
0x2c: {  	s0 =	sadd.s32 $0xF0, s16  }
0x2d: {  	s2 =	smov.u32 s6;
	p1 =	slt.s32 s0, s7  }
0x2e: {  	s2 =	smov.u32 @p1 s0;
	p1 =	sne.s32 s18, s14  }
.Ltmp2:
0x2f: {  	_ = 	snop;
	(pc) =	sbr.rel @!p1 .LBB2_22-.Ltmp2, $3  }
0x30: {  	_ =	sdelay $0x1  }
0x31: {  	s19 =	smov.u32 s17;
	s31 =	sadd.s32 $0x1, s18;
	s17 =	smov.u32 s16  }
0x32: {  	p0 =	por !p0, !p0;
	s18 =	smov.u32 s31;
	s16 =	smov.u32 s2  }
.LBB2_3:
0x33: {  	p1 =	sge.u32 s18, s12  }
0x34: {  	s0 =	smulhi.u32 @!p1 $0xAAAAAAAB, s18  }
0x35: {  	s2 =	smov.u32 s16;
	p2 =	sgt.s32 @!p1 s16, $0x29720  }
0x36: {  	s20 =	sshra.s32 @!p1 s16, $0x1F;
	p2 =	por !p2, p1;
	s0 =	sshrl.u32 @!p1 s0, $0x1  }
0x37: {  	s20 =	sand.u32 @!p1 s20, s16;
	s2 =	simm.s32 @p2 $0x29720;
	s0 =	smul.u32 @!p1 $0x3, s0  }
0x38: {  	s2 =	ssub.s32 @!p1 s2, s20  }
0x39: {  	s2 =	sadd.s32 @!p1 $0xFFFD68E0, s2;
	s0 =	ssub.s32 @!p1 s18, s0  }
0x3a: {  	s20 =	sshll.u32 @!p1 s2, $0x2;
	p2 =	sgt.s32 @!p1 s2, $0xEF;
	s0 =	smul.u32 @!p1 $0x3C0, s0  }
0x3b: {  	s21 =	sand.u32 @!p1 $0x7, s16;
	s2 =	ssub.s32 @!p1 $0x3C0, s20;
	p2 =	por !p2, p1  }
0x3c: {  	s20 =	sshrl.u32 @!p1 s16, $0x3;
	s2 =	sshrl.u32 @!p1 s2, $0x2;
	s0 =	sshrl.u32 @!p1 s0, $0x2  }
0x3d: {  	s20 =	sadd.s32 @!p1 s5, s20;
	s2 =	simm.s32 @!p2 $0x0;
	s0 =	sadd.s32 @!p1 $0x10238, s0  }
0x3e: {  	[tilespmem:s0], [sflag:$0x8] =	stream.linear.gather @!p1 [hbm4b:s20+s21], s2, $0x38;
	[tilespmem:$0x1F6E8] =	vst v63  }
0x3f: {  	s0 =	sadd.s32 $0xFFFFFFFF, s18  }
0x40: {  	p1 =	sge.u32 s0, s12  }
0x41: {  	p2 =	sgt.s32 @!p1 s17, $0x29720  }
0x42: {  	s2 =	smov.u32 s17;
	s20 =	sshra.s32 @!p1 s17, $0x1F;
	p2 =	por !p2, p1  }
0x43: {  	s20 =	sand.u32 @!p1 s20, s17;
	s2 =	simm.s32 @p2 $0x29720  }
0x44: {  	s2 =	ssub.s32 @!p1 s2, s20  }
0x45: {  	s2 =	sadd.s32 @!p1 $0xFFFD68E0, s2  }
0x46: {  	s21 =	sand.u32 @!p1 $0x1, s0;
	s20 =	sshll.u32 @!p1 s2, $0x2  }
0x47: {  	p2 =	sgt.s32 @!p1 s2, $0xEF;
	s2 =	ssub.s32 @!p1 $0x3C0, s20;
	s20 =	smulhi.u32 @!p1 $0xAAAAAAAB, s0  }
0x48: {  	s23 =	smul.u32 @!p1 $0x3C0, s21;
	p2 =	por !p2, p1;
	s2 =	sshrl.u32 @!p1 s2, $0x2  }
0x49: {  	s22 =	simm.s32 @!p1 $0x8;
	s2 =	simm.s32 @!p2 $0x0;
	s20 =	sshrl.u32 @!p1 s20, $0x1  }
0x4a: {  	s23 =	sshrl.u32 @!p1 s23, $0x2;
	_ =	swait.ge @!p1 [sflag:s22], s2;
	s20 =	smul.u32 @!p1 $0x3, s20  }
0x4b: {  	s23 =	sor.u32 @!p1 $0x10508, s23;
	s24 =	ssub.s32 @!p1 $0x0, s2;
	[sflag:s22] =	ssyncset.done @!p1 $0x0  }
0x4c: {  	[sflag:s22] =	ssyncadd.s32 @!p1 s24;
	s22 =	sshrl.u32 @!p1 s17, $0x3;
	s0 =	ssub.s32 @!p1 s0, s20  }
0x4d: {  	s24 =	sand.u32 @!p1 $0x7, s17;
	s22 =	sadd.s32 @!p1 s3, s22;
	s0 =	smul.u32 @!p1 $0x3C0, s0  }
0x4e: {  	[tilespmem:s23], [sflag:$0x9] =	stream.linear.gather @!p1 [hbm4b:s22+s24], s2, $0x38;
	[tilespmem:$0x1F6E8] =	vst v63  }
0x4f: {  	s20 =	ssub.s32 @!p1 $0x29810, s17;
	s2 =	smul.u32 @!p1 $0x1E000, s21  }
0x50: {  	p2 =	slt.s32 @!p1 s20, $0xF0  }
0x51: {  	p2 =	por !p2, p1;
	s0 =	sshrl.u32 @!p1 s0, $0x2;
	s2 =	sshrl.u32 @!p1 s2, $0x2  }
0x52: {  	s20 =	simm.s32 @p2 $0xF0;
	s0 =	sadd.s32 @!p1 $0x10238, s0;
	s2 =	sor.u32 @!p1 $0x106E8, s2  }
0x53: {  	[tilespmem:s2], [sflag:$0x7] =	stream.indirect.gather @!p1 [hbm4b:s4+s20], $0x80, s0, s20, $0xb8;
	[tilespmem:$0x1F6E8] =	vst v63  }
0x54: {  	p1 =	slt.u32 s18, $0x2  }
.Ltmp3:
0x55: {  	_ = 	snop;
	(pc) =	sbr.rel @p1 .LBB2_21-.Ltmp3, $1  }
0x56: {  	_ =	sdelay $0x3  }
0x57: {  	p1 =	sgt.s32 s19, $0x29720;
	s0 =	smov.u32 s19  }
0x58: {  	s2 =	sshra.s32 s19, $0x1F;
	s20 =	ssub.s32 $0x29810, s19;
	s0 =	simm.s32 @!p1 $0x29720  }
0x59: {  	s2 =	sand.u32 s2, s19;
	p1 =	slt.s32 s20, $0xF0;
	s21 =	smov.u32 s20  }
0x5a: {  	s0 =	ssub.s32 s0, s2;
	s21 =	simm.s32 @!p1 $0xF0  }
0x5b: {  	s0 =	sadd.s32 $0xFFFD68E0, s0;
	s28 =	sshll.u32 s21, $0x7  }
0x5c: {  	s29 =	sshll.u32 s0, $0x2;
	s2 =	sand.u32 $0x3FFFFF80, s28  }
0x5d: {  	p1 =	sgt.s32 s0, $0xEF;
	s30 =	ssub.s32 $0x3C0, s29;
	_ =	swait.ge [sflag:s9], s2  }
0x5e: {  	s2 =	ssub.s32 $0x0, s2;
	[sflag:s9] =	ssyncset.done $0x0;
	s0 =	sshrl.u32 s30, $0x2  }
0x5f: {  	[sflag:s9] =	ssyncadd.s32 s2;
	s0 =	simm.s32 @p1 $0x0  }
0x60: {  	_ =	swait.ge [sflag:s10], s0  }
0x61: {  	s0 =	ssub.s32 $0x0, s0;
	[sflag:s10] =	ssyncset.done $0x0  }
0x62: {  	[sflag:s10] =	ssyncadd.s32 s0  }
0x63: {  	v1 =	vld [tilespmem:$0xF208];
	_ =	sdelay $0x4  }
0x64: {  	(v2sf) =	vpush v1, $0x0  }
0x65: {  	(v2sf) =	vpush v1, $0x1  }
0x66: {  	(v2sf) =	vpush v1, $0x2;
	_ =	sdelay $0x3  }
0x67: {  	s0 =	sadd.s32 $0xF0, s19  }
0x68: {  	p1 =	slt.s32 s7, s0  }
0x69: {  	s0 =	smov.u32 @p1 s7;
	p1 =	sgt.s32 s20, $0x0  }
0x6a: {  	s23 =	ssub.s32 s0, s19;
	s20 =	simm.s32 @!p1 $0x0  }
0x6b: {  	p1 =	slt.s32 s20, s23  }
0x6c: {  	s23 =	smov.u32 @p1 s20  }
0x6d: {  	s22 =	simm.s32 $0x1;
	p1 =	slt.s32 s23, $0x1  }
.Ltmp4:
0x6e: {  	s22 =	simm.s32 @!p0 $0x0;
	(pc) =	sbr.rel @p1 .LBB2_8-.Ltmp4, $4  }
0x6f: {  	s31 =	smul.u32 $0x3C0, s22  }
0x70: {  	s24 =	spop (v2sf)  }
0x71: {  	s0 =	sshrl.u32 s31, $0x2;
	s26 =	spop (v2sf)  }
0x72: {  	s20 =	sor.u32 $0x10508, s0;
	s19 =	spop (v2sf)  }
0x73: {  	s0 =	smin.u32 s23, $0x10  }
0x74: {  	v1 =	vmov s0  }
0x75: {  	p2 =	sgt.s32 s23, $0x10;
	vm1 =	vgt.u32 v1, v0  }
.Ltmp5:
0x76: {  	_ = 	snop;
	(pc) =	sbr.rel @!p2 .LBB2_7-.Ltmp5, $2  }
0x77: {  	_ =	sdelay $0x2  }
0x78: {  	s25 =	simm.s32 $0x10;
	s28 =	sadd.s32 $0xFFFFFFF0, s23;
	s21 =	smov.u32 s20;
	vm0 =	vmmov vm1  }
.LBB2_6:
0x79: {  	s0 =	smin.u32 s28, $0x10;
	s25 =	sadd.s32 $0x10, s25;
	v1 =	vld.msk [tilespmem:s21+$0x0 ss:$0x1], vm1  }
0x7a: {  	v2 =	vmov s0;
	p2 =	slt.s32 s25, s23  }
0x7b: {  	vm1 =	vgt.u32 v2, v0  }
.Ltmp6:
0x7c: {  	(pc) =	sbr.rel @p2 .LBB2_6-.Ltmp6, $3  }
0x7d: {  	_ =	sdelay $0x1  }
0x7e: {  	v1 =	vshll.u32 v1, $0x4  }
0x7f: {  	s28 =	sadd.s32 $0xFFFFFFF0, s28;
	[tilespmem:s21+$0x0] =	vst.msk vm0, v1;
	s21 =	sadd.s32 $0x10, s21;
	vm0 =	vmmov vm1  }
.LBB2_7:
0x80: {  	_ =	sdelay $0x4  }
0x81: {  	v1 =	vld.msk [tilespmem:s21+$0x0 ss:$0x1], vm1;
	_ =	sdelay $0x4  }
0x82: {  	v1 =	vshll.u32 v1, $0x4  }
0x83: {  	[tilespmem:s21+$0x0] =	vst.msk vm0, v1  }
.LBB2_8:
0x84: {  	s0 =	sand.u32 $0x1, s18  }
0x85: {  	s0 =	smul.u32 $0xF0, s0  }
0x86: {  	p2 =	sne.s32 s26, $0xFFFFFFFF  }
0x87: {  	v1 =	vld.msk @!p2 [tilespmem:s0+$0x10508], $0x1;
	_ =	sdelay $0x4  }
0x88: {  	(v2sf) =	vpush @!p2 v1, $0x0;
	_ =	sdelay $0xc  }
.Ltmp7:
0x89: {  	_ = 	snop;
	(pc) =	sbr.rel @p1 .LBB2_19-.Ltmp7, $4  }
0x8a: {  	_ = 	snop  }
0x8b: {  	s25 =	spop @!p2 (v2sf)  }
0x8c: {  	s19 =	simm.s32 @!p2 $0x0;
	s21 =	smov.u32 s25  }
0x8d: {  	[sflag:s15] =	ssyncpa.u1 $0x0;
	s25 =	smov.u32 @p2 s24;
	s21 =	smov.u32 @p2 s26  }
0x8e: {  	v1 =	vld.msk [tilespmem:s20+$0x0], $0x1;
	_ =	sdelay $0x4  }
0x8f: {  	(v2sf) =	vpush v1, $0x0;
	_ =	sdelay $0xe  }
0x90: {  	s0 =	smul.u32 $0x1E000, s22;
	s29 =	spop (v2sf)  }
0x91: {  	s23 =	ssub.s32 $0x0, s23;
	p1 =	seq.s32 s25, s29  }
0x92: {  	s26 =	sadd.s32 $0x1, s23;
	s0 =	sshrl.u32 s0, $0x2;
	p2 =	sgt.s32 @!p1 s25, $0x0  }
0x93: {  	s22 =	sor.u32 $0x10728, s0;
	s0 =	smov.u32 s25;
	p2 =	por !p2, p1  }
0x94: {  	s0 =	simm.s32 @p2 $0x0;
	p2 =	seq.s32 s26, $0x0  }
.Ltmp8:
0x95: {  	_ = 	snop;
	(pc) =	sbr.rel @p2 .LBB2_11-.Ltmp8, $4  }
0x96: {  	_ = 	snop  }
0x97: {  	s24 =	simm.s32 $0x0;
	s28 =	sadd.s32 $0x1, s20;
	s0 =	smin.u32 @!p1 s0, $0x270F0  }
0x98: {  	s30 =	simm.s32 @!p1 $0x1;
	s31 =	simm.s32 @!p1 $0x7988;
	s2 =	sand.u32 @!p1 $0x3FFF8, s0  }
0x99: {  	s30 =	smov.u32 @p1 s24;
	s0 =	sand.u32 @!p1 $0x7, s0;
	s2 =	sadd.s32 @!p1 s1, s2  }
.LBB2_10:
0x9a: {  	s8 =	smov.u32 s30  }
0x9b: {  	[tilespmem:s31], [sflag:$0x2] =	stream.linear.gather @!p1 [hbm4b:s2+s0], $0x80, $0x38;
	[tilespmem:$0x1F6E8] =	vst v63  }
0x9c: {  	s26 =	sadd.s32 $0x1, s26;
	s0 =	smov.u32 s29;
	v1 =	vld.msk [tilespmem:s28+$0x0], $0x1  }
0x9d: {  	p2 =	seq.s32 s26, $0x0;
	_ =	sdelay $0x3  }
0x9e: {  	(v2sf) =	vpush v1, $0x0;
	_ =	sdelay $0xe  }
0x9f: {  	s29 =	spop (v2sf)  }
0xa0: {  	p1 =	seq.s32 s0, s29  }
0xa1: {  	p3 =	sgt.s32 @!p1 s0, $0x0;
	s2 =	sshll.u32 @!p1 s30, $0x9;
	s30 =	sadd.s32 @!p1 $0x1, s30  }
.Ltmp9:
0xa2: {  	p3 =	por !p3, p1;
	s2 =	sshra.s32 @!p1 s2, $0x2;
	(pc) =	sbr.rel @!p2 .LBB2_10-.Ltmp9, $4  }
0xa3: {  	s30 =	smov.u32 @p1 s8;
	s0 =	simm.s32 @p3 $0x0;
	s31 =	sadd.s32 @!p1 $0x7988, s2  }
0xa4: {  	s0 =	smin.u32 @!p1 s0, $0x270F0  }
0xa5: {  	s2 =	sand.u32 @!p1 $0x3FFF8, s0;
	s0 =	sand.u32 @!p1 $0x7, s0  }
0xa6: {  	s28 =	sadd.s32 $0x1, s28;
	s2 =	sadd.s32 @!p1 s1, s2  }
.LBB2_11:
0xa7: {  	[tilespmem:s31], [sflag:$0x2] =	stream.linear.gather @!p1 [hbm4b:s2+s0], $0x80, $0x38;
	[tilespmem:$0x1F6E8] =	vst v63  }
.Ltmp10:
0xa8: {  	s30 =	sshll.u32 s30, $0x7;
	(pc) =	sbr.rel .LBB2_12-.Ltmp10, $4  }
0xa9: {  	s31 =	simm.s32 $0x2;
	s0 =	sand.u32 $0x3FFFFF80, s30  }
0xaa: {  	_ =	swait.ge [sflag:s31], s0  }
0xab: {  	s0 =	ssub.s32 $0x0, s0;
	[sflag:s31] =	ssyncset.done $0x0  }
0xac: {  	s28 =	simm.s32 $0x0;
	[sflag:s31] =	ssyncadd.s32 s0  }
.LBB2_13:
0xad: {  	v1 =	vld [tilespmem:s22+$0xFFFFFFC0];
	_ =	sdelay $0x3  }
0xae: {  	s0 =	sshra.s32 s0, $0x2  }
0xaf: {  	[tilespmem:s0+$0x108] =	vst.add.f32.msk $0xffff, v1  }
0xb0: {  	v1 =	vld [tilespmem:s22+$0xFFFFFFD0];
	_ =	sdelay $0x4  }
0xb1: {  	[tilespmem:s0+$0x118] =	vst.add.f32.msk $0xffff, v1  }
0xb2: {  	v1 =	vld [tilespmem:s22+$0xFFFFFFE0];
	_ =	sdelay $0x4  }
0xb3: {  	[tilespmem:s0+$0x128] =	vst.add.f32.msk $0xffff, v1  }
0xb4: {  	v1 =	vld [tilespmem:s22+$0xFFFFFFF0];
	_ =	sdelay $0x4  }
0xb5: {  	[tilespmem:s0+$0x138] =	vst.add.f32.msk $0xffff, v1  }
0xb6: {  	v1 =	vld [tilespmem:s22+$0x0];
	_ =	sdelay $0x4  }
0xb7: {  	[tilespmem:s0+$0x148] =	vst.add.f32.msk $0xffff, v1  }
0xb8: {  	v1 =	vld [tilespmem:s22+$0x10];
	_ =	sdelay $0x4  }
0xb9: {  	[tilespmem:s0+$0x158] =	vst.add.f32.msk $0xffff, v1  }
0xba: {  	v1 =	vld [tilespmem:s22+$0x20];
	_ =	sdelay $0x4  }
0xbb: {  	[tilespmem:s0+$0x168] =	vst.add.f32.msk $0xffff, v1  }
0xbc: {  	v1 =	vld [tilespmem:s22+$0x30];
	_ =	sdelay $0x4  }
0xbd: {  	[tilespmem:s0+$0x178] =	vst.add.f32.msk $0xffff, v1  }
.LBB2_17:
0xbe: {  	s23 =	sadd.s32 $0x1, s23  }
0xbf: {  	p1 =	seq.s32 s23, $0x0  }
.Ltmp11:
0xc0: {  	_ = 	snop;
	(pc) =	sbr.rel @p1 .LBB2_18-.Ltmp11, $2  }
0xc1: {  	_ =	sdelay $0x2  }
0xc2: {  	s20 =	sadd.s32 $0x1, s20;
	s22 =	sadd.s32 $0x80, s22;
	s25 =	smov.u32 s26  }
.LBB2_12:
0xc3: {  	v1 =	vld.msk [tilespmem:s20+$0x0], $0x1;
	_ =	sdelay $0x4  }
0xc4: {  	(v2sf) =	vpush v1, $0x0;
	_ =	sdelay $0xe  }
0xc5: {  	s26 =	spop (v2sf)  }
0xc6: {  	p1 =	sne.s32 s25, s26  }
.Ltmp12:
0xc7: {  	_ = 	snop;
	(pc) =	sbr.rel @!p1 .LBB2_13-.Ltmp12, $2  }
0xc8: {  	_ =	sdelay $0x2  }
0xc9: {  	s0 =	sshll.u32 s19, $0x9  }
0xca: {  	p1 =	seq.s32 s25, s21  }
.Ltmp13:
0xcb: {  	_ = 	snop;
	(pc) =	sbr.rel @!p1 .LBB2_15-.Ltmp13, $1  }
0xcc: {  	_ =	sdelay $0x3  }
0xcd: {  	s0 =	sshra.s32 s0, $0x2  }
.Ltmp14:
0xce: {  	s0 =	sadd.s32 $0x108, s0;
	(pc) =	sbr.rel .LBB2_16-.Ltmp14, $4  }
0xcf: {  	[spmem:s13] =	stream.linear.scatter [tilespmem:s0], [sflag:$0x1], $0x80, $0x38;
	[tilespmem:$0x1F6E8] =	vst v63  }
0xd0: {  	_ =	swait.ge [sflag:s11], $0x80  }
0xd1: {  	[sflag:s11] =	ssyncset.done $0x0  }
0xd2: {  	[sflag:s11] =	ssyncadd.s32 $0xFFFFFF80  }
.LBB2_15:
0xd3: {  	s2 =	sshll.u32 s24, $0x9  }
0xd4: {  	s2 =	sshra.s32 s2, $0x2  }
0xd5: {  	v1 =	vld [tilespmem:s2+$0x7988];
	_ =	sdelay $0x3  }
0xd6: {  	s0 =	sshra.s32 s0, $0x2  }
0xd7: {  	[tilespmem:s0+$0x108] =	vst.add.f32.msk $0xffff, v1  }
0xd8: {  	v1 =	vld [tilespmem:s2+$0x7998];
	_ =	sdelay $0x4  }
0xd9: {  	[tilespmem:s0+$0x118] =	vst.add.f32.msk $0xffff, v1  }
0xda: {  	v1 =	vld [tilespmem:s2+$0x79A8];
	_ =	sdelay $0x4  }
0xdb: {  	[tilespmem:s0+$0x128] =	vst.add.f32.msk $0xffff, v1  }
0xdc: {  	v1 =	vld [tilespmem:s2+$0x79B8];
	_ =	sdelay $0x4  }
0xdd: {  	[tilespmem:s0+$0x138] =	vst.add.f32.msk $0xffff, v1  }
0xde: {  	v1 =	vld [tilespmem:s2+$0x79C8];
	_ =	sdelay $0x4  }
0xdf: {  	[tilespmem:s0+$0x148] =	vst.add.f32.msk $0xffff, v1  }
0xe0: {  	v1 =	vld [tilespmem:s2+$0x79D8];
	_ =	sdelay $0x4  }
0xe1: {  	[tilespmem:s0+$0x158] =	vst.add.f32.msk $0xffff, v1  }
0xe2: {  	v1 =	vld [tilespmem:s2+$0x79E8];
	_ =	sdelay $0x4  }
0xe3: {  	[tilespmem:s0+$0x168] =	vst.add.f32.msk $0xffff, v1  }
0xe4: {  	v1 =	vld [tilespmem:s2+$0x79F8];
	_ =	sdelay $0x2  }
0xe5: {  	p1 =	sgt.u32 s25, $0x270F0  }
0xe6: {  	s2 =	sand.u32 @!p1 $0x3FFF8, s25  }
0xe7: {  	s8 =	sadd.s32 $0x108, s0;
	[tilespmem:s0+$0x178] =	vst.add.f32.msk $0xffff, v1;
	s0 =	sadd.s32 @!p1 s1, s2;
	s2 =	sand.u32 @!p1 $0x7, s25  }
0xe8: {  	[hbm4b:s0+s2] =	stream.linear.scatter @!p1 [tilespmem:s8], [sflag:$0xA], $0x80, $0x38;
	[tilespmem:$0x1F6E8] =	vst v63  }
0xe9: {  	s0 =	simm.s32 $0x0  }
0xea: {  	s0 =	simm.s32 @!p1 $0x200  }
0xeb: {  	s28 =	sadd.s32 s0, s28  }
.LBB2_16:
0xec: {  	s0 =	sadd.s32 $0x1, s19  }
0xed: {  	s2 =	smulhi.u32 $0x88888889, s0;
	_ =	sdelay $0x1  }
0xee: {  	v1 =	vld [tilespmem:s22+$0xFFFFFFC0];
	s2 =	sshrl.u32 s2, $0x7  }
0xef: {  	s2 =	smul.u32 $0xF0, s2;
	_ =	sdelay $0x1  }
0xf0: {  	s19 =	ssub.s32 s0, s2  }
0xf1: {  	s0 =	sshll.u32 s19, $0x7  }
0xf2: {  	[tilespmem:s0+$0x108] =	vst v1  }
0xf3: {  	v1 =	vld [tilespmem:s22+$0xFFFFFFD0];
	_ =	sdelay $0x4  }
0xf4: {  	[tilespmem:s0+$0x118] =	vst v1  }
0xf5: {  	v1 =	vld [tilespmem:s22+$0xFFFFFFE0];
	_ =	sdelay $0x4  }
0xf6: {  	[tilespmem:s0+$0x128] =	vst v1  }
0xf7: {  	v1 =	vld [tilespmem:s22+$0xFFFFFFF0];
	_ =	sdelay $0x4  }
0xf8: {  	[tilespmem:s0+$0x138] =	vst v1  }
0xf9: {  	v1 =	vld [tilespmem:s22+$0x0];
	_ =	sdelay $0x4  }
0xfa: {  	[tilespmem:s0+$0x148] =	vst v1  }
0xfb: {  	v1 =	vld [tilespmem:s22+$0x10];
	_ =	sdelay $0x4  }
0xfc: {  	[tilespmem:s0+$0x158] =	vst v1  }
0xfd: {  	v1 =	vld [tilespmem:s22+$0x20];
	_ =	sdelay $0x4  }
0xfe: {  	[tilespmem:s0+$0x168] =	vst v1  }
0xff: {  	v1 =	vld [tilespmem:s22+$0x30]  }
.Ltmp15:
0x100: {  	_ = 	snop;
	(pc) =	sbr.rel .LBB2_17-.Ltmp15, $2  }
0x101: {  	_ =	sdelay $0x2  }
0x102: {  	s24 =	sadd.s32 $0x1, s24;
	[tilespmem:s0+$0x178] =	vst v1  }
.LBB2_19:
.Ltmp16:
0x103: {  	(pc) =	sbr.rel .LBB2_20-.Ltmp16, $4  }
0x104: {  	_ = 	snop  }
0x105: {  	s0 =	simm.s32 $0x2  }
0x106: {  	_ =	swait.ge [sflag:s0], $0x0  }
0x107: {  	s26 =	smov.u32 s25;
	[sflag:s0] =	ssyncset.done $0x0;
	s0 =	simm.s32 $0x0  }
.LBB2_22:
0x108: {  	_ =	sfence.sel $0x180000  }
0x109: {  	s0 =	simm.s32 $0x7;
	[bflag:$0x0] =	sbarrier.arrive $0xFFFF  }
0x10a: {  	s25 =	simm.s32 $0x8;
	[sflag:s0] =	ssyncpa.u1 $0x1  }
0x10b: {  	s26 =	simm.s32 $0x9;
	[sflag:s25] =	ssyncpa.u1 $0x1  }
0x10c: {  	s28 =	simm.s32 $0x2;
	[sflag:s26] =	ssyncpa.u1 $0x1  }
0x10d: {  	[sflag:s28] =	ssyncpa.u1 $0x1  }
0x10e: {  	v0 =	vld [tilespmem:$0xF208];
	_ =	sdelay $0x4  }
0x10f: {  	(v2sf) =	vpush v0, $0x0  }
0x110: {  	(v2sf) =	vpush v0, $0x1;
	_ =	sdelay $0x1  }
0x111: {  	(v2sf) =	vpush v0, $0x2;
	_ =	sdelay $0xb  }
0x112: {  	s0 =	spop (v2sf)  }
0x113: {  	s2 =	spop (v2sf)  }
0x114: {  	s3 =	smov.u32 s0;
	p0 =	sne.s32 s0, s2  }
0x115: {  	s4 =	spop (v2sf);
	s3 =	simm.s32 @!p0 $0xFFFFFFFF  }
0x116: {  	v2 =	vimm.s32 $0x1;
	v3 =	vlaneseq.u32;
	p0 =	seq.s32 s4, $0xFFFFFFFF;
	v1 =	vmov s3  }
0x117: {  	s7 =	stileid.u32;
	v0 =	vperm.xlane v0, v2;
	p1 =	sne.s32 @!p0 s0, s2;
	v1 =	vperm.xlane v1, v3  }
0x118: {  	vm0 =	vcmask $0x3F04;
	s6 =	simm.s32 $0xF208;
	s0 =	simm.s32 @!p0 $0x1;
	p1 =	por !p1, p0  }
0x119: {  	s3 =	sshll.u32 s7, $0x1;
	s2 =	sshll.u32 @!p0 s4, $0x9;
	s0 =	simm.s32 @p1 $0x0;
	v0 =	vsel vm0, v1, v0  }
0x11a: {  	s5 =	sor.u32 $0x1000, s3;
	s2 =	sshra.s32 @!p0 s2, $0x2;
	s0 =	sor.u32 @!p0 s0, s3;
	[tilespmem:$0xF208] =	vst v0  }
0x11b: {  	[spmem:s5] =	stream.linear.scatter [tilespmem:s6], [sflag:$0x1], $0x2, $0x38;
	[tilespmem:$0x1F6E8] =	vst v63  }
0x11c: {  	s2 =	sadd.s32 @!p0 $0x108, s2;
	s0 =	sshll.u32 @!p0 s0, $0x7  }
0x11d: {  	[spmem:s0] =	stream.linear.scatter @!p0 [tilespmem:s2], [sflag:$0x1], $0x80, $0x38;
	[tilespmem:$0x1F6E8] =	vst v63  }
0x11e: {  	s0 =	simm.s32 @!p0 $0x82  }
0x11f: {  	s3 =	simm.s32 $0x1;
	s0 =	simm.s32 @p0 $0x2  }
0x120: {  	_ =	swait.ge [sflag:s3], s0  }
0x121: {  	s0 =	ssub.s32 $0x0, s0;
	[sflag:s3] =	ssyncset.done $0x0  }
0x122: {  	[sflag:s3] =	ssyncadd.s32 s0  }
0x123: {  	_ =	sfence.stream.spmem  }
0x124: {  	s29 =	simm.s32 $0x3;
	[bflag:$0x0] =	sbarrier.arrive $0xFFFF  }
0x125: {  	s30 =	simm.s32 $0x4;
	[sflag:s29] =	ssyncpa.u1 $0x1  }
0x126: {  	s31 =	simm.s32 $0x3C;
	[sflag:s30] =	ssyncpa.u1 $0x1  }
0x127: {  	p0 =	sne.s32 s7, $0x0;
	[sflag:s31] =	ssyncpa.u1 $0x1  }
0x128: {  	_ =	sfence @p0  }
0x129: {  	[sflag:s3] =	ssyncpa.u1 @p0 $0x1  }
0x12a: {  	_ =	strace @p0 $0x9000005C  }
0x12b: {  	[bflag:$0x2] =	sbarrier.arrive @p0 $0xFFFF  }
0x12c: {  	_ =	shalt @p0  }
.LBB2_23:
0x12d: {  	_ =	sfence.stream.spmem;
	s0 =	simm.s32 $0x5  }
0x12e: {  	s2 =	simm.s32 $0x1000;
	s3 =	simm.s32 $0xF218;
	[sflag:s0] =	ssyncpa.u1 $0x0  }
0x12f: {  	[tilespmem:s3], [sflag:$0x5] =	stream.linear.gather [spmem:s2], $0x20, $0x38;
	[tilespmem:$0x1F6E8] =	vst v63  }
0x130: {  	s30 =	simm.s32 $0xF238;
	s2 =	simm.s32 $0x0  }
0x131: {  	[tilespmem:s30], [sflag:$0x5] =	stream.linear.gather [spmem:s2], $0x1000, $0x38;
	[tilespmem:$0x1F6E8] =	vst v63  }
.Ltmp17:
0x132: {  	_ = 	snop;
	(pc) =	sbr.rel .LBB2_24-.Ltmp17, $4  }
0x133: {  	_ =	swait.ge [sflag:s0], $0x1020  }
0x134: {  	[sflag:s0] =	ssyncset.done $0x0  }
0x135: {  	s31 =	simm.s32 $0x6;
	[sflag:s0] =	ssyncadd.s32 $0xFFFFEFE0  }
0x136: {  	s3 =	simm.s32 $0x0;
	[sflag:s31] =	ssyncpa.u1 $0x0  }
.LBB2_30:
0x137: {  	p0 =	slt.u32 s4, $0x270F1  }
0x138: {  	s0 =	sand.u32 @p0 $0x3FFF8, s4  }
0x139: {  	s4 =	sand.u32 @p0 $0x7, s4;
	s5 =	simm.s32 @p0 $0xF188;
	s0 =	sadd.s32 @p0 s1, s0  }
0x13a: {  	[tilespmem:s5], [sflag:$0x6] =	stream.linear.gather @p0 [hbm4b:s0+s4], $0x80, $0x38;
	[tilespmem:$0x1F6E8] =	vst v63  }
0x13b: {  	s0 =	simm.s32 @p0 $0x6  }
0x13c: {  	_ =	swait.ge @p0 [sflag:s0], $0x80  }
0x13d: {  	[sflag:s0] =	ssyncset.done @p0 $0x0  }
0x13e: {  	[sflag:s0] =	ssyncadd.s32 @p0 $0xFFFFFF80  }
0x13f: {  	v1 =	vld @p0 [tilespmem:$0xF188];
	_ =	sdelay $0x2  }
0x140: {  	s0 =	sshll.u32 @p0 s3, $0x9  }
0x141: {  	s4 =	sshrl.u32 @p0 s0, $0x2  }
0x142: {  	[tilespmem:s4+$0xF238] =	vst.add.f32.msk @p0 $0xffff, v1  }
0x143: {  	v1 =	vld @p0 [tilespmem:$0xF198];
	_ =	sdelay $0x4  }
0x144: {  	[tilespmem:s4+$0xF248] =	vst.add.f32.msk @p0 $0xffff, v1  }
0x145: {  	v1 =	vld @p0 [tilespmem:$0xF1A8];
	_ =	sdelay $0x4  }
0x146: {  	[tilespmem:s4+$0xF258] =	vst.add.f32.msk @p0 $0xffff, v1  }
0x147: {  	v1 =	vld @p0 [tilespmem:$0xF1B8];
	_ =	sdelay $0x4  }
0x148: {  	[tilespmem:s4+$0xF268] =	vst.add.f32.msk @p0 $0xffff, v1  }
0x149: {  	v1 =	vld @p0 [tilespmem:$0xF1C8];
	_ =	sdelay $0x4  }
0x14a: {  	[tilespmem:s4+$0xF278] =	vst.add.f32.msk @p0 $0xffff, v1  }
0x14b: {  	v1 =	vld @p0 [tilespmem:$0xF1D8];
	_ =	sdelay $0x4  }
0x14c: {  	[tilespmem:s4+$0xF288] =	vst.add.f32.msk @p0 $0xffff, v1  }
0x14d: {  	v1 =	vld @p0 [tilespmem:$0xF1E8];
	_ =	sdelay $0x4  }
0x14e: {  	[tilespmem:s4+$0xF298] =	vst.add.f32.msk @p0 $0xffff, v1  }
0x14f: {  	v1 =	vld @p0 [tilespmem:$0xF1F8];
	_ =	sdelay $0x3  }
0x150: {  	s5 =	sshll.u32 @!p0 s3, $0x9  }
0x151: {  	s5 =	smov.u32 @p0 s0;
	[tilespmem:s4+$0xF2A8] =	vst.add.f32.msk @p0 $0xffff, v1  }
0x152: {  	s0 =	sshrl.u32 s5, $0x2;
	[tilespmem:s2+$0xF218] =	vst.msk $0x1, v0  }
0x153: {  	v0 =	vld [tilespmem:s0+$0xF238];
	_ =	sdelay $0x2  }
0x154: {  	s31 =	sshll.u32 s2, $0x9  }
0x155: {  	s4 =	sshra.s32 s31, $0x2  }
0x156: {  	[tilespmem:s4+$0xF238] =	vst v0  }
0x157: {  	v0 =	vld [tilespmem:s0+$0xF248];
	_ =	sdelay $0x4  }
0x158: {  	[tilespmem:s4+$0xF248] =	vst v0  }
0x159: {  	v0 =	vld [tilespmem:s0+$0xF258];
	_ =	sdelay $0x4  }
0x15a: {  	[tilespmem:s4+$0xF258] =	vst v0  }
0x15b: {  	v0 =	vld [tilespmem:s0+$0xF268];
	_ =	sdelay $0x4  }
0x15c: {  	[tilespmem:s4+$0xF268] =	vst v0  }
0x15d: {  	v0 =	vld [tilespmem:s0+$0xF278];
	_ =	sdelay $0x4  }
0x15e: {  	[tilespmem:s4+$0xF278] =	vst v0  }
0x15f: {  	v0 =	vld [tilespmem:s0+$0xF288];
	_ =	sdelay $0x4  }
0x160: {  	[tilespmem:s4+$0xF288] =	vst v0  }
0x161: {  	v0 =	vld [tilespmem:s0+$0xF298];
	_ =	sdelay $0x4  }
0x162: {  	[tilespmem:s4+$0xF298] =	vst v0  }
0x163: {  	v0 =	vld [tilespmem:s0+$0xF2A8];
	_ =	sdelay $0x4  }
0x164: {  	s2 =	sadd.s32 $0x1, s2;
	[tilespmem:s4+$0xF2A8] =	vst v0  }
.LBB2_31:
0x165: {  	s3 =	sadd.s32 $0x1, s3  }
0x166: {  	p0 =	sne.s32 s3, $0x20  }
.Ltmp18:
0x167: {  	_ = 	snop;
	(pc) =	sbr.rel @!p0 .LBB2_32-.Ltmp18, $1  }
0x168: {  	_ =	sdelay $0x3  }
.LBB2_24:
0x169: {  	v0 =	vld.msk [tilespmem:s3+$0xF218], $0x1;
	_ =	sdelay $0x4  }
0x16a: {  	(v2sf) =	vpush v0, $0x0;
	_ =	sdelay $0xe  }
0x16b: {  	s4 =	spop (v2sf)  }
0x16c: {  	p0 =	seq.s32 s4, $0xFFFFFFFF  }
.Ltmp19:
0x16d: {  	_ = 	snop;
	(pc) =	sbr.rel @p0 .LBB2_31-.Ltmp19, $1  }
0x16e: {  	_ =	sdelay $0x3  }
0x16f: {  	p0 =	slt.s32 s2, $0x1  }
.Ltmp20:
0x170: {  	_ = 	snop;
	(pc) =	sbr.rel @p0 .LBB2_30-.Ltmp20, $1  }
0x171: {  	_ =	sdelay $0x3  }
0x172: {  	s5 =	simm.s32 $0xF218;
	p0 =	por $0x0, $0x0  }
0x173: {  	v1 =	vld.msk @!p0 [tilespmem:s5+$0x0], $0x1;
	_ =	sdelay $0x4  }
0x174: {  	(v2sf) =	vpush @!p0 v1, $0x0;
	_ =	sdelay $0xd  }
0x175: {  	p2 =	sne.s32 s2, $0x1  }
.Ltmp21:
0x176: {  	s0 =	spop @!p0 (v2sf);
	(pc) =	sbr.rel @!p2 .LBB2_28-.Ltmp21, $4  }
0x177: {  	p1 =	seq.s32 @!p0 s4, s0  }
0x178: {  	s6 =	simm.s32 $0x0;
	p1 =	por !p1, p0  }
0x179: {  	s0 =	simm.s32 $0xFFFFFFFF;
	s6 =	simm.s32 @p1 $0xFFFFFFFF  }
0x17a: {  	s7 =	simm.s32 $0x1;
	s6 =	smov.u32 @p0 s0  }
.LBB2_27:
0x17b: {  	s0 =	smov.u32 s6;
	p0 =	sne.s32 s6, $0xFFFFFFFF  }
0x17c: {  	s5 =	sadd.s32 $0x1, s5;
	s6 =	smov.u32 s7;
	s7 =	sadd.s32 $0x1, s7  }
0x17d: {  	p1 =	sne.s32 s2, s7;
	v1 =	vld.msk @!p0 [tilespmem:s5+$0x0], $0x1;
	_ =	sdelay $0x4  }
0x17e: {  	(v2sf) =	vpush @!p0 v1, $0x0;
	_ =	sdelay $0xe  }
.Ltmp22:
0x17f: {  	s8 =	spop @!p0 (v2sf);
	(pc) =	sbr.rel @p1 .LBB2_27-.Ltmp22, $4  }
0x180: {  	p2 =	seq.s32 @!p0 s4, s8  }
0x181: {  	p2 =	por !p2, p0  }
0x182: {  	s6 =	simm.s32 @p2 $0xFFFFFFFF  }
0x183: {  	s6 =	smov.u32 @p0 s0  }
.LBB2_28:
0x184: {  	p0 =	seq.s32 s6, $0xFFFFFFFF  }
.Ltmp23:
0x185: {  	_ = 	snop;
	(pc) =	sbr.rel @p0 .LBB2_30-.Ltmp23, $1  }
0x186: {  	_ =	sdelay $0x3  }
0x187: {  	s0 =	sshll.u32 s3, $0x7  }
0x188: {  	s0 =	sand.u32 $0x3FFFFF80, s0  }
0x189: {  	v0 =	vld [tilespmem:s0+$0xF238];
	_ =	sdelay $0x2  }
0x18a: {  	s4 =	sshll.u32 s6, $0x9  }
0x18b: {  	s4 =	sshra.s32 s4, $0x2  }
0x18c: {  	[tilespmem:s4+$0xF238] =	vst.add.f32.msk $0xffff, v0  }
0x18d: {  	v0 =	vld [tilespmem:s0+$0xF248];
	_ =	sdelay $0x4  }
0x18e: {  	[tilespmem:s4+$0xF248] =	vst.add.f32.msk $0xffff, v0  }
0x18f: {  	v0 =	vld [tilespmem:s0+$0xF258];
	_ =	sdelay $0x4  }
0x190: {  	[tilespmem:s4+$0xF258] =	vst.add.f32.msk $0xffff, v0  }
0x191: {  	v0 =	vld [tilespmem:s0+$0xF268];
	_ =	sdelay $0x4  }
0x192: {  	[tilespmem:s4+$0xF268] =	vst.add.f32.msk $0xffff, v0  }
0x193: {  	v0 =	vld [tilespmem:s0+$0xF278];
	_ =	sdelay $0x4  }
0x194: {  	[tilespmem:s4+$0xF278] =	vst.add.f32.msk $0xffff, v0  }
0x195: {  	v0 =	vld [tilespmem:s0+$0xF288];
	_ =	sdelay $0x4  }
0x196: {  	[tilespmem:s4+$0xF288] =	vst.add.f32.msk $0xffff, v0  }
0x197: {  	v0 =	vld [tilespmem:s0+$0xF298];
	_ =	sdelay $0x4  }
0x198: {  	[tilespmem:s4+$0xF298] =	vst.add.f32.msk $0xffff, v0  }
0x199: {  	v0 =	vld [tilespmem:s0+$0xF2A8]  }
.Ltmp24:
0x19a: {  	_ = 	snop;
	(pc) =	sbr.rel .LBB2_31-.Ltmp24, $2  }
0x19b: {  	_ =	sdelay $0x2  }
0x19c: {  	[tilespmem:s4+$0xF2A8] =	vst.add.f32.msk $0xffff, v0  }
.LBB2_32:
0x19d: {  	p0 =	slt.s32 s2, $0x1  }
.Ltmp25:
0x19e: {  	_ = 	snop;
	(pc) =	sbr.rel @p0 .LBB2_36-.Ltmp25, $3  }
0x19f: {  	_ =	sdelay $0x1  }
0x1a0: {  	s0 =	simm.s32 $0x6  }
0x1a1: {  	s3 =	simm.s32 $0x0;
	[sflag:s0] =	ssyncpa.u1 $0x1  }
0x1a2: {  	s0 =	simm.s32 $0xF218  }
0x1a3: {  	v0 =	vld.msk [tilespmem:s0+$0x0], $0x1;
	_ =	sdelay $0x4  }
0x1a4: {  	(v2sf) =	vpush v0, $0x0;
	_ =	sdelay $0xd  }
0x1a5: {  	s2 =	sadd.s32 $0xFFFFFFFF, s2  }
0x1a6: {  	p1 =	sne.s32 s2, $0x0;
	s0 =	spop (v2sf)  }
.Ltmp26:
0x1a7: {  	p0 =	sgt.u32 s0, $0x270F0;
	(pc) =	sbr.rel @!p1 .LBB2_35-.Ltmp26, $4  }
0x1a8: {  	s4 =	simm.s32 $0xF238;
	s5 =	sand.u32 @!p0 $0x3FFF8, s0  }
0x1a9: {  	s6 =	simm.s32 $0x0;
	s0 =	sand.u32 @!p0 $0x7, s0;
	s5 =	sadd.s32 @!p0 s1, s5  }
0x1aa: {  	[hbm4b:s5+s0] =	stream.linear.scatter @!p0 [tilespmem:s4], [sflag:$0x5], $0x80, $0x38;
	[tilespmem:$0x1F6E8] =	vst v63  }
0x1ab: {  	s6 =	simm.s32 @!p0 $0x200;
	s5 =	simm.s32 $0xF219  }
.LBB2_34:
0x1ac: {  	v0 =	vld.msk [tilespmem:s5+$0x0], $0x1;
	s2 =	sadd.s32 $0xFFFFFFFF, s2;
	s3 =	sadd.s32 s3, s6  }
0x1ad: {  	p0 =	sne.s32 s2, $0x0;
	_ =	sdelay $0x3  }
0x1ae: {  	(v2sf) =	vpush v0, $0x0;
	_ =	sdelay $0xe  }
.Ltmp27:
0x1af: {  	s0 =	spop (v2sf);
	(pc) =	sbr.rel @p0 .LBB2_34-.Ltmp27, $4  }
0x1b0: {  	s6 =	simm.s32 $0x0;
	p1 =	sgt.u32 s0, $0x270F0  }
0x1b1: {  	s4 =	sadd.s32 $0x80, s4;
	s6 =	simm.s32 @!p1 $0x200;
	s7 =	sand.u32 @!p1 $0x3FFF8, s0  }
0x1b2: {  	s5 =	sadd.s32 $0x1, s5;
	s0 =	sand.u32 @!p1 $0x7, s0;
	s7 =	sadd.s32 @!p1 s1, s7  }
0x1b3: {  	[hbm4b:s7+s0] =	stream.linear.scatter @!p1 [tilespmem:s4], [sflag:$0x5], $0x80, $0x38;
	[tilespmem:$0x1F6E8] =	vst v63  }
.LBB2_35:
0x1b4: {  	s0 =	sadd.s32 s3, s6  }
0x1b5: {  	s3 =	sshrl.u32 s0, $0x2  }
.LBB2_36:
0x1b6: {  	s0 =	simm.s32 $0x5  }
0x1b7: {  	_ =	swait.ge [sflag:s0], s3  }
0x1b8: {  	s1 =	ssub.s32 $0x0, s3;
	[sflag:s0] =	ssyncset.done $0x0  }
0x1b9: {  	[sflag:s0] =	ssyncadd.s32 s1  }
0x1ba: {  	[sflag:s0] =	ssyncpa.u1 $0x1  }
0x1bb: {  	s30 =	simm.s32 $0x1;
	_ =	sfence  }
0x1bc: {  	[sflag:s30] =	ssyncpa.u1 $0x1  }
0x1bd: {  	_ =	strace $0x9000005C  }
0x1be: {  	[bflag:$0x2] =	sbarrier.arrive $0xFFFF  }
0x1bf: {  	s31 =	rddreg [dreg:$0x1]  }
0x1c0: {  	s0 =	sadd.s32 $0x100000, s31  }
0x1c1: {  	[sflag:s0] =	ssyncadd.tile.s32 $0x1;
	_ =	shalt  }
.Lfunc_end2:
_tile_overlayer_lowered:
.L_overlay_start_2:
0x1c2: {  	(tag) =	ssettag $0x2  }
0x1c3: {  	s0 =	rddreg [dreg:$0x0];
	s2 =	stileid.u32  }
0x1c4: {  	s1 =	rddreg [dreg:$0x1];
	p0 =	sne.s32 s2, $0x0  }
0x1c5: {  	s3 =	rddreg [dreg:$0x2];
	[bflag:$0x3] =	sbarrier.arrive $0xFFFF;
	s2 =	simm.s32 @!p0 $0x1C01  }
0x1c6: {  	[timem:s3], [sflag:s2] =	dma.local @!p0 [hbm:s0], s1  }
0x1c7: {  	s0 =	simm.s32 @!p0 $0x1  }
0x1c8: {  	_ =	swait.ge @!p0 [sflag:s0], s1  }
0x1c9: {  	s1 =	ssub.s32 @!p0 $0x0, s1;
	[sflag:s0] =	ssyncset.done @!p0 $0x0  }
0x1ca: {  	[sflag:s0] =	ssyncadd.s32 @!p0 s1  }
0x1cb: {  	[bflag:$0x3] =	sbarrier.arrive $0xFFFF  }
0x1cc: {  	_ =	shalt  }

// kernel: scatter_offload_async_start
scs
__scs_entry_jumppad:
0x0: {  	(pc) =	sbr.rel $0x88, $3  }
0x1: {  	(tag) =	ssettag $0x0;
	lr =	simm.s32 $0x1  }
0x2: {  	[smem:$0x3F8E] =	sst lr;
	_ =	strace $0xD0000000  }
0x3: {  	_ = 	snop  }
0x4: {  	_ = 	snop  }
0x5: {  	_ = 	snop  }
0x6: {  	_ = 	snop  }
0x7: {  	_ = 	snop  }
__scs_overlays_trampoline_lowered:
0x8: {  	[smem:$0x3F9D] =	sst s0  }
0x9: {  	[smem:$0x3F9E] =	sst s1  }
0xa: {  	[smem:$0x3F9F] =	sst s2  }
0xb: {  	[smem:$0x3FA0] =	sst s3  }
0xc: {  	[smem:$0x3FA1] =	sst s4  }
0xd: {  	[smem:$0x3FA2] =	sst s5  }
0xe: {  	[smem:$0x3FA3] =	sst s6  }
0xf: {  	[smem:$0x3FA4] =	sst s7  }
0x10: {  	[smem:$0x3FA5] =	sst s8  }
0x11: {  	[smem:$0x3FA6] =	sst s9;
	s0 =	simm.s32 @!p0 $0x0  }
0x12: {  	s1 =	sld [smem:$0x3F8C];
	s0 =	simm.s32 @p0 $0x1  }
0x13: {  	[smem:$0x3FA7] =	sst s0;
	s0 =	simm.s32 @!p1 $0x0  }
0x14: {  	s2 =	sld [smem:$0x3F8B];
	s0 =	simm.s32 @p1 $0x1  }
0x15: {  	[smem:$0x3FA8] =	sst s0;
	s0 =	simm.s32 @!p2 $0x0  }
0x16: {  	s3 =	sld [smem:$0x3FDB];
	s0 =	simm.s32 @p2 $0x1  }
0x17: {  	s4 =	simm.s32 $0x1BF5;
	[smem:$0x3FAA] =	sst s0  }
0x18: {  	s0 =	sld [smem:$0x3F8D];
	_ =	swait.ge [sflag:s4], $0x0  }
0x19: {  	s7 =	sld [smem:$0x3F8E]  }
0x1a: {  	s8 =	sadd.s32 $0xFFFFE003, lr  }
0x1b: {  	s9 =	sadd.s32 $0xFFFFFEF7, lr;
	s5 =	simm.s32 $0xFFFFFFFF;
	p2 =	slt.u32 s8, $0xFFFFF086  }
0x1c: {  	p1 =	slt.u32 s9, $0xF7A;
	s5 =	simm.s32 @!p2 $0x0  }
0x1d: {  	s5 =	simm.s32 @p1 $0x1;
	p0 =	seq.s32 s7, s2  }
0x1e: {  	s7 =	smul.u32 @!p0 $0xF7A, s2;
	p2 =	seq.s32 @!p0 s5, $0x0  }
0x1f: {  	s9 =	smul.u32 $0xF7A, s1;
	s8 =	simm.s32 @!p0 $0x1BF5;
	p2 =	por !p2, p0  }
0x20: {  	[sflag:s8] =	ssyncset.s32 @!p0 $0xFFFFF086;
	s6 =	sadd.s32 @!p0 s3, s7;
	s7 =	simm.s32 @!p0 $0x108  }
0x21: {  	s3 =	sadd.s32 s3, s9;
	s6 =	sadd.s32 @!p0 $0x88, s6;
	s7 =	simm.s32 @p2 $0x1082  }
0x22: {  	[simem:s7], [sflag:s8] =	dma.local @!p0 [hbm:s6], $0xF7A  }
0x23: {  	s9 =	sor.u32 $0xD0000000, s2;
	s6 =	simm.s32 $0x108;
	_ =	swait.ge @!p0 [sflag:s8], $0x0  }
0x24: {  	s3 =	sadd.s32 $0x88, s3;
	s6 =	simm.s32 @!p1 $0x1082;
	[sflag:s4] =	ssyncset.s32 $0xFFFFF086  }
0x25: {  	[simem:s6], [sflag:s4] =	dma.local [hbm:s3], $0xF7A  }
0x26: {  	[smem:$0x3F8E] =	sst s1;
	(tag) =	ssettag s2;
	_ =	strace s9  }
0x27: {  	s1 =	sld [smem:$0x3F9E]  }
0x28: {  	s2 =	sld [smem:$0x3F9F]  }
0x29: {  	s4 =	sld [smem:$0x3FA1]  }
0x2a: {  	p0 =	seq.s32 s5, $0x0;
	s5 =	sld [smem:$0x3FA2]  }
0x2b: {  	s6 =	sld [smem:$0x3FA3]  }
0x2c: {  	s7 =	sld [smem:$0x3FA4]  }
0x2d: {  	s3 =	simm.s32 $0x108;
	s8 =	sld [smem:$0x3FA5]  }
0x2e: {  	s3 =	simm.s32 @!p0 $0x1082;
	s9 =	sld [smem:$0x3FA6]  }
0x2f: {  	lr =	sadd.s32 s0, s3;
	s0 =	sld [smem:$0x3F9D]  }
0x30: {  	s3 =	sld [smem:$0x3FA0]  }
0x31: {  	[smem:$0x3FA9] =	sst s10  }
0x32: {  	s10 =	sld [smem:$0x3FA7];
	_ =	sdelay $0x3  }
0x33: {  	p0 =	seq.s32 s10, $0x1;
	s10 =	sld [smem:$0x3FA9];
	_ =	sdelay $0x3  }
0x34: {  	[smem:$0x3FA9] =	sst s10  }
0x35: {  	s10 =	sld [smem:$0x3FA8];
	_ =	sdelay $0x3  }
0x36: {  	p1 =	seq.s32 s10, $0x1;
	s10 =	sld [smem:$0x3FA9];
	_ =	sdelay $0x3  }
0x37: {  	[smem:$0x3FA9] =	sst s10  }
0x38: {  	s10 =	sld [smem:$0x3FAA]  }
0x39: {  	_ = 	snop;
	(pc) =	sbr.ind lr, $3  }
0x3a: {  	_ = 	snop  }
0x3b: {  	_ = 	snop  }
0x3c: {  	p2 =	seq.s32 s10, $0x1;
	s10 =	sld [smem:$0x3FA9]  }
0x3d: {  	_ =	shalt  }
0x3e: {  	_ =	shalt  }
0x3f: {  	_ =	shalt  }
0x40: {  	_ =	shalt  }
0x41: {  	_ =	shalt  }
0x42: {  	_ =	shalt  }
0x43: {  	_ =	shalt  }
0x44: {  	_ =	shalt  }
0x45: {  	_ =	shalt  }
0x46: {  	_ =	shalt  }
0x47: {  	_ =	shalt  }
0x48: {  	_ =	shalt  }
0x49: {  	_ =	shalt  }
0x4a: {  	_ =	shalt  }
0x4b: {  	_ =	shalt  }
0x4c: {  	_ =	shalt  }
0x4d: {  	_ =	shalt  }
0x4e: {  	_ =	shalt  }
0x4f: {  	_ =	shalt  }
0x50: {  	_ =	shalt  }
0x51: {  	_ =	shalt  }
0x52: {  	_ =	shalt  }
0x53: {  	_ =	shalt  }
0x54: {  	_ =	shalt  }
0x55: {  	_ =	shalt  }
0x56: {  	_ =	shalt  }
0x57: {  	_ =	shalt  }
0x58: {  	_ =	shalt  }
0x59: {  	_ =	shalt  }
0x5a: {  	_ =	shalt  }
0x5b: {  	_ =	shalt  }
0x5c: {  	_ =	shalt  }
0x5d: {  	_ =	shalt  }
0x5e: {  	_ =	shalt  }
0x5f: {  	_ =	shalt  }
0x60: {  	_ =	shalt  }
0x61: {  	_ =	shalt  }
0x62: {  	_ =	shalt  }
0x63: {  	_ =	shalt  }
0x64: {  	_ =	shalt  }
0x65: {  	_ =	shalt  }
0x66: {  	_ =	shalt  }
0x67: {  	_ =	shalt  }
0x68: {  	_ =	shalt  }
0x69: {  	_ =	shalt  }
0x6a: {  	_ =	shalt  }
0x6b: {  	_ =	shalt  }
0x6c: {  	_ =	shalt  }
0x6d: {  	_ =	shalt  }
0x6e: {  	_ =	shalt  }
0x6f: {  	_ =	shalt  }
0x70: {  	_ =	shalt  }
0x71: {  	_ =	shalt  }
0x72: {  	_ =	shalt  }
0x73: {  	_ =	shalt  }
0x74: {  	_ =	shalt  }
0x75: {  	_ =	shalt  }
0x76: {  	_ =	shalt  }
0x77: {  	_ =	shalt  }
0x78: {  	_ =	shalt  }
0x79: {  	_ =	shalt  }
0x7a: {  	_ =	shalt  }
0x7b: {  	_ =	shalt  }
0x7c: {  	_ =	shalt  }
0x7d: {  	_ =	shalt  }
0x7e: {  	_ =	shalt  }
0x7f: {  	_ =	shalt  }
0x80: {  	_ =	shalt  }
0x81: {  	_ =	shalt  }
0x82: {  	_ =	shalt  }
0x83: {  	_ =	shalt  }
0x84: {  	_ =	shalt  }
0x85: {  	_ =	shalt  }
0x86: {  	_ =	shalt  }
0x87: {  	_ =	shalt  }
.Lfunc_end0:
.L_simem_size_0:
called_computation_lowered:
.L_overlay_start_0:
0x88: {  	s0 =	sld [smem:$0x3FD9]  }
0x89: {  	s1 =	sld [smem:$0x3FFE];
	_ =	sdelay $0x3  }
0x8a: {  	s0 =	sadd.s32 s1, s0  }
0x8b: {  	[smem:$0x3FB5] =	sst s0  }
0x8c: {  	_ = 	snop  }
0x8d: {  	(tm) =	ssettm $0x1  }
0x8e: {  	s14 =	sld [smem:$0x3FFB];
	_ =	sdelay $0x3  }
0x8f: {  	_ =	strace s14  }
0x90: {  	s0 =	sld [smem:$0x3FFC];
	_ =	sdelay $0x3  }
0x91: {  	_ =	strace s0  }
0x92: {  	s0 =	sld [smem:$0x3FFD];
	_ =	sdelay $0x3  }
0x93: {  	_ =	strace s0  }
0x94: {  	_ =	strace $0x8FFFFFFF  }
0x95: {  	s15 =	sld [smem:$0x3FDB];
	_ =	sdelay $0x1  }
0x96: {  	s16 =	simm.s32 $_scs_section_size  }
0x97: {  	s2 =	simm.s32 $_size__tile_overlayer_lowered;
	s3 =	simm.s32 $_tile_overlayer_lowered  }
0x98: {  	s4 =	simm.s32 $0x1BFF;
	s17 =	sshll.u32 s3, $0x1;
	s1 =	sadd.s32 s16, s15  }
0x99: {  	s18 =	simm.s32 $0x0;
	s2 =	sshll.u32 s2, $0x1;
	s3 =	sadd.s32 s17, s1  }
0x9a: {  	[timem:s18], [sflag:s4] =	dma.local [hbm:s3], s2  }
0x9b: {  	_ =	swait.ge [sflag:s4], s2  }
0x9c: {  	s2 =	ssub.s32 $0x0, s2;
	[sflag:s4] =	ssyncset.done $0x0  }
0x9d: {  	[sflag:s4] =	ssyncadd.s32 s2;
	_ =	sdelay $0x1  }
0x9e: {  	s19 =	simm.s32 $0x1B8B  }
0x9f: {  	_ =	swait.ge [sflag:s19], $0x1  }
0xa0: {  	[sflag:s19] =	ssyncset.done $0x0  }
0xa1: {  	s21 =	simm.s32 $0x1B8E;
	s20 =	sld [smem:$0x3FFE];
	[sflag:s19] =	ssyncadd.s32 $0xFFFFFFFF  }
0xa2: {  	s22 =	simm.s32 $execute0_lowered;
	[smem:$0x3FD2] =	sst s21  }
0xa3: {  	s3 =	sshll.u32 s22, $0x1;
	_ =	strace $0x80000049;
	[dreg:$0x1] =	wrdreg $0xFFFFFFFF  }
0xa4: {  	s23 =	simm.s32 $_size_execute0_lowered;
	s3 =	sadd.s32 s1, s3;
	[dreg:$0x0] =	wrdreg $0x0  }
0xa5: {  	s4 =	sshll.u32 s23, $0x1;
	[dreg:$0x2] =	wrdreg s3  }
0xa6: {  	[dreg:$0x3] =	wrdreg s4  }
0xa7: {  	[dreg:$0x4] =	wrdreg $0xC0  }
0xa8: {  	s24 =	simm.s32 $execute1_lowered;
	_ =	task [dreg:s18], $0x5FFFF  }
0xa9: {  	s3 =	sshll.u32 s24, $0x1;
	[dreg:$0x1] =	wrdreg $0xFFFFFFFF  }
0xaa: {  	s1 =	sadd.s32 s1, s3;
	[dreg:$0x0] =	wrdreg $0x60  }
0xab: {  	[dreg:$0x2] =	wrdreg s1  }
0xac: {  	[dreg:$0x3] =	wrdreg s20  }
0xad: {  	[dreg:$0x4] =	wrdreg $0x9  }
0xae: {  	_ =	task.clear_ibuf [dreg:s18], $0x5FFFF;
	_ =	strace $0x90000049  }
0xaf: {  	s25 =	simm.s32 $0x9;
	_ =	strace $0x8000004B  }
0xb0: {  	_ =	swait.ge [sflag:s25], $0x1  }
0xb1: {  	[sflag:s25] =	ssyncadd.s32 $0xFFFFFFFF  }
0xb2: {  	_ =	strace $0x9000004B  }
0xb3: {  	_ =	strace $0x8000004C;
	[dreg:$0x1] =	wrdreg $0xFFFFFFFF  }
0xb4: {  	[dreg:$0x0] =	wrdreg $0x2030  }
0xb5: {  	[dreg:$0x2] =	wrdreg s20  }
0xb6: {  	[dreg:$0x3] =	wrdreg $0xA  }
0xb7: {  	_ =	task.clear_ibuf [dreg:s18], $0x4FFFF;
	_ =	strace $0x9000004C  }
0xb8: {  	s26 =	simm.s32 $0xA;
	_ =	strace $0x8000004E  }
0xb9: {  	_ =	swait.ge [sflag:s26], $0x1  }
0xba: {  	[sflag:s26] =	ssyncadd.s32 $0xFFFFFFFF  }
0xbb: {  	_ =	strace $0x9000004E  }
0xbc: {  	_ =	sfence  }
0xbd: {  	s28 =	sld [smem:$0x0];
	_ =	sdelay $0x1  }
0xbe: {  	s29 =	srdreg.scid  }
0xbf: {  	s30 =	sshll.u32 s29, $0xD;
	s31 =	sshrl.u32 s29, $0x2  }
0xc0: {  	s2 =	sand.u32 $0x1, s29;
	s3 =	sand.u32 $0x4000, s30;
	s1 =	sadd.s32 s31, s28  }
0xc1: {  	s2 =	sor.u32 s3, s2;
	s1 =	sshll.u32 s1, $0x11  }
0xc2: {  	s1 =	sor.u32 s1, s2  }
0xc3: {  	s1 =	sadd.s32 $0x8F2B, s1  }
0xc4: {  	[sflag:s1] =	ssyncadd.remote.s32 $0x1  }
0xc5: {  	_ =	sfence.sel $0xFFFF  }
0xc6: {  	[dreg:$0x0] =	wrdreg $0xFFFFFFFF;
	(pc) =	sbr.abs _section_cstart, $3  }
0xc7: {  	[dreg:$0x1] =	wrdreg $0xFFFFFFFF  }
0xc8: {  	_ =	task.clear_ibuf [dreg:s18], $0x2FFFF;
	_ =	strace $0x9FFFFFFF  }
0xc9: {  	(tm) =	ssettm $0x7FFFFFFF  }
tec
execute0_lowered:
.L_overlay_start_1:
0x0: {  	(tag) =	ssettag $0x1  }
0x1: {  	s2 =	rddreg [dreg:$0x0]  }
0x2: {  	s5 =	rddreg [dreg:$0x1]  }
0x3: {  	s0 =	rddreg [dreg:$0x2];
	s3 =	stileid.u32  }
0x4: {  	[bflag:$0x3] =	sbarrier.arrive $0xFFFF;
	s1 =	simm.s32 $_size_execute1_lowered;
	s31 =	simm.s32 $0x2  }
0x5: {  	s13 =	simm.s32 $0x0;
	s8 =	simm.s32 $0x20;
	s9 =	simm.s32 $0x80  }
0x6: {  	s11 =	simm.s32 $0x0;
	s12 =	simm.s32 $0x0;
	p0 =	sne.s32 s3, $0x0  }
0x7: {  	s1 =	sshll.u32 s1, $0x1;
	s3 =	sshll.u32 s3, $0x9;
	s4 =	simm.s32 @!p0 $0x1C3F  }
.Ltmp0:
0x8: {  	s6 =	simm.s32 @!p0 $0x4060;
	s7 =	ssub.s32 $0x2600, s3;
	(pc) =	sbr.rel .LBB2_1-.Ltmp0, $4  }
0x9: {  	[timem:s6], [sflag:s4] =	dma.local @!p0 [hbm:s2], s1  }
0xa: {  	s10 =	smov.u32 s3;
	s4 =	simm.s32 $0x1;
	_ =	strace $0x8000004A  }
0xb: {  	s2 =	sadd.s32 $0x30C00, s5;
	s6 =	sshrl.u32 s7, $0xD;
	[sflag:s4] =	ssyncpa.u1 $0x0  }
0xc: {  	s5 =	sadd.s32 $0x57E00, s5;
	s7 =	sor.u32 $0x2, s6;
	[sflag:s31] =	ssyncpa.u1 $0x0  }
.LBB2_5:
0xd: {  	_ =	sdelay $0x3  }
0xe: {  	[tilespmem:v1+s16+$0x0 ss:$0x1] =	vst.idx.msk $0xffff, v2  }
.LBB2_6:
0xf: {  	s16 =	sand.u32 $0x1FFFFFF, s11  }
0x10: {  	s17 =	smulhi.u32 $0x1A36E2F, s16;
	_ =	sdelay $0x1  }
0x11: {  	s17 =	sshrl.u32 s17, $0x6  }
0x12: {  	s17 =	smul.u32 $0x2710, s17;
	_ =	sdelay $0x1  }
0x13: {  	s16 =	ssub.s32 s16, s17  }
0x14: {  	s16 =	sshll.u32 s16, $0x4  }
0x15: {  	s16 =	sadd.s32 s5, s16  }
0x16: {  	[hbm4b:s16+s8] =	stream.strided.scatter [tilespmem:s15], [sflag:$0x2], s14, s9, s8, $0x38;
	[tilespmem:$0x10000] =	vst v63  }
.LBB2_7:
0x17: {  	p1 =	slt.u32 s12, $0x2  }
0x18: {  	p2 =	sgt.s32 @!p1 s13, $0x2510  }
0x19: {  	s14 =	smov.u32 s13;
	s15 =	sshra.s32 @!p1 s13, $0x1F;
	p2 =	por !p2, p1  }
0x1a: {  	s13 =	sand.u32 @!p1 s15, s13;
	s14 =	simm.s32 @p2 $0x2510  }
0x1b: {  	s13 =	ssub.s32 @!p1 s14, s13  }
0x1c: {  	s13 =	sadd.s32 @!p1 $0xFFFFDAF0, s13  }
0x1d: {  	s14 =	sshll.u32 @!p1 s13, $0x7  }
0x1e: {  	p2 =	sgt.s32 @!p1 s13, $0x1FF;
	s13 =	ssub.s32 @!p1 $0x10000, s14  }
0x1f: {  	s15 =	sadd.s32 $0x2000, s10;
	p2 =	por !p2, p1;
	s13 =	sshrl.u32 @!p1 s13, $0x2  }
0x20: {  	s13 =	simm.s32 @!p2 $0x0;
	p2 =	sgt.s32 s15, $0x270F  }
0x21: {  	s15 =	smov.u32 @p2 s3;
	p2 =	sne.s32 s12, s7  }
.Ltmp1:
0x22: {  	_ = 	snop;
	(pc) =	sbr.rel @!p2 .LBB2_8-.Ltmp1, $4  }
0x23: {  	s14 =	simm.s32 @!p1 $0x2  }
0x24: {  	_ =	swait.ge @!p1 [sflag:s14], s13;
	s16 =	ssub.s32 @!p1 $0x0, s13  }
0x25: {  	s13 =	smov.u32 s11;
	s12 =	sadd.s32 $0x1, s12;
	[sflag:s14] =	ssyncset.done @!p1 $0x0  }
0x26: {  	s11 =	smov.u32 s10;
	s10 =	smov.u32 s15;
	[sflag:s14] =	ssyncadd.s32 @!p1 s16  }
.LBB2_1:
0x27: {  	p1 =	sgt.u32 s12, s6  }
0x28: {  	s15 =	smov.u32 s10;
	p2 =	sgt.s32 @!p1 s10, $0x2510  }
0x29: {  	s14 =	sand.u32 @!p1 $0x1FFFFFF, s10;
	s16 =	sshra.s32 @!p1 s10, $0x1F;
	p2 =	por !p2, p1  }
0x2a: {  	s17 =	smulhi.u32 @!p1 $0x1A36E2F, s14;
	s16 =	sand.u32 @!p1 s16, s10;
	s15 =	simm.s32 @p2 $0x2510  }
0x2b: {  	s15 =	ssub.s32 @!p1 s15, s16  }
0x2c: {  	s16 =	sshrl.u32 @!p1 s17, $0x6;
	s15 =	sadd.s32 @!p1 $0xFFFFDAF0, s15  }
0x2d: {  	s17 =	sxor.u32 @!p1 $0xFFFFFFFF, s12;
	s16 =	smul.u32 @!p1 $0x2710, s16;
	s18 =	sshll.u32 @!p1 s15, $0x7  }
0x2e: {  	s17 =	sshll.u32 @!p1 s17, $0xE;
	p2 =	sgt.s32 @!p1 s15, $0x1FF;
	s15 =	ssub.s32 @!p1 $0x10000, s18  }
0x2f: {  	s14 =	ssub.s32 @!p1 s14, s16;
	p2 =	por !p2, p1;
	s16 =	sand.u32 @!p1 $0x4000, s17  }
0x30: {  	s17 =	simm.s32 @!p1 $0x20;
	s15 =	sshrl.u32 @!p1 s15, $0x2;
	s14 =	sshll.u32 @!p1 s14, $0x4  }
0x31: {  	s18 =	simm.s32 @!p1 $0x80;
	s15 =	simm.s32 @!p2 $0x0;
	s14 =	sadd.s32 @!p1 s2, s14  }
0x32: {  	[tilespmem:s16], [sflag:$0x1] =	stream.strided.gather @!p1 [hbm4b:s14+s17], s15, s18, s17, $0x38;
	[tilespmem:$0x10000] =	vst v63  }
0x33: {  	p1 =	seq.s32 s12, $0x0  }
0x34: {  	p2 =	sge.u32 @!p1 s12, s7  }
0x35: {  	p1 =	por p1, p2  }
.Ltmp2:
0x36: {  	_ = 	snop;
	(pc) =	sbr.rel @p1 .LBB2_7-.Ltmp2, $1  }
0x37: {  	_ =	sdelay $0x3  }
0x38: {  	p1 =	sgt.s32 s11, $0x2510;
	s14 =	smov.u32 s11;
	s15 =	sshra.s32 s11, $0x1F  }
0x39: {  	s14 =	simm.s32 @!p1 $0x2510;
	s15 =	sand.u32 s15, s11  }
0x3a: {  	s14 =	ssub.s32 s14, s15  }
0x3b: {  	s14 =	sadd.s32 $0xFFFFDAF0, s14  }
0x3c: {  	s31 =	sshll.u32 s14, $0x7  }
0x3d: {  	s15 =	ssub.s32 $0x10000, s31  }
0x3e: {  	p1 =	sgt.s32 s14, $0x1FF;
	s14 =	sshrl.u32 s15, $0x2;
	s15 =	sadd.s32 $0x200, s11  }
0x3f: {  	s14 =	simm.s32 @p1 $0x0;
	p1 =	slt.s32 s15, $0x2710  }
0x40: {  	s15 =	simm.s32 @!p1 $0x2710  }
0x41: {  	s17 =	ssub.s32 s15, s11  }
0x42: {  	p1 =	slt.s32 s17, $0x1  }
.Ltmp3:
0x43: {  	_ = 	snop;
	(pc) =	sbr.rel @p1 .LBB2_6-.Ltmp3, $4  }
0x44: {  	_ = 	snop  }
0x45: {  	s16 =	sshll.u32 s12, $0xE;
	_ =	swait.ge [sflag:s4], s14  }
0x46: {  	s16 =	sand.u32 $0x4000, s16;
	s18 =	ssub.s32 $0x0, s14;
	[sflag:s4] =	ssyncset.done $0x0  }
0x47: {  	s15 =	sor.u32 $0x8000, s16;
	[sflag:s4] =	ssyncadd.s32 s18  }
0x48: {  	v0 =	vmov s16;
	_ =	sdelay $0x2  }
0x49: {  	s31 =	simm.s32 $0x0;
	p1 =	sne.s32 s17, $0x1  }
.Ltmp4:
0x4a: {  	s16 =	sand.u32 $0x3FE0, s31;
	(pc) =	sbr.rel @!p1 .LBB2_5-.Ltmp4, $2  }
0x4b: {  	v1 =	vmov s15;
	v2 =	vld.idx.msk [tilespmem:v0+s16+$0x0 ss:$0x1], $0xffff;
	_ =	sdelay $0x2  }
0x4c: {  	s17 =	sadd.s32 $0xFFFFFFFF, s17;
	s18 =	simm.s32 $0x20  }
.LBB2_4:
0x4d: {  	s19 =	sand.u32 $0x3FE0, s18;
	p1 =	sne.s32 s17, $0x1;
	s17 =	sadd.s32 $0xFFFFFFFF, s17  }
.Ltmp5:
0x4e: {  	[tilespmem:v1+s16+$0x0 ss:$0x1] =	vst.idx.msk $0xffff, v2;
	v2 =	vld.idx.msk [tilespmem:v0+s19+$0x0 ss:$0x1], $0xffff;
	s16 =	smov.u32 s19;
	(pc) =	sbr.rel @p1 .LBB2_4-.Ltmp5, $2  }
0x4f: {  	_ =	sdelay $0x2  }
0x50: {  	s18 =	sadd.s32 $0x20, s18  }
.Ltmp6:
0x51: {  	_ = 	snop;
	(pc) =	sbr.rel .LBB2_5-.Ltmp6, $1  }
0x52: {  	_ =	sdelay $0x3  }
.LBB2_8:
0x53: {  	_ =	sfence.sel $0x180000  }
0x54: {  	s2 =	simm.s32 $0x1;
	[bflag:$0x0] =	sbarrier.arrive $0xFFFF  }
0x55: {  	s31 =	simm.s32 $0x2;
	[sflag:s2] =	ssyncpa.u1 $0x1  }
0x56: {  	[sflag:s31] =	ssyncpa.u1 $0x1  }
0x57: {  	_ =	strace $0x9000004A  }
0x58: {  	s0 =	sadd.s32 @!p0 $0x100000, s0;
	[bflag:$0x2] =	sbarrier.arrive $0xFFFF  }
0x59: {  	[sflag:s0] =	ssyncadd.tile.s32 @!p0 $0x1;
	s0 =	simm.s32 @!p0 $0x3F  }
0x5a: {  	_ =	swait.ge @!p0 [sflag:s0], s1  }
0x5b: {  	s1 =	ssub.s32 @!p0 $0x0, s1;
	[sflag:s0] =	ssyncset.done @!p0 $0x0  }
0x5c: {  	[sflag:s0] =	ssyncadd.s32 @!p0 s1  }
0x5d: {  	[bflag:$0x3] =	sbarrier.arrive $0xFFFF  }
0x5e: {  	_ =	shalt  }
.Lfunc_end2:
execute1_lowered:
.L_overlay_start_2:
0x5f: {  	(tag) =	ssettag $0x2  }
0x60: {  	s8 =	rddreg [dreg:$0x0];
	_ =	strace $0x8000004D;
	s11 =	simm.s32 $0x1  }
0x61: {  	v0 =	vimm.s32 $0x0;
	[sflag:s11] =	ssyncpa.u1 $0x0  }
0x62: {  	[tilespmem:$0x28] =	vst v0  }
0x63: {  	[tilespmem:$0x38] =	vst v0  }
0x64: {  	[tilespmem:$0x48] =	vst v0  }
0x65: {  	[tilespmem:$0x58] =	vst v0  }
0x66: {  	[tilespmem:$0x68] =	vst v0  }
0x67: {  	[tilespmem:$0x78] =	vst v0  }
0x68: {  	[tilespmem:$0x88] =	vst v0  }
0x69: {  	[tilespmem:$0x98] =	vst v0  }
0x6a: {  	[tilespmem:$0xA8] =	vst v0  }
0x6b: {  	[tilespmem:$0xB8] =	vst v0  }
0x6c: {  	[tilespmem:$0xC8] =	vst v0  }
0x6d: {  	[tilespmem:$0xD8] =	vst v0  }
0x6e: {  	[tilespmem:$0xE8] =	vst v0  }
0x6f: {  	[tilespmem:$0xF8] =	vst v0  }
0x70: {  	[tilespmem:$0x108] =	vst v0  }
0x71: {  	[tilespmem:$0x118] =	vst v0  }
0x72: {  	[tilespmem:$0x128] =	vst v0  }
0x73: {  	[tilespmem:$0x138] =	vst v0  }
0x74: {  	[tilespmem:$0x148] =	vst v0  }
0x75: {  	[tilespmem:$0x158] =	vst v0  }
0x76: {  	[tilespmem:$0x168] =	vst v0  }
0x77: {  	[tilespmem:$0x178] =	vst v0  }
0x78: {  	[tilespmem:$0x188] =	vst v0  }
0x79: {  	[tilespmem:$0x198] =	vst v0  }
0x7a: {  	[tilespmem:$0x1A8] =	vst v0  }
0x7b: {  	[tilespmem:$0x1B8] =	vst v0  }
0x7c: {  	[tilespmem:$0x1C8] =	vst v0  }
0x7d: {  	[tilespmem:$0x1D8] =	vst v0  }
0x7e: {  	[tilespmem:$0x1E8] =	vst v0  }
0x7f: {  	[tilespmem:$0x1F8] =	vst v0  }
0x80: {  	[tilespmem:$0x208] =	vst v0  }
0x81: {  	[tilespmem:$0x218] =	vst v0  }
0x82: {  	[tilespmem:$0x228] =	vst v0  }
0x83: {  	[tilespmem:$0x238] =	vst v0  }
0x84: {  	[tilespmem:$0x248] =	vst v0  }
0x85: {  	[tilespmem:$0x258] =	vst v0  }
0x86: {  	[tilespmem:$0x268] =	vst v0  }
0x87: {  	[tilespmem:$0x278] =	vst v0  }
0x88: {  	[tilespmem:$0x288] =	vst v0  }
0x89: {  	[tilespmem:$0x298] =	vst v0  }
0x8a: {  	[tilespmem:$0x2A8] =	vst v0  }
0x8b: {  	[tilespmem:$0x2B8] =	vst v0  }
0x8c: {  	[tilespmem:$0x2C8] =	vst v0  }
0x8d: {  	[tilespmem:$0x2D8] =	vst v0  }
0x8e: {  	[tilespmem:$0x2E8] =	vst v0  }
0x8f: {  	[tilespmem:$0x2F8] =	vst v0  }
0x90: {  	[tilespmem:$0x308] =	vst v0  }
0x91: {  	[tilespmem:$0x318] =	vst v0  }
0x92: {  	[tilespmem:$0x328] =	vst v0  }
0x93: {  	[tilespmem:$0x338] =	vst v0  }
0x94: {  	[tilespmem:$0x348] =	vst v0  }
0x95: {  	[tilespmem:$0x358] =	vst v0  }
0x96: {  	[tilespmem:$0x368] =	vst v0  }
0x97: {  	[tilespmem:$0x378] =	vst v0  }
0x98: {  	[tilespmem:$0x388] =	vst v0  }
0x99: {  	[tilespmem:$0x398] =	vst v0  }
0x9a: {  	[tilespmem:$0x3A8] =	vst v0  }
0x9b: {  	[tilespmem:$0x3B8] =	vst v0  }
0x9c: {  	[tilespmem:$0x3C8] =	vst v0  }
0x9d: {  	[tilespmem:$0x3D8] =	vst v0  }
0x9e: {  	[tilespmem:$0x3E8] =	vst v0  }
0x9f: {  	[tilespmem:$0x3F8] =	vst v0  }
0xa0: {  	[tilespmem:$0x408] =	vst v0  }
0xa1: {  	[tilespmem:$0x418] =	vst v0  }
0xa2: {  	[tilespmem:$0x428] =	vst v0  }
0xa3: {  	[tilespmem:$0x438] =	vst v0  }
0xa4: {  	[tilespmem:$0x448] =	vst v0  }
0xa5: {  	[tilespmem:$0x458] =	vst v0  }
0xa6: {  	[tilespmem:$0x468] =	vst v0  }
0xa7: {  	[tilespmem:$0x478] =	vst v0  }
0xa8: {  	[tilespmem:$0x488] =	vst v0  }
0xa9: {  	[tilespmem:$0x498] =	vst v0  }
0xaa: {  	[tilespmem:$0x4A8] =	vst v0  }
0xab: {  	[tilespmem:$0x4B8] =	vst v0  }
0xac: {  	[tilespmem:$0x4C8] =	vst v0  }
0xad: {  	[tilespmem:$0x4D8] =	vst v0  }
0xae: {  	[tilespmem:$0x4E8] =	vst v0  }
0xaf: {  	[tilespmem:$0x4F8] =	vst v0  }
0xb0: {  	[tilespmem:$0x508] =	vst v0  }
0xb1: {  	[tilespmem:$0x518] =	vst v0  }
0xb2: {  	[tilespmem:$0x528] =	vst v0  }
0xb3: {  	[tilespmem:$0x538] =	vst v0  }
0xb4: {  	[tilespmem:$0x548] =	vst v0  }
0xb5: {  	[tilespmem:$0x558] =	vst v0  }
0xb6: {  	[tilespmem:$0x568] =	vst v0  }
0xb7: {  	[tilespmem:$0x578] =	vst v0  }
0xb8: {  	[tilespmem:$0x588] =	vst v0  }
0xb9: {  	[tilespmem:$0x598] =	vst v0  }
0xba: {  	[tilespmem:$0x5A8] =	vst v0  }
0xbb: {  	[tilespmem:$0x5B8] =	vst v0  }
0xbc: {  	[tilespmem:$0x5C8] =	vst v0  }
0xbd: {  	[tilespmem:$0x5D8] =	vst v0  }
0xbe: {  	[tilespmem:$0x5E8] =	vst v0  }
0xbf: {  	[tilespmem:$0x5F8] =	vst v0  }
0xc0: {  	[tilespmem:$0x608] =	vst v0  }
0xc1: {  	[tilespmem:$0x618] =	vst v0  }
0xc2: {  	[tilespmem:$0x628] =	vst v0  }
0xc3: {  	[tilespmem:$0x638] =	vst v0  }
0xc4: {  	[tilespmem:$0x648] =	vst v0  }
0xc5: {  	[tilespmem:$0x658] =	vst v0  }
0xc6: {  	[tilespmem:$0x668] =	vst v0  }
0xc7: {  	[tilespmem:$0x678] =	vst v0  }
0xc8: {  	[tilespmem:$0x688] =	vst v0  }
0xc9: {  	[tilespmem:$0x698] =	vst v0  }
0xca: {  	[tilespmem:$0x6A8] =	vst v0  }
0xcb: {  	[tilespmem:$0x6B8] =	vst v0  }
0xcc: {  	[tilespmem:$0x6C8] =	vst v0  }
0xcd: {  	[tilespmem:$0x6D8] =	vst v0  }
0xce: {  	[tilespmem:$0x6E8] =	vst v0  }
0xcf: {  	[tilespmem:$0x6F8] =	vst v0  }
0xd0: {  	[tilespmem:$0x708] =	vst v0  }
0xd1: {  	[tilespmem:$0x718] =	vst v0  }
0xd2: {  	[tilespmem:$0x728] =	vst v0  }
0xd3: {  	[tilespmem:$0x738] =	vst v0  }
0xd4: {  	[tilespmem:$0x748] =	vst v0  }
0xd5: {  	[tilespmem:$0x758] =	vst v0  }
0xd6: {  	[tilespmem:$0x768] =	vst v0  }
0xd7: {  	[tilespmem:$0x778] =	vst v0  }
0xd8: {  	[tilespmem:$0x788] =	vst v0  }
0xd9: {  	[tilespmem:$0x798] =	vst v0  }
0xda: {  	[tilespmem:$0x7A8] =	vst v0  }
0xdb: {  	[tilespmem:$0x7B8] =	vst v0  }
0xdc: {  	[tilespmem:$0x7C8] =	vst v0  }
0xdd: {  	[tilespmem:$0x7D8] =	vst v0  }
0xde: {  	[tilespmem:$0x7E8] =	vst v0  }
0xdf: {  	[tilespmem:$0x7F8] =	vst v0  }
0xe0: {  	[tilespmem:$0x808] =	vst v0  }
0xe1: {  	[tilespmem:$0x818] =	vst v0  }
0xe2: {  	[tilespmem:$0x828] =	vst v0  }
0xe3: {  	[tilespmem:$0x838] =	vst v0  }
0xe4: {  	[tilespmem:$0x848] =	vst v0  }
0xe5: {  	[tilespmem:$0x858] =	vst v0  }
0xe6: {  	[tilespmem:$0x868] =	vst v0  }
0xe7: {  	[tilespmem:$0x878] =	vst v0  }
0xe8: {  	[tilespmem:$0x888] =	vst v0  }
0xe9: {  	[tilespmem:$0x898] =	vst v0  }
0xea: {  	[tilespmem:$0x8A8] =	vst v0  }
0xeb: {  	[tilespmem:$0x8B8] =	vst v0  }
0xec: {  	[tilespmem:$0x8C8] =	vst v0  }
0xed: {  	[tilespmem:$0x8D8] =	vst v0  }
0xee: {  	[tilespmem:$0x8E8] =	vst v0  }
0xef: {  	[tilespmem:$0x8F8] =	vst v0  }
0xf0: {  	[tilespmem:$0x908] =	vst v0  }
0xf1: {  	[tilespmem:$0x918] =	vst v0  }
0xf2: {  	[tilespmem:$0x928] =	vst v0  }
0xf3: {  	[tilespmem:$0x938] =	vst v0  }
0xf4: {  	[tilespmem:$0x948] =	vst v0  }
0xf5: {  	[tilespmem:$0x958] =	vst v0  }
0xf6: {  	[tilespmem:$0x968] =	vst v0  }
0xf7: {  	[tilespmem:$0x978] =	vst v0  }
0xf8: {  	[tilespmem:$0x988] =	vst v0  }
0xf9: {  	[tilespmem:$0x998] =	vst v0  }
0xfa: {  	[tilespmem:$0x9A8] =	vst v0  }
0xfb: {  	[tilespmem:$0x9B8] =	vst v0  }
0xfc: {  	[tilespmem:$0x9C8] =	vst v0  }
0xfd: {  	[tilespmem:$0x9D8] =	vst v0  }
0xfe: {  	[tilespmem:$0x9E8] =	vst v0  }
0xff: {  	[tilespmem:$0x9F8] =	vst v0  }
0x100: {  	[tilespmem:$0xA08] =	vst v0  }
0x101: {  	[tilespmem:$0xA18] =	vst v0  }
0x102: {  	[tilespmem:$0xA28] =	vst v0  }
0x103: {  	[tilespmem:$0xA38] =	vst v0  }
0x104: {  	[tilespmem:$0xA48] =	vst v0  }
0x105: {  	[tilespmem:$0xA58] =	vst v0  }
0x106: {  	[tilespmem:$0xA68] =	vst v0  }
0x107: {  	[tilespmem:$0xA78] =	vst v0  }
0x108: {  	[tilespmem:$0xA88] =	vst v0  }
0x109: {  	[tilespmem:$0xA98] =	vst v0  }
0x10a: {  	[tilespmem:$0xAA8] =	vst v0  }
0x10b: {  	[tilespmem:$0xAB8] =	vst v0  }
0x10c: {  	[tilespmem:$0xAC8] =	vst v0  }
0x10d: {  	[tilespmem:$0xAD8] =	vst v0  }
0x10e: {  	[tilespmem:$0xAE8] =	vst v0  }
0x10f: {  	[tilespmem:$0xAF8] =	vst v0  }
0x110: {  	[tilespmem:$0xB08] =	vst v0  }
0x111: {  	[tilespmem:$0xB18] =	vst v0  }
0x112: {  	[tilespmem:$0xB28] =	vst v0  }
0x113: {  	[tilespmem:$0xB38] =	vst v0  }
0x114: {  	[tilespmem:$0xB48] =	vst v0  }
0x115: {  	[tilespmem:$0xB58] =	vst v0  }
0x116: {  	[tilespmem:$0xB68] =	vst v0  }
0x117: {  	[tilespmem:$0xB78] =	vst v0  }
0x118: {  	[tilespmem:$0xB88] =	vst v0  }
0x119: {  	[tilespmem:$0xB98] =	vst v0  }
0x11a: {  	[tilespmem:$0xBA8] =	vst v0  }
0x11b: {  	[tilespmem:$0xBB8] =	vst v0  }
0x11c: {  	[tilespmem:$0xBC8] =	vst v0  }
0x11d: {  	[tilespmem:$0xBD8] =	vst v0  }
0x11e: {  	[tilespmem:$0xBE8] =	vst v0  }
0x11f: {  	[tilespmem:$0xBF8] =	vst v0  }
0x120: {  	[tilespmem:$0xC08] =	vst v0  }
0x121: {  	[tilespmem:$0xC18] =	vst v0  }
0x122: {  	[tilespmem:$0xC28] =	vst v0  }
0x123: {  	[tilespmem:$0xC38] =	vst v0  }
0x124: {  	[tilespmem:$0xC48] =	vst v0  }
0x125: {  	[tilespmem:$0xC58] =	vst v0  }
0x126: {  	[tilespmem:$0xC68] =	vst v0  }
0x127: {  	[tilespmem:$0xC78] =	vst v0  }
0x128: {  	[tilespmem:$0xC88] =	vst v0  }
0x129: {  	[tilespmem:$0xC98] =	vst v0  }
0x12a: {  	[tilespmem:$0xCA8] =	vst v0  }
0x12b: {  	[tilespmem:$0xCB8] =	vst v0  }
0x12c: {  	[tilespmem:$0xCC8] =	vst v0  }
0x12d: {  	[tilespmem:$0xCD8] =	vst v0  }
0x12e: {  	[tilespmem:$0xCE8] =	vst v0  }
0x12f: {  	[tilespmem:$0xCF8] =	vst v0  }
0x130: {  	[tilespmem:$0xD08] =	vst v0  }
0x131: {  	[tilespmem:$0xD18] =	vst v0  }
0x132: {  	[tilespmem:$0xD28] =	vst v0  }
0x133: {  	[tilespmem:$0xD38] =	vst v0  }
0x134: {  	[tilespmem:$0xD48] =	vst v0  }
0x135: {  	[tilespmem:$0xD58] =	vst v0  }
0x136: {  	[tilespmem:$0xD68] =	vst v0  }
0x137: {  	[tilespmem:$0xD78] =	vst v0  }
0x138: {  	[tilespmem:$0xD88] =	vst v0  }
0x139: {  	[tilespmem:$0xD98] =	vst v0  }
0x13a: {  	[tilespmem:$0xDA8] =	vst v0  }
0x13b: {  	[tilespmem:$0xDB8] =	vst v0  }
0x13c: {  	[tilespmem:$0xDC8] =	vst v0  }
0x13d: {  	[tilespmem:$0xDD8] =	vst v0  }
0x13e: {  	[tilespmem:$0xDE8] =	vst v0  }
0x13f: {  	[tilespmem:$0xDF8] =	vst v0  }
0x140: {  	[tilespmem:$0xE08] =	vst v0  }
0x141: {  	[tilespmem:$0xE18] =	vst v0  }
0x142: {  	[tilespmem:$0xE28] =	vst v0  }
0x143: {  	[tilespmem:$0xE38] =	vst v0  }
0x144: {  	[tilespmem:$0xE48] =	vst v0  }
0x145: {  	[tilespmem:$0xE58] =	vst v0  }
0x146: {  	[tilespmem:$0xE68] =	vst v0  }
0x147: {  	[tilespmem:$0xE78] =	vst v0  }
0x148: {  	[tilespmem:$0xE88] =	vst v0  }
0x149: {  	[tilespmem:$0xE98] =	vst v0  }
0x14a: {  	[tilespmem:$0xEA8] =	vst v0  }
0x14b: {  	[tilespmem:$0xEB8] =	vst v0  }
0x14c: {  	[tilespmem:$0xEC8] =	vst v0  }
0x14d: {  	[tilespmem:$0xED8] =	vst v0  }
0x14e: {  	[tilespmem:$0xEE8] =	vst v0  }
0x14f: {  	[tilespmem:$0xEF8] =	vst v0  }
0x150: {  	[tilespmem:$0xF08] =	vst v0  }
0x151: {  	[tilespmem:$0xF18] =	vst v0  }
0x152: {  	[tilespmem:$0xF28] =	vst v0  }
0x153: {  	[tilespmem:$0xF38] =	vst v0  }
0x154: {  	[tilespmem:$0xF48] =	vst v0  }
0x155: {  	[tilespmem:$0xF58] =	vst v0  }
0x156: {  	[tilespmem:$0xF68] =	vst v0  }
0x157: {  	[tilespmem:$0xF78] =	vst v0  }
0x158: {  	[tilespmem:$0xF88] =	vst v0  }
0x159: {  	[tilespmem:$0xF98] =	vst v0  }
0x15a: {  	[tilespmem:$0xFA8] =	vst v0  }
0x15b: {  	[tilespmem:$0xFB8] =	vst v0  }
0x15c: {  	[tilespmem:$0xFC8] =	vst v0  }
0x15d: {  	[tilespmem:$0xFD8] =	vst v0  }
0x15e: {  	[tilespmem:$0xFE8] =	vst v0  }
0x15f: {  	[tilespmem:$0xFF8] =	vst v0  }
0x160: {  	[tilespmem:$0x1018] =	vst v0  }
0x161: {  	[tilespmem:$0x10D8] =	vst v0  }
0x162: {  	[tilespmem:$0x1B28] =	vst v0  }
0x163: {  	[tilespmem:$0x1B18] =	vst v0  }
0x164: {  	[tilespmem:$0x1B08] =	vst v0  }
0x165: {  	[tilespmem:$0x1AF8] =	vst v0  }
0x166: {  	[tilespmem:$0x1AE8] =	vst v0  }
0x167: {  	[tilespmem:$0x1AD8] =	vst v0  }
0x168: {  	[tilespmem:$0x1AC8] =	vst v0  }
0x169: {  	[tilespmem:$0x1AB8] =	vst v0  }
0x16a: {  	[tilespmem:$0x1AA8] =	vst v0  }
0x16b: {  	[tilespmem:$0x1A98] =	vst v0  }
0x16c: {  	[tilespmem:$0x1A88] =	vst v0  }
0x16d: {  	[tilespmem:$0x1A78] =	vst v0  }
0x16e: {  	[tilespmem:$0x1A68] =	vst v0  }
0x16f: {  	[tilespmem:$0x1A58] =	vst v0  }
0x170: {  	[tilespmem:$0x1A48] =	vst v0  }
0x171: {  	[tilespmem:$0x1A38] =	vst v0  }
0x172: {  	[tilespmem:$0x1A28] =	vst v0  }
0x173: {  	[tilespmem:$0x1A18] =	vst v0  }
0x174: {  	[tilespmem:$0x1A08] =	vst v0  }
0x175: {  	[tilespmem:$0x19F8] =	vst v0  }
0x176: {  	[tilespmem:$0x19E8] =	vst v0  }
0x177: {  	[tilespmem:$0x19D8] =	vst v0  }
0x178: {  	[tilespmem:$0x19C8] =	vst v0  }
0x179: {  	[tilespmem:$0x19B8] =	vst v0  }
0x17a: {  	[tilespmem:$0x19A8] =	vst v0  }
0x17b: {  	[tilespmem:$0x1998] =	vst v0  }
0x17c: {  	[tilespmem:$0x1988] =	vst v0  }
0x17d: {  	[tilespmem:$0x1978] =	vst v0  }
0x17e: {  	[tilespmem:$0x1968] =	vst v0  }
0x17f: {  	[tilespmem:$0x1958] =	vst v0  }
0x180: {  	[tilespmem:$0x1948] =	vst v0  }
0x181: {  	[tilespmem:$0x1938] =	vst v0  }
0x182: {  	[tilespmem:$0x1928] =	vst v0  }
0x183: {  	[tilespmem:$0x1918] =	vst v0  }
0x184: {  	[tilespmem:$0x1908] =	vst v0  }
0x185: {  	[tilespmem:$0x18F8] =	vst v0  }
0x186: {  	[tilespmem:$0x18E8] =	vst v0  }
0x187: {  	[tilespmem:$0x18D8] =	vst v0  }
0x188: {  	[tilespmem:$0x18C8] =	vst v0  }
0x189: {  	[tilespmem:$0x18B8] =	vst v0  }
0x18a: {  	[tilespmem:$0x18A8] =	vst v0  }
0x18b: {  	[tilespmem:$0x1898] =	vst v0  }
0x18c: {  	[tilespmem:$0x1888] =	vst v0  }
0x18d: {  	[tilespmem:$0x1878] =	vst v0  }
0x18e: {  	[tilespmem:$0x1868] =	vst v0  }
0x18f: {  	[tilespmem:$0x1858] =	vst v0  }
0x190: {  	[tilespmem:$0x1848] =	vst v0  }
0x191: {  	[tilespmem:$0x1838] =	vst v0  }
0x192: {  	[tilespmem:$0x1828] =	vst v0  }
0x193: {  	[tilespmem:$0x1818] =	vst v0  }
0x194: {  	[tilespmem:$0x1808] =	vst v0  }
0x195: {  	[tilespmem:$0x17F8] =	vst v0  }
0x196: {  	[tilespmem:$0x17E8] =	vst v0  }
0x197: {  	[tilespmem:$0x17D8] =	vst v0  }
0x198: {  	[tilespmem:$0x17C8] =	vst v0  }
0x199: {  	[tilespmem:$0x17B8] =	vst v0  }
0x19a: {  	[tilespmem:$0x17A8] =	vst v0  }
0x19b: {  	[tilespmem:$0x1798] =	vst v0  }
0x19c: {  	[tilespmem:$0x1788] =	vst v0  }
0x19d: {  	[tilespmem:$0x1778] =	vst v0  }
0x19e: {  	[tilespmem:$0x1768] =	vst v0  }
0x19f: {  	[tilespmem:$0x1758] =	vst v0  }
0x1a0: {  	[tilespmem:$0x1748] =	vst v0  }
0x1a1: {  	[tilespmem:$0x1738] =	vst v0  }
0x1a2: {  	[tilespmem:$0x1728] =	vst v0  }
0x1a3: {  	[tilespmem:$0x1718] =	vst v0  }
0x1a4: {  	[tilespmem:$0x1708] =	vst v0  }
0x1a5: {  	[tilespmem:$0x16F8] =	vst v0  }
0x1a6: {  	[tilespmem:$0x16E8] =	vst v0  }
0x1a7: {  	[tilespmem:$0x16D8] =	vst v0  }
0x1a8: {  	[tilespmem:$0x16C8] =	vst v0  }
0x1a9: {  	[tilespmem:$0x16B8] =	vst v0  }
0x1aa: {  	[tilespmem:$0x16A8] =	vst v0  }
0x1ab: {  	[tilespmem:$0x1698] =	vst v0  }
0x1ac: {  	[tilespmem:$0x1688] =	vst v0  }
0x1ad: {  	[tilespmem:$0x1678] =	vst v0  }
0x1ae: {  	[tilespmem:$0x1668] =	vst v0  }
0x1af: {  	[tilespmem:$0x1658] =	vst v0  }
0x1b0: {  	[tilespmem:$0x1648] =	vst v0  }
0x1b1: {  	[tilespmem:$0x1638] =	vst v0  }
0x1b2: {  	[tilespmem:$0x1628] =	vst v0  }
0x1b3: {  	[tilespmem:$0x1618] =	vst v0  }
0x1b4: {  	[tilespmem:$0x1608] =	vst v0  }
0x1b5: {  	[tilespmem:$0x15F8] =	vst v0  }
0x1b6: {  	[tilespmem:$0x15E8] =	vst v0  }
0x1b7: {  	[tilespmem:$0x15D8] =	vst v0  }
0x1b8: {  	[tilespmem:$0x15C8] =	vst v0  }
0x1b9: {  	[tilespmem:$0x15B8] =	vst v0  }
0x1ba: {  	[tilespmem:$0x15A8] =	vst v0  }
0x1bb: {  	[tilespmem:$0x1598] =	vst v0  }
0x1bc: {  	[tilespmem:$0x1588] =	vst v0  }
0x1bd: {  	[tilespmem:$0x1578] =	vst v0  }
0x1be: {  	[tilespmem:$0x1568] =	vst v0  }
0x1bf: {  	[tilespmem:$0x1558] =	vst v0  }
0x1c0: {  	[tilespmem:$0x1548] =	vst v0  }
0x1c1: {  	[tilespmem:$0x1538] =	vst v0  }
0x1c2: {  	[tilespmem:$0x1528] =	vst v0  }
0x1c3: {  	[tilespmem:$0x1518] =	vst v0  }
0x1c4: {  	[tilespmem:$0x1508] =	vst v0  }
0x1c5: {  	[tilespmem:$0x14F8] =	vst v0  }
0x1c6: {  	[tilespmem:$0x14E8] =	vst v0  }
0x1c7: {  	[tilespmem:$0x14D8] =	vst v0  }
0x1c8: {  	[tilespmem:$0x14C8] =	vst v0  }
0x1c9: {  	[tilespmem:$0x14B8] =	vst v0  }
0x1ca: {  	[tilespmem:$0x14A8] =	vst v0  }
0x1cb: {  	[tilespmem:$0x1498] =	vst v0  }
0x1cc: {  	[tilespmem:$0x1488] =	vst v0  }
0x1cd: {  	[tilespmem:$0x1478] =	vst v0  }
0x1ce: {  	[tilespmem:$0x1468] =	vst v0  }
0x1cf: {  	[tilespmem:$0x1458] =	vst v0  }
0x1d0: {  	[tilespmem:$0x1448] =	vst v0  }
0x1d1: {  	[tilespmem:$0x1438] =	vst v0  }
0x1d2: {  	[tilespmem:$0x1428] =	vst v0  }
0x1d3: {  	[tilespmem:$0x1418] =	vst v0  }
0x1d4: {  	[tilespmem:$0x1408] =	vst v0  }
0x1d5: {  	[tilespmem:$0x13F8] =	vst v0  }
0x1d6: {  	[tilespmem:$0x13E8] =	vst v0  }
0x1d7: {  	[tilespmem:$0x13D8] =	vst v0  }
0x1d8: {  	[tilespmem:$0x13C8] =	vst v0  }
0x1d9: {  	[tilespmem:$0x13B8] =	vst v0  }
0x1da: {  	[tilespmem:$0x13A8] =	vst v0  }
0x1db: {  	[tilespmem:$0x1398] =	vst v0  }
0x1dc: {  	[tilespmem:$0x1388] =	vst v0  }
0x1dd: {  	[tilespmem:$0x1378] =	vst v0  }
0x1de: {  	[tilespmem:$0x1368] =	vst v0  }
0x1df: {  	[tilespmem:$0x1358] =	vst v0  }
0x1e0: {  	[tilespmem:$0x1348] =	vst v0  }
0x1e1: {  	[tilespmem:$0x1338] =	vst v0  }
0x1e2: {  	[tilespmem:$0x1328] =	vst v0  }
0x1e3: {  	[tilespmem:$0x1318] =	vst v0  }
0x1e4: {  	[tilespmem:$0x1308] =	vst v0  }
0x1e5: {  	[tilespmem:$0x12F8] =	vst v0  }
0x1e6: {  	[tilespmem:$0x12E8] =	vst v0  }
0x1e7: {  	[tilespmem:$0x12D8] =	vst v0  }
0x1e8: {  	[tilespmem:$0x12C8] =	vst v0  }
0x1e9: {  	[tilespmem:$0x12B8] =	vst v0  }
0x1ea: {  	[tilespmem:$0x12A8] =	vst v0  }
0x1eb: {  	[tilespmem:$0x1298] =	vst v0  }
0x1ec: {  	[tilespmem:$0x1288] =	vst v0  }
0x1ed: {  	[tilespmem:$0x1278] =	vst v0  }
0x1ee: {  	[tilespmem:$0x1268] =	vst v0  }
0x1ef: {  	[tilespmem:$0x1258] =	vst v0  }
0x1f0: {  	[tilespmem:$0x1248] =	vst v0  }
0x1f1: {  	[tilespmem:$0x1238] =	vst v0  }
0x1f2: {  	[tilespmem:$0x1228] =	vst v0  }
0x1f3: {  	[tilespmem:$0x1218] =	vst v0  }
0x1f4: {  	[tilespmem:$0x1208] =	vst v0  }
0x1f5: {  	[tilespmem:$0x11F8] =	vst v0  }
0x1f6: {  	[tilespmem:$0x11E8] =	vst v0  }
0x1f7: {  	[tilespmem:$0x11D8] =	vst v0  }
0x1f8: {  	[tilespmem:$0x11C8] =	vst v0  }
0x1f9: {  	[tilespmem:$0x11B8] =	vst v0  }
0x1fa: {  	[tilespmem:$0x11A8] =	vst v0  }
0x1fb: {  	[tilespmem:$0x1198] =	vst v0  }
0x1fc: {  	[tilespmem:$0x1188] =	vst v0  }
0x1fd: {  	[tilespmem:$0x1178] =	vst v0  }
0x1fe: {  	[tilespmem:$0x1168] =	vst v0  }
0x1ff: {  	[tilespmem:$0x1158] =	vst v0  }
0x200: {  	[tilespmem:$0x1148] =	vst v0  }
0x201: {  	[tilespmem:$0x1138] =	vst v0  }
0x202: {  	[tilespmem:$0x1128] =	vst v0  }
0x203: {  	[tilespmem:$0x1118] =	vst v0  }
0x204: {  	s2 =	stileid.u32;
	[tilespmem:$0x1108] =	vst v0  }
0x205: {  	s0 =	smul.u32 $0x18, s2;
	[tilespmem:$0x10F8] =	vst v0  }
0x206: {  	s1 =	smin.u32 s2, $0xA;
	[tilespmem:$0x10E8] =	vst v0  }
0x207: {  	[tilespmem:$0x10B8] =	vst v0;
	s0 =	sadd.s32 s1, s0  }
0x208: {  	p0 =	slt.u32 s2, $0xA;
	[tilespmem:$0x10C8] =	vst v0;
	s1 =	simm.s32 $0x2A30;
	s3 =	smul.u32 $0x1B0, s0  }
0x209: {  	s1 =	simm.s32 @!p0 $0x2880;
	[tilespmem:$0x10A8] =	vst v0  }
0x20a: {  	[tilespmem:$0x1038] =	vst v0;
	s0 =	sadd.s32 s1, s3  }
0x20b: {  	[tilespmem:$0x1098] =	vst v0;
	s4 =	smin.u32 s0, $0x29810  }
0x20c: {  	[tilespmem:$0x1088] =	vst v0;
	s0 =	ssub.s32 s4, s3  }
0x20d: {  	s5 =	simm.s32 $0x2;
	s29 =	simm.s32 $0x7;
	[tilespmem:$0x1078] =	vst v0;
	p0 =	sgt.s32 s0, $0x0  }
0x20e: {  	s13 =	simm.s32 $0x8;
	s30 =	simm.s32 $0x9;
	[tilespmem:$0x1068] =	vst v0;
	s0 =	simm.s32 @!p0 $0x0  }
0x20f: {  	p4 =	por $0x0, $0x0;
	s14 =	simm.s32 $0xA;
	[tilespmem:$0x1058] =	vst v0;
	s6 =	smulhi.u32 $0x4BDA12F7, s0  }
0x210: {  	s18 =	simm.s32 $0x0;
	s15 =	simm.s32 $0x0;
	s17 =	simm.s32 $0x0;
	[tilespmem:$0x1048] =	vst v0  }
0x211: {  	s7 =	sadd.s32 $0x1953800, s8;
	s31 =	sshll.u32 s2, $0x5;
	[tilespmem:$0x1028] =	vst v0;
	s12 =	sshrl.u32 s6, $0x7  }
0x212: {  	[tilespmem:$0x1008] =	vst v0;
	[sflag:s5] =	ssyncpa.u1 $0x0;
	v0 =	vimm.s32 $0xFFFFFFFF;
	s5 =	sadd.s32 $0x16C00, s8;
	s10 =	smul.u32 $0x1B0, s12  }
.Ltmp7:
0x213: {  	[dreg:$0x2] =	wrdreg s31;
	[tilespmem:$0x3648] =	vst v0;
	[sflag:s29] =	ssyncpa.u1 $0x0;
	(pc) =	sbr.rel .LBB3_1-.Ltmp7, $4  }
0x214: {  	[sflag:s13] =	ssyncpa.u1 $0x0;
	s13 =	simm.s32 $0x0;
	p0 =	sne.s32 s0, s10  }
0x215: {  	[sflag:s30] =	ssyncpa.u1 $0x0;
	s1 =	sadd.s32 $0x57E00, s8;
	s11 =	simm.s32 @!p0 $0x0  }
0x216: {  	s16 =	smov.u32 s3;
	[dreg:$0x3] =	wrdreg s3;
	s11 =	sadd.s32 s11, s12  }
0x217: {  	v0 =	vlaneseq.u32;
	s6 =	sadd.s32 $0x11800, s8;
	p0 =	por $0x1, $0x1;
	s8 =	sadd.s32 $0x1, s11  }
.LBB3_18:
0x218: {  	s0 =	simm.s32 $0x2  }
0x219: {  	_ =	swait.ge [sflag:s0], $0x0  }
0x21a: {  	[sflag:s0] =	ssyncset.done $0x0;
	s0 =	simm.s32 $0x0  }
.LBB3_19:
0x21b: {  	_ =	swait.ge [sflag:s14], s0  }
0x21c: {  	s31 =	ssub.s32 $0x0, s0;
	v1 =	vmov s20;
	vm0 =	veq.s32 v0, $0x0;
	[sflag:s14] =	ssyncset.done $0x0  }
0x21d: {  	vm15 =	veq.s32 v0, $0x2;
	v1 =	vsel vm0, s24, v1;
	[sflag:s14] =	ssyncadd.s32 s31  }
0x21e: {  	v1 =	vsel vm15, s18, v1;
	[sflag:s14] =	ssyncpa.u1 $0x1  }
0x21f: {  	[tilespmem:$0x3648] =	vst v1  }
.LBB3_20:
0x220: {  	s0 =	sadd.s32 $0x1B0, s16  }
0x221: {  	s2 =	smov.u32 s3;
	p1 =	slt.s32 s0, s4  }
0x222: {  	s2 =	smov.u32 @p1 s0;
	p1 =	sne.s32 s17, s8  }
.Ltmp8:
0x223: {  	_ = 	snop;
	(pc) =	sbr.rel @!p1 .LBB3_21-.Ltmp8, $4  }
0x224: {  	_ = 	snop  }
0x225: {  	s18 =	smov.u32 s15  }
0x226: {  	s31 =	sadd.s32 $0x1, s17;
	s15 =	smov.u32 s16;
	p0 =	por !p0, !p0  }
0x227: {  	p4 =	por !p4, !p4;
	s17 =	smov.u32 s31;
	s16 =	smov.u32 s2  }
.LBB3_1:
0x228: {  	p2 =	sge.u32 s17, s11  }
0x229: {  	s0 =	smulhi.u32 @!p2 $0xAAAAAAAB, s17  }
0x22a: {  	s19 =	smov.u32 s16;
	p3 =	sgt.s32 @!p2 s16, $0x29660  }
0x22b: {  	s20 =	sshra.s32 @!p2 s16, $0x1F;
	p3 =	por !p3, p2;
	s0 =	sshrl.u32 @!p2 s0, $0x1  }
0x22c: {  	s20 =	sand.u32 @!p2 s20, s16;
	s19 =	simm.s32 @p3 $0x29660;
	s0 =	smul.u32 @!p2 $0x3, s0  }
0x22d: {  	s19 =	ssub.s32 @!p2 s19, s20  }
0x22e: {  	s19 =	sadd.s32 @!p2 $0xFFFD69A0, s19;
	s0 =	ssub.s32 @!p2 s17, s0  }
0x22f: {  	s20 =	sshll.u32 @!p2 s19, $0x2;
	p3 =	sgt.s32 @!p2 s19, $0x1AF;
	s0 =	smul.u32 @!p2 $0x6C0, s0  }
0x230: {  	s21 =	sand.u32 @!p2 $0x7, s16;
	s19 =	ssub.s32 @!p2 $0x6C0, s20;
	p3 =	por !p3, p2  }
0x231: {  	s20 =	sshrl.u32 @!p2 s16, $0x3;
	s19 =	sshrl.u32 @!p2 s19, $0x2;
	s0 =	sshrl.u32 @!p2 s0, $0x2  }
0x232: {  	s20 =	sadd.s32 @!p2 s5, s20;
	s19 =	simm.s32 @!p3 $0x0;
	s0 =	sadd.s32 @!p2 $0x3878, s0  }
0x233: {  	[tilespmem:s0], [sflag:$0x8] =	stream.linear.gather @!p2 [hbm4b:s20+s21], s19, $0x38;
	[tilespmem:$0x1F0E8] =	vst v63  }
0x234: {  	s20 =	sadd.s32 $0xFFFFFFFF, s17  }
0x235: {  	p2 =	sge.u32 s20, s11  }
0x236: {  	p3 =	sgt.s32 @!p2 s15, $0x29660  }
0x237: {  	s0 =	smov.u32 s15;
	s19 =	sshra.s32 @!p2 s15, $0x1F;
	p3 =	por !p3, p2  }
0x238: {  	s19 =	sand.u32 @!p2 s19, s15;
	s0 =	simm.s32 @p3 $0x29660  }
0x239: {  	s0 =	ssub.s32 @!p2 s0, s19  }
0x23a: {  	s0 =	sadd.s32 @!p2 $0xFFFD69A0, s0  }
0x23b: {  	s19 =	sshll.u32 @!p2 s0, $0x2  }
0x23c: {  	p3 =	sgt.s32 @!p2 s0, $0x1AF;
	s0 =	ssub.s32 @!p2 $0x6C0, s19  }
0x23d: {  	p3 =	por !p3, p2;
	s0 =	sshrl.u32 @!p2 s0, $0x2  }
0x23e: {  	s21 =	simm.s32 @!p2 $0x8;
	s19 =	sand.u32 @!p2 $0x1, s20;
	s0 =	simm.s32 @!p3 $0x0  }
0x23f: {  	s19 =	smul.u32 @!p2 $0x6C0, s19;
	_ =	swait.ge @!p2 [sflag:s21], s0  }
0x240: {  	s22 =	ssub.s32 @!p2 $0x0, s0;
	[sflag:s21] =	ssyncset.done @!p2 $0x0  }
0x241: {  	s19 =	sshrl.u32 @!p2 s19, $0x2;
	[sflag:s21] =	ssyncadd.s32 @!p2 s22;
	s21 =	sshrl.u32 @!p2 s15, $0x3  }
0x242: {  	s19 =	sadd.s32 @!p2 $0x3D88, s19;
	s22 =	sand.u32 @!p2 $0x7, s15;
	s21 =	sadd.s32 @!p2 s6, s21  }
0x243: {  	[tilespmem:s19], [sflag:$0x9] =	stream.linear.gather @!p2 [hbm4b:s21+s22], s0, $0x38;
	[tilespmem:$0x1F0E8] =	vst v63  }
0x244: {  	s19 =	ssub.s32 @!p2 $0x29810, s15  }
0x245: {  	p3 =	slt.s32 @!p2 s19, $0x1  }
0x246: {  	p3 =	por p2, p3  }
.Ltmp9:
0x247: {  	_ = 	snop;
	(pc) =	sbr.rel @p3 .LBB3_7-.Ltmp9, $1  }
0x248: {  	_ =	sdelay $0x3  }
0x249: {  	s0 =	smulhi.u32 $0xAAAAAAAB, s20;
	_ =	sdelay $0x1  }
0x24a: {  	s0 =	sshrl.u32 s0, $0x1  }
0x24b: {  	s0 =	smul.u32 $0x3, s0;
	_ =	sdelay $0x1  }
0x24c: {  	s0 =	ssub.s32 s20, s0  }
0x24d: {  	s21 =	simm.s32 $0x1;
	s0 =	smul.u32 $0x6C0, s0  }
.Ltmp10:
0x24e: {  	s21 =	simm.s32 @!p0 $0x0;
	(pc) =	sbr.rel .LBB3_4-.Ltmp10, $4  }
0x24f: {  	s31 =	smul.u32 $0x36000, s21  }
0x250: {  	p3 =	slt.s32 @!p2 s19, $0x1B0;
	s0 =	sshrl.u32 s0, $0x2  }
0x251: {  	p2 =	por !p3, p2;
	s20 =	sshrl.u32 s31, $0x2;
	s0 =	sadd.s32 $0x3878, s0  }
0x252: {  	s19 =	simm.s32 @p2 $0x1B0;
	s21 =	simm.s32 $0x0;
	s20 =	sadd.s32 $0x40E8, s20;
	v1 =	vmov s0  }
.LBB3_3:
0x253: {  	p2 =	sge.s32 s21, s19  }
.Ltmp11:
0x254: {  	_ = 	snop;
	(pc) =	sbr.rel @p2 .LBB3_7-.Ltmp11, $2  }
0x255: {  	_ =	sdelay $0x2  }
0x256: {  	s20 =	sadd.s32 $0x800, s20  }
.LBB3_4:
0x257: {  	p2 =	sle.s32 s19, s21  }
.Ltmp12:
0x258: {  	_ = 	snop;
	(pc) =	sbr.rel @p2 .LBB3_3-.Ltmp12, $2  }
0x259: {  	_ =	sdelay $0x2  }
0x25a: {  	s22 =	smov.u32 s21;
	s21 =	sadd.s32 $0x10, s21  }
0x25b: {  	s0 =	ssub.s32 s19, s22  }
0x25c: {  	p2 =	slt.s32 s0, $0x10  }
0x25d: {  	s0 =	simm.s32 @!p2 $0x10  }
0x25e: {  	v2 =	vmov s0  }
0x25f: {  	vm0 =	vgt.s32 v2, v0;
	_ =	sdelay $0x5  }
0x260: {  	v2 =	vld.idx.msk [tilespmem:v1+s22+$0x0 ss:$0x1], vm0;
	_ =	sdelay $0x2  }
0x261: {  	s23 =	smov.u32 s19;
	p2 =	slt.s32 s21, s19  }
0x262: {  	s24 =	smov.u32 s20;
	s25 =	simm.s32 $0x0;
	s23 =	smov.u32 @p2 s21  }
.LBB3_6:
0x263: {  	(v2sf) =	vpush v2, s25;
	_ =	sdelay $0xc  }
0x264: {  	s25 =	sadd.s32 $0x1, s25  }
0x265: {  	s31 =	sadd.s32 s25, s22  }
0x266: {  	p2 =	slt.s32 s31, s23;
	s0 =	spop (v2sf)  }
.Ltmp13:
0x267: {  	s0 =	sshll.u32 s0, $0x4;
	(pc) =	sbr.rel @p2 .LBB3_6-.Ltmp13, $4  }
0x268: {  	s0 =	sand.u32 $0x1FFFFFF0, s0  }
0x269: {  	s0 =	sadd.s32 s7, s0  }
0x26a: {  	[tilespmem:s24], [sflag:$0x7] =	stream.linear.gather [hbm4b:s0+s13], $0x8, $0x38;
	[tilespmem:$0x1F0E8] =	vst v63  }
0x26b: {  	s24 =	sadd.s32 $0x80, s24  }
.Ltmp14:
0x26c: {  	_ = 	snop;
	(pc) =	sbr.rel .LBB3_3-.Ltmp14, $1  }
0x26d: {  	_ =	sdelay $0x3  }
.LBB3_7:
0x26e: {  	p2 =	slt.u32 s17, $0x2  }
.Ltmp15:
0x26f: {  	_ = 	snop;
	(pc) =	sbr.rel @p2 .LBB3_20-.Ltmp15, $1  }
0x270: {  	_ =	sdelay $0x3  }
0x271: {  	p2 =	sgt.s32 s18, $0x29660;
	s0 =	smov.u32 s18  }
0x272: {  	s19 =	sshra.s32 s18, $0x1F;
	s20 =	ssub.s32 $0x29810, s18;
	s0 =	simm.s32 @!p2 $0x29660  }
0x273: {  	s19 =	sand.u32 s19, s18;
	p2 =	slt.s32 s20, $0x1B0;
	s21 =	smov.u32 s20  }
0x274: {  	s0 =	ssub.s32 s0, s19;
	s21 =	simm.s32 @!p2 $0x1B0  }
0x275: {  	s0 =	sadd.s32 $0xFFFD69A0, s0;
	s26 =	sshll.u32 s21, $0x3  }
0x276: {  	s2 =	simm.s32 $0x7;
	s28 =	sshll.u32 s0, $0x2;
	s19 =	sand.u32 $0x3FFFFFF8, s26  }
0x277: {  	p2 =	sgt.s32 s0, $0x1AF;
	s29 =	ssub.s32 $0x6C0, s28;
	_ =	swait.ge [sflag:s2], s19  }
0x278: {  	s19 =	ssub.s32 $0x0, s19;
	[sflag:s2] =	ssyncset.done $0x0;
	s0 =	sshrl.u32 s29, $0x2  }
0x279: {  	s30 =	simm.s32 $0x9;
	[sflag:s2] =	ssyncadd.s32 s19;
	s0 =	simm.s32 @p2 $0x0  }
0x27a: {  	_ =	swait.ge [sflag:s30], s0  }
0x27b: {  	s0 =	ssub.s32 $0x0, s0;
	[sflag:s30] =	ssyncset.done $0x0  }
0x27c: {  	[sflag:s30] =	ssyncadd.s32 s0  }
0x27d: {  	v1 =	vld [tilespmem:$0x3648];
	_ =	sdelay $0x4  }
0x27e: {  	(v2sf) =	vpush v1, $0x0  }
0x27f: {  	(v2sf) =	vpush v1, $0x1  }
0x280: {  	(v2sf) =	vpush v1, $0x2;
	_ =	sdelay $0x3  }
0x281: {  	s0 =	sadd.s32 $0x1B0, s18  }
0x282: {  	p2 =	slt.s32 s4, s0  }
0x283: {  	s0 =	smov.u32 @p2 s4;
	p2 =	sgt.s32 s20, $0x0  }
0x284: {  	s22 =	ssub.s32 s0, s18;
	s20 =	simm.s32 @!p2 $0x0  }
0x285: {  	p2 =	slt.s32 s20, s22  }
0x286: {  	s22 =	smov.u32 @p2 s20  }
0x287: {  	s21 =	simm.s32 $0x1;
	p2 =	slt.s32 s22, $0x1  }
.Ltmp16:
0x288: {  	s21 =	simm.s32 @!p4 $0x0;
	(pc) =	sbr.rel @p2 .LBB3_12-.Ltmp16, $4  }
0x289: {  	s31 =	smul.u32 $0x6C0, s21  }
0x28a: {  	s23 =	spop (v2sf)  }
0x28b: {  	s0 =	sshrl.u32 s31, $0x2;
	s25 =	spop (v2sf)  }
0x28c: {  	s19 =	sadd.s32 $0x3D88, s0;
	s18 =	spop (v2sf)  }
0x28d: {  	s0 =	smin.u32 s22, $0x10  }
0x28e: {  	v1 =	vmov s0  }
0x28f: {  	p3 =	sgt.s32 s22, $0x10;
	vm1 =	vgt.u32 v1, v0  }
.Ltmp17:
0x290: {  	_ = 	snop;
	(pc) =	sbr.rel @!p3 .LBB3_11-.Ltmp17, $2  }
0x291: {  	_ =	sdelay $0x2  }
0x292: {  	s24 =	simm.s32 $0x10;
	s26 =	sadd.s32 $0xFFFFFFF0, s22;
	s20 =	smov.u32 s19;
	vm0 =	vmmov vm1  }
.LBB3_10:
0x293: {  	s0 =	smin.u32 s26, $0x10;
	s24 =	sadd.s32 $0x10, s24;
	v1 =	vld.msk [tilespmem:s20+$0x0 ss:$0x1], vm1  }
0x294: {  	v2 =	vmov s0;
	p3 =	slt.s32 s24, s22  }
0x295: {  	vm1 =	vgt.u32 v2, v0  }
.Ltmp18:
0x296: {  	(pc) =	sbr.rel @p3 .LBB3_10-.Ltmp18, $3  }
0x297: {  	_ =	sdelay $0x1  }
0x298: {  	v1 =	vshll.u32 v1, $0x4  }
0x299: {  	s26 =	sadd.s32 $0xFFFFFFF0, s26;
	[tilespmem:s20+$0x0] =	vst.msk vm0, v1;
	s20 =	sadd.s32 $0x10, s20;
	vm0 =	vmmov vm1  }
.LBB3_11:
0x29a: {  	_ =	sdelay $0x4  }
0x29b: {  	v1 =	vld.msk [tilespmem:s20+$0x0 ss:$0x1], vm1;
	_ =	sdelay $0x4  }
0x29c: {  	v1 =	vshll.u32 v1, $0x4  }
0x29d: {  	[tilespmem:s20+$0x0] =	vst.msk vm0, v1  }
.LBB3_12:
0x29e: {  	s0 =	sand.u32 $0x1, s17  }
0x29f: {  	s0 =	smul.u32 $0x1B0, s0  }
0x2a0: {  	p3 =	sne.s32 s25, $0xFFFFFFFF  }
0x2a1: {  	v1 =	vld.msk @!p3 [tilespmem:s0+$0x3D88], $0x1;
	_ =	sdelay $0x4  }
0x2a2: {  	(v2sf) =	vpush @!p3 v1, $0x0;
	_ =	sdelay $0xc  }
.Ltmp19:
0x2a3: {  	_ = 	snop;
	(pc) =	sbr.rel @p2 .LBB3_18-.Ltmp19, $4  }
0x2a4: {  	_ = 	snop  }
0x2a5: {  	s24 =	spop @!p3 (v2sf)  }
0x2a6: {  	s18 =	simm.s32 @!p3 $0x0;
	s20 =	smov.u32 s24  }
0x2a7: {  	[sflag:s14] =	ssyncpa.u1 $0x0;
	s24 =	smov.u32 @p3 s23;
	s20 =	smov.u32 @p3 s25  }
0x2a8: {  	v1 =	vld.msk [tilespmem:s19+$0x0], $0x1;
	_ =	sdelay $0x4  }
0x2a9: {  	(v2sf) =	vpush v1, $0x0;
	_ =	sdelay $0xd  }
0x2aa: {  	s0 =	simm.s32 @!p4 $0x0  }
0x2ab: {  	s26 =	smul.u32 $0x36000, s21;
	s25 =	ssub.s32 $0x0, s22;
	s28 =	spop (v2sf)  }
0x2ac: {  	s0 =	simm.s32 @p4 $0x1;
	s23 =	sadd.s32 $0x1, s25;
	p2 =	seq.s32 s24, s28  }
0x2ad: {  	[smem:$0x7FD] =	sst s0;
	s0 =	sshrl.u32 s26, $0x2;
	p3 =	sgt.s32 @!p2 s24, $0x0  }
0x2ae: {  	s21 =	sadd.s32 $0x40E8, s0;
	s0 =	smov.u32 s24;
	p3 =	por !p3, p2  }
0x2af: {  	s0 =	simm.s32 @p3 $0x0;
	p3 =	seq.s32 s23, $0x0  }
.Ltmp20:
0x2b0: {  	_ = 	snop;
	(pc) =	sbr.rel @p3 .LBB3_15-.Ltmp20, $4  }
0x2b1: {  	s3 =	smov.u32 s8;
	s12 =	smov.u32 s5;
	s8 =	smov.u32 s6  }
0x2b2: {  	s22 =	simm.s32 $0x0;
	s29 =	simm.s32 @!p2 $0x1;
	s0 =	smin.u32 @!p2 s0, $0x270FF  }
0x2b3: {  	s30 =	simm.s32 @!p2 $0x1B38;
	s29 =	smov.u32 @p2 s22;
	s26 =	sand.u32 @!p2 $0x3FFF8, s0  }
0x2b4: {  	s31 =	sand.u32 @!p2 $0x7, s0;
	s0 =	sadd.s32 @!p2 s1, s26;
	s26 =	sadd.s32 $0x1, s19  }
.LBB3_14:
0x2b5: {  	s2 =	smov.u32 s29  }
0x2b6: {  	[tilespmem:s30], [sflag:$0x2] =	stream.linear.gather @!p2 [hbm4b:s0+s31], $0x8, $0x38;
	[tilespmem:$0x1F0E8] =	vst v63  }
0x2b7: {  	s23 =	sadd.s32 $0x1, s23;
	s0 =	smov.u32 s28;
	v1 =	vld.msk [tilespmem:s26+$0x0], $0x1  }
0x2b8: {  	p3 =	seq.s32 s23, $0x0;
	_ =	sdelay $0x3  }
0x2b9: {  	(v2sf) =	vpush v1, $0x0;
	_ =	sdelay $0xe  }
0x2ba: {  	s28 =	spop (v2sf)  }
0x2bb: {  	p2 =	seq.s32 s0, s28  }
0x2bc: {  	p4 =	sgt.s32 @!p2 s0, $0x0;
	s30 =	sshll.u32 @!p2 s29, $0x6;
	s29 =	sadd.s32 @!p2 $0x1, s29  }
.Ltmp21:
0x2bd: {  	p4 =	por !p4, p2;
	s30 =	sshra.s32 @!p2 s30, $0x2;
	(pc) =	sbr.rel @!p3 .LBB3_14-.Ltmp21, $4  }
0x2be: {  	s29 =	smov.u32 @p2 s2;
	s0 =	simm.s32 @p4 $0x0;
	s30 =	sadd.s32 @!p2 $0x1B38, s30  }
0x2bf: {  	s0 =	smin.u32 @!p2 s0, $0x270FF  }
0x2c0: {  	s2 =	sand.u32 @!p2 $0x3FFF8, s0;
	s31 =	sand.u32 @!p2 $0x7, s0  }
0x2c1: {  	s26 =	sadd.s32 $0x1, s26;
	s0 =	sadd.s32 @!p2 s1, s2  }
.LBB3_15:
0x2c2: {  	[tilespmem:s30], [sflag:$0x2] =	stream.linear.gather @!p2 [hbm4b:s0+s31], $0x8, $0x38;
	[tilespmem:$0x1F0E8] =	vst v63  }
0x2c3: {  	s31 =	sshll.u32 s29, $0x3  }
0x2c4: {  	s2 =	simm.s32 $0x2;
	s0 =	sand.u32 $0x3FFFFFF8, s31  }
0x2c5: {  	_ =	swait.ge [sflag:s2], s0  }
0x2c6: {  	s0 =	ssub.s32 $0x0, s0;
	[sflag:s2] =	ssyncset.done $0x0  }
0x2c7: {  	[sflag:s2] =	ssyncadd.s32 s0  }
0x2c8: {  	v1 =	vld.msk [tilespmem:s19+$0x0], $0x1;
	_ =	sdelay $0x4  }
0x2c9: {  	(v2sf) =	vpush v1, $0x0;
	_ =	sdelay $0xe  }
0x2ca: {  	s23 =	spop (v2sf)  }
0x2cb: {  	p2 =	sne.s32 s24, s23  }
0x2cc: {  	p4 =	sne.s32 @p2 s24, s20  }
0x2cd: {  	p3 =	por !p4, !p2  }
0x2ce: {  	s0 =	simm.s32 @!p3 $0x0  }
0x2cf: {  	v1 =	vld.msk @!p3 [tilespmem:s0+$0x1B38], $0xff  }
0x2d0: {  	p5 =	sgt.u32 @!p3 s24, $0x270FF  }
0x2d1: {  	s2 =	sshll.u32 @!p3 s18, $0x6;
	p6 =	por @p2 p5, !p4  }
0x2d2: {  	s2 =	sshra.s32 @!p3 s2, $0x2;
	p1 =	por p6, !p2;
	p6 =	por p4, !p2  }
0x2d3: {  	s26 =	sadd.s32 @!p3 $0x28, s2;
	s28 =	sand.u32 @!p1 $0x3FFF8, s24;
	s29 =	sshll.u32 @!p6 s18, $0x6  }
0x2d4: {  	s24 =	sand.u32 @!p1 $0x7, s24;
	[tilespmem:s2+$0x28] =	vst.add.f32.msk @!p3 $0xff, v1;
	s2 =	sadd.s32 @!p1 s1, s28;
	s28 =	sshra.s32 @!p6 s29, $0x2  }
0x2d5: {  	[hbm4b:s2+s24] =	stream.linear.scatter @!p1 [tilespmem:s26], [sflag:$0xA], $0x8, $0x38;
	[tilespmem:$0x1F0E8] =	vst v63  }
0x2d6: {  	s0 =	rddreg [dreg:$0x2];
	s2 =	sadd.s32 @!p6 $0x28, s28;
	s24 =	simm.s32 @!p6 $0x1  }
0x2d7: {  	[spmem:s0] =	stream.linear.scatter @!p6 [tilespmem:s2], [sflag:$0x1], $0x8, $0x38;
	[tilespmem:$0x1F0E8] =	vst v63  }
0x2d8: {  	s0 =	sadd.s32 @p2 $0x1, s18;
	_ =	swait.ge @!p6 [sflag:s24], $0x8  }
0x2d9: {  	s2 =	sshrl.u32 @p2 s0, $0x4;
	[sflag:s24] =	ssyncset.done @!p6 $0x0  }
0x2da: {  	s2 =	smulhi.u32 @p2 $0x97B425F, s2;
	[sflag:s24] =	ssyncadd.s32 @!p6 $0xFFFFFFF8  }
0x2db: {  	s24 =	sadd.s32 $0x1, s25;
	v1 =	vld.msk @p2 [tilespmem:s21+$0x0], $0xff  }
0x2dc: {  	p1 =	por @p2 !p5, !p4;
	s2 =	smul.u32 @p2 $0x1B0, s2;
	p4 =	seq.s32 s24, $0x0  }
.Ltmp22:
0x2dd: {  	p1 =	por !p1, !p2;
	s25 =	simm.s32 @!p3 $0x0;
	(pc) =	sbr.rel @p4 .LBB3_17-.Ltmp22, $4  }
0x2de: {  	s26 =	sshll.u32 @!p2 s18, $0x6;
	s25 =	simm.s32 @!p1 $0x20;
	s0 =	ssub.s32 @p2 s0, s2  }
0x2df: {  	s26 =	sshra.s32 @!p2 s26, $0x2;
	s28 =	sadd.s32 @!p3 $0x0, s25;
	s29 =	sshll.u32 @p2 s0, $0x4  }
0x2e0: {  	s25 =	simm.s32 $0x0;
	s2 =	simm.s32 @p2 $0x1;
	s28 =	smov.u32 @p3 s22;
	[tilespmem:s29+$0x28] =	vst.msk @p2 $0xff, v1  }
0x2e1: {  	s18 =	smov.u32 @p2 s0;
	s25 =	smov.u32 @p2 s28;
	s22 =	smov.u32 @p2 s2;
	v1 =	vld.msk @!p2 [tilespmem:s21+$0x0], $0xff  }
.LBB3_16:
0x2e2: {  	_ =	sdelay $0x3  }
0x2e3: {  	s19 =	sadd.s32 $0x1, s19;
	[tilespmem:s26+$0x28] =	vst.add.f32.msk @!p2 $0xff, v1  }
0x2e4: {  	v1 =	vld.msk [tilespmem:s19+$0x0], $0x1;
	_ =	sdelay $0x4  }
0x2e5: {  	(v2sf) =	vpush v1, $0x0;
	_ =	sdelay $0xe  }
0x2e6: {  	s0 =	smov.u32 s23;
	s23 =	spop (v2sf)  }
0x2e7: {  	p2 =	sne.s32 s0, s23  }
0x2e8: {  	p5 =	sne.s32 @p2 s0, s20  }
0x2e9: {  	p4 =	por !p5, !p2  }
0x2ea: {  	s30 =	sshll.u32 @!p4 s22, $0x6  }
0x2eb: {  	s30 =	sshra.s32 @!p4 s30, $0x2  }
0x2ec: {  	p1 =	sgt.u32 @!p4 s0, $0x270FF;
	v1 =	vld.msk @!p4 [tilespmem:s30+$0x1B38], $0xff  }
0x2ed: {  	s31 =	sshll.u32 @!p4 s18, $0x6;
	p6 =	por @p2 p1, !p5;
	p1 =	por @p2 !p1, !p5  }
0x2ee: {  	s5 =	simm.s32 @!p4 $0x0;
	s31 =	sshra.s32 @!p4 s31, $0x2;
	p1 =	por !p1, !p2  }
0x2ef: {  	p5 =	por p5, !p2;
	s5 =	simm.s32 @!p1 $0x20;
	p1 =	por p6, !p2  }
0x2f0: {  	s30 =	sadd.s32 @!p4 $0x28, s31;
	s6 =	sshll.u32 @!p5 s18, $0x6;
	s10 =	sand.u32 @!p1 $0x3FFF8, s0  }
0x2f1: {  	s6 =	sshra.s32 @!p5 s6, $0x2;
	s0 =	sand.u32 @!p1 $0x7, s0;
	s10 =	sadd.s32 @!p1 s1, s10;
	[tilespmem:s31+$0x28] =	vst.add.f32.msk @!p4 $0xff, v1  }
0x2f2: {  	[hbm4b:s10+s0] =	stream.linear.scatter @!p1 [tilespmem:s30], [sflag:$0xA], $0x8, $0x38;
	[tilespmem:$0x1F0E8] =	vst v63  }
0x2f3: {  	s2 =	rddreg [dreg:$0x2];
	s0 =	sadd.s32 @!p5 $0x28, s6;
	s6 =	simm.s32 @!p5 $0x1  }
0x2f4: {  	[spmem:s2] =	stream.linear.scatter @!p5 [tilespmem:s0], [sflag:$0x1], $0x8, $0x38;
	[tilespmem:$0x1F0E8] =	vst v63  }
0x2f5: {  	s28 =	sadd.s32 @p2 $0x1, s18;
	_ =	swait.ge @!p5 [sflag:s6], $0x8  }
0x2f6: {  	s29 =	sshrl.u32 @p2 s28, $0x4;
	[sflag:s6] =	ssyncset.done @!p5 $0x0  }
0x2f7: {  	s21 =	sadd.s32 $0x80, s21;
	s29 =	smulhi.u32 @p2 $0x97B425F, s29;
	[sflag:s6] =	ssyncadd.s32 @!p5 $0xFFFFFFF8  }
0x2f8: {  	s24 =	sadd.s32 $0x1, s24;
	v1 =	vld.msk @p2 [tilespmem:s21+$0x0], $0xff  }
0x2f9: {  	p3 =	seq.s32 s24, $0x0;
	s29 =	smul.u32 @p2 $0x1B0, s29  }
.Ltmp23:
0x2fa: {  	_ = 	snop;
	(pc) =	sbr.rel @!p3 .LBB3_16-.Ltmp23, $4  }
0x2fb: {  	s28 =	ssub.s32 @p2 s28, s29  }
0x2fc: {  	s26 =	sshll.u32 @!p2 s18, $0x6;
	s5 =	sadd.s32 @!p4 s5, s25;
	s10 =	sshll.u32 @p2 s28, $0x4  }
0x2fd: {  	s9 =	sadd.s32 @p2 $0x1, s22;
	s26 =	sshra.s32 @!p2 s26, $0x2;
	s5 =	smov.u32 @p4 s25;
	[tilespmem:s10+$0x28] =	vst.msk @p2 $0xff, v1  }
0x2fe: {  	s22 =	smov.u32 @p2 s9;
	s18 =	smov.u32 @p2 s28;
	s25 =	smov.u32 @p2 s5;
	v1 =	vld.msk @!p2 [tilespmem:s21+$0x0], $0xff  }
.LBB3_17:
.Ltmp24:
0x2ff: {  	_ = 	snop;
	(pc) =	sbr.rel .LBB3_19-.Ltmp24, $4  }
0x300: {  	s2 =	sld [smem:$0x7FD]  }
0x301: {  	s0 =	sshrl.u32 s25, $0x2  }
0x302: {  	s24 =	smov.u32 s23;
	s6 =	smov.u32 s8;
	s5 =	smov.u32 s12  }
0x303: {  	s8 =	smov.u32 s3;
	s3 =	rddreg [dreg:$0x3];
	p4 =	seq.s32 s2, $0x1;
	[tilespmem:s26+$0x28] =	vst.add.f32.msk @!p2 $0xff, v1  }
.LBB3_21:
0x304: {  	_ =	sfence.sel $0x180000  }
0x305: {  	s0 =	simm.s32 $0x7;
	[bflag:$0x0] =	sbarrier.arrive $0xFFFF  }
0x306: {  	s25 =	simm.s32 $0x8;
	[sflag:s0] =	ssyncpa.u1 $0x1  }
0x307: {  	s26 =	simm.s32 $0x9;
	[sflag:s25] =	ssyncpa.u1 $0x1  }
0x308: {  	s28 =	simm.s32 $0x2;
	[sflag:s26] =	ssyncpa.u1 $0x1  }
0x309: {  	[sflag:s28] =	ssyncpa.u1 $0x1  }
0x30a: {  	v0 =	vld [tilespmem:$0x3648];
	_ =	sdelay $0x4  }
0x30b: {  	(v2sf) =	vpush v0, $0x0  }
0x30c: {  	(v2sf) =	vpush v0, $0x1;
	_ =	sdelay $0x1  }
0x30d: {  	(v2sf) =	vpush v0, $0x2;
	_ =	sdelay $0xb  }
0x30e: {  	s0 =	spop (v2sf)  }
0x30f: {  	s2 =	spop (v2sf)  }
0x310: {  	s3 =	smov.u32 s0;
	p0 =	sne.s32 s0, s2  }
0x311: {  	s4 =	spop (v2sf);
	s3 =	simm.s32 @!p0 $0xFFFFFFFF  }
0x312: {  	v2 =	vimm.s32 $0x1;
	v3 =	vlaneseq.u32;
	p0 =	seq.s32 s4, $0xFFFFFFFF;
	v1 =	vmov s3  }
0x313: {  	s7 =	stileid.u32;
	v0 =	vperm.xlane v0, v2;
	p1 =	sne.s32 @!p0 s0, s2;
	v1 =	vperm.xlane v1, v3  }
0x314: {  	vm0 =	vcmask $0x3F04;
	s6 =	simm.s32 $0x3648;
	s0 =	simm.s32 @!p0 $0x1;
	p1 =	por !p1, p0  }
0x315: {  	s3 =	sshll.u32 s7, $0x1;
	s2 =	sshll.u32 @!p0 s4, $0x6;
	s0 =	simm.s32 @p1 $0x0;
	v0 =	vsel vm0, v1, v0  }
0x316: {  	s5 =	sor.u32 $0x200, s3;
	s2 =	sshra.s32 @!p0 s2, $0x2;
	s0 =	sor.u32 @!p0 s0, s3;
	[tilespmem:$0x3648] =	vst v0  }
0x317: {  	[spmem:s5] =	stream.linear.scatter [tilespmem:s6], [sflag:$0x1], $0x2, $0x38;
	[tilespmem:$0x1F0E8] =	vst v63  }
0x318: {  	s2 =	sadd.s32 @!p0 $0x28, s2;
	s0 =	sshll.u32 @!p0 s0, $0x4  }
0x319: {  	[spmem:s0] =	stream.linear.scatter @!p0 [tilespmem:s2], [sflag:$0x1], $0x10, $0x38;
	[tilespmem:$0x1F0E8] =	vst v63  }
0x31a: {  	s0 =	simm.s32 @!p0 $0x12  }
0x31b: {  	s3 =	simm.s32 $0x1;
	s0 =	simm.s32 @p0 $0x2  }
0x31c: {  	_ =	swait.ge [sflag:s3], s0  }
0x31d: {  	s0 =	ssub.s32 $0x0, s0;
	[sflag:s3] =	ssyncset.done $0x0  }
0x31e: {  	[sflag:s3] =	ssyncadd.s32 s0  }
0x31f: {  	_ =	sfence.stream.spmem  }
0x320: {  	s29 =	simm.s32 $0x3;
	[bflag:$0x0] =	sbarrier.arrive $0xFFFF  }
0x321: {  	s30 =	simm.s32 $0x4;
	[sflag:s29] =	ssyncpa.u1 $0x1  }
0x322: {  	s31 =	simm.s32 $0x3C;
	[sflag:s30] =	ssyncpa.u1 $0x1  }
0x323: {  	p0 =	sne.s32 s7, $0x0;
	[sflag:s31] =	ssyncpa.u1 $0x1  }
0x324: {  	_ =	sfence @p0  }
0x325: {  	[sflag:s3] =	ssyncpa.u1 @p0 $0x1  }
0x326: {  	_ =	strace @p0 $0x9000004D  }
0x327: {  	[bflag:$0x2] =	sbarrier.arrive @p0 $0xFFFF  }
0x328: {  	_ =	shalt @p0  }
.LBB3_22:
0x329: {  	_ =	sfence.stream.spmem;
	s0 =	simm.s32 $0x5  }
0x32a: {  	s2 =	simm.s32 $0x200;
	s3 =	simm.s32 $0x3658;
	[sflag:s0] =	ssyncpa.u1 $0x0  }
0x32b: {  	[tilespmem:s3], [sflag:$0x5] =	stream.linear.gather [spmem:s2], $0x20, $0x38;
	[tilespmem:$0x1F0E8] =	vst v63  }
0x32c: {  	s30 =	simm.s32 $0x3678;
	s2 =	simm.s32 $0x0  }
0x32d: {  	[tilespmem:s30], [sflag:$0x5] =	stream.linear.gather [spmem:s2], $0x200, $0x38;
	[tilespmem:$0x1F0E8] =	vst v63  }
.Ltmp25:
0x32e: {  	_ = 	snop;
	(pc) =	sbr.rel .LBB3_23-.Ltmp25, $4  }
0x32f: {  	_ =	swait.ge [sflag:s0], $0x220  }
0x330: {  	[sflag:s0] =	ssyncset.done $0x0  }
0x331: {  	s31 =	simm.s32 $0x6;
	[sflag:s0] =	ssyncadd.s32 $0xFFFFFDE0  }
0x332: {  	s3 =	simm.s32 $0x0;
	[sflag:s31] =	ssyncpa.u1 $0x0  }
.LBB3_28:
0x333: {  	p0 =	slt.u32 s4, $0x27100  }
0x334: {  	s0 =	sand.u32 @p0 $0x3FFF8, s4  }
0x335: {  	s4 =	sand.u32 @p0 $0x7, s4;
	s5 =	simm.s32 @p0 $0x3638;
	s0 =	sadd.s32 @p0 s1, s0  }
0x336: {  	[tilespmem:s5], [sflag:$0x6] =	stream.linear.gather @p0 [hbm4b:s0+s4], $0x8, $0x38;
	[tilespmem:$0x1F0E8] =	vst v63  }
0x337: {  	s0 =	simm.s32 @p0 $0x6  }
0x338: {  	_ =	swait.ge @p0 [sflag:s0], $0x8  }
0x339: {  	[sflag:s0] =	ssyncset.done @p0 $0x0  }
0x33a: {  	[sflag:s0] =	ssyncadd.s32 @p0 $0xFFFFFFF8  }
0x33b: {  	v1 =	vld @p0 [tilespmem:$0x3638];
	_ =	sdelay $0x2  }
0x33c: {  	s0 =	sshll.u32 @p0 s3, $0x6  }
0x33d: {  	s5 =	sshll.u32 @!p0 s3, $0x6;
	s4 =	sshrl.u32 @p0 s0, $0x2  }
0x33e: {  	s5 =	smov.u32 @p0 s0;
	[tilespmem:s4+$0x3678] =	vst.add.f32.msk @p0 $0xffff, v1  }
0x33f: {  	s0 =	sshrl.u32 s5, $0x2;
	[tilespmem:s2+$0x3658] =	vst.msk $0x1, v0  }
0x340: {  	v0 =	vld [tilespmem:s0+$0x3678];
	_ =	sdelay $0x2  }
0x341: {  	s31 =	sshll.u32 s2, $0x6  }
0x342: {  	s0 =	sshra.s32 s31, $0x2  }
0x343: {  	s2 =	sadd.s32 $0x1, s2;
	[tilespmem:s0+$0x3678] =	vst v0  }
.LBB3_30:
0x344: {  	s3 =	sadd.s32 $0x1, s3  }
0x345: {  	p0 =	sne.s32 s3, $0x20  }
.Ltmp26:
0x346: {  	_ = 	snop;
	(pc) =	sbr.rel @!p0 .LBB3_31-.Ltmp26, $1  }
0x347: {  	_ =	sdelay $0x3  }
.LBB3_23:
0x348: {  	v0 =	vld.msk [tilespmem:s3+$0x3658], $0x1;
	_ =	sdelay $0x4  }
0x349: {  	(v2sf) =	vpush v0, $0x0;
	_ =	sdelay $0xe  }
0x34a: {  	s4 =	spop (v2sf)  }
0x34b: {  	p0 =	seq.s32 s4, $0xFFFFFFFF  }
.Ltmp27:
0x34c: {  	_ = 	snop;
	(pc) =	sbr.rel @p0 .LBB3_30-.Ltmp27, $1  }
0x34d: {  	_ =	sdelay $0x3  }
0x34e: {  	p0 =	slt.s32 s2, $0x1  }
.Ltmp28:
0x34f: {  	_ = 	snop;
	(pc) =	sbr.rel @p0 .LBB3_28-.Ltmp28, $1  }
0x350: {  	_ =	sdelay $0x3  }
0x351: {  	s5 =	simm.s32 $0x3658;
	p0 =	por $0x0, $0x0  }
0x352: {  	v1 =	vld.msk @!p0 [tilespmem:s5+$0x0], $0x1;
	_ =	sdelay $0x4  }
0x353: {  	(v2sf) =	vpush @!p0 v1, $0x0;
	_ =	sdelay $0xd  }
0x354: {  	p2 =	sne.s32 s2, $0x1  }
.Ltmp29:
0x355: {  	s0 =	spop @!p0 (v2sf);
	(pc) =	sbr.rel @!p2 .LBB3_27-.Ltmp29, $4  }
0x356: {  	p1 =	seq.s32 @!p0 s4, s0  }
0x357: {  	s6 =	simm.s32 $0x0;
	p1 =	por !p1, p0  }
0x358: {  	s0 =	simm.s32 $0xFFFFFFFF;
	s6 =	simm.s32 @p1 $0xFFFFFFFF  }
0x359: {  	s7 =	simm.s32 $0x1;
	s6 =	smov.u32 @p0 s0  }
.LBB3_26:
0x35a: {  	s0 =	smov.u32 s6;
	p0 =	sne.s32 s6, $0xFFFFFFFF  }
0x35b: {  	s5 =	sadd.s32 $0x1, s5;
	s6 =	smov.u32 s7;
	s7 =	sadd.s32 $0x1, s7  }
0x35c: {  	p1 =	sne.s32 s2, s7;
	v1 =	vld.msk @!p0 [tilespmem:s5+$0x0], $0x1;
	_ =	sdelay $0x4  }
0x35d: {  	(v2sf) =	vpush @!p0 v1, $0x0;
	_ =	sdelay $0xe  }
.Ltmp30:
0x35e: {  	s8 =	spop @!p0 (v2sf);
	(pc) =	sbr.rel @p1 .LBB3_26-.Ltmp30, $4  }
0x35f: {  	p2 =	seq.s32 @!p0 s4, s8  }
0x360: {  	p2 =	por !p2, p0  }
0x361: {  	s6 =	simm.s32 @p2 $0xFFFFFFFF  }
0x362: {  	s6 =	smov.u32 @p0 s0  }
.LBB3_27:
0x363: {  	p0 =	sne.s32 s6, $0xFFFFFFFF  }
.Ltmp31:
0x364: {  	_ = 	snop;
	(pc) =	sbr.rel @!p0 .LBB3_28-.Ltmp31, $1  }
0x365: {  	_ =	sdelay $0x3  }
0x366: {  	s0 =	sshll.u32 s3, $0x4  }
0x367: {  	s0 =	sand.u32 $0x3FFFFFF0, s0  }
0x368: {  	v0 =	vld [tilespmem:s0+$0x3678]  }
.Ltmp32:
0x369: {  	_ = 	snop;
	(pc) =	sbr.rel .LBB3_30-.Ltmp32, $4  }
0x36a: {  	_ = 	snop  }
0x36b: {  	s31 =	sshll.u32 s6, $0x6  }
0x36c: {  	s0 =	sshra.s32 s31, $0x2  }
0x36d: {  	[tilespmem:s0+$0x3678] =	vst.add.f32.msk $0xffff, v0  }
.LBB3_31:
0x36e: {  	p0 =	slt.s32 s2, $0x1  }
.Ltmp33:
0x36f: {  	_ = 	snop;
	(pc) =	sbr.rel @p0 .LBB3_35-.Ltmp33, $3  }
0x370: {  	_ =	sdelay $0x1  }
0x371: {  	s0 =	simm.s32 $0x6  }
0x372: {  	s3 =	simm.s32 $0x0;
	[sflag:s0] =	ssyncpa.u1 $0x1  }
0x373: {  	s0 =	simm.s32 $0x3658  }
0x374: {  	v0 =	vld.msk [tilespmem:s0+$0x0], $0x1;
	_ =	sdelay $0x4  }
0x375: {  	(v2sf) =	vpush v0, $0x0;
	_ =	sdelay $0xd  }
0x376: {  	s2 =	sadd.s32 $0xFFFFFFFF, s2  }
0x377: {  	p1 =	sne.s32 s2, $0x0;
	s0 =	spop (v2sf)  }
.Ltmp34:
0x378: {  	p0 =	sgt.u32 s0, $0x270FF;
	(pc) =	sbr.rel @!p1 .LBB3_34-.Ltmp34, $4  }
0x379: {  	s4 =	simm.s32 $0x3678;
	s5 =	sand.u32 @!p0 $0x3FFF8, s0  }
0x37a: {  	s6 =	simm.s32 $0x0;
	s0 =	sand.u32 @!p0 $0x7, s0;
	s5 =	sadd.s32 @!p0 s1, s5  }
0x37b: {  	[hbm4b:s5+s0] =	stream.linear.scatter @!p0 [tilespmem:s4], [sflag:$0x5], $0x8, $0x38;
	[tilespmem:$0x1F0E8] =	vst v63  }
0x37c: {  	s6 =	simm.s32 @!p0 $0x20;
	s5 =	simm.s32 $0x3659  }
.LBB3_33:
0x37d: {  	v0 =	vld.msk [tilespmem:s5+$0x0], $0x1;
	s2 =	sadd.s32 $0xFFFFFFFF, s2;
	s3 =	sadd.s32 s3, s6  }
0x37e: {  	p0 =	sne.s32 s2, $0x0;
	_ =	sdelay $0x3  }
0x37f: {  	(v2sf) =	vpush v0, $0x0;
	_ =	sdelay $0xe  }
.Ltmp35:
0x380: {  	s0 =	spop (v2sf);
	(pc) =	sbr.rel @p0 .LBB3_33-.Ltmp35, $4  }
0x381: {  	s6 =	simm.s32 $0x0;
	p1 =	sgt.u32 s0, $0x270FF  }
0x382: {  	s4 =	sadd.s32 $0x10, s4;
	s6 =	simm.s32 @!p1 $0x20;
	s7 =	sand.u32 @!p1 $0x3FFF8, s0  }
0x383: {  	s5 =	sadd.s32 $0x1, s5;
	s0 =	sand.u32 @!p1 $0x7, s0;
	s7 =	sadd.s32 @!p1 s1, s7  }
0x384: {  	[hbm4b:s7+s0] =	stream.linear.scatter @!p1 [tilespmem:s4], [sflag:$0x5], $0x8, $0x38;
	[tilespmem:$0x1F0E8] =	vst v63  }
.LBB3_34:
0x385: {  	s0 =	sadd.s32 s3, s6  }
0x386: {  	s3 =	sshrl.u32 s0, $0x2  }
.LBB3_35:
0x387: {  	s0 =	simm.s32 $0x5  }
0x388: {  	_ =	swait.ge [sflag:s0], s3  }
0x389: {  	s1 =	ssub.s32 $0x0, s3;
	[sflag:s0] =	ssyncset.done $0x0  }
0x38a: {  	[sflag:s0] =	ssyncadd.s32 s1  }
0x38b: {  	[sflag:s0] =	ssyncpa.u1 $0x1  }
0x38c: {  	s30 =	simm.s32 $0x1;
	_ =	sfence  }
0x38d: {  	[sflag:s30] =	ssyncpa.u1 $0x1  }
0x38e: {  	_ =	strace $0x9000004D  }
0x38f: {  	[bflag:$0x2] =	sbarrier.arrive $0xFFFF  }
0x390: {  	s31 =	rddreg [dreg:$0x1]  }
0x391: {  	s0 =	sadd.s32 $0x100000, s31  }
0x392: {  	[sflag:s0] =	ssyncadd.tile.s32 $0x1;
	_ =	shalt  }
.Lfunc_end3:
_tile_overlayer_lowered:
.L_overlay_start_3:
0x393: {  	(tag) =	ssettag $0x3  }
0x394: {  	s0 =	rddreg [dreg:$0x0];
	s2 =	stileid.u32  }
0x395: {  	s1 =	rddreg [dreg:$0x1];
	p0 =	sne.s32 s2, $0x0  }
0x396: {  	s3 =	rddreg [dreg:$0x2];
	[bflag:$0x3] =	sbarrier.arrive $0xFFFF;
	s2 =	simm.s32 @!p0 $0x1C01  }
0x397: {  	[timem:s3], [sflag:s2] =	dma.local @!p0 [hbm:s0], s1  }
0x398: {  	s0 =	simm.s32 @!p0 $0x1  }
0x399: {  	_ =	swait.ge @!p0 [sflag:s0], s1  }
0x39a: {  	s1 =	ssub.s32 @!p0 $0x0, s1;
	[sflag:s0] =	ssyncset.done @!p0 $0x0  }
0x39b: {  	[sflag:s0] =	ssyncadd.s32 @!p0 s1  }
0x39c: {  	[bflag:$0x3] =	sbarrier.arrive $0xFFFF  }
0x39d: {  	_ =	shalt  }

</sc_bundles>
